<compile_context>
chip_gen: v7x
topology: tpu7x:2x2x1
jax: 0.10.2.dev20260603
libtpu: 0.0.44.dev20260713+nightly
codegen_flags: <defaults>
</compile_context>

<pallas_src>
import jax
import jax.numpy as jnp
import numpy as np
from jax import lax
from jax.experimental import pallas as pl
from jax.experimental.pallas import tpu as pltpu
from jax.experimental.pallas import tpu_sc as plsc

N_TOTAL = 100000
N_ST = 20
ROW = 3 * N_ST
RP = 64
BATCH = 2048
NC, NSUB = 2, 16
NW = NC * NSUB
SEG_W = BATCH // NW
CH = 208
REC = 4 * RP
CLAMP0 = N_TOTAL - CH
CB = CH * REC

HX, HY, HZ, CC, PP = 16, 96, 176, 256, 336

f32 = jnp.float32
i32 = jnp.int32

NACC = 33

AUX = np.zeros((80,), np.float32)
AUX[0:48] = (np.arange(16)[None, :] % 3
             == np.arange(3)[:, None]).astype(np.float32).reshape(-1)
AUX[48:64] = (np.arange(16) < 3).astype(np.float32)
AUX[64:80] = (np.arange(16) < 12).astype(np.float32)


def _zeros():
    return tuple(jnp.zeros((16,), f32) for _ in range(NACC))


def _sc_body(pos_h, rec_h, bat_h, ep3_h, bnd_h, aux_h,
             omu_h, om_h, or_h,
             rec_a, rec_b,
             pos_a, pos_b, bat_a, bat_b, sem0, sem1,
             ep3_s, bnd_s, aux_s, tmp_s, omu_s, om_s, or_s):
    wid = lax.axis_index("s") * NC + lax.axis_index("c")

    pltpu.sync_copy(bnd_h, bnd_s)
    pltpu.sync_copy(
        ep3_h.at[pl.ds(pl.multiple_of(wid * (SEG_W * ROW), 8), SEG_W * ROW)],
        ep3_s.at[pl.ds(0, SEG_W * ROW)])
    pltpu.sync_copy(aux_h, aux_s)

    zv = jnp.zeros((16,), f32)

    def _zt(i, _):
        tmp_s[pl.ds(16 * i, 16)] = zv
        return 0

    lax.fori_loop(0, 28, _zt, 0)

    def _zo(i, _):
        omu_s[pl.ds(16 * i, 16)] = zv
        om_s[pl.ds(16 * i, 16)] = zv
        or_s[pl.ds(16 * i, 16)] = zv
        return 0

    lax.fori_loop(0, (SEG_W * ROW + 16) // 16, _zo, 0)

    msk0 = aux_s[pl.ds(0, 16)]
    msk1 = aux_s[pl.ds(16, 16)]
    msk2 = aux_s[pl.ds(32, 16)]
    gmask = aux_s[pl.ds(48, 16)]
    mrot = [(msk0, msk1, msk2), (msk2, msk0, msk1),
            (msk1, msk2, msk0), (msk0, msk1, msk2)]

    bv = bnd_s[pl.ds(wid, 16)]
    a0 = jnp.bitwise_and(bv[0], jnp.int32(-8))
    a1 = bv[1]
    nch = jnp.maximum((a1 - a0 + (CH - 1)) // CH, 1)
    nch2 = (nch + 1) // 2

    rbufs = (rec_a, rec_b)
    pbufs = (pos_a, pos_b)
    bbufs = (bat_a, bat_b)
    sems = (sem0, sem1)

    def c0_of(k):
        return pl.multiple_of(
            jnp.minimum(a0 + k * CH, jnp.int32(CLAMP0)), 8)

    def issue(k, bi):
        c0 = c0_of(k)
        pltpu.async_copy(rec_h.at[pl.ds(pl.multiple_of(c0 * REC, 8), CB)],
                         rbufs[bi].at[pl.ds(0, CB)], sems[bi])
        pltpu.async_copy(pos_h.at[pl.ds(pl.multiple_of(c0 * 4, 8), CH * 4)],
                         pbufs[bi].at[pl.ds(0, CH * 4)], sems[bi])
        pltpu.async_copy(bat_h.at[pl.ds(c0_of(k), CH)],
                         bbufs[bi].at[pl.ds(0, CH)], sems[bi])

    def drain(bi):
        pltpu.make_async_copy(rec_h.at[pl.ds(0, CB)],
                              rbufs[bi].at[pl.ds(0, CB)], sems[bi]).wait()
        pltpu.make_async_copy(pos_h.at[pl.ds(0, CH * 4)],
                              pbufs[bi].at[pl.ds(0, CH * 4)], sems[bi]).wait()
        pltpu.make_async_copy(bat_h.at[pl.ds(0, CH)],
                              bbufs[bi].at[pl.ds(0, CH)], sems[bi]).wait()

    def finalize(ps, cntf, accs):
        cntv = jnp.broadcast_to(cntf, (16,))
        inv = 1.0 / jnp.maximum(cntv, 1.0)
        meanv = accs[32] * inv
        mxb = jnp.broadcast_to(meanv[0], (16,))
        myb = jnp.broadcast_to(meanv[1], (16,))
        mzb = jnp.broadcast_to(meanv[2], (16,))
        for j in range(4):
            tmp_s[pl.ds(HX + 16 * j, 16)] = accs[20 + j]
            tmp_s[pl.ds(HY + 16 * j, 16)] = accs[24 + j]
            tmp_s[pl.ds(HZ + 16 * j, 16)] = accs[28 + j]
            tmp_s[pl.ds(CC + 16 * j, 16)] = accs[8 + j]
        base = ROW * ps
        m12 = aux_s[pl.ds(64, 16)]
        mts = []
        mtms = []
        for j in range(4):
            mx, my, mz = mrot[j]
            meanrep = mxb * mx + myb * my + mzb * mz
            mt = accs[j] + accs[16 + j] - accs[12 + j] * meanrep
            o = 16 * j
            bb = (mx * (tmp_s[pl.ds(HY + o + 2, 16)]
                        - tmp_s[pl.ds(HZ + o + 1, 16)])
                  + my * (tmp_s[pl.ds(HZ + o - 1, 16)]
                          - tmp_s[pl.ds(HX + o + 1, 16)])
                  + mz * (tmp_s[pl.ds(HX + o - 1, 16)]
                          - tmp_s[pl.ds(HY + o - 2, 16)]))
            cp1 = tmp_s[pl.ds(CC + o + 1, 16)]
            cm1 = tmp_s[pl.ds(CC + o - 1, 16)]
            mxc = (mx * (myb * tmp_s[pl.ds(CC + o + 2, 16)] - mzb * cp1)
                   + my * (mzb * cm1 - mxb * cp1)
                   + mz * (mxb * cm1 - myb * tmp_s[pl.ds(CC + o - 2, 16)]))
            mtm = accs[4 + j] + 0.5 * (bb - mxc)
            if j == 3:
                sl = pl.ds(base + 48, 16)
                mt = jnp.where(m12 > 0.5, mt, omu_s[sl])
                mtm = jnp.where(m12 > 0.5, mtm, om_s[sl])
            mts.append(mt)
            mtms.append(mtm)
        for j in range(4):
            omu_s[pl.ds(base + 16 * j, 16)] = mts[j]
            om_s[pl.ds(base + 16 * j, 16)] = mtms[j]
            tmp_s[pl.ds(PP + 16 * j, 16)] = mts[j] * mtms[j]
        for j in range(4):
            o = 16 * j
            s3 = (mts[j] * mtms[j] + tmp_s[pl.ds(PP + o + 1, 16)]
                  + tmp_s[pl.ds(PP + o + 2, 16)])
            ep = ep3_s[pl.ds(base + o, 16)]
            or_s[pl.ds(base + o, 16)] = (
                6414.135151 * s3 / jnp.maximum(ep, 1.0))

    issue(0, 0)
    wid64 = wid * SEG_W

    def chunk2_body(k2, carry):
        for b in range(2):
            prev, cnt, accs = carry
            k = 2 * k2 + b
            c0 = c0_of(k)
            w0 = a0 + k * CH
            skip = w0 - c0
            drain(b)
            issue(k + 1, 1 - b)
            rec_c = rbufs[b]
            pos_c = pbufs[b]
            bat_c = bbufs[b]

            def atom(i, ac):
                prev, cnt, acc = ac
                seg = bat_c[pl.ds(i, 16)][0] - wid64
                proc = i >= skip
                fin = jnp.logical_and(
                    jnp.logical_and(seg != prev, proc),
                    jnp.logical_and(prev >= 0, prev < SEG_W))

                @pl.when(fin)
                def _():
                    finalize(prev, cnt, acc)

                keep = jnp.logical_or(seg == prev,
                                      jnp.logical_not(proc))
                kfv = jnp.broadcast_to(jnp.where(keep, 1.0, 0.0), (16,))
                validb = jnp.logical_and(
                    proc, jnp.logical_and(seg >= 0, seg < SEG_W))
                wf = jnp.where(validb, 1.0, 0.0)
                wfv = jnp.broadcast_to(wf, (16,))
                o = i * REC
                o4 = i * 4
                pv = pos_c[pl.ds(o4, 16)]
                pxw = jnp.broadcast_to(pv[0], (16,)) * wfv
                pyw = jnp.broadcast_to(pv[1], (16,)) * wfv
                pzw = jnp.broadcast_to(pv[2], (16,)) * wfv
                mu = [rec_c[pl.ds(o + 16 * t, 16)] for t in range(4)]
                mm = [rec_c[pl.ds(o + 64 + 16 * t, 16)] for t in range(4)]
                vv = [rec_c[pl.ds(o + 128 + 16 * t, 16)] for t in range(4)]
                q3 = [rec_c[pl.ds(o + 192 + 16 * t, 16)] for t in range(4)]
                out = []
                for t in range(4):
                    out.append(acc[t] * kfv + mu[t] * wfv)
                for t in range(4):
                    out.append(acc[4 + t] * kfv + mm[t] * wfv)
                for t in range(4):
                    out.append(acc[8 + t] * kfv + vv[t] * wfv)
                for t in range(4):
                    out.append(acc[12 + t] * kfv + q3[t] * wfv)
                for t in range(4):
                    mx, my, mz = mrot[t]
                    prep = pxw * mx + pyw * my + pzw * mz
                    out.append(acc[16 + t] * kfv + prep * q3[t])
                for t in range(4):
                    out.append(acc[20 + t] * kfv + pxw * vv[t])
                for t in range(4):
                    out.append(acc[24 + t] * kfv + pyw * vv[t])
                for t in range(4):
                    out.append(acc[28 + t] * kfv + pzw * vv[t])
                out.append(acc[32] * kfv + (pv * gmask) * wfv)
                prevn = jnp.where(proc, seg, prev)
                cntn = cnt * jnp.where(keep, 1.0, 0.0) + wf
                return (prevn, cntn, tuple(out))

            carry = lax.fori_loop(0, CH, atom, (prev, cnt, accs))
        return carry

    prev, cnt, accs = lax.fori_loop(
        0, nch2, chunk2_body, (jnp.int32(-1), jnp.float32(0.0), _zeros()))

    @pl.when(jnp.logical_and(prev >= 0, prev < SEG_W))
    def _():
        finalize(prev, cnt, accs)

    drain(0)

    pltpu.sync_copy(
        omu_s.at[pl.ds(0, SEG_W * ROW)],
        omu_h.at[pl.ds(pl.multiple_of(wid * (SEG_W * ROW), 8), SEG_W * ROW)])
    pltpu.sync_copy(
        om_s.at[pl.ds(0, SEG_W * ROW)],
        om_h.at[pl.ds(pl.multiple_of(wid * (SEG_W * ROW), 8), SEG_W * ROW)])
    pltpu.sync_copy(
        or_s.at[pl.ds(0, SEG_W * ROW)],
        or_h.at[pl.ds(pl.multiple_of(wid * (SEG_W * ROW), 8), SEG_W * ROW)])


@jax.jit
def _run(pos_f, rec_f, bat_i, ep3_f, bnd_i, aux_f):
    mesh = plsc.VectorSubcoreMesh(core_axis_name="c", subcore_axis_name="s")
    fn = pl.kernel(
        _sc_body,
        out_type=[jax.ShapeDtypeStruct((BATCH * ROW,), f32),
                  jax.ShapeDtypeStruct((BATCH * ROW,), f32),
                  jax.ShapeDtypeStruct((BATCH * ROW,), f32)],
        mesh=mesh,
        scratch_types=[
            pltpu.VMEM((CB,), f32), pltpu.VMEM((CB,), f32),
            pltpu.VMEM((CH * 4 + 16,), f32),
            pltpu.VMEM((CH * 4 + 16,), f32),
            pltpu.VMEM((CH + 16,), i32),
            pltpu.VMEM((CH + 16,), i32),
            pltpu.SemaphoreType.DMA, pltpu.SemaphoreType.DMA,
            pltpu.VMEM((SEG_W * ROW + 16,), f32),
            pltpu.VMEM((48,), i32),
            pltpu.VMEM((80,), f32),
            pltpu.VMEM((448,), f32),
            pltpu.VMEM((SEG_W * ROW + 16,), f32),
            pltpu.VMEM((SEG_W * ROW + 16,), f32),
            pltpu.VMEM((SEG_W * ROW + 16,), f32),
        ],
    )
    return fn(pos_f, rec_f, bat_i, ep3_f, bnd_i, aux_f)


def kernel(pos, batch, q_A, mu_A, m_A, v_A, E_pred):
    bat_i = batch.astype(jnp.int32)
    edges = jnp.arange(0, BATCH + 1, SEG_W, dtype=jnp.int32)
    bnd = jnp.searchsorted(bat_i, edges, side="left").astype(jnp.int32)
    bnd = jnp.concatenate([bnd, jnp.zeros((15,), jnp.int32)])
    pad4 = ((0, 0), (0, 4))
    mu64 = jnp.pad(mu_A.reshape(N_TOTAL, ROW), pad4)
    m64 = jnp.pad(m_A.reshape(N_TOTAL, ROW), pad4)
    v64 = jnp.pad(v_A.reshape(N_TOTAL, ROW), pad4)
    q64 = jnp.pad(jnp.repeat(q_A, 3, axis=1), pad4)
    rec = jnp.concatenate([mu64, m64, v64, q64], axis=1)
    pos4 = jnp.pad(pos, ((0, 0), (0, 1)))
    ep3 = jnp.repeat(E_pred, 3, axis=1)
    aux = jnp.asarray(AUX)
    omu, om, orr = _run(
        pos4.reshape(-1), rec.reshape(-1), bat_i, ep3.reshape(-1), bnd, aux)
    return (omu.reshape(BATCH, N_ST, 3), om.reshape(BATCH, N_ST, 3),
            orr.reshape(BATCH, N_ST, 3)[:, :, 0])

# --- scband reference (transcript-rebuilt; emitter-appended) ---
"""Pipeline reference for scband-physics-aggregation-17798344475105 (READ-ONLY COPY).

The authoritative reference and input builder live on the scoring server;
editing this copy changes nothing except your own understanding.
"""

import jax, jax.numpy as jnp
import numpy as np

N_TOTAL = 100000
N_STATES = 20
BATCH_SIZE = 2048


def setup_inputs(seed: int = 0) -> dict:
    key = jax.random.key(seed)
    k1, k2, k3, k4, k5, k6, k7 = jax.random.split(key, 7)
    pos = jax.random.normal(k1, (N_TOTAL, 3), dtype=jnp.float32)
    batch = jnp.sort(jax.random.randint(k2, (N_TOTAL,), 0, BATCH_SIZE, dtype=jnp.int64))
    q_A = jax.random.normal(k3, (N_TOTAL, N_STATES), dtype=jnp.float32)
    mu_A = jax.random.normal(k4, (N_TOTAL, N_STATES, 3), dtype=jnp.float32)
    m_A = jax.random.normal(k5, (N_TOTAL, N_STATES, 3), dtype=jnp.float32)
    v_A = jax.random.normal(k6, (N_TOTAL, N_STATES, 3), dtype=jnp.float32)
    E_pred = jax.random.normal(k7, (BATCH_SIZE, N_STATES), dtype=jnp.float32)
    return {"pos": pos, "batch": batch, "q_A": q_A, "mu_A": mu_A, "m_A": m_A, "v_A": v_A, "E_pred": E_pred}


def reference(pos, batch, q_A, mu_A, m_A, v_A, E_pred):
    B = E_pred.shape[0]
    # scatter_mean(pos, batch): segment sum / clamped counts (torch_scatter clamps count min=1)
    seg_sum = jax.ops.segment_sum(pos, batch, num_segments=B)
    counts = jax.ops.segment_sum(jnp.ones((pos.shape[0], 1), dtype=pos.dtype), batch, num_segments=B)
    pos_mean = seg_sum / jnp.maximum(counts, 1.0)
    # translation-invariant centered coordinates (gather)
    pos_delta = pos - pos_mean[batch]
    # electric dipole: intrinsic + charge * displacement
    q_r = q_A[:, :, None] * pos_delta[:, None, :]
    mu_contrib = mu_A + q_r
    mu_total = jax.ops.segment_sum(mu_contrib, batch, num_segments=B)
    # magnetic dipole: intrinsic + orbital term 0.5 * r x v
    orbital_m = 0.5 * jnp.cross(pos_delta[:, None, :], v_A, axis=-1)
    m_contrib = m_A + orbital_m
    m_total = jax.ops.segment_sum(m_contrib, batch, num_segments=B)
    # rotatory strength
    mu_dot_m = jnp.sum(mu_total * m_total, axis=-1)
    E_pred_safe = jnp.maximum(E_pred, 1.0)
    R_pred = 6414.135151 * mu_dot_m / E_pred_safe
    return (mu_total, m_total, R_pred)

if __name__ == "__main__":
    import jax
    _d = setup_inputs()
    print(jax.jit(kernel)(*tuple(_d.values())))

</pallas_src>

<mosaic_0001>
#map = affine_map<(d0, d1) -> (0)>
module attributes {stable_mosaic.version = 14 : i64} {
  func.func @_sc_body(%arg0: i32, %arg1: i32, %arg2: memref<400000xf32, #tpu.memory_space<hbm>>, %arg3: memref<25600000xf32, #tpu.memory_space<hbm>>, %arg4: memref<100000xi32, #tpu.memory_space<hbm>>, %arg5: memref<122880xf32, #tpu.memory_space<hbm>>, %arg6: memref<48xi32, #tpu.memory_space<hbm>>, %arg7: memref<80xf32, #tpu.memory_space<hbm>>, %arg8: memref<122880xf32, #tpu.memory_space<hbm>>, %arg9: memref<122880xf32, #tpu.memory_space<hbm>>, %arg10: memref<122880xf32, #tpu.memory_space<hbm>>, %arg11: memref<53248xf32, #tpu.memory_space<vmem>>, %arg12: memref<53248xf32, #tpu.memory_space<vmem>>, %arg13: memref<848xf32, #tpu.memory_space<vmem>>, %arg14: memref<848xf32, #tpu.memory_space<vmem>>, %arg15: memref<224xi32, #tpu.memory_space<vmem>>, %arg16: memref<224xi32, #tpu.memory_space<vmem>>, %arg17: memref<!tpu.dma_semaphore, #tpu.memory_space<semaphore_mem>>, %arg18: memref<!tpu.dma_semaphore, #tpu.memory_space<semaphore_mem>>, %arg19: memref<3856xf32, #tpu.memory_space<vmem>>, %arg20: memref<48xi32, #tpu.memory_space<vmem>>, %arg21: memref<80xf32, #tpu.memory_space<vmem>>, %arg22: memref<448xf32, #tpu.memory_space<vmem>>, %arg23: memref<3856xf32, #tpu.memory_space<vmem>>, %arg24: memref<3856xf32, #tpu.memory_space<vmem>>, %arg25: memref<3856xf32, #tpu.memory_space<vmem>>) attributes {dimension_semantics = [#tpu.dimension_semantics<core_parallel>, #tpu.dimension_semantics<subcore_parallel>], iteration_bounds = array<i64: 2, 16>, scalar_prefetch = 0 : i64, scratch_operands = 15 : i64, tpu.core_type = #tpu.core_type<sc_vector_subcore>, window_params = [{transform_indices = #map}, {transform_indices = #map}, {transform_indices = #map}, {transform_indices = #map}, {transform_indices = #map}, {transform_indices = #map}, {transform_indices = #map}, {transform_indices = #map}, {transform_indices = #map}]} {
    %mul3A = arith.constant 2 : i32
    %mul3A_0 = arith.muli %arg1, %mul3A : i32
    %add3A = arith.addi %mul3A_0, %arg0 : i32
    "tpu.region"() ({
      %run_scoped3A = tpu.sem_alloc : memref<!tpu.dma_semaphore, #tpu.memory_space<semaphore_mem>>
      tpu.enqueue_dma source(%arg6 : memref<48xi32, #tpu.memory_space<hbm>>) target(%arg20 : memref<48xi32, #tpu.memory_space<vmem>>) target_semaphore(%run_scoped3A : memref<!tpu.dma_semaphore, #tpu.memory_space<semaphore_mem>>)
      tpu.wait_dma2 semaphore(%run_scoped3A : memref<!tpu.dma_semaphore, #tpu.memory_space<semaphore_mem>>) src(%arg6 : memref<48xi32, #tpu.memory_space<hbm>>) dst(%arg20 : memref<48xi32, #tpu.memory_space<vmem>>)
      tpu.yield
    }) : () -> ()
    %mul3A_1 = arith.constant 3840 : i32
    %mul3A_2 = arith.muli %add3A, %mul3A_1 : i32
    %multiple_of3A = tpu.assume_multiple %mul3A_2, 8 : i32
    "tpu.region"() ({
      %run_scoped3A = tpu.sem_alloc : memref<!tpu.dma_semaphore, #tpu.memory_space<semaphore_mem>>
      %dma_start3A_229 = arith.constant 0 : i32
      %dma_start3A_230 = tpu.memref_slice %arg19[%dma_start3A_229] : memref<3856xf32, #tpu.memory_space<vmem>> -> memref<3840xf32, #tpu.memory_space<vmem>>
      %dma_start3A_231 = tpu.memref_slice %arg5[%multiple_of3A] : memref<122880xf32, #tpu.memory_space<hbm>> -> memref<3840xf32, #tpu.memory_space<hbm>>
      %dma_start3A_232 = arith.constant 0 : i32
      %dma_start3A_233 = tpu.memref_slice %arg19[%dma_start3A_232] : memref<3856xf32, #tpu.memory_space<vmem>> -> memref<3840xf32, #tpu.memory_space<vmem>>
      %dma_start3A_234 = tpu.memref_slice %arg5[%multiple_of3A] : memref<122880xf32, #tpu.memory_space<hbm>> -> memref<3840xf32, #tpu.memory_space<hbm>>
      tpu.enqueue_dma source(%dma_start3A_234 : memref<3840xf32, #tpu.memory_space<hbm>>) target(%dma_start3A_233 : memref<3840xf32, #tpu.memory_space<vmem>>) target_semaphore(%run_scoped3A : memref<!tpu.dma_semaphore, #tpu.memory_space<semaphore_mem>>)
      %dma_wait3A_235 = arith.constant 0 : i32
      %dma_wait3A_236 = tpu.memref_slice %arg19[%dma_wait3A_235] : memref<3856xf32, #tpu.memory_space<vmem>> -> memref<3840xf32, #tpu.memory_space<vmem>>
      %dma_wait3A_237 = tpu.memref_slice %arg5[%multiple_of3A] : memref<122880xf32, #tpu.memory_space<hbm>> -> memref<3840xf32, #tpu.memory_space<hbm>>
      %dma_wait3A_238 = arith.constant 0 : i32
      %dma_wait3A_239 = tpu.memref_slice %arg19[%dma_wait3A_238] : memref<3856xf32, #tpu.memory_space<vmem>> -> memref<3840xf32, #tpu.memory_space<vmem>>
      %dma_wait3A_240 = tpu.memref_slice %arg5[%multiple_of3A] : memref<122880xf32, #tpu.memory_space<hbm>> -> memref<3840xf32, #tpu.memory_space<hbm>>
      tpu.wait_dma2 semaphore(%run_scoped3A : memref<!tpu.dma_semaphore, #tpu.memory_space<semaphore_mem>>) src(%dma_wait3A_240 : memref<3840xf32, #tpu.memory_space<hbm>>) dst(%dma_wait3A_239 : memref<3840xf32, #tpu.memory_space<vmem>>)
      tpu.yield
    }) : () -> ()
    "tpu.region"() ({
      %run_scoped3A = tpu.sem_alloc : memref<!tpu.dma_semaphore, #tpu.memory_space<semaphore_mem>>
      tpu.enqueue_dma source(%arg7 : memref<80xf32, #tpu.memory_space<hbm>>) target(%arg21 : memref<80xf32, #tpu.memory_space<vmem>>) target_semaphore(%run_scoped3A : memref<!tpu.dma_semaphore, #tpu.memory_space<semaphore_mem>>)
      tpu.wait_dma2 semaphore(%run_scoped3A : memref<!tpu.dma_semaphore, #tpu.memory_space<semaphore_mem>>) src(%arg7 : memref<80xf32, #tpu.memory_space<hbm>>) dst(%arg21 : memref<80xf32, #tpu.memory_space<vmem>>)
      tpu.yield
    }) : () -> ()
    %broadcast_in_dim3A = arith.constant 0.000000e+00 : f32
    %broadcast_in_dim3A_3 = vector.broadcast %broadcast_in_dim3A : f32 to vector<16xf32>
    %scan3A = arith.constant 0 : i32
    %scan3A_4 = arith.constant 0 : i32
    %scan3A_5 = arith.constant 28 : i32
    %scan3A_6 = arith.addi %scan3A_4, %scan3A_5 : i32
    %scan3A_7 = arith.constant 1 : i32
    %scan3A_8 = scf.for %scan3A_229 = %scan3A_4 to %scan3A_6 step %scan3A_7 iter_args(%scan3A_230 = %scan3A) -> (i32)  : i32 {
      %mul3A_231 = arith.constant 16 : i32
      %mul3A_232 = arith.muli %mul3A_231, %scan3A_229 : i32
      %swap3A = arith.index_cast %mul3A_232 : i32 to index
      %swap3A_233 = tpu.vector_load %arg22[%swap3A] {strides = array<i32>} : memref<448xf32, #tpu.memory_space<vmem>>, vector<16xf32>,
      %swap3A_234 = vector.shape_cast %swap3A_233 : vector<16xf32> to vector<16xf32>
      %swap3A_235 = vector.shape_cast %broadcast_in_dim3A_3 : vector<16xf32> to vector<16xf32>
      tpu.vector_store %arg22[%swap3A], %swap3A_235 {strides = array<i32>} : memref<448xf32, #tpu.memory_space<vmem>>, vector<16xf32>,
      %scan3A_236 = arith.constant 0 : i32
      scf.yield %scan3A_236 : i32
    }
    %scan3A_9 = arith.constant 28 : i32
    %scan3A_10 = arith.constant 0 : i32
    %scan3A_11 = arith.constant 0 : i32
    %scan3A_12 = arith.constant 241 : i32
    %scan3A_13 = arith.addi %scan3A_11, %scan3A_12 : i32
    %scan3A_14 = arith.constant 1 : i32
    %scan3A_15 = scf.for %scan3A_229 = %scan3A_11 to %scan3A_13 step %scan3A_14 iter_args(%scan3A_230 = %scan3A_10) -> (i32)  : i32 {
      %mul3A_231 = arith.constant 16 : i32
      %mul3A_232 = arith.muli %mul3A_231, %scan3A_229 : i32
      %swap3A = arith.index_cast %mul3A_232 : i32 to index
      %swap3A_233 = tpu.vector_load %arg23[%swap3A] {strides = array<i32>} : memref<3856xf32, #tpu.memory_space<vmem>>, vector<16xf32>,
      %swap3A_234 = vector.shape_cast %swap3A_233 : vector<16xf32> to vector<16xf32>
      %swap3A_235 = vector.shape_cast %broadcast_in_dim3A_3 : vector<16xf32> to vector<16xf32>
      tpu.vector_store %arg23[%swap3A], %swap3A_235 {strides = array<i32>} : memref<3856xf32, #tpu.memory_space<vmem>>, vector<16xf32>,
      %mul3A_236 = arith.constant 16 : i32
      %mul3A_237 = arith.muli %mul3A_236, %scan3A_229 : i32
      %swap3A_238 = arith.index_cast %mul3A_237 : i32 to index
      %swap3A_239 = tpu.vector_load %arg24[%swap3A_238] {strides = array<i32>} : memref<3856xf32, #tpu.memory_space<vmem>>, vector<16xf32>,
      %swap3A_240 = vector.shape_cast %swap3A_239 : vector<16xf32> to vector<16xf32>
      %swap3A_241 = vector.shape_cast %broadcast_in_dim3A_3 : vector<16xf32> to vector<16xf32>
      tpu.vector_store %arg24[%swap3A_238], %swap3A_241 {strides = array<i32>} : memref<3856xf32, #tpu.memory_space<vmem>>, vector<16xf32>,
      %mul3A_242 = arith.constant 16 : i32
      %mul3A_243 = arith.muli %mul3A_242, %scan3A_229 : i32
      %swap3A_244 = arith.index_cast %mul3A_243 : i32 to index
      %swap3A_245 = tpu.vector_load %arg25[%swap3A_244] {strides = array<i32>} : memref<3856xf32, #tpu.memory_space<vmem>>, vector<16xf32>,
      %swap3A_246 = vector.shape_cast %swap3A_245 : vector<16xf32> to vector<16xf32>
      %swap3A_247 = vector.shape_cast %broadcast_in_dim3A_3 : vector<16xf32> to vector<16xf32>
      tpu.vector_store %arg25[%swap3A_244], %swap3A_247 {strides = array<i32>} : memref<3856xf32, #tpu.memory_space<vmem>>, vector<16xf32>,
      %scan3A_248 = arith.constant 0 : i32
      scf.yield %scan3A_248 : i32
    }
    %scan3A_16 = arith.constant 241 : i32
    %get3A = arith.constant 0 : index
    %get3A_17 = tpu.vector_load %arg21[%get3A] {strides = array<i32>} : memref<80xf32, #tpu.memory_space<vmem>>, vector<16xf32>,
    %get3A_18 = vector.shape_cast %get3A_17 : vector<16xf32> to vector<16xf32>
    %get3A_19 = arith.constant 16 : index
    %get3A_20 = tpu.vector_load %arg21[%get3A_19] {strides = array<i32>} : memref<80xf32, #tpu.memory_space<vmem>>, vector<16xf32>,
    %get3A_21 = vector.shape_cast %get3A_20 : vector<16xf32> to vector<16xf32>
    %get3A_22 = arith.constant 32 : index
    %get3A_23 = tpu.vector_load %arg21[%get3A_22] {strides = array<i32>} : memref<80xf32, #tpu.memory_space<vmem>>, vector<16xf32>,
    %get3A_24 = vector.shape_cast %get3A_23 : vector<16xf32> to vector<16xf32>
    %get3A_25 = arith.constant 48 : index
    %get3A_26 = tpu.vector_load %arg21[%get3A_25] {strides = array<i32>} : memref<80xf32, #tpu.memory_space<vmem>>, vector<16xf32>,
    %get3A_27 = vector.shape_cast %get3A_26 : vector<16xf32> to vector<16xf32>
    %get3A_28 = arith.index_cast %add3A : i32 to index
    %get3A_29 = tpu.vector_load %arg20[%get3A_28] {strides = array<i32>} : memref<48xi32, #tpu.memory_space<vmem>>, vector<16xi32>,
    %get3A_30 = vector.shape_cast %get3A_29 : vector<16xi32> to vector<16xi32>
    %slice3A = vector.extract_strided_slice %get3A_30 {offsets = [0], sizes = [1], strides = [1]} : vector<16xi32> to vector<1xi32>
    %squeeze3A = vector.extract %slice3A[0] : i32 from vector<1xi32>
    %and3A = arith.constant -8 : i32
    %and3A_31 = arith.andi %squeeze3A, %and3A : i32
    %slice3A_32 = vector.extract_strided_slice %get3A_30 {offsets = [1], sizes = [1], strides = [1]} : vector<16xi32> to vector<1xi32>
    %squeeze3A_33 = vector.extract %slice3A_32[0] : i32 from vector<1xi32>
    %sub3A = arith.subi %squeeze3A_33, %and3A_31 : i32
    %add3A_34 = arith.constant 207 : i32
    %add3A_35 = arith.addi %sub3A, %add3A_34 : i32
    %jit3A = arith.constant 208 : i32
    %div3A = arith.divsi %add3A_35, %jit3A : i32
    %sign3A = arith.constant 0 : i32
    %sign3A_36 = arith.cmpi sgt, %add3A_35, %sign3A : i32
    %sign3A_37 = arith.extui %sign3A_36 : i1 to i32
    %sign3A_38 = arith.constant 0 : i32
    %sign3A_39 = arith.cmpi slt, %add3A_35, %sign3A_38 : i32
    %sign3A_40 = arith.extui %sign3A_39 : i1 to i32
    %sign3A_41 = arith.subi %sign3A_37, %sign3A_40 : i32
    %sign3A_42 = arith.constant 0 : i32
    %sign3A_43 = arith.cmpi sgt, %jit3A, %sign3A_42 : i32
    %sign3A_44 = arith.extui %sign3A_43 : i1 to i32
    %sign3A_45 = arith.constant 0 : i32
    %sign3A_46 = arith.cmpi slt, %jit3A, %sign3A_45 : i32
    %sign3A_47 = arith.extui %sign3A_46 : i1 to i32
    %sign3A_48 = arith.subi %sign3A_44, %sign3A_47 : i32
    %ne3A = arith.cmpi ne, %sign3A_41, %sign3A_48 : i32
    %rem3A = arith.remsi %add3A_35, %jit3A : i32
    %ne3A_49 = arith.constant 0 : i32
    %ne3A_50 = arith.cmpi ne, %rem3A, %ne3A_49 : i32
    %and3A_51 = arith.andi %ne3A, %ne3A_50 : i1
    %sub3A_52 = arith.constant 1 : i32
    %sub3A_53 = arith.subi %div3A, %sub3A_52 : i32
    %select_n3A = arith.select %and3A_51, %sub3A_53, %div3A : i32
    %max3A = arith.constant 1 : i32
    %max3A_54 = arith.maxsi %select_n3A, %max3A : i32
    %add3A_55 = arith.constant 1 : i32
    %add3A_56 = arith.addi %max3A_54, %add3A_55 : i32
    %jit3A_57 = arith.constant 2 : i32
    %div3A_58 = arith.divsi %add3A_56, %jit3A_57 : i32
    %sign3A_59 = arith.constant 0 : i32
    %sign3A_60 = arith.cmpi sgt, %add3A_56, %sign3A_59 : i32
    %sign3A_61 = arith.extui %sign3A_60 : i1 to i32
    %sign3A_62 = arith.constant 0 : i32
    %sign3A_63 = arith.cmpi slt, %add3A_56, %sign3A_62 : i32
    %sign3A_64 = arith.extui %sign3A_63 : i1 to i32
    %sign3A_65 = arith.subi %sign3A_61, %sign3A_64 : i32
    %sign3A_66 = arith.constant 0 : i32
    %sign3A_67 = arith.cmpi sgt, %jit3A_57, %sign3A_66 : i32
    %sign3A_68 = arith.extui %sign3A_67 : i1 to i32
    %sign3A_69 = arith.constant 0 : i32
    %sign3A_70 = arith.cmpi slt, %jit3A_57, %sign3A_69 : i32
    %sign3A_71 = arith.extui %sign3A_70 : i1 to i32
    %sign3A_72 = arith.subi %sign3A_68, %sign3A_71 : i32
    %ne3A_73 = arith.cmpi ne, %sign3A_65, %sign3A_72 : i32
    %rem3A_74 = arith.remsi %add3A_56, %jit3A_57 : i32
    %ne3A_75 = arith.constant 0 : i32
    %ne3A_76 = arith.cmpi ne, %rem3A_74, %ne3A_75 : i32
    %and3A_77 = arith.andi %ne3A_73, %ne3A_76 : i1
    %sub3A_78 = arith.constant 1 : i32
    %sub3A_79 = arith.subi %div3A_58, %sub3A_78 : i32
    %select_n3A_80 = arith.select %and3A_77, %sub3A_79, %div3A_58 : i32
    %add3A_81 = arith.constant 0 : i32
    %add3A_82 = arith.addi %and3A_31, %add3A_81 : i32
    %min3A = arith.constant 99792 : i32
    %min3A_83 = arith.minsi %add3A_82, %min3A : i32
    %multiple_of3A_84 = tpu.assume_multiple %min3A_83, 8 : i32
    %mul3A_85 = arith.constant 256 : i32
    %mul3A_86 = arith.muli %multiple_of3A_84, %mul3A_85 : i32
    %multiple_of3A_87 = tpu.assume_multiple %mul3A_86, 8 : i32
    %dma_start3A = arith.constant 0 : i32
    %dma_start3A_88 = tpu.memref_slice %arg11[%dma_start3A] : memref<53248xf32, #tpu.memory_space<vmem>> -> memref<53248xf32, #tpu.memory_space<vmem>>
    %dma_start3A_89 = tpu.memref_slice %arg3[%multiple_of3A_87] : memref<25600000xf32, #tpu.memory_space<hbm>> -> memref<53248xf32, #tpu.memory_space<hbm>>
    %dma_start3A_90 = arith.constant 0 : i32
    %dma_start3A_91 = tpu.memref_slice %arg11[%dma_start3A_90] : memref<53248xf32, #tpu.memory_space<vmem>> -> memref<53248xf32, #tpu.memory_space<vmem>>
    %dma_start3A_92 = tpu.memref_slice %arg3[%multiple_of3A_87] : memref<25600000xf32, #tpu.memory_space<hbm>> -> memref<53248xf32, #tpu.memory_space<hbm>>
    tpu.enqueue_dma source(%dma_start3A_92 : memref<53248xf32, #tpu.memory_space<hbm>>) target(%dma_start3A_91 : memref<53248xf32, #tpu.memory_space<vmem>>) target_semaphore(%arg17 : memref<!tpu.dma_semaphore, #tpu.memory_space<semaphore_mem>>)
    %mul3A_93 = arith.constant 4 : i32
    %mul3A_94 = arith.muli %multiple_of3A_84, %mul3A_93 : i32
    %multiple_of3A_95 = tpu.assume_multiple %mul3A_94, 8 : i32
    %dma_start3A_96 = arith.constant 0 : i32
    %dma_start3A_97 = tpu.memref_slice %arg13[%dma_start3A_96] : memref<848xf32, #tpu.memory_space<vmem>> -> memref<832xf32, #tpu.memory_space<vmem>>
    %dma_start3A_98 = tpu.memref_slice %arg2[%multiple_of3A_95] : memref<400000xf32, #tpu.memory_space<hbm>> -> memref<832xf32, #tpu.memory_space<hbm>>
    %dma_start3A_99 = arith.constant 0 : i32
    %dma_start3A_100 = tpu.memref_slice %arg13[%dma_start3A_99] : memref<848xf32, #tpu.memory_space<vmem>> -> memref<832xf32, #tpu.memory_space<vmem>>
    %dma_start3A_101 = tpu.memref_slice %arg2[%multiple_of3A_95] : memref<400000xf32, #tpu.memory_space<hbm>> -> memref<832xf32, #tpu.memory_space<hbm>>
    tpu.enqueue_dma source(%dma_start3A_101 : memref<832xf32, #tpu.memory_space<hbm>>) target(%dma_start3A_100 : memref<832xf32, #tpu.memory_space<vmem>>) target_semaphore(%arg17 : memref<!tpu.dma_semaphore, #tpu.memory_space<semaphore_mem>>)
    %add3A_102 = arith.constant 0 : i32
    %add3A_103 = arith.addi %and3A_31, %add3A_102 : i32
    %min3A_104 = arith.constant 99792 : i32
    %min3A_105 = arith.minsi %add3A_103, %min3A_104 : i32
    %multiple_of3A_106 = tpu.assume_multiple %min3A_105, 8 : i32
    %dma_start3A_107 = arith.constant 0 : i32
    %dma_start3A_108 = tpu.memref_slice %arg15[%dma_start3A_107] : memref<224xi32, #tpu.memory_space<vmem>> -> memref<208xi32, #tpu.memory_space<vmem>>
    %dma_start3A_109 = tpu.memref_slice %arg4[%multiple_of3A_106] : memref<100000xi32, #tpu.memory_space<hbm>> -> memref<208xi32, #tpu.memory_space<hbm>>
    %dma_start3A_110 = arith.constant 0 : i32
    %dma_start3A_111 = tpu.memref_slice %arg15[%dma_start3A_110] : memref<224xi32, #tpu.memory_space<vmem>> -> memref<208xi32, #tpu.memory_space<vmem>>
    %dma_start3A_112 = tpu.memref_slice %arg4[%multiple_of3A_106] : memref<100000xi32, #tpu.memory_space<hbm>> -> memref<208xi32, #tpu.memory_space<hbm>>
    tpu.enqueue_dma source(%dma_start3A_112 : memref<208xi32, #tpu.memory_space<hbm>>) target(%dma_start3A_111 : memref<208xi32, #tpu.memory_space<vmem>>) target_semaphore(%arg17 : memref<!tpu.dma_semaphore, #tpu.memory_space<semaphore_mem>>)
    %mul3A_113 = arith.constant 64 : i32
    %mul3A_114 = arith.muli %add3A, %mul3A_113 : i32
    %broadcast_in_dim3A_115 = arith.constant 0.000000e+00 : f32
    %broadcast_in_dim3A_116 = vector.broadcast %broadcast_in_dim3A_115 : f32 to vector<16xf32>
    %broadcast_in_dim3A_117 = arith.constant 0.000000e+00 : f32
    %broadcast_in_dim3A_118 = vector.broadcast %broadcast_in_dim3A_117 : f32 to vector<16xf32>
    %broadcast_in_dim3A_119 = arith.constant 0.000000e+00 : f32
    %broadcast_in_dim3A_120 = vector.broadcast %broadcast_in_dim3A_119 : f32 to vector<16xf32>
    %broadcast_in_dim3A_121 = arith.constant 0.000000e+00 : f32
    %broadcast_in_dim3A_122 = vector.broadcast %broadcast_in_dim3A_121 : f32 to vector<16xf32>
    %broadcast_in_dim3A_123 = arith.constant 0.000000e+00 : f32
    %broadcast_in_dim3A_124 = vector.broadcast %broadcast_in_dim3A_123 : f32 to vector<16xf32>
    %broadcast_in_dim3A_125 = arith.constant 0.000000e+00 : f32
    %broadcast_in_dim3A_126 = vector.broadcast %broadcast_in_dim3A_125 : f32 to vector<16xf32>
    %broadcast_in_dim3A_127 = arith.constant 0.000000e+00 : f32
    %broadcast_in_dim3A_128 = vector.broadcast %broadcast_in_dim3A_127 : f32 to vector<16xf32>
    %broadcast_in_dim3A_129 = arith.constant 0.000000e+00 : f32
    %broadcast_in_dim3A_130 = vector.broadcast %broadcast_in_dim3A_129 : f32 to vector<16xf32>
    %broadcast_in_dim3A_131 = arith.constant 0.000000e+00 : f32
    %broadcast_in_dim3A_132 = vector.broadcast %broadcast_in_dim3A_131 : f32 to vector<16xf32>
    %broadcast_in_dim3A_133 = arith.constant 0.000000e+00 : f32
    %broadcast_in_dim3A_134 = vector.broadcast %broadcast_in_dim3A_133 : f32 to vector<16xf32>
    %broadcast_in_dim3A_135 = arith.constant 0.000000e+00 : f32
    %broadcast_in_dim3A_136 = vector.broadcast %broadcast_in_dim3A_135 : f32 to vector<16xf32>
    %broadcast_in_dim3A_137 = arith.constant 0.000000e+00 : f32
    %broadcast_in_dim3A_138 = vector.broadcast %broadcast_in_dim3A_137 : f32 to vector<16xf32>
    %broadcast_in_dim3A_139 = arith.constant 0.000000e+00 : f32
    %broadcast_in_dim3A_140 = vector.broadcast %broadcast_in_dim3A_139 : f32 to vector<16xf32>
    %broadcast_in_dim3A_141 = arith.constant 0.000000e+00 : f32
    %broadcast_in_dim3A_142 = vector.broadcast %broadcast_in_dim3A_141 : f32 to vector<16xf32>
    %broadcast_in_dim3A_143 = arith.constant 0.000000e+00 : f32
    %broadcast_in_dim3A_144 = vector.broadcast %broadcast_in_dim3A_143 : f32 to vector<16xf32>
    %broadcast_in_dim3A_145 = arith.constant 0.000000e+00 : f32
    %broadcast_in_dim3A_146 = vector.broadcast %broadcast_in_dim3A_145 : f32 to vector<16xf32>
    %broadcast_in_dim3A_147 = arith.constant 0.000000e+00 : f32
    %broadcast_in_dim3A_148 = vector.broadcast %broadcast_in_dim3A_147 : f32 to vector<16xf32>
    %broadcast_in_dim3A_149 = arith.constant 0.000000e+00 : f32
    %broadcast_in_dim3A_150 = vector.broadcast %broadcast_in_dim3A_149 : f32 to vector<16xf32>
    %broadcast_in_dim3A_151 = arith.constant 0.000000e+00 : f32
    %broadcast_in_dim3A_152 = vector.broadcast %broadcast_in_dim3A_151 : f32 to vector<16xf32>
    %broadcast_in_dim3A_153 = arith.constant 0.000000e+00 : f32
    %broadcast_in_dim3A_154 = vector.broadcast %broadcast_in_dim3A_153 : f32 to vector<16xf32>
    %broadcast_in_dim3A_155 = arith.constant 0.000000e+00 : f32
    %broadcast_in_dim3A_156 = vector.broadcast %broadcast_in_dim3A_155 : f32 to vector<16xf32>
    %broadcast_in_dim3A_157 = arith.constant 0.000000e+00 : f32
    %broadcast_in_dim3A_158 = vector.broadcast %broadcast_in_dim3A_157 : f32 to vector<16xf32>
    %broadcast_in_dim3A_159 = arith.constant 0.000000e+00 : f32
    %broadcast_in_dim3A_160 = vector.broadcast %broadcast_in_dim3A_159 : f32 to vector<16xf32>
    %broadcast_in_dim3A_161 = arith.constant 0.000000e+00 : f32
    %broadcast_in_dim3A_162 = vector.broadcast %broadcast_in_dim3A_161 : f32 to vector<16xf32>
    %broadcast_in_dim3A_163 = arith.constant 0.000000e+00 : f32
    %broadcast_in_dim3A_164 = vector.broadcast %broadcast_in_dim3A_163 : f32 to vector<16xf32>
    %broadcast_in_dim3A_165 = arith.constant 0.000000e+00 : f32
    %broadcast_in_dim3A_166 = vector.broadcast %broadcast_in_dim3A_165 : f32 to vector<16xf32>
    %broadcast_in_dim3A_167 = arith.constant 0.000000e+00 : f32
    %broadcast_in_dim3A_168 = vector.broadcast %broadcast_in_dim3A_167 : f32 to vector<16xf32>
    %broadcast_in_dim3A_169 = arith.constant 0.000000e+00 : f32
    %broadcast_in_dim3A_170 = vector.broadcast %broadcast_in_dim3A_169 : f32 to vector<16xf32>
    %broadcast_in_dim3A_171 = arith.constant 0.000000e+00 : f32
    %broadcast_in_dim3A_172 = vector.broadcast %broadcast_in_dim3A_171 : f32 to vector<16xf32>
    %broadcast_in_dim3A_173 = arith.constant 0.000000e+00 : f32
    %broadcast_in_dim3A_174 = vector.broadcast %broadcast_in_dim3A_173 : f32 to vector<16xf32>
    %broadcast_in_dim3A_175 = arith.constant 0.000000e+00 : f32
    %broadcast_in_dim3A_176 = vector.broadcast %broadcast_in_dim3A_175 : f32 to vector<16xf32>
    %broadcast_in_dim3A_177 = arith.constant 0.000000e+00 : f32
    %broadcast_in_dim3A_178 = vector.broadcast %broadcast_in_dim3A_177 : f32 to vector<16xf32>
    %broadcast_in_dim3A_179 = arith.constant 0.000000e+00 : f32
    %broadcast_in_dim3A_180 = vector.broadcast %broadcast_in_dim3A_179 : f32 to vector<16xf32>
    %while3A = arith.constant 0 : i32
    %while3A_181 = arith.constant -1 : i32
    %while3A_182 = arith.constant 0.000000e+00 : f32
    %while3A_183 = arith.subi %select_n3A_80, %while3A : i32
    %while3A_184 = arith.addi %while3A, %while3A_183 : i32
    %while3A_185 = arith.constant 1 : i32
    %while3A_186 = arith.divsi %while3A_183, %while3A_185 : i32
    %while3A_187 = arith.muli %while3A_186, %while3A_185 : i32
    %while3A_188 = arith.addi %while3A, %while3A_187 : i32
    %while3A_189 = arith.constant 1 : i32
    %while3A_190:35 = scf.for %while3A_229 = %while3A to %while3A_188 step %while3A_189 iter_args(%while3A_230 = %while3A_181, %while3A_231 = %while3A_182, %while3A_232 = %broadcast_in_dim3A_116, %while3A_233 = %broadcast_in_dim3A_118, %while3A_234 = %broadcast_in_dim3A_120, %while3A_235 = %broadcast_in_dim3A_122, %while3A_236 = %broadcast_in_dim3A_124, %while3A_237 = %broadcast_in_dim3A_126, %while3A_238 = %broadcast_in_dim3A_128, %while3A_239 = %broadcast_in_dim3A_130, %while3A_240 = %broadcast_in_dim3A_132, %while3A_241 = %broadcast_in_dim3A_134, %while3A_242 = %broadcast_in_dim3A_136, %while3A_243 = %broadcast_in_dim3A_138, %while3A_244 = %broadcast_in_dim3A_140, %while3A_245 = %broadcast_in_dim3A_142, %while3A_246 = %broadcast_in_dim3A_144, %while3A_247 = %broadcast_in_dim3A_146, %while3A_248 = %broadcast_in_dim3A_148, %while3A_249 = %broadcast_in_dim3A_150, %while3A_250 = %broadcast_in_dim3A_152, %while3A_251 = %broadcast_in_dim3A_154, %while3A_252 = %broadcast_in_dim3A_156, %while3A_253 = %broadcast_in_dim3A_158, %while3A_254 = %broadcast_in_dim3A_160, %while3A_255 = %broadcast_in_dim3A_162, %while3A_256 = %broadcast_in_dim3A_164, %while3A_257 = %broadcast_in_dim3A_166, %while3A_258 = %broadcast_in_dim3A_168, %while3A_259 = %broadcast_in_dim3A_170, %while3A_260 = %broadcast_in_dim3A_172, %while3A_261 = %broadcast_in_dim3A_174, %while3A_262 = %broadcast_in_dim3A_176, %while3A_263 = %broadcast_in_dim3A_178, %while3A_264 = %broadcast_in_dim3A_180) -> (i32, f32, vector<16xf32>, vector<16xf32>, vector<16xf32>, vector<16xf32>, vector<16xf32>, vector<16xf32>, vector<16xf32>, vector<16xf32>, vector<16xf32>, vector<16xf32>, vector<16xf32>, vector<16xf32>, vector<16xf32>, vector<16xf32>, vector<16xf32>, vector<16xf32>, vector<16xf32>, vector<16xf32>, vector<16xf32>, vector<16xf32>, vector<16xf32>, vector<16xf32>, vector<16xf32>, vector<16xf32>, vector<16xf32>, vector<16xf32>, vector<16xf32>, vector<16xf32>, vector<16xf32>, vector<16xf32>, vector<16xf32>, vector<16xf32>, vector<16xf32>)  : i32 {
      %mul3A_265 = arith.constant 2 : i32
      %mul3A_266 = arith.muli %mul3A_265, %while3A_229 : i32
      %add3A_267 = arith.constant 0 : i32
      %add3A_268 = arith.addi %mul3A_266, %add3A_267 : i32
      %mul3A_269 = arith.constant 208 : i32
      %mul3A_270 = arith.muli %add3A_268, %mul3A_269 : i32
      %add3A_271 = arith.addi %and3A_31, %mul3A_270 : i32
      %min3A_272 = arith.constant 99792 : i32
      %min3A_273 = arith.minsi %add3A_271, %min3A_272 : i32
      %multiple_of3A_274 = tpu.assume_multiple %min3A_273, 8 : i32
      %mul3A_275 = arith.constant 208 : i32
      %mul3A_276 = arith.muli %add3A_268, %mul3A_275 : i32
      %add3A_277 = arith.addi %and3A_31, %mul3A_276 : i32
      %sub3A_278 = arith.subi %add3A_277, %multiple_of3A_274 : i32
      %dma_wait3A_279 = arith.constant 0 : i32
      %dma_wait3A_280 = tpu.memref_slice %arg11[%dma_wait3A_279] : memref<53248xf32, #tpu.memory_space<vmem>> -> memref<53248xf32, #tpu.memory_space<vmem>>
      %dma_wait3A_281 = arith.constant 0 : i32
      %dma_wait3A_282 = tpu.memref_slice %arg3[%dma_wait3A_281] : memref<25600000xf32, #tpu.memory_space<hbm>> -> memref<53248xf32, #tpu.memory_space<hbm>>
      %dma_wait3A_283 = arith.constant 0 : i32
      %dma_wait3A_284 = tpu.memref_slice %arg11[%dma_wait3A_283] : memref<53248xf32, #tpu.memory_space<vmem>> -> memref<53248xf32, #tpu.memory_space<vmem>>
      %dma_wait3A_285 = arith.constant 0 : i32
      %dma_wait3A_286 = tpu.memref_slice %arg3[%dma_wait3A_285] : memref<25600000xf32, #tpu.memory_space<hbm>> -> memref<53248xf32, #tpu.memory_space<hbm>>
      tpu.wait_dma2 semaphore(%arg17 : memref<!tpu.dma_semaphore, #tpu.memory_space<semaphore_mem>>) src(%dma_wait3A_286 : memref<53248xf32, #tpu.memory_space<hbm>>) dst(%dma_wait3A_284 : memref<53248xf32, #tpu.memory_space<vmem>>)
      %dma_wait3A_287 = arith.constant 0 : i32
      %dma_wait3A_288 = tpu.memref_slice %arg13[%dma_wait3A_287] : memref<848xf32, #tpu.memory_space<vmem>> -> memref<832xf32, #tpu.memory_space<vmem>>
      %dma_wait3A_289 = arith.constant 0 : i32
      %dma_wait3A_290 = tpu.memref_slice %arg2[%dma_wait3A_289] : memref<400000xf32, #tpu.memory_space<hbm>> -> memref<832xf32, #tpu.memory_space<hbm>>
      %dma_wait3A_291 = arith.constant 0 : i32
      %dma_wait3A_292 = tpu.memref_slice %arg13[%dma_wait3A_291] : memref<848xf32, #tpu.memory_space<vmem>> -> memref<832xf32, #tpu.memory_space<vmem>>
      %dma_wait3A_293 = arith.constant 0 : i32
      %dma_wait3A_294 = tpu.memref_slice %arg2[%dma_wait3A_293] : memref<400000xf32, #tpu.memory_space<hbm>> -> memref<832xf32, #tpu.memory_space<hbm>>
      tpu.wait_dma2 semaphore(%arg17 : memref<!tpu.dma_semaphore, #tpu.memory_space<semaphore_mem>>) src(%dma_wait3A_294 : memref<832xf32, #tpu.memory_space<hbm>>) dst(%dma_wait3A_292 : memref<832xf32, #tpu.memory_space<vmem>>)
      %dma_wait3A_295 = arith.constant 0 : i32
      %dma_wait3A_296 = tpu.memref_slice %arg15[%dma_wait3A_295] : memref<224xi32, #tpu.memory_space<vmem>> -> memref<208xi32, #tpu.memory_space<vmem>>
      %dma_wait3A_297 = arith.constant 0 : i32
      %dma_wait3A_298 = tpu.memref_slice %arg4[%dma_wait3A_297] : memref<100000xi32, #tpu.memory_space<hbm>> -> memref<208xi32, #tpu.memory_space<hbm>>
      %dma_wait3A_299 = arith.constant 0 : i32
      %dma_wait3A_300 = tpu.memref_slice %arg15[%dma_wait3A_299] : memref<224xi32, #tpu.memory_space<vmem>> -> memref<208xi32, #tpu.memory_space<vmem>>
      %dma_wait3A_301 = arith.constant 0 : i32
      %dma_wait3A_302 = tpu.memref_slice %arg4[%dma_wait3A_301] : memref<100000xi32, #tpu.memory_space<hbm>> -> memref<208xi32, #tpu.memory_space<hbm>>
      tpu.wait_dma2 semaphore(%arg17 : memref<!tpu.dma_semaphore, #tpu.memory_space<semaphore_mem>>) src(%dma_wait3A_302 : memref<208xi32, #tpu.memory_space<hbm>>) dst(%dma_wait3A_300 : memref<208xi32, #tpu.memory_space<vmem>>)
      %add3A_303 = arith.constant 1 : i32
      %add3A_304 = arith.addi %add3A_268, %add3A_303 : i32
      %mul3A_305 = arith.constant 208 : i32
      %mul3A_306 = arith.muli %add3A_304, %mul3A_305 : i32
      %add3A_307 = arith.addi %and3A_31, %mul3A_306 : i32
      %min3A_308 = arith.constant 99792 : i32
      %min3A_309 = arith.minsi %add3A_307, %min3A_308 : i32
      %multiple_of3A_310 = tpu.assume_multiple %min3A_309, 8 : i32
      %mul3A_311 = arith.constant 256 : i32
      %mul3A_312 = arith.muli %multiple_of3A_310, %mul3A_311 : i32
      %multiple_of3A_313 = tpu.assume_multiple %mul3A_312, 8 : i32
      %dma_start3A_314 = arith.constant 0 : i32
      %dma_start3A_315 = tpu.memref_slice %arg12[%dma_start3A_314] : memref<53248xf32, #tpu.memory_space<vmem>> -> memref<53248xf32, #tpu.memory_space<vmem>>
      %dma_start3A_316 = tpu.memref_slice %arg3[%multiple_of3A_313] : memref<25600000xf32, #tpu.memory_space<hbm>> -> memref<53248xf32, #tpu.memory_space<hbm>>
      %dma_start3A_317 = arith.constant 0 : i32
      %dma_start3A_318 = tpu.memref_slice %arg12[%dma_start3A_317] : memref<53248xf32, #tpu.memory_space<vmem>> -> memref<53248xf32, #tpu.memory_space<vmem>>
      %dma_start3A_319 = tpu.memref_slice %arg3[%multiple_of3A_313] : memref<25600000xf32, #tpu.memory_space<hbm>> -> memref<53248xf32, #tpu.memory_space<hbm>>
      tpu.enqueue_dma source(%dma_start3A_319 : memref<53248xf32, #tpu.memory_space<hbm>>) target(%dma_start3A_318 : memref<53248xf32, #tpu.memory_space<vmem>>) target_semaphore(%arg18 : memref<!tpu.dma_semaphore, #tpu.memory_space<semaphore_mem>>)
      %mul3A_320 = arith.constant 4 : i32
      %mul3A_321 = arith.muli %multiple_of3A_310, %mul3A_320 : i32
      %multiple_of3A_322 = tpu.assume_multiple %mul3A_321, 8 : i32
      %dma_start3A_323 = arith.constant 0 : i32
      %dma_start3A_324 = tpu.memref_slice %arg14[%dma_start3A_323] : memref<848xf32, #tpu.memory_space<vmem>> -> memref<832xf32, #tpu.memory_space<vmem>>
      %dma_start3A_325 = tpu.memref_slice %arg2[%multiple_of3A_322] : memref<400000xf32, #tpu.memory_space<hbm>> -> memref<832xf32, #tpu.memory_space<hbm>>
      %dma_start3A_326 = arith.constant 0 : i32
      %dma_start3A_327 = tpu.memref_slice %arg14[%dma_start3A_326] : memref<848xf32, #tpu.memory_space<vmem>> -> memref<832xf32, #tpu.memory_space<vmem>>
      %dma_start3A_328 = tpu.memref_slice %arg2[%multiple_of3A_322] : memref<400000xf32, #tpu.memory_space<hbm>> -> memref<832xf32, #tpu.memory_space<hbm>>
      tpu.enqueue_dma source(%dma_start3A_328 : memref<832xf32, #tpu.memory_space<hbm>>) target(%dma_start3A_327 : memref<832xf32, #tpu.memory_space<vmem>>) target_semaphore(%arg18 : memref<!tpu.dma_semaphore, #tpu.memory_space<semaphore_mem>>)
      %mul3A_329 = arith.constant 208 : i32
      %mul3A_330 = arith.muli %add3A_304, %mul3A_329 : i32
      %add3A_331 = arith.addi %and3A_31, %mul3A_330 : i32
      %min3A_332 = arith.constant 99792 : i32
      %min3A_333 = arith.minsi %add3A_331, %min3A_332 : i32
      %multiple_of3A_334 = tpu.assume_multiple %min3A_333, 8 : i32
      %dma_start3A_335 = arith.constant 0 : i32
      %dma_start3A_336 = tpu.memref_slice %arg16[%dma_start3A_335] : memref<224xi32, #tpu.memory_space<vmem>> -> memref<208xi32, #tpu.memory_space<vmem>>
      %dma_start3A_337 = tpu.memref_slice %arg4[%multiple_of3A_334] : memref<100000xi32, #tpu.memory_space<hbm>> -> memref<208xi32, #tpu.memory_space<hbm>>
      %dma_start3A_338 = arith.constant 0 : i32
      %dma_start3A_339 = tpu.memref_slice %arg16[%dma_start3A_338] : memref<224xi32, #tpu.memory_space<vmem>> -> memref<208xi32, #tpu.memory_space<vmem>>
      %dma_start3A_340 = tpu.memref_slice %arg4[%multiple_of3A_334] : memref<100000xi32, #tpu.memory_space<hbm>> -> memref<208xi32, #tpu.memory_space<hbm>>
      tpu.enqueue_dma source(%dma_start3A_340 : memref<208xi32, #tpu.memory_space<hbm>>) target(%dma_start3A_339 : memref<208xi32, #tpu.memory_space<vmem>>) target_semaphore(%arg18 : memref<!tpu.dma_semaphore, #tpu.memory_space<semaphore_mem>>)
      %scan3A_341 = arith.constant 0 : i32
      %scan3A_342 = arith.constant 208 : i32
      %scan3A_343 = arith.addi %scan3A_341, %scan3A_342 : i32
      %scan3A_344 = arith.constant 1 : i32
      %scan3A_345:35 = scf.for %scan3A_429 = %scan3A_341 to %scan3A_343 step %scan3A_344 iter_args(%scan3A_430 = %while3A_230, %scan3A_431 = %while3A_231, %scan3A_432 = %while3A_232, %scan3A_433 = %while3A_233, %scan3A_434 = %while3A_234, %scan3A_435 = %while3A_235, %scan3A_436 = %while3A_236, %scan3A_437 = %while3A_237, %scan3A_438 = %while3A_238, %scan3A_439 = %while3A_239, %scan3A_440 = %while3A_240, %scan3A_441 = %while3A_241, %scan3A_442 = %while3A_242, %scan3A_443 = %while3A_243, %scan3A_444 = %while3A_244, %scan3A_445 = %while3A_245, %scan3A_446 = %while3A_246, %scan3A_447 = %while3A_247, %scan3A_448 = %while3A_248, %scan3A_449 = %while3A_249, %scan3A_450 = %while3A_250, %scan3A_451 = %while3A_251, %scan3A_452 = %while3A_252, %scan3A_453 = %while3A_253, %scan3A_454 = %while3A_254, %scan3A_455 = %while3A_255, %scan3A_456 = %while3A_256, %scan3A_457 = %while3A_257, %scan3A_458 = %while3A_258, %scan3A_459 = %while3A_259, %scan3A_460 = %while3A_260, %scan3A_461 = %while3A_261, %scan3A_462 = %while3A_262, %scan3A_463 = %while3A_263, %scan3A_464 = %while3A_264) -> (i32, f32, vector<16xf32>, vector<16xf32>, vector<16xf32>, vector<16xf32>, vector<16xf32>, vector<16xf32>, vector<16xf32>, vector<16xf32>, vector<16xf32>, vector<16xf32>, vector<16xf32>, vector<16xf32>, vector<16xf32>, vector<16xf32>, vector<16xf32>, vector<16xf32>, vector<16xf32>, vector<16xf32>, vector<16xf32>, vector<16xf32>, vector<16xf32>, vector<16xf32>, vector<16xf32>, vector<16xf32>, vector<16xf32>, vector<16xf32>, vector<16xf32>, vector<16xf32>, vector<16xf32>, vector<16xf32>, vector<16xf32>, vector<16xf32>, vector<16xf32>)  : i32 {
        %get3A_465 = arith.index_cast %scan3A_429 : i32 to index
        %get3A_466 = tpu.vector_load %arg15[%get3A_465] {strides = array<i32>} : memref<224xi32, #tpu.memory_space<vmem>>, vector<16xi32>,
        %get3A_467 = vector.shape_cast %get3A_466 : vector<16xi32> to vector<16xi32>
        %slice3A_468 = vector.extract_strided_slice %get3A_467 {offsets = [0], sizes = [1], strides = [1]} : vector<16xi32> to vector<1xi32>
        %squeeze3A_469 = vector.extract %slice3A_468[0] : i32 from vector<1xi32>
        %sub3A_470 = arith.subi %squeeze3A_469, %mul3A_114 : i32
        %ge3A_471 = arith.cmpi sge, %scan3A_429, %sub3A_278 : i32
        %ne3A_472 = arith.cmpi ne, %sub3A_470, %scan3A_430 : i32
        %and3A_473 = arith.andi %ne3A_472, %ge3A_471 : i1
        %ge3A_474 = arith.constant 0 : i32
        %ge3A_475 = arith.cmpi sge, %scan3A_430, %ge3A_474 : i32
        %lt3A_476 = arith.constant 64 : i32
        %lt3A_477 = arith.cmpi slt, %scan3A_430, %lt3A_476 : i32
        %and3A_478 = arith.andi %ge3A_475, %lt3A_477 : i1
        %and3A_479 = arith.andi %and3A_473, %and3A_478 : i1
        %convert_element_type3A_480 = arith.extui %and3A_479 : i1 to i32
        %cond3A_481 = arith.constant 0 : i32
        %cond3A_482 = arith.cmpi ne, %convert_element_type3A_480, %cond3A_481 : i32
        scf.if %cond3A_482 {
          %broadcast_in_dim3A_747 = vector.broadcast %scan3A_431 : f32 to vector<16xf32>
          %max3A_748 = arith.constant 1.000000e+00 : f32
          %max3A_749 = vector.broadcast %max3A_748 : f32 to vector<16xf32>
          %max3A_750 = arith.maximumf %broadcast_in_dim3A_747, %max3A_749 : vector<16xf32>
          %div3A_751 = arith.constant 1.000000e+00 : f32
          %div3A_752 = vector.broadcast %div3A_751 : f32 to vector<16xf32>
          %div3A_753 = arith.divf %div3A_752, %max3A_750 : vector<16xf32>
          %mul3A_754 = arith.mulf %scan3A_464, %div3A_753 : vector<16xf32>
          %slice3A_755 = vector.extract_strided_slice %mul3A_754 {offsets = [0], sizes = [1], strides = [1]} : vector<16xf32> to vector<1xf32>
          %squeeze3A_756 = vector.extract %slice3A_755[0] : f32 from vector<1xf32>
          %broadcast_in_dim3A_757 = vector.broadcast %squeeze3A_756 : f32 to vector<16xf32>
          %slice3A_758 = vector.extract_strided_slice %mul3A_754 {offsets = [1], sizes = [1], strides = [1]} : vector<16xf32> to vector<1xf32>
          %squeeze3A_759 = vector.extract %slice3A_758[0] : f32 from vector<1xf32>
          %broadcast_in_dim3A_760 = vector.broadcast %squeeze3A_759 : f32 to vector<16xf32>
          %slice3A_761 = vector.extract_strided_slice %mul3A_754 {offsets = [2], sizes = [1], strides = [1]} : vector<16xf32> to vector<1xf32>
          %squeeze3A_762 = vector.extract %slice3A_761[0] : f32 from vector<1xf32>
          %broadcast_in_dim3A_763 = vector.broadcast %squeeze3A_762 : f32 to vector<16xf32>
          %swap3A = arith.constant 16 : index
          %swap3A_764 = tpu.vector_load %arg22[%swap3A] {strides = array<i32>} : memref<448xf32, #tpu.memory_space<vmem>>, vector<16xf32>,
          %swap3A_765 = vector.shape_cast %swap3A_764 : vector<16xf32> to vector<16xf32>
          %swap3A_766 = vector.shape_cast %scan3A_452 : vector<16xf32> to vector<16xf32>
          tpu.vector_store %arg22[%swap3A], %swap3A_766 {strides = array<i32>} : memref<448xf32, #tpu.memory_space<vmem>>, vector<16xf32>,
          %swap3A_767 = arith.constant 96 : index
          %swap3A_768 = tpu.vector_load %arg22[%swap3A_767] {strides = array<i32>} : memref<448xf32, #tpu.memory_space<vmem>>, vector<16xf32>,
          %swap3A_769 = vector.shape_cast %swap3A_768 : vector<16xf32> to vector<16xf32>
          %swap3A_770 = vector.shape_cast %scan3A_456 : vector<16xf32> to vector<16xf32>
          tpu.vector_store %arg22[%swap3A_767], %swap3A_770 {strides = array<i32>} : memref<448xf32, #tpu.memory_space<vmem>>, vector<16xf32>,
          %swap3A_771 = arith.constant 176 : index
          %swap3A_772 = tpu.vector_load %arg22[%swap3A_771] {strides = array<i32>} : memref<448xf32, #tpu.memory_space<vmem>>, vector<16xf32>,
          %swap3A_773 = vector.shape_cast %swap3A_772 : vector<16xf32> to vector<16xf32>
          %swap3A_774 = vector.shape_cast %scan3A_460 : vector<16xf32> to vector<16xf32>
          tpu.vector_store %arg22[%swap3A_771], %swap3A_774 {strides = array<i32>} : memref<448xf32, #tpu.memory_space<vmem>>, vector<16xf32>,
          %swap3A_775 = arith.constant 256 : index
          %swap3A_776 = tpu.vector_load %arg22[%swap3A_775] {strides = array<i32>} : memref<448xf32, #tpu.memory_space<vmem>>, vector<16xf32>,
          %swap3A_777 = vector.shape_cast %swap3A_776 : vector<16xf32> to vector<16xf32>
          %swap3A_778 = vector.shape_cast %scan3A_440 : vector<16xf32> to vector<16xf32>
          tpu.vector_store %arg22[%swap3A_775], %swap3A_778 {strides = array<i32>} : memref<448xf32, #tpu.memory_space<vmem>>, vector<16xf32>,
          %swap3A_779 = arith.constant 32 : index
          %swap3A_780 = tpu.vector_load %arg22[%swap3A_779] {strides = array<i32>} : memref<448xf32, #tpu.memory_space<vmem>>, vector<16xf32>,
          %swap3A_781 = vector.shape_cast %swap3A_780 : vector<16xf32> to vector<16xf32>
          %swap3A_782 = vector.shape_cast %scan3A_453 : vector<16xf32> to vector<16xf32>
          tpu.vector_store %arg22[%swap3A_779], %swap3A_782 {strides = array<i32>} : memref<448xf32, #tpu.memory_space<vmem>>, vector<16xf32>,
          %swap3A_783 = arith.constant 112 : index
          %swap3A_784 = tpu.vector_load %arg22[%swap3A_783] {strides = array<i32>} : memref<448xf32, #tpu.memory_space<vmem>>, vector<16xf32>,
          %swap3A_785 = vector.shape_cast %swap3A_784 : vector<16xf32> to vector<16xf32>
          %swap3A_786 = vector.shape_cast %scan3A_457 : vector<16xf32> to vector<16xf32>
          tpu.vector_store %arg22[%swap3A_783], %swap3A_786 {strides = array<i32>} : memref<448xf32, #tpu.memory_space<vmem>>, vector<16xf32>,
          %swap3A_787 = arith.constant 192 : index
          %swap3A_788 = tpu.vector_load %arg22[%swap3A_787] {strides = array<i32>} : memref<448xf32, #tpu.memory_space<vmem>>, vector<16xf32>,
          %swap3A_789 = vector.shape_cast %swap3A_788 : vector<16xf32> to vector<16xf32>
          %swap3A_790 = vector.shape_cast %scan3A_461 : vector<16xf32> to vector<16xf32>
          tpu.vector_store %arg22[%swap3A_787], %swap3A_790 {strides = array<i32>} : memref<448xf32, #tpu.memory_space<vmem>>, vector<16xf32>,
          %swap3A_791 = arith.constant 272 : index
          %swap3A_792 = tpu.vector_load %arg22[%swap3A_791] {strides = array<i32>} : memref<448xf32, #tpu.memory_space<vmem>>, vector<16xf32>,
          %swap3A_793 = vector.shape_cast %swap3A_792 : vector<16xf32> to vector<16xf32>
          %swap3A_794 = vector.shape_cast %scan3A_441 : vector<16xf32> to vector<16xf32>
          tpu.vector_store %arg22[%swap3A_791], %swap3A_794 {strides = array<i32>} : memref<448xf32, #tpu.memory_space<vmem>>, vector<16xf32>,
          %swap3A_795 = arith.constant 48 : index
          %swap3A_796 = tpu.vector_load %arg22[%swap3A_795] {strides = array<i32>} : memref<448xf32, #tpu.memory_space<vmem>>, vector<16xf32>,
          %swap3A_797 = vector.shape_cast %swap3A_796 : vector<16xf32> to vector<16xf32>
          %swap3A_798 = vector.shape_cast %scan3A_454 : vector<16xf32> to vector<16xf32>
          tpu.vector_store %arg22[%swap3A_795], %swap3A_798 {strides = array<i32>} : memref<448xf32, #tpu.memory_space<vmem>>, vector<16xf32>,
          %swap3A_799 = arith.constant 128 : index
          %swap3A_800 = tpu.vector_load %arg22[%swap3A_799] {strides = array<i32>} : memref<448xf32, #tpu.memory_space<vmem>>, vector<16xf32>,
          %swap3A_801 = vector.shape_cast %swap3A_800 : vector<16xf32> to vector<16xf32>
          %swap3A_802 = vector.shape_cast %scan3A_458 : vector<16xf32> to vector<16xf32>
          tpu.vector_store %arg22[%swap3A_799], %swap3A_802 {strides = array<i32>} : memref<448xf32, #tpu.memory_space<vmem>>, vector<16xf32>,
          %swap3A_803 = arith.constant 208 : index
          %swap3A_804 = tpu.vector_load %arg22[%swap3A_803] {strides = array<i32>} : memref<448xf32, #tpu.memory_space<vmem>>, vector<16xf32>,
          %swap3A_805 = vector.shape_cast %swap3A_804 : vector<16xf32> to vector<16xf32>
          %swap3A_806 = vector.shape_cast %scan3A_462 : vector<16xf32> to vector<16xf32>
          tpu.vector_store %arg22[%swap3A_803], %swap3A_806 {strides = array<i32>} : memref<448xf32, #tpu.memory_space<vmem>>, vector<16xf32>,
          %swap3A_807 = arith.constant 288 : index
          %swap3A_808 = tpu.vector_load %arg22[%swap3A_807] {strides = array<i32>} : memref<448xf32, #tpu.memory_space<vmem>>, vector<16xf32>,
          %swap3A_809 = vector.shape_cast %swap3A_808 : vector<16xf32> to vector<16xf32>
          %swap3A_810 = vector.shape_cast %scan3A_442 : vector<16xf32> to vector<16xf32>
          tpu.vector_store %arg22[%swap3A_807], %swap3A_810 {strides = array<i32>} : memref<448xf32, #tpu.memory_space<vmem>>, vector<16xf32>,
          %swap3A_811 = arith.constant 64 : index
          %swap3A_812 = tpu.vector_load %arg22[%swap3A_811] {strides = array<i32>} : memref<448xf32, #tpu.memory_space<vmem>>, vector<16xf32>,
          %swap3A_813 = vector.shape_cast %swap3A_812 : vector<16xf32> to vector<16xf32>
          %swap3A_814 = vector.shape_cast %scan3A_455 : vector<16xf32> to vector<16xf32>
          tpu.vector_store %arg22[%swap3A_811], %swap3A_814 {strides = array<i32>} : memref<448xf32, #tpu.memory_space<vmem>>, vector<16xf32>,
          %swap3A_815 = arith.constant 144 : index
          %swap3A_816 = tpu.vector_load %arg22[%swap3A_815] {strides = array<i32>} : memref<448xf32, #tpu.memory_space<vmem>>, vector<16xf32>,
          %swap3A_817 = vector.shape_cast %swap3A_816 : vector<16xf32> to vector<16xf32>
          %swap3A_818 = vector.shape_cast %scan3A_459 : vector<16xf32> to vector<16xf32>
          tpu.vector_store %arg22[%swap3A_815], %swap3A_818 {strides = array<i32>} : memref<448xf32, #tpu.memory_space<vmem>>, vector<16xf32>,
          %swap3A_819 = arith.constant 224 : index
          %swap3A_820 = tpu.vector_load %arg22[%swap3A_819] {strides = array<i32>} : memref<448xf32, #tpu.memory_space<vmem>>, vector<16xf32>,
          %swap3A_821 = vector.shape_cast %swap3A_820 : vector<16xf32> to vector<16xf32>
          %swap3A_822 = vector.shape_cast %scan3A_463 : vector<16xf32> to vector<16xf32>
          tpu.vector_store %arg22[%swap3A_819], %swap3A_822 {strides = array<i32>} : memref<448xf32, #tpu.memory_space<vmem>>, vector<16xf32>,
          %swap3A_823 = arith.constant 304 : index
          %swap3A_824 = tpu.vector_load %arg22[%swap3A_823] {strides = array<i32>} : memref<448xf32, #tpu.memory_space<vmem>>, vector<16xf32>,
          %swap3A_825 = vector.shape_cast %swap3A_824 : vector<16xf32> to vector<16xf32>
          %swap3A_826 = vector.shape_cast %scan3A_443 : vector<16xf32> to vector<16xf32>
          tpu.vector_store %arg22[%swap3A_823], %swap3A_826 {strides = array<i32>} : memref<448xf32, #tpu.memory_space<vmem>>, vector<16xf32>,
          %mul3A_827 = arith.constant 60 : i32
          %mul3A_828 = arith.muli %mul3A_827, %scan3A_430 : i32
          %get3A_829 = arith.constant 64 : index
          %get3A_830 = tpu.vector_load %arg21[%get3A_829] {strides = array<i32>} : memref<80xf32, #tpu.memory_space<vmem>>, vector<16xf32>,
          %get3A_831 = vector.shape_cast %get3A_830 : vector<16xf32> to vector<16xf32>
          %mul3A_832 = arith.mulf %broadcast_in_dim3A_757, %get3A_18 : vector<16xf32>
          %mul3A_833 = arith.mulf %broadcast_in_dim3A_760, %get3A_21 : vector<16xf32>
          %add3A_834 = arith.addf %mul3A_832, %mul3A_833 : vector<16xf32>
          %mul3A_835 = arith.mulf %broadcast_in_dim3A_763, %get3A_24 : vector<16xf32>
          %add3A_836 = arith.addf %add3A_834, %mul3A_835 : vector<16xf32>
          %add3A_837 = arith.addf %scan3A_432, %scan3A_448 : vector<16xf32>
          %mul3A_838 = arith.mulf %scan3A_444, %add3A_836 : vector<16xf32>
          %sub3A_839 = arith.subf %add3A_837, %mul3A_838 : vector<16xf32>
          %get3A_840 = arith.constant 98 : index
          %get3A_841 = tpu.vector_load %arg22[%get3A_840] {strides = array<i32>} : memref<448xf32, #tpu.memory_space<vmem>>, vector<16xf32>,
          %get3A_842 = vector.shape_cast %get3A_841 : vector<16xf32> to vector<16xf32>
          %get3A_843 = arith.constant 177 : index
          %get3A_844 = tpu.vector_load %arg22[%get3A_843] {strides = array<i32>} : memref<448xf32, #tpu.memory_space<vmem>>, vector<16xf32>,
          %get3A_845 = vector.shape_cast %get3A_844 : vector<16xf32> to vector<16xf32>
          %sub3A_846 = arith.subf %get3A_842, %get3A_845 : vector<16xf32>
          %mul3A_847 = arith.mulf %get3A_18, %sub3A_846 : vector<16xf32>
          %get3A_848 = arith.constant 175 : index
          %get3A_849 = tpu.vector_load %arg22[%get3A_848] {strides = array<i32>} : memref<448xf32, #tpu.memory_space<vmem>>, vector<16xf32>,
          %get3A_850 = vector.shape_cast %get3A_849 : vector<16xf32> to vector<16xf32>
          %get3A_851 = arith.constant 17 : index
          %get3A_852 = tpu.vector_load %arg22[%get3A_851] {strides = array<i32>} : memref<448xf32, #tpu.memory_space<vmem>>, vector<16xf32>,
          %get3A_853 = vector.shape_cast %get3A_852 : vector<16xf32> to vector<16xf32>
          %sub3A_854 = arith.subf %get3A_850, %get3A_853 : vector<16xf32>
          %mul3A_855 = arith.mulf %get3A_21, %sub3A_854 : vector<16xf32>
          %add3A_856 = arith.addf %mul3A_847, %mul3A_855 : vector<16xf32>
          %get3A_857 = arith.constant 15 : index
          %get3A_858 = tpu.vector_load %arg22[%get3A_857] {strides = array<i32>} : memref<448xf32, #tpu.memory_space<vmem>>, vector<16xf32>,
          %get3A_859 = vector.shape_cast %get3A_858 : vector<16xf32> to vector<16xf32>
          %get3A_860 = arith.constant 94 : index
          %get3A_861 = tpu.vector_load %arg22[%get3A_860] {strides = array<i32>} : memref<448xf32, #tpu.memory_space<vmem>>, vector<16xf32>,
          %get3A_862 = vector.shape_cast %get3A_861 : vector<16xf32> to vector<16xf32>
          %sub3A_863 = arith.subf %get3A_859, %get3A_862 : vector<16xf32>
          %mul3A_864 = arith.mulf %get3A_24, %sub3A_863 : vector<16xf32>
          %add3A_865 = arith.addf %add3A_856, %mul3A_864 : vector<16xf32>
          %get3A_866 = arith.constant 257 : index
          %get3A_867 = tpu.vector_load %arg22[%get3A_866] {strides = array<i32>} : memref<448xf32, #tpu.memory_space<vmem>>, vector<16xf32>,
          %get3A_868 = vector.shape_cast %get3A_867 : vector<16xf32> to vector<16xf32>
          %get3A_869 = arith.constant 255 : index
          %get3A_870 = tpu.vector_load %arg22[%get3A_869] {strides = array<i32>} : memref<448xf32, #tpu.memory_space<vmem>>, vector<16xf32>,
          %get3A_871 = vector.shape_cast %get3A_870 : vector<16xf32> to vector<16xf32>
          %get3A_872 = arith.constant 258 : index
          %get3A_873 = tpu.vector_load %arg22[%get3A_872] {strides = array<i32>} : memref<448xf32, #tpu.memory_space<vmem>>, vector<16xf32>,
          %get3A_874 = vector.shape_cast %get3A_873 : vector<16xf32> to vector<16xf32>
          %mul3A_875 = arith.mulf %broadcast_in_dim3A_760, %get3A_874 : vector<16xf32>
          %mul3A_876 = arith.mulf %broadcast_in_dim3A_763, %get3A_868 : vector<16xf32>
          %sub3A_877 = arith.subf %mul3A_875, %mul3A_876 : vector<16xf32>
          %mul3A_878 = arith.mulf %get3A_18, %sub3A_877 : vector<16xf32>
          %mul3A_879 = arith.mulf %broadcast_in_dim3A_763, %get3A_871 : vector<16xf32>
          %mul3A_880 = arith.mulf %broadcast_in_dim3A_757, %get3A_868 : vector<16xf32>
          %sub3A_881 = arith.subf %mul3A_879, %mul3A_880 : vector<16xf32>
          %mul3A_882 = arith.mulf %get3A_21, %sub3A_881 : vector<16xf32>
          %add3A_883 = arith.addf %mul3A_878, %mul3A_882 : vector<16xf32>
          %mul3A_884 = arith.mulf %broadcast_in_dim3A_757, %get3A_871 : vector<16xf32>
          %get3A_885 = arith.constant 254 : index
          %get3A_886 = tpu.vector_load %arg22[%get3A_885] {strides = array<i32>} : memref<448xf32, #tpu.memory_space<vmem>>, vector<16xf32>,
          %get3A_887 = vector.shape_cast %get3A_886 : vector<16xf32> to vector<16xf32>
          %mul3A_888 = arith.mulf %broadcast_in_dim3A_760, %get3A_887 : vector<16xf32>
          %sub3A_889 = arith.subf %mul3A_884, %mul3A_888 : vector<16xf32>
          %mul3A_890 = arith.mulf %get3A_24, %sub3A_889 : vector<16xf32>
          %add3A_891 = arith.addf %add3A_883, %mul3A_890 : vector<16xf32>
          %sub3A_892 = arith.subf %add3A_865, %add3A_891 : vector<16xf32>
          %mul3A_893 = arith.constant 5.000000e-01 : f32
          %mul3A_894 = vector.broadcast %mul3A_893 : f32 to vector<16xf32>
          %mul3A_895 = arith.mulf %mul3A_894, %sub3A_892 : vector<16xf32>
          %add3A_896 = arith.addf %scan3A_436, %mul3A_895 : vector<16xf32>
          %mul3A_897 = arith.mulf %broadcast_in_dim3A_757, %get3A_24 : vector<16xf32>
          %mul3A_898 = arith.mulf %broadcast_in_dim3A_760, %get3A_18 : vector<16xf32>
          %add3A_899 = arith.addf %mul3A_897, %mul3A_898 : vector<16xf32>
          %mul3A_900 = arith.mulf %broadcast_in_dim3A_763, %get3A_21 : vector<16xf32>
          %add3A_901 = arith.addf %add3A_899, %mul3A_900 : vector<16xf32>
          %add3A_902 = arith.addf %scan3A_433, %scan3A_449 : vector<16xf32>
          %mul3A_903 = arith.mulf %scan3A_445, %add3A_901 : vector<16xf32>
          %sub3A_904 = arith.subf %add3A_902, %mul3A_903 : vector<16xf32>
          %get3A_905 = arith.constant 114 : index
          %get3A_906 = tpu.vector_load %arg22[%get3A_905] {strides = array<i32>} : memref<448xf32, #tpu.memory_space<vmem>>, vector<16xf32>,
          %get3A_907 = vector.shape_cast %get3A_906 : vector<16xf32> to vector<16xf32>
          %get3A_908 = arith.constant 193 : index
          %get3A_909 = tpu.vector_load %arg22[%get3A_908] {strides = array<i32>} : memref<448xf32, #tpu.memory_space<vmem>>, vector<16xf32>,
          %get3A_910 = vector.shape_cast %get3A_909 : vector<16xf32> to vector<16xf32>
          %sub3A_911 = arith.subf %get3A_907, %get3A_910 : vector<16xf32>
          %mul3A_912 = arith.mulf %get3A_24, %sub3A_911 : vector<16xf32>
          %get3A_913 = arith.constant 191 : index
          %get3A_914 = tpu.vector_load %arg22[%get3A_913] {strides = array<i32>} : memref<448xf32, #tpu.memory_space<vmem>>, vector<16xf32>,
          %get3A_915 = vector.shape_cast %get3A_914 : vector<16xf32> to vector<16xf32>
          %get3A_916 = arith.constant 33 : index
          %get3A_917 = tpu.vector_load %arg22[%get3A_916] {strides = array<i32>} : memref<448xf32, #tpu.memory_space<vmem>>, vector<16xf32>,
          %get3A_918 = vector.shape_cast %get3A_917 : vector<16xf32> to vector<16xf32>
          %sub3A_919 = arith.subf %get3A_915, %get3A_918 : vector<16xf32>
          %mul3A_920 = arith.mulf %get3A_18, %sub3A_919 : vector<16xf32>
          %add3A_921 = arith.addf %mul3A_912, %mul3A_920 : vector<16xf32>
          %get3A_922 = arith.constant 31 : index
          %get3A_923 = tpu.vector_load %arg22[%get3A_922] {strides = array<i32>} : memref<448xf32, #tpu.memory_space<vmem>>, vector<16xf32>,
          %get3A_924 = vector.shape_cast %get3A_923 : vector<16xf32> to vector<16xf32>
          %get3A_925 = arith.constant 110 : index
          %get3A_926 = tpu.vector_load %arg22[%get3A_925] {strides = array<i32>} : memref<448xf32, #tpu.memory_space<vmem>>, vector<16xf32>,
          %get3A_927 = vector.shape_cast %get3A_926 : vector<16xf32> to vector<16xf32>
          %sub3A_928 = arith.subf %get3A_924, %get3A_927 : vector<16xf32>
          %mul3A_929 = arith.mulf %get3A_21, %sub3A_928 : vector<16xf32>
          %add3A_930 = arith.addf %add3A_921, %mul3A_929 : vector<16xf32>
          %get3A_931 = arith.constant 273 : index
          %get3A_932 = tpu.vector_load %arg22[%get3A_931] {strides = array<i32>} : memref<448xf32, #tpu.memory_space<vmem>>, vector<16xf32>,
          %get3A_933 = vector.shape_cast %get3A_932 : vector<16xf32> to vector<16xf32>
          %get3A_934 = arith.constant 271 : index
          %get3A_935 = tpu.vector_load %arg22[%get3A_934] {strides = array<i32>} : memref<448xf32, #tpu.memory_space<vmem>>, vector<16xf32>,
          %get3A_936 = vector.shape_cast %get3A_935 : vector<16xf32> to vector<16xf32>
          %get3A_937 = arith.constant 274 : index
          %get3A_938 = tpu.vector_load %arg22[%get3A_937] {strides = array<i32>} : memref<448xf32, #tpu.memory_space<vmem>>, vector<16xf32>,
          %get3A_939 = vector.shape_cast %get3A_938 : vector<16xf32> to vector<16xf32>
          %mul3A_940 = arith.mulf %broadcast_in_dim3A_760, %get3A_939 : vector<16xf32>
          %mul3A_941 = arith.mulf %broadcast_in_dim3A_763, %get3A_933 : vector<16xf32>
          %sub3A_942 = arith.subf %mul3A_940, %mul3A_941 : vector<16xf32>
          %mul3A_943 = arith.mulf %get3A_24, %sub3A_942 : vector<16xf32>
          %mul3A_944 = arith.mulf %broadcast_in_dim3A_763, %get3A_936 : vector<16xf32>
          %mul3A_945 = arith.mulf %broadcast_in_dim3A_757, %get3A_933 : vector<16xf32>
          %sub3A_946 = arith.subf %mul3A_944, %mul3A_945 : vector<16xf32>
          %mul3A_947 = arith.mulf %get3A_18, %sub3A_946 : vector<16xf32>
          %add3A_948 = arith.addf %mul3A_943, %mul3A_947 : vector<16xf32>
          %mul3A_949 = arith.mulf %broadcast_in_dim3A_757, %get3A_936 : vector<16xf32>
          %get3A_950 = arith.constant 270 : index
          %get3A_951 = tpu.vector_load %arg22[%get3A_950] {strides = array<i32>} : memref<448xf32, #tpu.memory_space<vmem>>, vector<16xf32>,
          %get3A_952 = vector.shape_cast %get3A_951 : vector<16xf32> to vector<16xf32>
          %mul3A_953 = arith.mulf %broadcast_in_dim3A_760, %get3A_952 : vector<16xf32>
          %sub3A_954 = arith.subf %mul3A_949, %mul3A_953 : vector<16xf32>
          %mul3A_955 = arith.mulf %get3A_21, %sub3A_954 : vector<16xf32>
          %add3A_956 = arith.addf %add3A_948, %mul3A_955 : vector<16xf32>
          %sub3A_957 = arith.subf %add3A_930, %add3A_956 : vector<16xf32>
          %mul3A_958 = arith.constant 5.000000e-01 : f32
          %mul3A_959 = vector.broadcast %mul3A_958 : f32 to vector<16xf32>
          %mul3A_960 = arith.mulf %mul3A_959, %sub3A_957 : vector<16xf32>
          %add3A_961 = arith.addf %scan3A_437, %mul3A_960 : vector<16xf32>
          %mul3A_962 = arith.mulf %broadcast_in_dim3A_757, %get3A_21 : vector<16xf32>
          %mul3A_963 = arith.mulf %broadcast_in_dim3A_760, %get3A_24 : vector<16xf32>
          %add3A_964 = arith.addf %mul3A_962, %mul3A_963 : vector<16xf32>
          %mul3A_965 = arith.mulf %broadcast_in_dim3A_763, %get3A_18 : vector<16xf32>
          %add3A_966 = arith.addf %add3A_964, %mul3A_965 : vector<16xf32>
          %add3A_967 = arith.addf %scan3A_434, %scan3A_450 : vector<16xf32>
          %mul3A_968 = arith.mulf %scan3A_446, %add3A_966 : vector<16xf32>
          %sub3A_969 = arith.subf %add3A_967, %mul3A_968 : vector<16xf32>
          %get3A_970 = arith.constant 130 : index
          %get3A_971 = tpu.vector_load %arg22[%get3A_970] {strides = array<i32>} : memref<448xf32, #tpu.memory_space<vmem>>, vector<16xf32>,
          %get3A_972 = vector.shape_cast %get3A_971 : vector<16xf32> to vector<16xf32>
          %get3A_973 = arith.constant 209 : index
          %get3A_974 = tpu.vector_load %arg22[%get3A_973] {strides = array<i32>} : memref<448xf32, #tpu.memory_space<vmem>>, vector<16xf32>,
          %get3A_975 = vector.shape_cast %get3A_974 : vector<16xf32> to vector<16xf32>
          %sub3A_976 = arith.subf %get3A_972, %get3A_975 : vector<16xf32>
          %mul3A_977 = arith.mulf %get3A_21, %sub3A_976 : vector<16xf32>
          %get3A_978 = arith.constant 207 : index
          %get3A_979 = tpu.vector_load %arg22[%get3A_978] {strides = array<i32>} : memref<448xf32, #tpu.memory_space<vmem>>, vector<16xf32>,
          %get3A_980 = vector.shape_cast %get3A_979 : vector<16xf32> to vector<16xf32>
          %get3A_981 = arith.constant 49 : index
          %get3A_982 = tpu.vector_load %arg22[%get3A_981] {strides = array<i32>} : memref<448xf32, #tpu.memory_space<vmem>>, vector<16xf32>,
          %get3A_983 = vector.shape_cast %get3A_982 : vector<16xf32> to vector<16xf32>
          %sub3A_984 = arith.subf %get3A_980, %get3A_983 : vector<16xf32>
          %mul3A_985 = arith.mulf %get3A_24, %sub3A_984 : vector<16xf32>
          %add3A_986 = arith.addf %mul3A_977, %mul3A_985 : vector<16xf32>
          %get3A_987 = arith.constant 47 : index
          %get3A_988 = tpu.vector_load %arg22[%get3A_987] {strides = array<i32>} : memref<448xf32, #tpu.memory_space<vmem>>, vector<16xf32>,
          %get3A_989 = vector.shape_cast %get3A_988 : vector<16xf32> to vector<16xf32>
          %get3A_990 = arith.constant 126 : index
          %get3A_991 = tpu.vector_load %arg22[%get3A_990] {strides = array<i32>} : memref<448xf32, #tpu.memory_space<vmem>>, vector<16xf32>,
          %get3A_992 = vector.shape_cast %get3A_991 : vector<16xf32> to vector<16xf32>
          %sub3A_993 = arith.subf %get3A_989, %get3A_992 : vector<16xf32>
          %mul3A_994 = arith.mulf %get3A_18, %sub3A_993 : vector<16xf32>
          %add3A_995 = arith.addf %add3A_986, %mul3A_994 : vector<16xf32>
          %get3A_996 = arith.constant 289 : index
          %get3A_997 = tpu.vector_load %arg22[%get3A_996] {strides = array<i32>} : memref<448xf32, #tpu.memory_space<vmem>>, vector<16xf32>,
          %get3A_998 = vector.shape_cast %get3A_997 : vector<16xf32> to vector<16xf32>
          %get3A_999 = arith.constant 287 : index
          %get3A_1000 = tpu.vector_load %arg22[%get3A_999] {strides = array<i32>} : memref<448xf32, #tpu.memory_space<vmem>>, vector<16xf32>,
          %get3A_1001 = vector.shape_cast %get3A_1000 : vector<16xf32> to vector<16xf32>
          %get3A_1002 = arith.constant 290 : index
          %get3A_1003 = tpu.vector_load %arg22[%get3A_1002] {strides = array<i32>} : memref<448xf32, #tpu.memory_space<vmem>>, vector<16xf32>,
          %get3A_1004 = vector.shape_cast %get3A_1003 : vector<16xf32> to vector<16xf32>
          %mul3A_1005 = arith.mulf %broadcast_in_dim3A_760, %get3A_1004 : vector<16xf32>
          %mul3A_1006 = arith.mulf %broadcast_in_dim3A_763, %get3A_998 : vector<16xf32>
          %sub3A_1007 = arith.subf %mul3A_1005, %mul3A_1006 : vector<16xf32>
          %mul3A_1008 = arith.mulf %get3A_21, %sub3A_1007 : vector<16xf32>
          %mul3A_1009 = arith.mulf %broadcast_in_dim3A_763, %get3A_1001 : vector<16xf32>
          %mul3A_1010 = arith.mulf %broadcast_in_dim3A_757, %get3A_998 : vector<16xf32>
          %sub3A_1011 = arith.subf %mul3A_1009, %mul3A_1010 : vector<16xf32>
          %mul3A_1012 = arith.mulf %get3A_24, %sub3A_1011 : vector<16xf32>
          %add3A_1013 = arith.addf %mul3A_1008, %mul3A_1012 : vector<16xf32>
          %mul3A_1014 = arith.mulf %broadcast_in_dim3A_757, %get3A_1001 : vector<16xf32>
          %get3A_1015 = arith.constant 286 : index
          %get3A_1016 = tpu.vector_load %arg22[%get3A_1015] {strides = array<i32>} : memref<448xf32, #tpu.memory_space<vmem>>, vector<16xf32>,
          %get3A_1017 = vector.shape_cast %get3A_1016 : vector<16xf32> to vector<16xf32>
          %mul3A_1018 = arith.mulf %broadcast_in_dim3A_760, %get3A_1017 : vector<16xf32>
          %sub3A_1019 = arith.subf %mul3A_1014, %mul3A_1018 : vector<16xf32>
          %mul3A_1020 = arith.mulf %get3A_18, %sub3A_1019 : vector<16xf32>
          %add3A_1021 = arith.addf %add3A_1013, %mul3A_1020 : vector<16xf32>
          %sub3A_1022 = arith.subf %add3A_995, %add3A_1021 : vector<16xf32>
          %mul3A_1023 = arith.constant 5.000000e-01 : f32
          %mul3A_1024 = vector.broadcast %mul3A_1023 : f32 to vector<16xf32>
          %mul3A_1025 = arith.mulf %mul3A_1024, %sub3A_1022 : vector<16xf32>
          %add3A_1026 = arith.addf %scan3A_438, %mul3A_1025 : vector<16xf32>
          %mul3A_1027 = arith.mulf %broadcast_in_dim3A_757, %get3A_18 : vector<16xf32>
          %mul3A_1028 = arith.mulf %broadcast_in_dim3A_760, %get3A_21 : vector<16xf32>
          %add3A_1029 = arith.addf %mul3A_1027, %mul3A_1028 : vector<16xf32>
          %mul3A_1030 = arith.mulf %broadcast_in_dim3A_763, %get3A_24 : vector<16xf32>
          %add3A_1031 = arith.addf %add3A_1029, %mul3A_1030 : vector<16xf32>
          %add3A_1032 = arith.addf %scan3A_435, %scan3A_451 : vector<16xf32>
          %mul3A_1033 = arith.mulf %scan3A_447, %add3A_1031 : vector<16xf32>
          %sub3A_1034 = arith.subf %add3A_1032, %mul3A_1033 : vector<16xf32>
          %get3A_1035 = arith.constant 146 : index
          %get3A_1036 = tpu.vector_load %arg22[%get3A_1035] {strides = array<i32>} : memref<448xf32, #tpu.memory_space<vmem>>, vector<16xf32>,
          %get3A_1037 = vector.shape_cast %get3A_1036 : vector<16xf32> to vector<16xf32>
          %get3A_1038 = arith.constant 225 : index
          %get3A_1039 = tpu.vector_load %arg22[%get3A_1038] {strides = array<i32>} : memref<448xf32, #tpu.memory_space<vmem>>, vector<16xf32>,
          %get3A_1040 = vector.shape_cast %get3A_1039 : vector<16xf32> to vector<16xf32>
          %sub3A_1041 = arith.subf %get3A_1037, %get3A_1040 : vector<16xf32>
          %mul3A_1042 = arith.mulf %get3A_18, %sub3A_1041 : vector<16xf32>
          %get3A_1043 = arith.constant 223 : index
          %get3A_1044 = tpu.vector_load %arg22[%get3A_1043] {strides = array<i32>} : memref<448xf32, #tpu.memory_space<vmem>>, vector<16xf32>,
          %get3A_1045 = vector.shape_cast %get3A_1044 : vector<16xf32> to vector<16xf32>
          %get3A_1046 = arith.constant 65 : index
          %get3A_1047 = tpu.vector_load %arg22[%get3A_1046] {strides = array<i32>} : memref<448xf32, #tpu.memory_space<vmem>>, vector<16xf32>,
          %get3A_1048 = vector.shape_cast %get3A_1047 : vector<16xf32> to vector<16xf32>
          %sub3A_1049 = arith.subf %get3A_1045, %get3A_1048 : vector<16xf32>
          %mul3A_1050 = arith.mulf %get3A_21, %sub3A_1049 : vector<16xf32>
          %add3A_1051 = arith.addf %mul3A_1042, %mul3A_1050 : vector<16xf32>
          %get3A_1052 = arith.constant 63 : index
          %get3A_1053 = tpu.vector_load %arg22[%get3A_1052] {strides = array<i32>} : memref<448xf32, #tpu.memory_space<vmem>>, vector<16xf32>,
          %get3A_1054 = vector.shape_cast %get3A_1053 : vector<16xf32> to vector<16xf32>
          %get3A_1055 = arith.constant 142 : index
          %get3A_1056 = tpu.vector_load %arg22[%get3A_1055] {strides = array<i32>} : memref<448xf32, #tpu.memory_space<vmem>>, vector<16xf32>,
          %get3A_1057 = vector.shape_cast %get3A_1056 : vector<16xf32> to vector<16xf32>
          %sub3A_1058 = arith.subf %get3A_1054, %get3A_1057 : vector<16xf32>
          %mul3A_1059 = arith.mulf %get3A_24, %sub3A_1058 : vector<16xf32>
          %add3A_1060 = arith.addf %add3A_1051, %mul3A_1059 : vector<16xf32>
          %get3A_1061 = arith.constant 305 : index
          %get3A_1062 = tpu.vector_load %arg22[%get3A_1061] {strides = array<i32>} : memref<448xf32, #tpu.memory_space<vmem>>, vector<16xf32>,
          %get3A_1063 = vector.shape_cast %get3A_1062 : vector<16xf32> to vector<16xf32>
          %get3A_1064 = arith.constant 303 : index
          %get3A_1065 = tpu.vector_load %arg22[%get3A_1064] {strides = array<i32>} : memref<448xf32, #tpu.memory_space<vmem>>, vector<16xf32>,
          %get3A_1066 = vector.shape_cast %get3A_1065 : vector<16xf32> to vector<16xf32>
          %get3A_1067 = arith.constant 306 : index
          %get3A_1068 = tpu.vector_load %arg22[%get3A_1067] {strides = array<i32>} : memref<448xf32, #tpu.memory_space<vmem>>, vector<16xf32>,
          %get3A_1069 = vector.shape_cast %get3A_1068 : vector<16xf32> to vector<16xf32>
          %mul3A_1070 = arith.mulf %broadcast_in_dim3A_760, %get3A_1069 : vector<16xf32>
          %mul3A_1071 = arith.mulf %broadcast_in_dim3A_763, %get3A_1063 : vector<16xf32>
          %sub3A_1072 = arith.subf %mul3A_1070, %mul3A_1071 : vector<16xf32>
          %mul3A_1073 = arith.mulf %get3A_18, %sub3A_1072 : vector<16xf32>
          %mul3A_1074 = arith.mulf %broadcast_in_dim3A_763, %get3A_1066 : vector<16xf32>
          %mul3A_1075 = arith.mulf %broadcast_in_dim3A_757, %get3A_1063 : vector<16xf32>
          %sub3A_1076 = arith.subf %mul3A_1074, %mul3A_1075 : vector<16xf32>
          %mul3A_1077 = arith.mulf %get3A_21, %sub3A_1076 : vector<16xf32>
          %add3A_1078 = arith.addf %mul3A_1073, %mul3A_1077 : vector<16xf32>
          %mul3A_1079 = arith.mulf %broadcast_in_dim3A_757, %get3A_1066 : vector<16xf32>
          %get3A_1080 = arith.constant 302 : index
          %get3A_1081 = tpu.vector_load %arg22[%get3A_1080] {strides = array<i32>} : memref<448xf32, #tpu.memory_space<vmem>>, vector<16xf32>,
          %get3A_1082 = vector.shape_cast %get3A_1081 : vector<16xf32> to vector<16xf32>
          %mul3A_1083 = arith.mulf %broadcast_in_dim3A_760, %get3A_1082 : vector<16xf32>
          %sub3A_1084 = arith.subf %mul3A_1079, %mul3A_1083 : vector<16xf32>
          %mul3A_1085 = arith.mulf %get3A_24, %sub3A_1084 : vector<16xf32>
          %add3A_1086 = arith.addf %add3A_1078, %mul3A_1085 : vector<16xf32>
          %sub3A_1087 = arith.subf %add3A_1060, %add3A_1086 : vector<16xf32>
          %mul3A_1088 = arith.constant 5.000000e-01 : f32
          %mul3A_1089 = vector.broadcast %mul3A_1088 : f32 to vector<16xf32>
          %mul3A_1090 = arith.mulf %mul3A_1089, %sub3A_1087 : vector<16xf32>
          %add3A_1091 = arith.addf %scan3A_439, %mul3A_1090 : vector<16xf32>
          %add3A_1092 = arith.constant 48 : i32
          %add3A_1093 = arith.addi %mul3A_828, %add3A_1092 : i32
          %gt3A = arith.constant 5.000000e-01 : f32
          %gt3A_1094 = vector.broadcast %gt3A : f32 to vector<16xf32>
          %gt3A_1095 = arith.cmpf ogt, %get3A_831, %gt3A_1094 : vector<16xf32>
          %get3A_1096 = arith.index_cast %add3A_1093 : i32 to index
          %get3A_1097 = tpu.vector_load %arg23[%get3A_1096] {strides = array<i32>} : memref<3856xf32, #tpu.memory_space<vmem>>, vector<16xf32>,
          %get3A_1098 = vector.shape_cast %get3A_1097 : vector<16xf32> to vector<16xf32>
          %select_n3A_1099 = arith.select %gt3A_1095, %sub3A_1034, %get3A_1098 : vector<16xi1>, vector<16xf32>
          %gt3A_1100 = arith.constant 5.000000e-01 : f32
          %gt3A_1101 = vector.broadcast %gt3A_1100 : f32 to vector<16xf32>
          %gt3A_1102 = arith.cmpf ogt, %get3A_831, %gt3A_1101 : vector<16xf32>
          %get3A_1103 = arith.index_cast %add3A_1093 : i32 to index
          %get3A_1104 = tpu.vector_load %arg24[%get3A_1103] {strides = array<i32>} : memref<3856xf32, #tpu.memory_space<vmem>>, vector<16xf32>,
          %get3A_1105 = vector.shape_cast %get3A_1104 : vector<16xf32> to vector<16xf32>
          %select_n3A_1106 = arith.select %gt3A_1102, %add3A_1091, %get3A_1105 : vector<16xi1>, vector<16xf32>
          %add3A_1107 = arith.constant 0 : i32
          %add3A_1108 = arith.addi %mul3A_828, %add3A_1107 : i32
          %swap3A_1109 = arith.index_cast %add3A_1108 : i32 to index
          %swap3A_1110 = tpu.vector_load %arg23[%swap3A_1109] {strides = array<i32>} : memref<3856xf32, #tpu.memory_space<vmem>>, vector<16xf32>,
          %swap3A_1111 = vector.shape_cast %swap3A_1110 : vector<16xf32> to vector<16xf32>
          %swap3A_1112 = vector.shape_cast %sub3A_839 : vector<16xf32> to vector<16xf32>
          tpu.vector_store %arg23[%swap3A_1109], %swap3A_1112 {strides = array<i32>} : memref<3856xf32, #tpu.memory_space<vmem>>, vector<16xf32>,
          %add3A_1113 = arith.constant 0 : i32
          %add3A_1114 = arith.addi %mul3A_828, %add3A_1113 : i32
          %swap3A_1115 = arith.index_cast %add3A_1114 : i32 to index
          %swap3A_1116 = tpu.vector_load %arg24[%swap3A_1115] {strides = array<i32>} : memref<3856xf32, #tpu.memory_space<vmem>>, vector<16xf32>,
          %swap3A_1117 = vector.shape_cast %swap3A_1116 : vector<16xf32> to vector<16xf32>
          %swap3A_1118 = vector.shape_cast %add3A_896 : vector<16xf32> to vector<16xf32>
          tpu.vector_store %arg24[%swap3A_1115], %swap3A_1118 {strides = array<i32>} : memref<3856xf32, #tpu.memory_space<vmem>>, vector<16xf32>,
          %mul3A_1119 = arith.mulf %sub3A_839, %add3A_896 : vector<16xf32>
          %swap3A_1120 = arith.constant 336 : index
          %swap3A_1121 = tpu.vector_load %arg22[%swap3A_1120] {strides = array<i32>} : memref<448xf32, #tpu.memory_space<vmem>>, vector<16xf32>,
          %swap3A_1122 = vector.shape_cast %swap3A_1121 : vector<16xf32> to vector<16xf32>
          %swap3A_1123 = vector.shape_cast %mul3A_1119 : vector<16xf32> to vector<16xf32>
          tpu.vector_store %arg22[%swap3A_1120], %swap3A_1123 {strides = array<i32>} : memref<448xf32, #tpu.memory_space<vmem>>, vector<16xf32>,
          %add3A_1124 = arith.constant 16 : i32
          %add3A_1125 = arith.addi %mul3A_828, %add3A_1124 : i32
          %swap3A_1126 = arith.index_cast %add3A_1125 : i32 to index
          %swap3A_1127 = tpu.vector_load %arg23[%swap3A_1126] {strides = array<i32>} : memref<3856xf32, #tpu.memory_space<vmem>>, vector<16xf32>,
          %swap3A_1128 = vector.shape_cast %swap3A_1127 : vector<16xf32> to vector<16xf32>
          %swap3A_1129 = vector.shape_cast %sub3A_904 : vector<16xf32> to vector<16xf32>
          tpu.vector_store %arg23[%swap3A_1126], %swap3A_1129 {strides = array<i32>} : memref<3856xf32, #tpu.memory_space<vmem>>, vector<16xf32>,
          %add3A_1130 = arith.constant 16 : i32
          %add3A_1131 = arith.addi %mul3A_828, %add3A_1130 : i32
          %swap3A_1132 = arith.index_cast %add3A_1131 : i32 to index
          %swap3A_1133 = tpu.vector_load %arg24[%swap3A_1132] {strides = array<i32>} : memref<3856xf32, #tpu.memory_space<vmem>>, vector<16xf32>,
          %swap3A_1134 = vector.shape_cast %swap3A_1133 : vector<16xf32> to vector<16xf32>
          %swap3A_1135 = vector.shape_cast %add3A_961 : vector<16xf32> to vector<16xf32>
          tpu.vector_store %arg24[%swap3A_1132], %swap3A_1135 {strides = array<i32>} : memref<3856xf32, #tpu.memory_space<vmem>>, vector<16xf32>,
          %mul3A_1136 = arith.mulf %sub3A_904, %add3A_961 : vector<16xf32>
          %swap3A_1137 = arith.constant 352 : index
          %swap3A_1138 = tpu.vector_load %arg22[%swap3A_1137] {strides = array<i32>} : memref<448xf32, #tpu.memory_space<vmem>>, vector<16xf32>,
          %swap3A_1139 = vector.shape_cast %swap3A_1138 : vector<16xf32> to vector<16xf32>
          %swap3A_1140 = vector.shape_cast %mul3A_1136 : vector<16xf32> to vector<16xf32>
          tpu.vector_store %arg22[%swap3A_1137], %swap3A_1140 {strides = array<i32>} : memref<448xf32, #tpu.memory_space<vmem>>, vector<16xf32>,
          %add3A_1141 = arith.constant 32 : i32
          %add3A_1142 = arith.addi %mul3A_828, %add3A_1141 : i32
          %swap3A_1143 = arith.index_cast %add3A_1142 : i32 to index
          %swap3A_1144 = tpu.vector_load %arg23[%swap3A_1143] {strides = array<i32>} : memref<3856xf32, #tpu.memory_space<vmem>>, vector<16xf32>,
          %swap3A_1145 = vector.shape_cast %swap3A_1144 : vector<16xf32> to vector<16xf32>
          %swap3A_1146 = vector.shape_cast %sub3A_969 : vector<16xf32> to vector<16xf32>
          tpu.vector_store %arg23[%swap3A_1143], %swap3A_1146 {strides = array<i32>} : memref<3856xf32, #tpu.memory_space<vmem>>, vector<16xf32>,
          %add3A_1147 = arith.constant 32 : i32
          %add3A_1148 = arith.addi %mul3A_828, %add3A_1147 : i32
          %swap3A_1149 = arith.index_cast %add3A_1148 : i32 to index
          %swap3A_1150 = tpu.vector_load %arg24[%swap3A_1149] {strides = array<i32>} : memref<3856xf32, #tpu.memory_space<vmem>>, vector<16xf32>,
          %swap3A_1151 = vector.shape_cast %swap3A_1150 : vector<16xf32> to vector<16xf32>
          %swap3A_1152 = vector.shape_cast %add3A_1026 : vector<16xf32> to vector<16xf32>
          tpu.vector_store %arg24[%swap3A_1149], %swap3A_1152 {strides = array<i32>} : memref<3856xf32, #tpu.memory_space<vmem>>, vector<16xf32>,
          %mul3A_1153 = arith.mulf %sub3A_969, %add3A_1026 : vector<16xf32>
          %swap3A_1154 = arith.constant 368 : index
          %swap3A_1155 = tpu.vector_load %arg22[%swap3A_1154] {strides = array<i32>} : memref<448xf32, #tpu.memory_space<vmem>>, vector<16xf32>,
          %swap3A_1156 = vector.shape_cast %swap3A_1155 : vector<16xf32> to vector<16xf32>
          %swap3A_1157 = vector.shape_cast %mul3A_1153 : vector<16xf32> to vector<16xf32>
          tpu.vector_store %arg22[%swap3A_1154], %swap3A_1157 {strides = array<i32>} : memref<448xf32, #tpu.memory_space<vmem>>, vector<16xf32>,
          %add3A_1158 = arith.constant 48 : i32
          %add3A_1159 = arith.addi %mul3A_828, %add3A_1158 : i32
          %swap3A_1160 = arith.index_cast %add3A_1159 : i32 to index
          %swap3A_1161 = tpu.vector_load %arg23[%swap3A_1160] {strides = array<i32>} : memref<3856xf32, #tpu.memory_space<vmem>>, vector<16xf32>,
          %swap3A_1162 = vector.shape_cast %swap3A_1161 : vector<16xf32> to vector<16xf32>
          %swap3A_1163 = vector.shape_cast %select_n3A_1099 : vector<16xf32> to vector<16xf32>
          tpu.vector_store %arg23[%swap3A_1160], %swap3A_1163 {strides = array<i32>} : memref<3856xf32, #tpu.memory_space<vmem>>, vector<16xf32>,
          %add3A_1164 = arith.constant 48 : i32
          %add3A_1165 = arith.addi %mul3A_828, %add3A_1164 : i32
          %swap3A_1166 = arith.index_cast %add3A_1165 : i32 to index
          %swap3A_1167 = tpu.vector_load %arg24[%swap3A_1166] {strides = array<i32>} : memref<3856xf32, #tpu.memory_space<vmem>>, vector<16xf32>,
          %swap3A_1168 = vector.shape_cast %swap3A_1167 : vector<16xf32> to vector<16xf32>
          %swap3A_1169 = vector.shape_cast %select_n3A_1106 : vector<16xf32> to vector<16xf32>
          tpu.vector_store %arg24[%swap3A_1166], %swap3A_1169 {strides = array<i32>} : memref<3856xf32, #tpu.memory_space<vmem>>, vector<16xf32>,
          %mul3A_1170 = arith.mulf %select_n3A_1099, %select_n3A_1106 : vector<16xf32>
          %swap3A_1171 = arith.constant 384 : index
          %swap3A_1172 = tpu.vector_load %arg22[%swap3A_1171] {strides = array<i32>} : memref<448xf32, #tpu.memory_space<vmem>>, vector<16xf32>,
          %swap3A_1173 = vector.shape_cast %swap3A_1172 : vector<16xf32> to vector<16xf32>
          %swap3A_1174 = vector.shape_cast %mul3A_1170 : vector<16xf32> to vector<16xf32>
          tpu.vector_store %arg22[%swap3A_1171], %swap3A_1174 {strides = array<i32>} : memref<448xf32, #tpu.memory_space<vmem>>, vector<16xf32>,
          %mul3A_1175 = arith.mulf %sub3A_839, %add3A_896 : vector<16xf32>
          %get3A_1176 = arith.constant 337 : index
          %get3A_1177 = tpu.vector_load %arg22[%get3A_1176] {strides = array<i32>} : memref<448xf32, #tpu.memory_space<vmem>>, vector<16xf32>,
          %get3A_1178 = vector.shape_cast %get3A_1177 : vector<16xf32> to vector<16xf32>
          %add3A_1179 = arith.addf %mul3A_1175, %get3A_1178 : vector<16xf32>
          %get3A_1180 = arith.constant 338 : index
          %get3A_1181 = tpu.vector_load %arg22[%get3A_1180] {strides = array<i32>} : memref<448xf32, #tpu.memory_space<vmem>>, vector<16xf32>,
          %get3A_1182 = vector.shape_cast %get3A_1181 : vector<16xf32> to vector<16xf32>
          %add3A_1183 = arith.addf %add3A_1179, %get3A_1182 : vector<16xf32>
          %add3A_1184 = arith.constant 0 : i32
          %add3A_1185 = arith.addi %mul3A_828, %add3A_1184 : i32
          %get3A_1186 = arith.index_cast %add3A_1185 : i32 to index
          %get3A_1187 = tpu.vector_load %arg19[%get3A_1186] {strides = array<i32>} : memref<3856xf32, #tpu.memory_space<vmem>>, vector<16xf32>,
          %get3A_1188 = vector.shape_cast %get3A_1187 : vector<16xf32> to vector<16xf32>
          %mul3A_1189 = arith.constant 6414.13525 : f32
          %mul3A_1190 = vector.broadcast %mul3A_1189 : f32 to vector<16xf32>
          %mul3A_1191 = arith.mulf %mul3A_1190, %add3A_1183 : vector<16xf32>
          %max3A_1192 = arith.constant 1.000000e+00 : f32
          %max3A_1193 = vector.broadcast %max3A_1192 : f32 to vector<16xf32>
          %max3A_1194 = arith.maximumf %get3A_1188, %max3A_1193 : vector<16xf32>
          %div3A_1195 = arith.divf %mul3A_1191, %max3A_1194 : vector<16xf32>
          %add3A_1196 = arith.constant 0 : i32
          %add3A_1197 = arith.addi %mul3A_828, %add3A_1196 : i32
          %swap3A_1198 = arith.index_cast %add3A_1197 : i32 to index
          %swap3A_1199 = tpu.vector_load %arg25[%swap3A_1198] {strides = array<i32>} : memref<3856xf32, #tpu.memory_space<vmem>>, vector<16xf32>,
          %swap3A_1200 = vector.shape_cast %swap3A_1199 : vector<16xf32> to vector<16xf32>
          %swap3A_1201 = vector.shape_cast %div3A_1195 : vector<16xf32> to vector<16xf32>
          tpu.vector_store %arg25[%swap3A_1198], %swap3A_1201 {strides = array<i32>} : memref<3856xf32, #tpu.memory_space<vmem>>, vector<16xf32>,
          %mul3A_1202 = arith.mulf %sub3A_904, %add3A_961 : vector<16xf32>
          %get3A_1203 = arith.constant 353 : index
          %get3A_1204 = tpu.vector_load %arg22[%get3A_1203] {strides = array<i32>} : memref<448xf32, #tpu.memory_space<vmem>>, vector<16xf32>,
          %get3A_1205 = vector.shape_cast %get3A_1204 : vector<16xf32> to vector<16xf32>
          %add3A_1206 = arith.addf %mul3A_1202, %get3A_1205 : vector<16xf32>
          %get3A_1207 = arith.constant 354 : index
          %get3A_1208 = tpu.vector_load %arg22[%get3A_1207] {strides = array<i32>} : memref<448xf32, #tpu.memory_space<vmem>>, vector<16xf32>,
          %get3A_1209 = vector.shape_cast %get3A_1208 : vector<16xf32> to vector<16xf32>
          %add3A_1210 = arith.addf %add3A_1206, %get3A_1209 : vector<16xf32>
          %add3A_1211 = arith.constant 16 : i32
          %add3A_1212 = arith.addi %mul3A_828, %add3A_1211 : i32
          %get3A_1213 = arith.index_cast %add3A_1212 : i32 to index
          %get3A_1214 = tpu.vector_load %arg19[%get3A_1213] {strides = array<i32>} : memref<3856xf32, #tpu.memory_space<vmem>>, vector<16xf32>,
          %get3A_1215 = vector.shape_cast %get3A_1214 : vector<16xf32> to vector<16xf32>
          %mul3A_1216 = arith.constant 6414.13525 : f32
          %mul3A_1217 = vector.broadcast %mul3A_1216 : f32 to vector<16xf32>
          %mul3A_1218 = arith.mulf %mul3A_1217, %add3A_1210 : vector<16xf32>
          %max3A_1219 = arith.constant 1.000000e+00 : f32
          %max3A_1220 = vector.broadcast %max3A_1219 : f32 to vector<16xf32>
          %max3A_1221 = arith.maximumf %get3A_1215, %max3A_1220 : vector<16xf32>
          %div3A_1222 = arith.divf %mul3A_1218, %max3A_1221 : vector<16xf32>
          %add3A_1223 = arith.constant 16 : i32
          %add3A_1224 = arith.addi %mul3A_828, %add3A_1223 : i32
          %swap3A_1225 = arith.index_cast %add3A_1224 : i32 to index
          %swap3A_1226 = tpu.vector_load %arg25[%swap3A_1225] {strides = array<i32>} : memref<3856xf32, #tpu.memory_space<vmem>>, vector<16xf32>,
          %swap3A_1227 = vector.shape_cast %swap3A_1226 : vector<16xf32> to vector<16xf32>
          %swap3A_1228 = vector.shape_cast %div3A_1222 : vector<16xf32> to vector<16xf32>
          tpu.vector_store %arg25[%swap3A_1225], %swap3A_1228 {strides = array<i32>} : memref<3856xf32, #tpu.memory_space<vmem>>, vector<16xf32>,
          %mul3A_1229 = arith.mulf %sub3A_969, %add3A_1026 : vector<16xf32>
          %get3A_1230 = arith.constant 369 : index
          %get3A_1231 = tpu.vector_load %arg22[%get3A_1230] {strides = array<i32>} : memref<448xf32, #tpu.memory_space<vmem>>, vector<16xf32>,
          %get3A_1232 = vector.shape_cast %get3A_1231 : vector<16xf32> to vector<16xf32>
          %add3A_1233 = arith.addf %mul3A_1229, %get3A_1232 : vector<16xf32>
          %get3A_1234 = arith.constant 370 : index
          %get3A_1235 = tpu.vector_load %arg22[%get3A_1234] {strides = array<i32>} : memref<448xf32, #tpu.memory_space<vmem>>, vector<16xf32>,
          %get3A_1236 = vector.shape_cast %get3A_1235 : vector<16xf32> to vector<16xf32>
          %add3A_1237 = arith.addf %add3A_1233, %get3A_1236 : vector<16xf32>
          %add3A_1238 = arith.constant 32 : i32
          %add3A_1239 = arith.addi %mul3A_828, %add3A_1238 : i32
          %get3A_1240 = arith.index_cast %add3A_1239 : i32 to index
          %get3A_1241 = tpu.vector_load %arg19[%get3A_1240] {strides = array<i32>} : memref<3856xf32, #tpu.memory_space<vmem>>, vector<16xf32>,
          %get3A_1242 = vector.shape_cast %get3A_1241 : vector<16xf32> to vector<16xf32>
          %mul3A_1243 = arith.constant 6414.13525 : f32
          %mul3A_1244 = vector.broadcast %mul3A_1243 : f32 to vector<16xf32>
          %mul3A_1245 = arith.mulf %mul3A_1244, %add3A_1237 : vector<16xf32>
          %max3A_1246 = arith.constant 1.000000e+00 : f32
          %max3A_1247 = vector.broadcast %max3A_1246 : f32 to vector<16xf32>
          %max3A_1248 = arith.maximumf %get3A_1242, %max3A_1247 : vector<16xf32>
          %div3A_1249 = arith.divf %mul3A_1245, %max3A_1248 : vector<16xf32>
          %add3A_1250 = arith.constant 32 : i32
          %add3A_1251 = arith.addi %mul3A_828, %add3A_1250 : i32
          %swap3A_1252 = arith.index_cast %add3A_1251 : i32 to index
          %swap3A_1253 = tpu.vector_load %arg25[%swap3A_1252] {strides = array<i32>} : memref<3856xf32, #tpu.memory_space<vmem>>, vector<16xf32>,
          %swap3A_1254 = vector.shape_cast %swap3A_1253 : vector<16xf32> to vector<16xf32>
          %swap3A_1255 = vector.shape_cast %div3A_1249 : vector<16xf32> to vector<16xf32>
          tpu.vector_store %arg25[%swap3A_1252], %swap3A_1255 {strides = array<i32>} : memref<3856xf32, #tpu.memory_space<vmem>>, vector<16xf32>,
          %mul3A_1256 = arith.mulf %select_n3A_1099, %select_n3A_1106 : vector<16xf32>
          %get3A_1257 = arith.constant 385 : index
          %get3A_1258 = tpu.vector_load %arg22[%get3A_1257] {strides = array<i32>} : memref<448xf32, #tpu.memory_space<vmem>>, vector<16xf32>,
          %get3A_1259 = vector.shape_cast %get3A_1258 : vector<16xf32> to vector<16xf32>
          %add3A_1260 = arith.addf %mul3A_1256, %get3A_1259 : vector<16xf32>
          %get3A_1261 = arith.constant 386 : index
          %get3A_1262 = tpu.vector_load %arg22[%get3A_1261] {strides = array<i32>} : memref<448xf32, #tpu.memory_space<vmem>>, vector<16xf32>,
          %get3A_1263 = vector.shape_cast %get3A_1262 : vector<16xf32> to vector<16xf32>
          %add3A_1264 = arith.addf %add3A_1260, %get3A_1263 : vector<16xf32>
          %add3A_1265 = arith.constant 48 : i32
          %add3A_1266 = arith.addi %mul3A_828, %add3A_1265 : i32
          %get3A_1267 = arith.index_cast %add3A_1266 : i32 to index
          %get3A_1268 = tpu.vector_load %arg19[%get3A_1267] {strides = array<i32>} : memref<3856xf32, #tpu.memory_space<vmem>>, vector<16xf32>,
          %get3A_1269 = vector.shape_cast %get3A_1268 : vector<16xf32> to vector<16xf32>
          %mul3A_1270 = arith.constant 6414.13525 : f32
          %mul3A_1271 = vector.broadcast %mul3A_1270 : f32 to vector<16xf32>
          %mul3A_1272 = arith.mulf %mul3A_1271, %add3A_1264 : vector<16xf32>
          %max3A_1273 = arith.constant 1.000000e+00 : f32
          %max3A_1274 = vector.broadcast %max3A_1273 : f32 to vector<16xf32>
          %max3A_1275 = arith.maximumf %get3A_1269, %max3A_1274 : vector<16xf32>
          %div3A_1276 = arith.divf %mul3A_1272, %max3A_1275 : vector<16xf32>
          %add3A_1277 = arith.constant 48 : i32
          %add3A_1278 = arith.addi %mul3A_828, %add3A_1277 : i32
          %swap3A_1279 = arith.index_cast %add3A_1278 : i32 to index
          %swap3A_1280 = tpu.vector_load %arg25[%swap3A_1279] {strides = array<i32>} : memref<3856xf32, #tpu.memory_space<vmem>>, vector<16xf32>,
          %swap3A_1281 = vector.shape_cast %swap3A_1280 : vector<16xf32> to vector<16xf32>
          %swap3A_1282 = vector.shape_cast %div3A_1276 : vector<16xf32> to vector<16xf32>
          tpu.vector_store %arg25[%swap3A_1279], %swap3A_1282 {strides = array<i32>} : memref<3856xf32, #tpu.memory_space<vmem>>, vector<16xf32>,
        } else {
        }
        %eq3A = arith.cmpi eq, %sub3A_470, %scan3A_430 : i32
        %not3A = arith.constant true
        %not3A_483 = arith.xori %ge3A_471, %not3A : i1
        %or3A = arith.ori %eq3A, %not3A_483 : i1
        %jit3A_484 = arith.constant 1.000000e+00 : f32
        %jit3A_485 = arith.constant 0.000000e+00 : f32
        %select_n3A_486 = arith.select %or3A, %jit3A_484, %jit3A_485 : f32
        %broadcast_in_dim3A_487 = vector.broadcast %select_n3A_486 : f32 to vector<16xf32>
        %ge3A_488 = arith.constant 0 : i32
        %ge3A_489 = arith.cmpi sge, %sub3A_470, %ge3A_488 : i32
        %lt3A_490 = arith.constant 64 : i32
        %lt3A_491 = arith.cmpi slt, %sub3A_470, %lt3A_490 : i32
        %and3A_492 = arith.andi %ge3A_489, %lt3A_491 : i1
        %and3A_493 = arith.andi %ge3A_471, %and3A_492 : i1
        %jit3A_494 = arith.constant 1.000000e+00 : f32
        %jit3A_495 = arith.constant 0.000000e+00 : f32
        %select_n3A_496 = arith.select %and3A_493, %jit3A_494, %jit3A_495 : f32
        %broadcast_in_dim3A_497 = vector.broadcast %select_n3A_496 : f32 to vector<16xf32>
        %mul3A_498 = arith.constant 256 : i32
        %mul3A_499 = arith.muli %scan3A_429, %mul3A_498 : i32
        %mul3A_500 = arith.constant 4 : i32
        %mul3A_501 = arith.muli %scan3A_429, %mul3A_500 : i32
        %get3A_502 = arith.index_cast %mul3A_501 : i32 to index
        %get3A_503 = tpu.vector_load %arg13[%get3A_502] {strides = array<i32>} : memref<848xf32, #tpu.memory_space<vmem>>, vector<16xf32>,
        %get3A_504 = vector.shape_cast %get3A_503 : vector<16xf32> to vector<16xf32>
        %slice3A_505 = vector.extract_strided_slice %get3A_504 {offsets = [0], sizes = [1], strides = [1]} : vector<16xf32> to vector<1xf32>
        %squeeze3A_506 = vector.extract %slice3A_505[0] : f32 from vector<1xf32>
        %broadcast_in_dim3A_507 = vector.broadcast %squeeze3A_506 : f32 to vector<16xf32>
        %mul3A_508 = arith.mulf %broadcast_in_dim3A_507, %broadcast_in_dim3A_497 : vector<16xf32>
        %slice3A_509 = vector.extract_strided_slice %get3A_504 {offsets = [1], sizes = [1], strides = [1]} : vector<16xf32> to vector<1xf32>
        %squeeze3A_510 = vector.extract %slice3A_509[0] : f32 from vector<1xf32>
        %broadcast_in_dim3A_511 = vector.broadcast %squeeze3A_510 : f32 to vector<16xf32>
        %mul3A_512 = arith.mulf %broadcast_in_dim3A_511, %broadcast_in_dim3A_497 : vector<16xf32>
        %slice3A_513 = vector.extract_strided_slice %get3A_504 {offsets = [2], sizes = [1], strides = [1]} : vector<16xf32> to vector<1xf32>
        %squeeze3A_514 = vector.extract %slice3A_513[0] : f32 from vector<1xf32>
        %broadcast_in_dim3A_515 = vector.broadcast %squeeze3A_514 : f32 to vector<16xf32>
        %mul3A_516 = arith.mulf %broadcast_in_dim3A_515, %broadcast_in_dim3A_497 : vector<16xf32>
        %add3A_517 = arith.constant 0 : i32
        %add3A_518 = arith.addi %mul3A_499, %add3A_517 : i32
        %get3A_519 = arith.index_cast %add3A_518 : i32 to index
        %get3A_520 = tpu.vector_load %arg11[%get3A_519] {strides = array<i32>} : memref<53248xf32, #tpu.memory_space<vmem>>, vector<16xf32>,
        %get3A_521 = vector.shape_cast %get3A_520 : vector<16xf32> to vector<16xf32>
        %add3A_522 = arith.constant 16 : i32
        %add3A_523 = arith.addi %mul3A_499, %add3A_522 : i32
        %get3A_524 = arith.index_cast %add3A_523 : i32 to index
        %get3A_525 = tpu.vector_load %arg11[%get3A_524] {strides = array<i32>} : memref<53248xf32, #tpu.memory_space<vmem>>, vector<16xf32>,
        %get3A_526 = vector.shape_cast %get3A_525 : vector<16xf32> to vector<16xf32>
        %add3A_527 = arith.constant 32 : i32
        %add3A_528 = arith.addi %mul3A_499, %add3A_527 : i32
        %get3A_529 = arith.index_cast %add3A_528 : i32 to index
        %get3A_530 = tpu.vector_load %arg11[%get3A_529] {strides = array<i32>} : memref<53248xf32, #tpu.memory_space<vmem>>, vector<16xf32>,
        %get3A_531 = vector.shape_cast %get3A_530 : vector<16xf32> to vector<16xf32>
        %add3A_532 = arith.constant 48 : i32
        %add3A_533 = arith.addi %mul3A_499, %add3A_532 : i32
        %get3A_534 = arith.index_cast %add3A_533 : i32 to index
        %get3A_535 = tpu.vector_load %arg11[%get3A_534] {strides = array<i32>} : memref<53248xf32, #tpu.memory_space<vmem>>, vector<16xf32>,
        %get3A_536 = vector.shape_cast %get3A_535 : vector<16xf32> to vector<16xf32>
        %add3A_537 = arith.constant 64 : i32
        %add3A_538 = arith.addi %mul3A_499, %add3A_537 : i32
        %add3A_539 = arith.constant 0 : i32
        %add3A_540 = arith.addi %add3A_538, %add3A_539 : i32
        %get3A_541 = arith.index_cast %add3A_540 : i32 to index
        %get3A_542 = tpu.vector_load %arg11[%get3A_541] {strides = array<i32>} : memref<53248xf32, #tpu.memory_space<vmem>>, vector<16xf32>,
        %get3A_543 = vector.shape_cast %get3A_542 : vector<16xf32> to vector<16xf32>
        %add3A_544 = arith.constant 64 : i32
        %add3A_545 = arith.addi %mul3A_499, %add3A_544 : i32
        %add3A_546 = arith.constant 16 : i32
        %add3A_547 = arith.addi %add3A_545, %add3A_546 : i32
        %get3A_548 = arith.index_cast %add3A_547 : i32 to index
        %get3A_549 = tpu.vector_load %arg11[%get3A_548] {strides = array<i32>} : memref<53248xf32, #tpu.memory_space<vmem>>, vector<16xf32>,
        %get3A_550 = vector.shape_cast %get3A_549 : vector<16xf32> to vector<16xf32>
        %add3A_551 = arith.constant 64 : i32
        %add3A_552 = arith.addi %mul3A_499, %add3A_551 : i32
        %add3A_553 = arith.constant 32 : i32
        %add3A_554 = arith.addi %add3A_552, %add3A_553 : i32
        %get3A_555 = arith.index_cast %add3A_554 : i32 to index
        %get3A_556 = tpu.vector_load %arg11[%get3A_555] {strides = array<i32>} : memref<53248xf32, #tpu.memory_space<vmem>>, vector<16xf32>,
        %get3A_557 = vector.shape_cast %get3A_556 : vector<16xf32> to vector<16xf32>
        %add3A_558 = arith.constant 64 : i32
        %add3A_559 = arith.addi %mul3A_499, %add3A_558 : i32
        %add3A_560 = arith.constant 48 : i32
        %add3A_561 = arith.addi %add3A_559, %add3A_560 : i32
        %get3A_562 = arith.index_cast %add3A_561 : i32 to index
        %get3A_563 = tpu.vector_load %arg11[%get3A_562] {strides = array<i32>} : memref<53248xf32, #tpu.memory_space<vmem>>, vector<16xf32>,
        %get3A_564 = vector.shape_cast %get3A_563 : vector<16xf32> to vector<16xf32>
        %add3A_565 = arith.constant 128 : i32
        %add3A_566 = arith.addi %mul3A_499, %add3A_565 : i32
        %add3A_567 = arith.constant 0 : i32
        %add3A_568 = arith.addi %add3A_566, %add3A_567 : i32
        %get3A_569 = arith.index_cast %add3A_568 : i32 to index
        %get3A_570 = tpu.vector_load %arg11[%get3A_569] {strides = array<i32>} : memref<53248xf32, #tpu.memory_space<vmem>>, vector<16xf32>,
        %get3A_571 = vector.shape_cast %get3A_570 : vector<16xf32> to vector<16xf32>
        %add3A_572 = arith.constant 128 : i32
        %add3A_573 = arith.addi %mul3A_499, %add3A_572 : i32
        %add3A_574 = arith.constant 16 : i32
        %add3A_575 = arith.addi %add3A_573, %add3A_574 : i32
        %get3A_576 = arith.index_cast %add3A_575 : i32 to index
        %get3A_577 = tpu.vector_load %arg11[%get3A_576] {strides = array<i32>} : memref<53248xf32, #tpu.memory_space<vmem>>, vector<16xf32>,
        %get3A_578 = vector.shape_cast %get3A_577 : vector<16xf32> to vector<16xf32>
        %add3A_579 = arith.constant 128 : i32
        %add3A_580 = arith.addi %mul3A_499, %add3A_579 : i32
        %add3A_581 = arith.constant 32 : i32
        %add3A_582 = arith.addi %add3A_580, %add3A_581 : i32
        %get3A_583 = arith.index_cast %add3A_582 : i32 to index
        %get3A_584 = tpu.vector_load %arg11[%get3A_583] {strides = array<i32>} : memref<53248xf32, #tpu.memory_space<vmem>>, vector<16xf32>,
        %get3A_585 = vector.shape_cast %get3A_584 : vector<16xf32> to vector<16xf32>
        %add3A_586 = arith.constant 128 : i32
        %add3A_587 = arith.addi %mul3A_499, %add3A_586 : i32
        %add3A_588 = arith.constant 48 : i32
        %add3A_589 = arith.addi %add3A_587, %add3A_588 : i32
        %get3A_590 = arith.index_cast %add3A_589 : i32 to index
        %get3A_591 = tpu.vector_load %arg11[%get3A_590] {strides = array<i32>} : memref<53248xf32, #tpu.memory_space<vmem>>, vector<16xf32>,
        %get3A_592 = vector.shape_cast %get3A_591 : vector<16xf32> to vector<16xf32>
        %add3A_593 = arith.constant 192 : i32
        %add3A_594 = arith.addi %mul3A_499, %add3A_593 : i32
        %add3A_595 = arith.constant 0 : i32
        %add3A_596 = arith.addi %add3A_594, %add3A_595 : i32
        %get3A_597 = arith.index_cast %add3A_596 : i32 to index
        %get3A_598 = tpu.vector_load %arg11[%get3A_597] {strides = array<i32>} : memref<53248xf32, #tpu.memory_space<vmem>>, vector<16xf32>,
        %get3A_599 = vector.shape_cast %get3A_598 : vector<16xf32> to vector<16xf32>
        %add3A_600 = arith.constant 192 : i32
        %add3A_601 = arith.addi %mul3A_499, %add3A_600 : i32
        %add3A_602 = arith.constant 16 : i32
        %add3A_603 = arith.addi %add3A_601, %add3A_602 : i32
        %get3A_604 = arith.index_cast %add3A_603 : i32 to index
        %get3A_605 = tpu.vector_load %arg11[%get3A_604] {strides = array<i32>} : memref<53248xf32, #tpu.memory_space<vmem>>, vector<16xf32>,
        %get3A_606 = vector.shape_cast %get3A_605 : vector<16xf32> to vector<16xf32>
        %add3A_607 = arith.constant 192 : i32
        %add3A_608 = arith.addi %mul3A_499, %add3A_607 : i32
        %add3A_609 = arith.constant 32 : i32
        %add3A_610 = arith.addi %add3A_608, %add3A_609 : i32
        %get3A_611 = arith.index_cast %add3A_610 : i32 to index
        %get3A_612 = tpu.vector_load %arg11[%get3A_611] {strides = array<i32>} : memref<53248xf32, #tpu.memory_space<vmem>>, vector<16xf32>,
        %get3A_613 = vector.shape_cast %get3A_612 : vector<16xf32> to vector<16xf32>
        %add3A_614 = arith.constant 192 : i32
        %add3A_615 = arith.addi %mul3A_499, %add3A_614 : i32
        %add3A_616 = arith.constant 48 : i32
        %add3A_617 = arith.addi %add3A_615, %add3A_616 : i32
        %get3A_618 = arith.index_cast %add3A_617 : i32 to index
        %get3A_619 = tpu.vector_load %arg11[%get3A_618] {strides = array<i32>} : memref<53248xf32, #tpu.memory_space<vmem>>, vector<16xf32>,
        %get3A_620 = vector.shape_cast %get3A_619 : vector<16xf32> to vector<16xf32>
        %mul3A_621 = arith.mulf %scan3A_432, %broadcast_in_dim3A_487 : vector<16xf32>
        %mul3A_622 = arith.mulf %get3A_521, %broadcast_in_dim3A_497 : vector<16xf32>
        %add3A_623 = arith.addf %mul3A_621, %mul3A_622 : vector<16xf32>
        %mul3A_624 = arith.mulf %scan3A_433, %broadcast_in_dim3A_487 : vector<16xf32>
        %mul3A_625 = arith.mulf %get3A_526, %broadcast_in_dim3A_497 : vector<16xf32>
        %add3A_626 = arith.addf %mul3A_624, %mul3A_625 : vector<16xf32>
        %mul3A_627 = arith.mulf %scan3A_434, %broadcast_in_dim3A_487 : vector<16xf32>
        %mul3A_628 = arith.mulf %get3A_531, %broadcast_in_dim3A_497 : vector<16xf32>
        %add3A_629 = arith.addf %mul3A_627, %mul3A_628 : vector<16xf32>
        %mul3A_630 = arith.mulf %scan3A_435, %broadcast_in_dim3A_487 : vector<16xf32>
        %mul3A_631 = arith.mulf %get3A_536, %broadcast_in_dim3A_497 : vector<16xf32>
        %add3A_632 = arith.addf %mul3A_630, %mul3A_631 : vector<16xf32>
        %mul3A_633 = arith.mulf %scan3A_436, %broadcast_in_dim3A_487 : vector<16xf32>
        %mul3A_634 = arith.mulf %get3A_543, %broadcast_in_dim3A_497 : vector<16xf32>
        %add3A_635 = arith.addf %mul3A_633, %mul3A_634 : vector<16xf32>
        %mul3A_636 = arith.mulf %scan3A_437, %broadcast_in_dim3A_487 : vector<16xf32>
        %mul3A_637 = arith.mulf %get3A_550, %broadcast_in_dim3A_497 : vector<16xf32>
        %add3A_638 = arith.addf %mul3A_636, %mul3A_637 : vector<16xf32>
        %mul3A_639 = arith.mulf %scan3A_438, %broadcast_in_dim3A_487 : vector<16xf32>
        %mul3A_640 = arith.mulf %get3A_557, %broadcast_in_dim3A_497 : vector<16xf32>
        %add3A_641 = arith.addf %mul3A_639, %mul3A_640 : vector<16xf32>
        %mul3A_642 = arith.mulf %scan3A_439, %broadcast_in_dim3A_487 : vector<16xf32>
        %mul3A_643 = arith.mulf %get3A_564, %broadcast_in_dim3A_497 : vector<16xf32>
        %add3A_644 = arith.addf %mul3A_642, %mul3A_643 : vector<16xf32>
        %mul3A_645 = arith.mulf %scan3A_440, %broadcast_in_dim3A_487 : vector<16xf32>
        %mul3A_646 = arith.mulf %get3A_571, %broadcast_in_dim3A_497 : vector<16xf32>
        %add3A_647 = arith.addf %mul3A_645, %mul3A_646 : vector<16xf32>
        %mul3A_648 = arith.mulf %scan3A_441, %broadcast_in_dim3A_487 : vector<16xf32>
        %mul3A_649 = arith.mulf %get3A_578, %broadcast_in_dim3A_497 : vector<16xf32>
        %add3A_650 = arith.addf %mul3A_648, %mul3A_649 : vector<16xf32>
        %mul3A_651 = arith.mulf %scan3A_442, %broadcast_in_dim3A_487 : vector<16xf32>
        %mul3A_652 = arith.mulf %get3A_585, %broadcast_in_dim3A_497 : vector<16xf32>
        %add3A_653 = arith.addf %mul3A_651, %mul3A_652 : vector<16xf32>
        %mul3A_654 = arith.mulf %scan3A_443, %broadcast_in_dim3A_487 : vector<16xf32>
        %mul3A_655 = arith.mulf %get3A_592, %broadcast_in_dim3A_497 : vector<16xf32>
        %add3A_656 = arith.addf %mul3A_654, %mul3A_655 : vector<16xf32>
        %mul3A_657 = arith.mulf %scan3A_444, %broadcast_in_dim3A_487 : vector<16xf32>
        %mul3A_658 = arith.mulf %get3A_599, %broadcast_in_dim3A_497 : vector<16xf32>
        %add3A_659 = arith.addf %mul3A_657, %mul3A_658 : vector<16xf32>
        %mul3A_660 = arith.mulf %scan3A_445, %broadcast_in_dim3A_487 : vector<16xf32>
        %mul3A_661 = arith.mulf %get3A_606, %broadcast_in_dim3A_497 : vector<16xf32>
        %add3A_662 = arith.addf %mul3A_660, %mul3A_661 : vector<16xf32>
        %mul3A_663 = arith.mulf %scan3A_446, %broadcast_in_dim3A_487 : vector<16xf32>
        %mul3A_664 = arith.mulf %get3A_613, %broadcast_in_dim3A_497 : vector<16xf32>
        %add3A_665 = arith.addf %mul3A_663, %mul3A_664 : vector<16xf32>
        %mul3A_666 = arith.mulf %scan3A_447, %broadcast_in_dim3A_487 : vector<16xf32>
        %mul3A_667 = arith.mulf %get3A_620, %broadcast_in_dim3A_497 : vector<16xf32>
        %add3A_668 = arith.addf %mul3A_666, %mul3A_667 : vector<16xf32>
        %mul3A_669 = arith.mulf %mul3A_508, %get3A_18 : vector<16xf32>
        %mul3A_670 = arith.mulf %mul3A_512, %get3A_21 : vector<16xf32>
        %add3A_671 = arith.addf %mul3A_669, %mul3A_670 : vector<16xf32>
        %mul3A_672 = arith.mulf %mul3A_516, %get3A_24 : vector<16xf32>
        %add3A_673 = arith.addf %add3A_671, %mul3A_672 : vector<16xf32>
        %mul3A_674 = arith.mulf %scan3A_448, %broadcast_in_dim3A_487 : vector<16xf32>
        %mul3A_675 = arith.mulf %add3A_673, %get3A_599 : vector<16xf32>
        %add3A_676 = arith.addf %mul3A_674, %mul3A_675 : vector<16xf32>
        %mul3A_677 = arith.mulf %mul3A_508, %get3A_24 : vector<16xf32>
        %mul3A_678 = arith.mulf %mul3A_512, %get3A_18 : vector<16xf32>
        %add3A_679 = arith.addf %mul3A_677, %mul3A_678 : vector<16xf32>
        %mul3A_680 = arith.mulf %mul3A_516, %get3A_21 : vector<16xf32>
        %add3A_681 = arith.addf %add3A_679, %mul3A_680 : vector<16xf32>
        %mul3A_682 = arith.mulf %scan3A_449, %broadcast_in_dim3A_487 : vector<16xf32>
        %mul3A_683 = arith.mulf %add3A_681, %get3A_606 : vector<16xf32>
        %add3A_684 = arith.addf %mul3A_682, %mul3A_683 : vector<16xf32>
        %mul3A_685 = arith.mulf %mul3A_508, %get3A_21 : vector<16xf32>
        %mul3A_686 = arith.mulf %mul3A_512, %get3A_24 : vector<16xf32>
        %add3A_687 = arith.addf %mul3A_685, %mul3A_686 : vector<16xf32>
        %mul3A_688 = arith.mulf %mul3A_516, %get3A_18 : vector<16xf32>
        %add3A_689 = arith.addf %add3A_687, %mul3A_688 : vector<16xf32>
        %mul3A_690 = arith.mulf %scan3A_450, %broadcast_in_dim3A_487 : vector<16xf32>
        %mul3A_691 = arith.mulf %add3A_689, %get3A_613 : vector<16xf32>
        %add3A_692 = arith.addf %mul3A_690, %mul3A_691 : vector<16xf32>
        %mul3A_693 = arith.mulf %mul3A_508, %get3A_18 : vector<16xf32>
        %mul3A_694 = arith.mulf %mul3A_512, %get3A_21 : vector<16xf32>
        %add3A_695 = arith.addf %mul3A_693, %mul3A_694 : vector<16xf32>
        %mul3A_696 = arith.mulf %mul3A_516, %get3A_24 : vector<16xf32>
        %add3A_697 = arith.addf %add3A_695, %mul3A_696 : vector<16xf32>
        %mul3A_698 = arith.mulf %scan3A_451, %broadcast_in_dim3A_487 : vector<16xf32>
        %mul3A_699 = arith.mulf %add3A_697, %get3A_620 : vector<16xf32>
        %add3A_700 = arith.addf %mul3A_698, %mul3A_699 : vector<16xf32>
        %mul3A_701 = arith.mulf %scan3A_452, %broadcast_in_dim3A_487 : vector<16xf32>
        %mul3A_702 = arith.mulf %mul3A_508, %get3A_571 : vector<16xf32>
        %add3A_703 = arith.addf %mul3A_701, %mul3A_702 : vector<16xf32>
        %mul3A_704 = arith.mulf %scan3A_453, %broadcast_in_dim3A_487 : vector<16xf32>
        %mul3A_705 = arith.mulf %mul3A_508, %get3A_578 : vector<16xf32>
        %add3A_706 = arith.addf %mul3A_704, %mul3A_705 : vector<16xf32>
        %mul3A_707 = arith.mulf %scan3A_454, %broadcast_in_dim3A_487 : vector<16xf32>
        %mul3A_708 = arith.mulf %mul3A_508, %get3A_585 : vector<16xf32>
        %add3A_709 = arith.addf %mul3A_707, %mul3A_708 : vector<16xf32>
        %mul3A_710 = arith.mulf %scan3A_455, %broadcast_in_dim3A_487 : vector<16xf32>
        %mul3A_711 = arith.mulf %mul3A_508, %get3A_592 : vector<16xf32>
        %add3A_712 = arith.addf %mul3A_710, %mul3A_711 : vector<16xf32>
        %mul3A_713 = arith.mulf %scan3A_456, %broadcast_in_dim3A_487 : vector<16xf32>
        %mul3A_714 = arith.mulf %mul3A_512, %get3A_571 : vector<16xf32>
        %add3A_715 = arith.addf %mul3A_713, %mul3A_714 : vector<16xf32>
        %mul3A_716 = arith.mulf %scan3A_457, %broadcast_in_dim3A_487 : vector<16xf32>
        %mul3A_717 = arith.mulf %mul3A_512, %get3A_578 : vector<16xf32>
        %add3A_718 = arith.addf %mul3A_716, %mul3A_717 : vector<16xf32>
        %mul3A_719 = arith.mulf %scan3A_458, %broadcast_in_dim3A_487 : vector<16xf32>
        %mul3A_720 = arith.mulf %mul3A_512, %get3A_585 : vector<16xf32>
        %add3A_721 = arith.addf %mul3A_719, %mul3A_720 : vector<16xf32>
        %mul3A_722 = arith.mulf %scan3A_459, %broadcast_in_dim3A_487 : vector<16xf32>
        %mul3A_723 = arith.mulf %mul3A_512, %get3A_592 : vector<16xf32>
        %add3A_724 = arith.addf %mul3A_722, %mul3A_723 : vector<16xf32>
        %mul3A_725 = arith.mulf %scan3A_460, %broadcast_in_dim3A_487 : vector<16xf32>
        %mul3A_726 = arith.mulf %mul3A_516, %get3A_571 : vector<16xf32>
        %add3A_727 = arith.addf %mul3A_725, %mul3A_726 : vector<16xf32>
        %mul3A_728 = arith.mulf %scan3A_461, %broadcast_in_dim3A_487 : vector<16xf32>
        %mul3A_729 = arith.mulf %mul3A_516, %get3A_578 : vector<16xf32>
        %add3A_730 = arith.addf %mul3A_728, %mul3A_729 : vector<16xf32>
        %mul3A_731 = arith.mulf %scan3A_462, %broadcast_in_dim3A_487 : vector<16xf32>
        %mul3A_732 = arith.mulf %mul3A_516, %get3A_585 : vector<16xf32>
        %add3A_733 = arith.addf %mul3A_731, %mul3A_732 : vector<16xf32>
        %mul3A_734 = arith.mulf %scan3A_463, %broadcast_in_dim3A_487 : vector<16xf32>
        %mul3A_735 = arith.mulf %mul3A_516, %get3A_592 : vector<16xf32>
        %add3A_736 = arith.addf %mul3A_734, %mul3A_735 : vector<16xf32>
        %mul3A_737 = arith.mulf %scan3A_464, %broadcast_in_dim3A_487 : vector<16xf32>
        %mul3A_738 = arith.mulf %get3A_504, %get3A_27 : vector<16xf32>
        %mul3A_739 = arith.mulf %mul3A_738, %broadcast_in_dim3A_497 : vector<16xf32>
        %add3A_740 = arith.addf %mul3A_737, %mul3A_739 : vector<16xf32>
        %select_n3A_741 = arith.select %ge3A_471, %sub3A_470, %scan3A_430 : i32
        %jit3A_742 = arith.constant 1.000000e+00 : f32
        %jit3A_743 = arith.constant 0.000000e+00 : f32
        %select_n3A_744 = arith.select %or3A, %jit3A_742, %jit3A_743 : f32
        %mul3A_745 = arith.mulf %scan3A_431, %select_n3A_744 : f32
        %add3A_746 = arith.addf %mul3A_745, %select_n3A_496 : f32
        scf.yield %select_n3A_741, %add3A_746, %add3A_623, %add3A_626, %add3A_629, %add3A_632, %add3A_635, %add3A_638, %add3A_641, %add3A_644, %add3A_647, %add3A_650, %add3A_653, %add3A_656, %add3A_659, %add3A_662, %add3A_665, %add3A_668, %add3A_676, %add3A_684, %add3A_692, %add3A_700, %add3A_703, %add3A_706, %add3A_709, %add3A_712, %add3A_715, %add3A_718, %add3A_721, %add3A_724, %add3A_727, %add3A_730, %add3A_733, %add3A_736, %add3A_740 : i32, f32, vector<16xf32>, vector<16xf32>, vector<16xf32>, vector<16xf32>, vector<16xf32>, vector<16xf32>, vector<16xf32>, vector<16xf32>, vector<16xf32>, vector<16xf32>, vector<16xf32>, vector<16xf32>, vector<16xf32>, vector<16xf32>, vector<16xf32>, vector<16xf32>, vector<16xf32>, vector<16xf32>, vector<16xf32>, vector<16xf32>, vector<16xf32>, vector<16xf32>, vector<16xf32>, vector<16xf32>, vector<16xf32>, vector<16xf32>, vector<16xf32>, vector<16xf32>, vector<16xf32>, vector<16xf32>, vector<16xf32>, vector<16xf32>, vector<16xf32>
      }
      %scan3A_346 = arith.constant 208 : i32
      %mul3A_347 = arith.constant 2 : i32
      %mul3A_348 = arith.muli %mul3A_347, %while3A_229 : i32
      %add3A_349 = arith.constant 1 : i32
      %add3A_350 = arith.addi %mul3A_348, %add3A_349 : i32
      %mul3A_351 = arith.constant 208 : i32
      %mul3A_352 = arith.muli %add3A_350, %mul3A_351 : i32
      %add3A_353 = arith.addi %and3A_31, %mul3A_352 : i32
      %min3A_354 = arith.constant 99792 : i32
      %min3A_355 = arith.minsi %add3A_353, %min3A_354 : i32
      %multiple_of3A_356 = tpu.assume_multiple %min3A_355, 8 : i32
      %mul3A_357 = arith.constant 208 : i32
      %mul3A_358 = arith.muli %add3A_350, %mul3A_357 : i32
      %add3A_359 = arith.addi %and3A_31, %mul3A_358 : i32
      %sub3A_360 = arith.subi %add3A_359, %multiple_of3A_356 : i32
      %dma_wait3A_361 = arith.constant 0 : i32
      %dma_wait3A_362 = tpu.memref_slice %arg12[%dma_wait3A_361] : memref<53248xf32, #tpu.memory_space<vmem>> -> memref<53248xf32, #tpu.memory_space<vmem>>
      %dma_wait3A_363 = arith.constant 0 : i32
      %dma_wait3A_364 = tpu.memref_slice %arg3[%dma_wait3A_363] : memref<25600000xf32, #tpu.memory_space<hbm>> -> memref<53248xf32, #tpu.memory_space<hbm>>
      %dma_wait3A_365 = arith.constant 0 : i32
      %dma_wait3A_366 = tpu.memref_slice %arg12[%dma_wait3A_365] : memref<53248xf32, #tpu.memory_space<vmem>> -> memref<53248xf32, #tpu.memory_space<vmem>>
      %dma_wait3A_367 = arith.constant 0 : i32
      %dma_wait3A_368 = tpu.memref_slice %arg3[%dma_wait3A_367] : memref<25600000xf32, #tpu.memory_space<hbm>> -> memref<53248xf32, #tpu.memory_space<hbm>>
      tpu.wait_dma2 semaphore(%arg18 : memref<!tpu.dma_semaphore, #tpu.memory_space<semaphore_mem>>) src(%dma_wait3A_368 : memref<53248xf32, #tpu.memory_space<hbm>>) dst(%dma_wait3A_366 : memref<53248xf32, #tpu.memory_space<vmem>>)
      %dma_wait3A_369 = arith.constant 0 : i32
      %dma_wait3A_370 = tpu.memref_slice %arg14[%dma_wait3A_369] : memref<848xf32, #tpu.memory_space<vmem>> -> memref<832xf32, #tpu.memory_space<vmem>>
      %dma_wait3A_371 = arith.constant 0 : i32
      %dma_wait3A_372 = tpu.memref_slice %arg2[%dma_wait3A_371] : memref<400000xf32, #tpu.memory_space<hbm>> -> memref<832xf32, #tpu.memory_space<hbm>>
      %dma_wait3A_373 = arith.constant 0 : i32
      %dma_wait3A_374 = tpu.memref_slice %arg14[%dma_wait3A_373] : memref<848xf32, #tpu.memory_space<vmem>> -> memref<832xf32, #tpu.memory_space<vmem>>
      %dma_wait3A_375 = arith.constant 0 : i32
      %dma_wait3A_376 = tpu.memref_slice %arg2[%dma_wait3A_375] : memref<400000xf32, #tpu.memory_space<hbm>> -> memref<832xf32, #tpu.memory_space<hbm>>
      tpu.wait_dma2 semaphore(%arg18 : memref<!tpu.dma_semaphore, #tpu.memory_space<semaphore_mem>>) src(%dma_wait3A_376 : memref<832xf32, #tpu.memory_space<hbm>>) dst(%dma_wait3A_374 : memref<832xf32, #tpu.memory_space<vmem>>)
      %dma_wait3A_377 = arith.constant 0 : i32
      %dma_wait3A_378 = tpu.memref_slice %arg16[%dma_wait3A_377] : memref<224xi32, #tpu.memory_space<vmem>> -> memref<208xi32, #tpu.memory_space<vmem>>
      %dma_wait3A_379 = arith.constant 0 : i32
      %dma_wait3A_380 = tpu.memref_slice %arg4[%dma_wait3A_379] : memref<100000xi32, #tpu.memory_space<hbm>> -> memref<208xi32, #tpu.memory_space<hbm>>
      %dma_wait3A_381 = arith.constant 0 : i32
      %dma_wait3A_382 = tpu.memref_slice %arg16[%dma_wait3A_381] : memref<224xi32, #tpu.memory_space<vmem>> -> memref<208xi32, #tpu.memory_space<vmem>>
      %dma_wait3A_383 = arith.constant 0 : i32
      %dma_wait3A_384 = tpu.memref_slice %arg4[%dma_wait3A_383] : memref<100000xi32, #tpu.memory_space<hbm>> -> memref<208xi32, #tpu.memory_space<hbm>>
      tpu.wait_dma2 semaphore(%arg18 : memref<!tpu.dma_semaphore, #tpu.memory_space<semaphore_mem>>) src(%dma_wait3A_384 : memref<208xi32, #tpu.memory_space<hbm>>) dst(%dma_wait3A_382 : memref<208xi32, #tpu.memory_space<vmem>>)
      %add3A_385 = arith.constant 1 : i32
      %add3A_386 = arith.addi %add3A_350, %add3A_385 : i32
      %mul3A_387 = arith.constant 208 : i32
      %mul3A_388 = arith.muli %add3A_386, %mul3A_387 : i32
      %add3A_389 = arith.addi %and3A_31, %mul3A_388 : i32
      %min3A_390 = arith.constant 99792 : i32
      %min3A_391 = arith.minsi %add3A_389, %min3A_390 : i32
      %multiple_of3A_392 = tpu.assume_multiple %min3A_391, 8 : i32
      %mul3A_393 = arith.constant 256 : i32
      %mul3A_394 = arith.muli %multiple_of3A_392, %mul3A_393 : i32
      %multiple_of3A_395 = tpu.assume_multiple %mul3A_394, 8 : i32
      %dma_start3A_396 = arith.constant 0 : i32
      %dma_start3A_397 = tpu.memref_slice %arg11[%dma_start3A_396] : memref<53248xf32, #tpu.memory_space<vmem>> -> memref<53248xf32, #tpu.memory_space<vmem>>
      %dma_start3A_398 = tpu.memref_slice %arg3[%multiple_of3A_395] : memref<25600000xf32, #tpu.memory_space<hbm>> -> memref<53248xf32, #tpu.memory_space<hbm>>
      %dma_start3A_399 = arith.constant 0 : i32
      %dma_start3A_400 = tpu.memref_slice %arg11[%dma_start3A_399] : memref<53248xf32, #tpu.memory_space<vmem>> -> memref<53248xf32, #tpu.memory_space<vmem>>
      %dma_start3A_401 = tpu.memref_slice %arg3[%multiple_of3A_395] : memref<25600000xf32, #tpu.memory_space<hbm>> -> memref<53248xf32, #tpu.memory_space<hbm>>
      tpu.enqueue_dma source(%dma_start3A_401 : memref<53248xf32, #tpu.memory_space<hbm>>) target(%dma_start3A_400 : memref<53248xf32, #tpu.memory_space<vmem>>) target_semaphore(%arg17 : memref<!tpu.dma_semaphore, #tpu.memory_space<semaphore_mem>>)
      %mul3A_402 = arith.constant 4 : i32
      %mul3A_403 = arith.muli %multiple_of3A_392, %mul3A_402 : i32
      %multiple_of3A_404 = tpu.assume_multiple %mul3A_403, 8 : i32
      %dma_start3A_405 = arith.constant 0 : i32
      %dma_start3A_406 = tpu.memref_slice %arg13[%dma_start3A_405] : memref<848xf32, #tpu.memory_space<vmem>> -> memref<832xf32, #tpu.memory_space<vmem>>
      %dma_start3A_407 = tpu.memref_slice %arg2[%multiple_of3A_404] : memref<400000xf32, #tpu.memory_space<hbm>> -> memref<832xf32, #tpu.memory_space<hbm>>
      %dma_start3A_408 = arith.constant 0 : i32
      %dma_start3A_409 = tpu.memref_slice %arg13[%dma_start3A_408] : memref<848xf32, #tpu.memory_space<vmem>> -> memref<832xf32, #tpu.memory_space<vmem>>
      %dma_start3A_410 = tpu.memref_slice %arg2[%multiple_of3A_404] : memref<400000xf32, #tpu.memory_space<hbm>> -> memref<832xf32, #tpu.memory_space<hbm>>
      tpu.enqueue_dma source(%dma_start3A_410 : memref<832xf32, #tpu.memory_space<hbm>>) target(%dma_start3A_409 : memref<832xf32, #tpu.memory_space<vmem>>) target_semaphore(%arg17 : memref<!tpu.dma_semaphore, #tpu.memory_space<semaphore_mem>>)
      %mul3A_411 = arith.constant 208 : i32
      %mul3A_412 = arith.muli %add3A_386, %mul3A_411 : i32
      %add3A_413 = arith.addi %and3A_31, %mul3A_412 : i32
      %min3A_414 = arith.constant 99792 : i32
      %min3A_415 = arith.minsi %add3A_413, %min3A_414 : i32
      %multiple_of3A_416 = tpu.assume_multiple %min3A_415, 8 : i32
      %dma_start3A_417 = arith.constant 0 : i32
      %dma_start3A_418 = tpu.memref_slice %arg15[%dma_start3A_417] : memref<224xi32, #tpu.memory_space<vmem>> -> memref<208xi32, #tpu.memory_space<vmem>>
      %dma_start3A_419 = tpu.memref_slice %arg4[%multiple_of3A_416] : memref<100000xi32, #tpu.memory_space<hbm>> -> memref<208xi32, #tpu.memory_space<hbm>>
      %dma_start3A_420 = arith.constant 0 : i32
      %dma_start3A_421 = tpu.memref_slice %arg15[%dma_start3A_420] : memref<224xi32, #tpu.memory_space<vmem>> -> memref<208xi32, #tpu.memory_space<vmem>>
      %dma_start3A_422 = tpu.memref_slice %arg4[%multiple_of3A_416] : memref<100000xi32, #tpu.memory_space<hbm>> -> memref<208xi32, #tpu.memory_space<hbm>>
      tpu.enqueue_dma source(%dma_start3A_422 : memref<208xi32, #tpu.memory_space<hbm>>) target(%dma_start3A_421 : memref<208xi32, #tpu.memory_space<vmem>>) target_semaphore(%arg17 : memref<!tpu.dma_semaphore, #tpu.memory_space<semaphore_mem>>)
      %scan3A_423 = arith.constant 0 : i32
      %scan3A_424 = arith.constant 208 : i32
      %scan3A_425 = arith.addi %scan3A_423, %scan3A_424 : i32
      %scan3A_426 = arith.constant 1 : i32
      %scan3A_427:35 = scf.for %scan3A_429 = %scan3A_423 to %scan3A_425 step %scan3A_426 iter_args(%scan3A_430 = %scan3A_345#0, %scan3A_431 = %scan3A_345#1, %scan3A_432 = %scan3A_345#2, %scan3A_433 = %scan3A_345#3, %scan3A_434 = %scan3A_345#4, %scan3A_435 = %scan3A_345#5, %scan3A_436 = %scan3A_345#6, %scan3A_437 = %scan3A_345#7, %scan3A_438 = %scan3A_345#8, %scan3A_439 = %scan3A_345#9, %scan3A_440 = %scan3A_345#10, %scan3A_441 = %scan3A_345#11, %scan3A_442 = %scan3A_345#12, %scan3A_443 = %scan3A_345#13, %scan3A_444 = %scan3A_345#14, %scan3A_445 = %scan3A_345#15, %scan3A_446 = %scan3A_345#16, %scan3A_447 = %scan3A_345#17, %scan3A_448 = %scan3A_345#18, %scan3A_449 = %scan3A_345#19, %scan3A_450 = %scan3A_345#20, %scan3A_451 = %scan3A_345#21, %scan3A_452 = %scan3A_345#22, %scan3A_453 = %scan3A_345#23, %scan3A_454 = %scan3A_345#24, %scan3A_455 = %scan3A_345#25, %scan3A_456 = %scan3A_345#26, %scan3A_457 = %scan3A_345#27, %scan3A_458 = %scan3A_345#28, %scan3A_459 = %scan3A_345#29, %scan3A_460 = %scan3A_345#30, %scan3A_461 = %scan3A_345#31, %scan3A_462 = %scan3A_345#32, %scan3A_463 = %scan3A_345#33, %scan3A_464 = %scan3A_345#34) -> (i32, f32, vector<16xf32>, vector<16xf32>, vector<16xf32>, vector<16xf32>, vector<16xf32>, vector<16xf32>, vector<16xf32>, vector<16xf32>, vector<16xf32>, vector<16xf32>, vector<16xf32>, vector<16xf32>, vector<16xf32>, vector<16xf32>, vector<16xf32>, vector<16xf32>, vector<16xf32>, vector<16xf32>, vector<16xf32>, vector<16xf32>, vector<16xf32>, vector<16xf32>, vector<16xf32>, vector<16xf32>, vector<16xf32>, vector<16xf32>, vector<16xf32>, vector<16xf32>, vector<16xf32>, vector<16xf32>, vector<16xf32>, vector<16xf32>, vector<16xf32>)  : i32 {
        %get3A_465 = arith.index_cast %scan3A_429 : i32 to index
        %get3A_466 = tpu.vector_load %arg16[%get3A_465] {strides = array<i32>} : memref<224xi32, #tpu.memory_space<vmem>>, vector<16xi32>,
        %get3A_467 = vector.shape_cast %get3A_466 : vector<16xi32> to vector<16xi32>
        %slice3A_468 = vector.extract_strided_slice %get3A_467 {offsets = [0], sizes = [1], strides = [1]} : vector<16xi32> to vector<1xi32>
        %squeeze3A_469 = vector.extract %slice3A_468[0] : i32 from vector<1xi32>
        %sub3A_470 = arith.subi %squeeze3A_469, %mul3A_114 : i32
        %ge3A_471 = arith.cmpi sge, %scan3A_429, %sub3A_360 : i32
        %ne3A_472 = arith.cmpi ne, %sub3A_470, %scan3A_430 : i32
        %and3A_473 = arith.andi %ne3A_472, %ge3A_471 : i1
        %ge3A_474 = arith.constant 0 : i32
        %ge3A_475 = arith.cmpi sge, %scan3A_430, %ge3A_474 : i32
        %lt3A_476 = arith.constant 64 : i32
        %lt3A_477 = arith.cmpi slt, %scan3A_430, %lt3A_476 : i32
        %and3A_478 = arith.andi %ge3A_475, %lt3A_477 : i1
        %and3A_479 = arith.andi %and3A_473, %and3A_478 : i1
        %convert_element_type3A_480 = arith.extui %and3A_479 : i1 to i32
        %cond3A_481 = arith.constant 0 : i32
        %cond3A_482 = arith.cmpi ne, %convert_element_type3A_480, %cond3A_481 : i32
        scf.if %cond3A_482 {
          %broadcast_in_dim3A_747 = vector.broadcast %scan3A_431 : f32 to vector<16xf32>
          %max3A_748 = arith.constant 1.000000e+00 : f32
          %max3A_749 = vector.broadcast %max3A_748 : f32 to vector<16xf32>
          %max3A_750 = arith.maximumf %broadcast_in_dim3A_747, %max3A_749 : vector<16xf32>
          %div3A_751 = arith.constant 1.000000e+00 : f32
          %div3A_752 = vector.broadcast %div3A_751 : f32 to vector<16xf32>
          %div3A_753 = arith.divf %div3A_752, %max3A_750 : vector<16xf32>
          %mul3A_754 = arith.mulf %scan3A_464, %div3A_753 : vector<16xf32>
          %slice3A_755 = vector.extract_strided_slice %mul3A_754 {offsets = [0], sizes = [1], strides = [1]} : vector<16xf32> to vector<1xf32>
          %squeeze3A_756 = vector.extract %slice3A_755[0] : f32 from vector<1xf32>
          %broadcast_in_dim3A_757 = vector.broadcast %squeeze3A_756 : f32 to vector<16xf32>
          %slice3A_758 = vector.extract_strided_slice %mul3A_754 {offsets = [1], sizes = [1], strides = [1]} : vector<16xf32> to vector<1xf32>
          %squeeze3A_759 = vector.extract %slice3A_758[0] : f32 from vector<1xf32>
          %broadcast_in_dim3A_760 = vector.broadcast %squeeze3A_759 : f32 to vector<16xf32>
          %slice3A_761 = vector.extract_strided_slice %mul3A_754 {offsets = [2], sizes = [1], strides = [1]} : vector<16xf32> to vector<1xf32>
          %squeeze3A_762 = vector.extract %slice3A_761[0] : f32 from vector<1xf32>
          %broadcast_in_dim3A_763 = vector.broadcast %squeeze3A_762 : f32 to vector<16xf32>
          %swap3A = arith.constant 16 : index
          %swap3A_764 = tpu.vector_load %arg22[%swap3A] {strides = array<i32>} : memref<448xf32, #tpu.memory_space<vmem>>, vector<16xf32>,
          %swap3A_765 = vector.shape_cast %swap3A_764 : vector<16xf32> to vector<16xf32>
          %swap3A_766 = vector.shape_cast %scan3A_452 : vector<16xf32> to vector<16xf32>
          tpu.vector_store %arg22[%swap3A], %swap3A_766 {strides = array<i32>} : memref<448xf32, #tpu.memory_space<vmem>>, vector<16xf32>,
          %swap3A_767 = arith.constant 96 : index
          %swap3A_768 = tpu.vector_load %arg22[%swap3A_767] {strides = array<i32>} : memref<448xf32, #tpu.memory_space<vmem>>, vector<16xf32>,
          %swap3A_769 = vector.shape_cast %swap3A_768 : vector<16xf32> to vector<16xf32>
          %swap3A_770 = vector.shape_cast %scan3A_456 : vector<16xf32> to vector<16xf32>
          tpu.vector_store %arg22[%swap3A_767], %swap3A_770 {strides = array<i32>} : memref<448xf32, #tpu.memory_space<vmem>>, vector<16xf32>,
          %swap3A_771 = arith.constant 176 : index
          %swap3A_772 = tpu.vector_load %arg22[%swap3A_771] {strides = array<i32>} : memref<448xf32, #tpu.memory_space<vmem>>, vector<16xf32>,
          %swap3A_773 = vector.shape_cast %swap3A_772 : vector<16xf32> to vector<16xf32>
          %swap3A_774 = vector.shape_cast %scan3A_460 : vector<16xf32> to vector<16xf32>
          tpu.vector_store %arg22[%swap3A_771], %swap3A_774 {strides = array<i32>} : memref<448xf32, #tpu.memory_space<vmem>>, vector<16xf32>,
          %swap3A_775 = arith.constant 256 : index
          %swap3A_776 = tpu.vector_load %arg22[%swap3A_775] {strides = array<i32>} : memref<448xf32, #tpu.memory_space<vmem>>, vector<16xf32>,
          %swap3A_777 = vector.shape_cast %swap3A_776 : vector<16xf32> to vector<16xf32>
          %swap3A_778 = vector.shape_cast %scan3A_440 : vector<16xf32> to vector<16xf32>
          tpu.vector_store %arg22[%swap3A_775], %swap3A_778 {strides = array<i32>} : memref<448xf32, #tpu.memory_space<vmem>>, vector<16xf32>,
          %swap3A_779 = arith.constant 32 : index
          %swap3A_780 = tpu.vector_load %arg22[%swap3A_779] {strides = array<i32>} : memref<448xf32, #tpu.memory_space<vmem>>, vector<16xf32>,
          %swap3A_781 = vector.shape_cast %swap3A_780 : vector<16xf32> to vector<16xf32>
          %swap3A_782 = vector.shape_cast %scan3A_453 : vector<16xf32> to vector<16xf32>
          tpu.vector_store %arg22[%swap3A_779], %swap3A_782 {strides = array<i32>} : memref<448xf32, #tpu.memory_space<vmem>>, vector<16xf32>,
          %swap3A_783 = arith.constant 112 : index
          %swap3A_784 = tpu.vector_load %arg22[%swap3A_783] {strides = array<i32>} : memref<448xf32, #tpu.memory_space<vmem>>, vector<16xf32>,
          %swap3A_785 = vector.shape_cast %swap3A_784 : vector<16xf32> to vector<16xf32>
          %swap3A_786 = vector.shape_cast %scan3A_457 : vector<16xf32> to vector<16xf32>
          tpu.vector_store %arg22[%swap3A_783], %swap3A_786 {strides = array<i32>} : memref<448xf32, #tpu.memory_space<vmem>>, vector<16xf32>,
          %swap3A_787 = arith.constant 192 : index
          %swap3A_788 = tpu.vector_load %arg22[%swap3A_787] {strides = array<i32>} : memref<448xf32, #tpu.memory_space<vmem>>, vector<16xf32>,
          %swap3A_789 = vector.shape_cast %swap3A_788 : vector<16xf32> to vector<16xf32>
          %swap3A_790 = vector.shape_cast %scan3A_461 : vector<16xf32> to vector<16xf32>
          tpu.vector_store %arg22[%swap3A_787], %swap3A_790 {strides = array<i32>} : memref<448xf32, #tpu.memory_space<vmem>>, vector<16xf32>,
          %swap3A_791 = arith.constant 272 : index
          %swap3A_792 = tpu.vector_load %arg22[%swap3A_791] {strides = array<i32>} : memref<448xf32, #tpu.memory_space<vmem>>, vector<16xf32>,
          %swap3A_793 = vector.shape_cast %swap3A_792 : vector<16xf32> to vector<16xf32>
          %swap3A_794 = vector.shape_cast %scan3A_441 : vector<16xf32> to vector<16xf32>
          tpu.vector_store %arg22[%swap3A_791], %swap3A_794 {strides = array<i32>} : memref<448xf32, #tpu.memory_space<vmem>>, vector<16xf32>,
          %swap3A_795 = arith.constant 48 : index
          %swap3A_796 = tpu.vector_load %arg22[%swap3A_795] {strides = array<i32>} : memref<448xf32, #tpu.memory_space<vmem>>, vector<16xf32>,
          %swap3A_797 = vector.shape_cast %swap3A_796 : vector<16xf32> to vector<16xf32>
          %swap3A_798 = vector.shape_cast %scan3A_454 : vector<16xf32> to vector<16xf32>
          tpu.vector_store %arg22[%swap3A_795], %swap3A_798 {strides = array<i32>} : memref<448xf32, #tpu.memory_space<vmem>>, vector<16xf32>,
          %swap3A_799 = arith.constant 128 : index
          %swap3A_800 = tpu.vector_load %arg22[%swap3A_799] {strides = array<i32>} : memref<448xf32, #tpu.memory_space<vmem>>, vector<16xf32>,
          %swap3A_801 = vector.shape_cast %swap3A_800 : vector<16xf32> to vector<16xf32>
          %swap3A_802 = vector.shape_cast %scan3A_458 : vector<16xf32> to vector<16xf32>
          tpu.vector_store %arg22[%swap3A_799], %swap3A_802 {strides = array<i32>} : memref<448xf32, #tpu.memory_space<vmem>>, vector<16xf32>,
          %swap3A_803 = arith.constant 208 : index
          %swap3A_804 = tpu.vector_load %arg22[%swap3A_803] {strides = array<i32>} : memref<448xf32, #tpu.memory_space<vmem>>, vector<16xf32>,
          %swap3A_805 = vector.shape_cast %swap3A_804 : vector<16xf32> to vector<16xf32>
          %swap3A_806 = vector.shape_cast %scan3A_462 : vector<16xf32> to vector<16xf32>
          tpu.vector_store %arg22[%swap3A_803], %swap3A_806 {strides = array<i32>} : memref<448xf32, #tpu.memory_space<vmem>>, vector<16xf32>,
          %swap3A_807 = arith.constant 288 : index
          %swap3A_808 = tpu.vector_load %arg22[%swap3A_807] {strides = array<i32>} : memref<448xf32, #tpu.memory_space<vmem>>, vector<16xf32>,
          %swap3A_809 = vector.shape_cast %swap3A_808 : vector<16xf32> to vector<16xf32>
          %swap3A_810 = vector.shape_cast %scan3A_442 : vector<16xf32> to vector<16xf32>
          tpu.vector_store %arg22[%swap3A_807], %swap3A_810 {strides = array<i32>} : memref<448xf32, #tpu.memory_space<vmem>>, vector<16xf32>,
          %swap3A_811 = arith.constant 64 : index
          %swap3A_812 = tpu.vector_load %arg22[%swap3A_811] {strides = array<i32>} : memref<448xf32, #tpu.memory_space<vmem>>, vector<16xf32>,
          %swap3A_813 = vector.shape_cast %swap3A_812 : vector<16xf32> to vector<16xf32>
          %swap3A_814 = vector.shape_cast %scan3A_455 : vector<16xf32> to vector<16xf32>
          tpu.vector_store %arg22[%swap3A_811], %swap3A_814 {strides = array<i32>} : memref<448xf32, #tpu.memory_space<vmem>>, vector<16xf32>,
          %swap3A_815 = arith.constant 144 : index
          %swap3A_816 = tpu.vector_load %arg22[%swap3A_815] {strides = array<i32>} : memref<448xf32, #tpu.memory_space<vmem>>, vector<16xf32>,
          %swap3A_817 = vector.shape_cast %swap3A_816 : vector<16xf32> to vector<16xf32>
          %swap3A_818 = vector.shape_cast %scan3A_459 : vector<16xf32> to vector<16xf32>
          tpu.vector_store %arg22[%swap3A_815], %swap3A_818 {strides = array<i32>} : memref<448xf32, #tpu.memory_space<vmem>>, vector<16xf32>,
          %swap3A_819 = arith.constant 224 : index
          %swap3A_820 = tpu.vector_load %arg22[%swap3A_819] {strides = array<i32>} : memref<448xf32, #tpu.memory_space<vmem>>, vector<16xf32>,
          %swap3A_821 = vector.shape_cast %swap3A_820 : vector<16xf32> to vector<16xf32>
          %swap3A_822 = vector.shape_cast %scan3A_463 : vector<16xf32> to vector<16xf32>
          tpu.vector_store %arg22[%swap3A_819], %swap3A_822 {strides = array<i32>} : memref<448xf32, #tpu.memory_space<vmem>>, vector<16xf32>,
          %swap3A_823 = arith.constant 304 : index
          %swap3A_824 = tpu.vector_load %arg22[%swap3A_823] {strides = array<i32>} : memref<448xf32, #tpu.memory_space<vmem>>, vector<16xf32>,
          %swap3A_825 = vector.shape_cast %swap3A_824 : vector<16xf32> to vector<16xf32>
          %swap3A_826 = vector.shape_cast %scan3A_443 : vector<16xf32> to vector<16xf32>
          tpu.vector_store %arg22[%swap3A_823], %swap3A_826 {strides = array<i32>} : memref<448xf32, #tpu.memory_space<vmem>>, vector<16xf32>,
          %mul3A_827 = arith.constant 60 : i32
          %mul3A_828 = arith.muli %mul3A_827, %scan3A_430 : i32
          %get3A_829 = arith.constant 64 : index
          %get3A_830 = tpu.vector_load %arg21[%get3A_829] {strides = array<i32>} : memref<80xf32, #tpu.memory_space<vmem>>, vector<16xf32>,
          %get3A_831 = vector.shape_cast %get3A_830 : vector<16xf32> to vector<16xf32>
          %mul3A_832 = arith.mulf %broadcast_in_dim3A_757, %get3A_18 : vector<16xf32>
          %mul3A_833 = arith.mulf %broadcast_in_dim3A_760, %get3A_21 : vector<16xf32>
          %add3A_834 = arith.addf %mul3A_832, %mul3A_833 : vector<16xf32>
          %mul3A_835 = arith.mulf %broadcast_in_dim3A_763, %get3A_24 : vector<16xf32>
          %add3A_836 = arith.addf %add3A_834, %mul3A_835 : vector<16xf32>
          %add3A_837 = arith.addf %scan3A_432, %scan3A_448 : vector<16xf32>
          %mul3A_838 = arith.mulf %scan3A_444, %add3A_836 : vector<16xf32>
          %sub3A_839 = arith.subf %add3A_837, %mul3A_838 : vector<16xf32>
          %get3A_840 = arith.constant 98 : index
          %get3A_841 = tpu.vector_load %arg22[%get3A_840] {strides = array<i32>} : memref<448xf32, #tpu.memory_space<vmem>>, vector<16xf32>,
          %get3A_842 = vector.shape_cast %get3A_841 : vector<16xf32> to vector<16xf32>
          %get3A_843 = arith.constant 177 : index
          %get3A_844 = tpu.vector_load %arg22[%get3A_843] {strides = array<i32>} : memref<448xf32, #tpu.memory_space<vmem>>, vector<16xf32>,
          %get3A_845 = vector.shape_cast %get3A_844 : vector<16xf32> to vector<16xf32>
          %sub3A_846 = arith.subf %get3A_842, %get3A_845 : vector<16xf32>
          %mul3A_847 = arith.mulf %get3A_18, %sub3A_846 : vector<16xf32>
          %get3A_848 = arith.constant 175 : index
          %get3A_849 = tpu.vector_load %arg22[%get3A_848] {strides = array<i32>} : memref<448xf32, #tpu.memory_space<vmem>>, vector<16xf32>,
          %get3A_850 = vector.shape_cast %get3A_849 : vector<16xf32> to vector<16xf32>
          %get3A_851 = arith.constant 17 : index
          %get3A_852 = tpu.vector_load %arg22[%get3A_851] {strides = array<i32>} : memref<448xf32, #tpu.memory_space<vmem>>, vector<16xf32>,
          %get3A_853 = vector.shape_cast %get3A_852 : vector<16xf32> to vector<16xf32>
          %sub3A_854 = arith.subf %get3A_850, %get3A_853 : vector<16xf32>
          %mul3A_855 = arith.mulf %get3A_21, %sub3A_854 : vector<16xf32>
          %add3A_856 = arith.addf %mul3A_847, %mul3A_855 : vector<16xf32>
          %get3A_857 = arith.constant 15 : index
          %get3A_858 = tpu.vector_load %arg22[%get3A_857] {strides = array<i32>} : memref<448xf32, #tpu.memory_space<vmem>>, vector<16xf32>,
          %get3A_859 = vector.shape_cast %get3A_858 : vector<16xf32> to vector<16xf32>
          %get3A_860 = arith.constant 94 : index
          %get3A_861 = tpu.vector_load %arg22[%get3A_860] {strides = array<i32>} : memref<448xf32, #tpu.memory_space<vmem>>, vector<16xf32>,
          %get3A_862 = vector.shape_cast %get3A_861 : vector<16xf32> to vector<16xf32>
          %sub3A_863 = arith.subf %get3A_859, %get3A_862 : vector<16xf32>
          %mul3A_864 = arith.mulf %get3A_24, %sub3A_863 : vector<16xf32>
          %add3A_865 = arith.addf %add3A_856, %mul3A_864 : vector<16xf32>
          %get3A_866 = arith.constant 257 : index
          %get3A_867 = tpu.vector_load %arg22[%get3A_866] {strides = array<i32>} : memref<448xf32, #tpu.memory_space<vmem>>, vector<16xf32>,
          %get3A_868 = vector.shape_cast %get3A_867 : vector<16xf32> to vector<16xf32>
          %get3A_869 = arith.constant 255 : index
          %get3A_870 = tpu.vector_load %arg22[%get3A_869] {strides = array<i32>} : memref<448xf32, #tpu.memory_space<vmem>>, vector<16xf32>,
          %get3A_871 = vector.shape_cast %get3A_870 : vector<16xf32> to vector<16xf32>
          %get3A_872 = arith.constant 258 : index
          %get3A_873 = tpu.vector_load %arg22[%get3A_872] {strides = array<i32>} : memref<448xf32, #tpu.memory_space<vmem>>, vector<16xf32>,
          %get3A_874 = vector.shape_cast %get3A_873 : vector<16xf32> to vector<16xf32>
          %mul3A_875 = arith.mulf %broadcast_in_dim3A_760, %get3A_874 : vector<16xf32>
          %mul3A_876 = arith.mulf %broadcast_in_dim3A_763, %get3A_868 : vector<16xf32>
          %sub3A_877 = arith.subf %mul3A_875, %mul3A_876 : vector<16xf32>
          %mul3A_878 = arith.mulf %get3A_18, %sub3A_877 : vector<16xf32>
          %mul3A_879 = arith.mulf %broadcast_in_dim3A_763, %get3A_871 : vector<16xf32>
          %mul3A_880 = arith.mulf %broadcast_in_dim3A_757, %get3A_868 : vector<16xf32>
          %sub3A_881 = arith.subf %mul3A_879, %mul3A_880 : vector<16xf32>
          %mul3A_882 = arith.mulf %get3A_21, %sub3A_881 : vector<16xf32>
          %add3A_883 = arith.addf %mul3A_878, %mul3A_882 : vector<16xf32>
          %mul3A_884 = arith.mulf %broadcast_in_dim3A_757, %get3A_871 : vector<16xf32>
          %get3A_885 = arith.constant 254 : index
          %get3A_886 = tpu.vector_load %arg22[%get3A_885] {strides = array<i32>} : memref<448xf32, #tpu.memory_space<vmem>>, vector<16xf32>,
          %get3A_887 = vector.shape_cast %get3A_886 : vector<16xf32> to vector<16xf32>
          %mul3A_888 = arith.mulf %broadcast_in_dim3A_760, %get3A_887 : vector<16xf32>
          %sub3A_889 = arith.subf %mul3A_884, %mul3A_888 : vector<16xf32>
          %mul3A_890 = arith.mulf %get3A_24, %sub3A_889 : vector<16xf32>
          %add3A_891 = arith.addf %add3A_883, %mul3A_890 : vector<16xf32>
          %sub3A_892 = arith.subf %add3A_865, %add3A_891 : vector<16xf32>
          %mul3A_893 = arith.constant 5.000000e-01 : f32
          %mul3A_894 = vector.broadcast %mul3A_893 : f32 to vector<16xf32>
          %mul3A_895 = arith.mulf %mul3A_894, %sub3A_892 : vector<16xf32>
          %add3A_896 = arith.addf %scan3A_436, %mul3A_895 : vector<16xf32>
          %mul3A_897 = arith.mulf %broadcast_in_dim3A_757, %get3A_24 : vector<16xf32>
          %mul3A_898 = arith.mulf %broadcast_in_dim3A_760, %get3A_18 : vector<16xf32>
          %add3A_899 = arith.addf %mul3A_897, %mul3A_898 : vector<16xf32>
          %mul3A_900 = arith.mulf %broadcast_in_dim3A_763, %get3A_21 : vector<16xf32>
          %add3A_901 = arith.addf %add3A_899, %mul3A_900 : vector<16xf32>
          %add3A_902 = arith.addf %scan3A_433, %scan3A_449 : vector<16xf32>
          %mul3A_903 = arith.mulf %scan3A_445, %add3A_901 : vector<16xf32>
          %sub3A_904 = arith.subf %add3A_902, %mul3A_903 : vector<16xf32>
          %get3A_905 = arith.constant 114 : index
          %get3A_906 = tpu.vector_load %arg22[%get3A_905] {strides = array<i32>} : memref<448xf32, #tpu.memory_space<vmem>>, vector<16xf32>,
          %get3A_907 = vector.shape_cast %get3A_906 : vector<16xf32> to vector<16xf32>
          %get3A_908 = arith.constant 193 : index
          %get3A_909 = tpu.vector_load %arg22[%get3A_908] {strides = array<i32>} : memref<448xf32, #tpu.memory_space<vmem>>, vector<16xf32>,
          %get3A_910 = vector.shape_cast %get3A_909 : vector<16xf32> to vector<16xf32>
          %sub3A_911 = arith.subf %get3A_907, %get3A_910 : vector<16xf32>
          %mul3A_912 = arith.mulf %get3A_24, %sub3A_911 : vector<16xf32>
          %get3A_913 = arith.constant 191 : index
          %get3A_914 = tpu.vector_load %arg22[%get3A_913] {strides = array<i32>} : memref<448xf32, #tpu.memory_space<vmem>>, vector<16xf32>,
          %get3A_915 = vector.shape_cast %get3A_914 : vector<16xf32> to vector<16xf32>
          %get3A_916 = arith.constant 33 : index
          %get3A_917 = tpu.vector_load %arg22[%get3A_916] {strides = array<i32>} : memref<448xf32, #tpu.memory_space<vmem>>, vector<16xf32>,
          %get3A_918 = vector.shape_cast %get3A_917 : vector<16xf32> to vector<16xf32>
          %sub3A_919 = arith.subf %get3A_915, %get3A_918 : vector<16xf32>
          %mul3A_920 = arith.mulf %get3A_18, %sub3A_919 : vector<16xf32>
          %add3A_921 = arith.addf %mul3A_912, %mul3A_920 : vector<16xf32>
          %get3A_922 = arith.constant 31 : index
          %get3A_923 = tpu.vector_load %arg22[%get3A_922] {strides = array<i32>} : memref<448xf32, #tpu.memory_space<vmem>>, vector<16xf32>,
          %get3A_924 = vector.shape_cast %get3A_923 : vector<16xf32> to vector<16xf32>
          %get3A_925 = arith.constant 110 : index
          %get3A_926 = tpu.vector_load %arg22[%get3A_925] {strides = array<i32>} : memref<448xf32, #tpu.memory_space<vmem>>, vector<16xf32>,
          %get3A_927 = vector.shape_cast %get3A_926 : vector<16xf32> to vector<16xf32>
          %sub3A_928 = arith.subf %get3A_924, %get3A_927 : vector<16xf32>
          %mul3A_929 = arith.mulf %get3A_21, %sub3A_928 : vector<16xf32>
          %add3A_930 = arith.addf %add3A_921, %mul3A_929 : vector<16xf32>
          %get3A_931 = arith.constant 273 : index
          %get3A_932 = tpu.vector_load %arg22[%get3A_931] {strides = array<i32>} : memref<448xf32, #tpu.memory_space<vmem>>, vector<16xf32>,
          %get3A_933 = vector.shape_cast %get3A_932 : vector<16xf32> to vector<16xf32>
          %get3A_934 = arith.constant 271 : index
          %get3A_935 = tpu.vector_load %arg22[%get3A_934] {strides = array<i32>} : memref<448xf32, #tpu.memory_space<vmem>>, vector<16xf32>,
          %get3A_936 = vector.shape_cast %get3A_935 : vector<16xf32> to vector<16xf32>
          %get3A_937 = arith.constant 274 : index
          %get3A_938 = tpu.vector_load %arg22[%get3A_937] {strides = array<i32>} : memref<448xf32, #tpu.memory_space<vmem>>, vector<16xf32>,
          %get3A_939 = vector.shape_cast %get3A_938 : vector<16xf32> to vector<16xf32>
          %mul3A_940 = arith.mulf %broadcast_in_dim3A_760, %get3A_939 : vector<16xf32>
          %mul3A_941 = arith.mulf %broadcast_in_dim3A_763, %get3A_933 : vector<16xf32>
          %sub3A_942 = arith.subf %mul3A_940, %mul3A_941 : vector<16xf32>
          %mul3A_943 = arith.mulf %get3A_24, %sub3A_942 : vector<16xf32>
          %mul3A_944 = arith.mulf %broadcast_in_dim3A_763, %get3A_936 : vector<16xf32>
          %mul3A_945 = arith.mulf %broadcast_in_dim3A_757, %get3A_933 : vector<16xf32>
          %sub3A_946 = arith.subf %mul3A_944, %mul3A_945 : vector<16xf32>
          %mul3A_947 = arith.mulf %get3A_18, %sub3A_946 : vector<16xf32>
          %add3A_948 = arith.addf %mul3A_943, %mul3A_947 : vector<16xf32>
          %mul3A_949 = arith.mulf %broadcast_in_dim3A_757, %get3A_936 : vector<16xf32>
          %get3A_950 = arith.constant 270 : index
          %get3A_951 = tpu.vector_load %arg22[%get3A_950] {strides = array<i32>} : memref<448xf32, #tpu.memory_space<vmem>>, vector<16xf32>,
          %get3A_952 = vector.shape_cast %get3A_951 : vector<16xf32> to vector<16xf32>
          %mul3A_953 = arith.mulf %broadcast_in_dim3A_760, %get3A_952 : vector<16xf32>
          %sub3A_954 = arith.subf %mul3A_949, %mul3A_953 : vector<16xf32>
          %mul3A_955 = arith.mulf %get3A_21, %sub3A_954 : vector<16xf32>
          %add3A_956 = arith.addf %add3A_948, %mul3A_955 : vector<16xf32>
          %sub3A_957 = arith.subf %add3A_930, %add3A_956 : vector<16xf32>
          %mul3A_958 = arith.constant 5.000000e-01 : f32
          %mul3A_959 = vector.broadcast %mul3A_958 : f32 to vector<16xf32>
          %mul3A_960 = arith.mulf %mul3A_959, %sub3A_957 : vector<16xf32>
          %add3A_961 = arith.addf %scan3A_437, %mul3A_960 : vector<16xf32>
          %mul3A_962 = arith.mulf %broadcast_in_dim3A_757, %get3A_21 : vector<16xf32>
          %mul3A_963 = arith.mulf %broadcast_in_dim3A_760, %get3A_24 : vector<16xf32>
          %add3A_964 = arith.addf %mul3A_962, %mul3A_963 : vector<16xf32>
          %mul3A_965 = arith.mulf %broadcast_in_dim3A_763, %get3A_18 : vector<16xf32>
          %add3A_966 = arith.addf %add3A_964, %mul3A_965 : vector<16xf32>
          %add3A_967 = arith.addf %scan3A_434, %scan3A_450 : vector<16xf32>
          %mul3A_968 = arith.mulf %scan3A_446, %add3A_966 : vector<16xf32>
          %sub3A_969 = arith.subf %add3A_967, %mul3A_968 : vector<16xf32>
          %get3A_970 = arith.constant 130 : index
          %get3A_971 = tpu.vector_load %arg22[%get3A_970] {strides = array<i32>} : memref<448xf32, #tpu.memory_space<vmem>>, vector<16xf32>,
          %get3A_972 = vector.shape_cast %get3A_971 : vector<16xf32> to vector<16xf32>
          %get3A_973 = arith.constant 209 : index
          %get3A_974 = tpu.vector_load %arg22[%get3A_973] {strides = array<i32>} : memref<448xf32, #tpu.memory_space<vmem>>, vector<16xf32>,
          %get3A_975 = vector.shape_cast %get3A_974 : vector<16xf32> to vector<16xf32>
          %sub3A_976 = arith.subf %get3A_972, %get3A_975 : vector<16xf32>
          %mul3A_977 = arith.mulf %get3A_21, %sub3A_976 : vector<16xf32>
          %get3A_978 = arith.constant 207 : index
          %get3A_979 = tpu.vector_load %arg22[%get3A_978] {strides = array<i32>} : memref<448xf32, #tpu.memory_space<vmem>>, vector<16xf32>,
          %get3A_980 = vector.shape_cast %get3A_979 : vector<16xf32> to vector<16xf32>
          %get3A_981 = arith.constant 49 : index
          %get3A_982 = tpu.vector_load %arg22[%get3A_981] {strides = array<i32>} : memref<448xf32, #tpu.memory_space<vmem>>, vector<16xf32>,
          %get3A_983 = vector.shape_cast %get3A_982 : vector<16xf32> to vector<16xf32>
          %sub3A_984 = arith.subf %get3A_980, %get3A_983 : vector<16xf32>
          %mul3A_985 = arith.mulf %get3A_24, %sub3A_984 : vector<16xf32>
          %add3A_986 = arith.addf %mul3A_977, %mul3A_985 : vector<16xf32>
          %get3A_987 = arith.constant 47 : index
          %get3A_988 = tpu.vector_load %arg22[%get3A_987] {strides = array<i32>} : memref<448xf32, #tpu.memory_space<vmem>>, vector<16xf32>,
          %get3A_989 = vector.shape_cast %get3A_988 : vector<16xf32> to vector<16xf32>
          %get3A_990 = arith.constant 126 : index
          %get3A_991 = tpu.vector_load %arg22[%get3A_990] {strides = array<i32>} : memref<448xf32, #tpu.memory_space<vmem>>, vector<16xf32>,
          %get3A_992 = vector.shape_cast %get3A_991 : vector<16xf32> to vector<16xf32>
          %sub3A_993 = arith.subf %get3A_989, %get3A_992 : vector<16xf32>
          %mul3A_994 = arith.mulf %get3A_18, %sub3A_993 : vector<16xf32>
          %add3A_995 = arith.addf %add3A_986, %mul3A_994 : vector<16xf32>
          %get3A_996 = arith.constant 289 : index
          %get3A_997 = tpu.vector_load %arg22[%get3A_996] {strides = array<i32>} : memref<448xf32, #tpu.memory_space<vmem>>, vector<16xf32>,
          %get3A_998 = vector.shape_cast %get3A_997 : vector<16xf32> to vector<16xf32>
          %get3A_999 = arith.constant 287 : index
          %get3A_1000 = tpu.vector_load %arg22[%get3A_999] {strides = array<i32>} : memref<448xf32, #tpu.memory_space<vmem>>, vector<16xf32>,
          %get3A_1001 = vector.shape_cast %get3A_1000 : vector<16xf32> to vector<16xf32>
          %get3A_1002 = arith.constant 290 : index
          %get3A_1003 = tpu.vector_load %arg22[%get3A_1002] {strides = array<i32>} : memref<448xf32, #tpu.memory_space<vmem>>, vector<16xf32>,
          %get3A_1004 = vector.shape_cast %get3A_1003 : vector<16xf32> to vector<16xf32>
          %mul3A_1005 = arith.mulf %broadcast_in_dim3A_760, %get3A_1004 : vector<16xf32>
          %mul3A_1006 = arith.mulf %broadcast_in_dim3A_763, %get3A_998 : vector<16xf32>
          %sub3A_1007 = arith.subf %mul3A_1005, %mul3A_1006 : vector<16xf32>
          %mul3A_1008 = arith.mulf %get3A_21, %sub3A_1007 : vector<16xf32>
          %mul3A_1009 = arith.mulf %broadcast_in_dim3A_763, %get3A_1001 : vector<16xf32>
          %mul3A_1010 = arith.mulf %broadcast_in_dim3A_757, %get3A_998 : vector<16xf32>
          %sub3A_1011 = arith.subf %mul3A_1009, %mul3A_1010 : vector<16xf32>
          %mul3A_1012 = arith.mulf %get3A_24, %sub3A_1011 : vector<16xf32>
          %add3A_1013 = arith.addf %mul3A_1008, %mul3A_1012 : vector<16xf32>
          %mul3A_1014 = arith.mulf %broadcast_in_dim3A_757, %get3A_1001 : vector<16xf32>
          %get3A_1015 = arith.constant 286 : index
          %get3A_1016 = tpu.vector_load %arg22[%get3A_1015] {strides = array<i32>} : memref<448xf32, #tpu.memory_space<vmem>>, vector<16xf32>,
          %get3A_1017 = vector.shape_cast %get3A_1016 : vector<16xf32> to vector<16xf32>
          %mul3A_1018 = arith.mulf %broadcast_in_dim3A_760, %get3A_1017 : vector<16xf32>
          %sub3A_1019 = arith.subf %mul3A_1014, %mul3A_1018 : vector<16xf32>
          %mul3A_1020 = arith.mulf %get3A_18, %sub3A_1019 : vector<16xf32>
          %add3A_1021 = arith.addf %add3A_1013, %mul3A_1020 : vector<16xf32>
          %sub3A_1022 = arith.subf %add3A_995, %add3A_1021 : vector<16xf32>
          %mul3A_1023 = arith.constant 5.000000e-01 : f32
          %mul3A_1024 = vector.broadcast %mul3A_1023 : f32 to vector<16xf32>
          %mul3A_1025 = arith.mulf %mul3A_1024, %sub3A_1022 : vector<16xf32>
          %add3A_1026 = arith.addf %scan3A_438, %mul3A_1025 : vector<16xf32>
          %mul3A_1027 = arith.mulf %broadcast_in_dim3A_757, %get3A_18 : vector<16xf32>
          %mul3A_1028 = arith.mulf %broadcast_in_dim3A_760, %get3A_21 : vector<16xf32>
          %add3A_1029 = arith.addf %mul3A_1027, %mul3A_1028 : vector<16xf32>
          %mul3A_1030 = arith.mulf %broadcast_in_dim3A_763, %get3A_24 : vector<16xf32>
          %add3A_1031 = arith.addf %add3A_1029, %mul3A_1030 : vector<16xf32>
          %add3A_1032 = arith.addf %scan3A_435, %scan3A_451 : vector<16xf32>
          %mul3A_1033 = arith.mulf %scan3A_447, %add3A_1031 : vector<16xf32>
          %sub3A_1034 = arith.subf %add3A_1032, %mul3A_1033 : vector<16xf32>
          %get3A_1035 = arith.constant 146 : index
          %get3A_1036 = tpu.vector_load %arg22[%get3A_1035] {strides = array<i32>} : memref<448xf32, #tpu.memory_space<vmem>>, vector<16xf32>,
          %get3A_1037 = vector.shape_cast %get3A_1036 : vector<16xf32> to vector<16xf32>
          %get3A_1038 = arith.constant 225 : index
          %get3A_1039 = tpu.vector_load %arg22[%get3A_1038] {strides = array<i32>} : memref<448xf32, #tpu.memory_space<vmem>>, vector<16xf32>,
          %get3A_1040 = vector.shape_cast %get3A_1039 : vector<16xf32> to vector<16xf32>
          %sub3A_1041 = arith.subf %get3A_1037, %get3A_1040 : vector<16xf32>
          %mul3A_1042 = arith.mulf %get3A_18, %sub3A_1041 : vector<16xf32>
          %get3A_1043 = arith.constant 223 : index
          %get3A_1044 = tpu.vector_load %arg22[%get3A_1043] {strides = array<i32>} : memref<448xf32, #tpu.memory_space<vmem>>, vector<16xf32>,
          %get3A_1045 = vector.shape_cast %get3A_1044 : vector<16xf32> to vector<16xf32>
          %get3A_1046 = arith.constant 65 : index
          %get3A_1047 = tpu.vector_load %arg22[%get3A_1046] {strides = array<i32>} : memref<448xf32, #tpu.memory_space<vmem>>, vector<16xf32>,
          %get3A_1048 = vector.shape_cast %get3A_1047 : vector<16xf32> to vector<16xf32>
          %sub3A_1049 = arith.subf %get3A_1045, %get3A_1048 : vector<16xf32>
          %mul3A_1050 = arith.mulf %get3A_21, %sub3A_1049 : vector<16xf32>
          %add3A_1051 = arith.addf %mul3A_1042, %mul3A_1050 : vector<16xf32>
          %get3A_1052 = arith.constant 63 : index
          %get3A_1053 = tpu.vector_load %arg22[%get3A_1052] {strides = array<i32>} : memref<448xf32, #tpu.memory_space<vmem>>, vector<16xf32>,
          %get3A_1054 = vector.shape_cast %get3A_1053 : vector<16xf32> to vector<16xf32>
          %get3A_1055 = arith.constant 142 : index
          %get3A_1056 = tpu.vector_load %arg22[%get3A_1055] {strides = array<i32>} : memref<448xf32, #tpu.memory_space<vmem>>, vector<16xf32>,
          %get3A_1057 = vector.shape_cast %get3A_1056 : vector<16xf32> to vector<16xf32>
          %sub3A_1058 = arith.subf %get3A_1054, %get3A_1057 : vector<16xf32>
          %mul3A_1059 = arith.mulf %get3A_24, %sub3A_1058 : vector<16xf32>
          %add3A_1060 = arith.addf %add3A_1051, %mul3A_1059 : vector<16xf32>
          %get3A_1061 = arith.constant 305 : index
          %get3A_1062 = tpu.vector_load %arg22[%get3A_1061] {strides = array<i32>} : memref<448xf32, #tpu.memory_space<vmem>>, vector<16xf32>,
          %get3A_1063 = vector.shape_cast %get3A_1062 : vector<16xf32> to vector<16xf32>
          %get3A_1064 = arith.constant 303 : index
          %get3A_1065 = tpu.vector_load %arg22[%get3A_1064] {strides = array<i32>} : memref<448xf32, #tpu.memory_space<vmem>>, vector<16xf32>,
          %get3A_1066 = vector.shape_cast %get3A_1065 : vector<16xf32> to vector<16xf32>
          %get3A_1067 = arith.constant 306 : index
          %get3A_1068 = tpu.vector_load %arg22[%get3A_1067] {strides = array<i32>} : memref<448xf32, #tpu.memory_space<vmem>>, vector<16xf32>,
          %get3A_1069 = vector.shape_cast %get3A_1068 : vector<16xf32> to vector<16xf32>
          %mul3A_1070 = arith.mulf %broadcast_in_dim3A_760, %get3A_1069 : vector<16xf32>
          %mul3A_1071 = arith.mulf %broadcast_in_dim3A_763, %get3A_1063 : vector<16xf32>
          %sub3A_1072 = arith.subf %mul3A_1070, %mul3A_1071 : vector<16xf32>
          %mul3A_1073 = arith.mulf %get3A_18, %sub3A_1072 : vector<16xf32>
          %mul3A_1074 = arith.mulf %broadcast_in_dim3A_763, %get3A_1066 : vector<16xf32>
          %mul3A_1075 = arith.mulf %broadcast_in_dim3A_757, %get3A_1063 : vector<16xf32>
          %sub3A_1076 = arith.subf %mul3A_1074, %mul3A_1075 : vector<16xf32>
          %mul3A_1077 = arith.mulf %get3A_21, %sub3A_1076 : vector<16xf32>
          %add3A_1078 = arith.addf %mul3A_1073, %mul3A_1077 : vector<16xf32>
          %mul3A_1079 = arith.mulf %broadcast_in_dim3A_757, %get3A_1066 : vector<16xf32>
          %get3A_1080 = arith.constant 302 : index
          %get3A_1081 = tpu.vector_load %arg22[%get3A_1080] {strides = array<i32>} : memref<448xf32, #tpu.memory_space<vmem>>, vector<16xf32>,
          %get3A_1082 = vector.shape_cast %get3A_1081 : vector<16xf32> to vector<16xf32>
          %mul3A_1083 = arith.mulf %broadcast_in_dim3A_760, %get3A_1082 : vector<16xf32>
          %sub3A_1084 = arith.subf %mul3A_1079, %mul3A_1083 : vector<16xf32>
          %mul3A_1085 = arith.mulf %get3A_24, %sub3A_1084 : vector<16xf32>
          %add3A_1086 = arith.addf %add3A_1078, %mul3A_1085 : vector<16xf32>
          %sub3A_1087 = arith.subf %add3A_1060, %add3A_1086 : vector<16xf32>
          %mul3A_1088 = arith.constant 5.000000e-01 : f32
          %mul3A_1089 = vector.broadcast %mul3A_1088 : f32 to vector<16xf32>
          %mul3A_1090 = arith.mulf %mul3A_1089, %sub3A_1087 : vector<16xf32>
          %add3A_1091 = arith.addf %scan3A_439, %mul3A_1090 : vector<16xf32>
          %add3A_1092 = arith.constant 48 : i32
          %add3A_1093 = arith.addi %mul3A_828, %add3A_1092 : i32
          %gt3A = arith.constant 5.000000e-01 : f32
          %gt3A_1094 = vector.broadcast %gt3A : f32 to vector<16xf32>
          %gt3A_1095 = arith.cmpf ogt, %get3A_831, %gt3A_1094 : vector<16xf32>
          %get3A_1096 = arith.index_cast %add3A_1093 : i32 to index
          %get3A_1097 = tpu.vector_load %arg23[%get3A_1096] {strides = array<i32>} : memref<3856xf32, #tpu.memory_space<vmem>>, vector<16xf32>,
          %get3A_1098 = vector.shape_cast %get3A_1097 : vector<16xf32> to vector<16xf32>
          %select_n3A_1099 = arith.select %gt3A_1095, %sub3A_1034, %get3A_1098 : vector<16xi1>, vector<16xf32>
          %gt3A_1100 = arith.constant 5.000000e-01 : f32
          %gt3A_1101 = vector.broadcast %gt3A_1100 : f32 to vector<16xf32>
          %gt3A_1102 = arith.cmpf ogt, %get3A_831, %gt3A_1101 : vector<16xf32>
          %get3A_1103 = arith.index_cast %add3A_1093 : i32 to index
          %get3A_1104 = tpu.vector_load %arg24[%get3A_1103] {strides = array<i32>} : memref<3856xf32, #tpu.memory_space<vmem>>, vector<16xf32>,
          %get3A_1105 = vector.shape_cast %get3A_1104 : vector<16xf32> to vector<16xf32>
          %select_n3A_1106 = arith.select %gt3A_1102, %add3A_1091, %get3A_1105 : vector<16xi1>, vector<16xf32>
          %add3A_1107 = arith.constant 0 : i32
          %add3A_1108 = arith.addi %mul3A_828, %add3A_1107 : i32
          %swap3A_1109 = arith.index_cast %add3A_1108 : i32 to index
          %swap3A_1110 = tpu.vector_load %arg23[%swap3A_1109] {strides = array<i32>} : memref<3856xf32, #tpu.memory_space<vmem>>, vector<16xf32>,
          %swap3A_1111 = vector.shape_cast %swap3A_1110 : vector<16xf32> to vector<16xf32>
          %swap3A_1112 = vector.shape_cast %sub3A_839 : vector<16xf32> to vector<16xf32>
          tpu.vector_store %arg23[%swap3A_1109], %swap3A_1112 {strides = array<i32>} : memref<3856xf32, #tpu.memory_space<vmem>>, vector<16xf32>,
          %add3A_1113 = arith.constant 0 : i32
          %add3A_1114 = arith.addi %mul3A_828, %add3A_1113 : i32
          %swap3A_1115 = arith.index_cast %add3A_1114 : i32 to index
          %swap3A_1116 = tpu.vector_load %arg24[%swap3A_1115] {strides = array<i32>} : memref<3856xf32, #tpu.memory_space<vmem>>, vector<16xf32>,
          %swap3A_1117 = vector.shape_cast %swap3A_1116 : vector<16xf32> to vector<16xf32>
          %swap3A_1118 = vector.shape_cast %add3A_896 : vector<16xf32> to vector<16xf32>
          tpu.vector_store %arg24[%swap3A_1115], %swap3A_1118 {strides = array<i32>} : memref<3856xf32, #tpu.memory_space<vmem>>, vector<16xf32>,
          %mul3A_1119 = arith.mulf %sub3A_839, %add3A_896 : vector<16xf32>
          %swap3A_1120 = arith.constant 336 : index
          %swap3A_1121 = tpu.vector_load %arg22[%swap3A_1120] {strides = array<i32>} : memref<448xf32, #tpu.memory_space<vmem>>, vector<16xf32>,
          %swap3A_1122 = vector.shape_cast %swap3A_1121 : vector<16xf32> to vector<16xf32>
          %swap3A_1123 = vector.shape_cast %mul3A_1119 : vector<16xf32> to vector<16xf32>
          tpu.vector_store %arg22[%swap3A_1120], %swap3A_1123 {strides = array<i32>} : memref<448xf32, #tpu.memory_space<vmem>>, vector<16xf32>,
          %add3A_1124 = arith.constant 16 : i32
          %add3A_1125 = arith.addi %mul3A_828, %add3A_1124 : i32
          %swap3A_1126 = arith.index_cast %add3A_1125 : i32 to index
          %swap3A_1127 = tpu.vector_load %arg23[%swap3A_1126] {strides = array<i32>} : memref<3856xf32, #tpu.memory_space<vmem>>, vector<16xf32>,
          %swap3A_1128 = vector.shape_cast %swap3A_1127 : vector<16xf32> to vector<16xf32>
          %swap3A_1129 = vector.shape_cast %sub3A_904 : vector<16xf32> to vector<16xf32>
          tpu.vector_store %arg23[%swap3A_1126], %swap3A_1129 {strides = array<i32>} : memref<3856xf32, #tpu.memory_space<vmem>>, vector<16xf32>,
          %add3A_1130 = arith.constant 16 : i32
          %add3A_1131 = arith.addi %mul3A_828, %add3A_1130 : i32
          %swap3A_1132 = arith.index_cast %add3A_1131 : i32 to index
          %swap3A_1133 = tpu.vector_load %arg24[%swap3A_1132] {strides = array<i32>} : memref<3856xf32, #tpu.memory_space<vmem>>, vector<16xf32>,
          %swap3A_1134 = vector.shape_cast %swap3A_1133 : vector<16xf32> to vector<16xf32>
          %swap3A_1135 = vector.shape_cast %add3A_961 : vector<16xf32> to vector<16xf32>
          tpu.vector_store %arg24[%swap3A_1132], %swap3A_1135 {strides = array<i32>} : memref<3856xf32, #tpu.memory_space<vmem>>, vector<16xf32>,
          %mul3A_1136 = arith.mulf %sub3A_904, %add3A_961 : vector<16xf32>
          %swap3A_1137 = arith.constant 352 : index
          %swap3A_1138 = tpu.vector_load %arg22[%swap3A_1137] {strides = array<i32>} : memref<448xf32, #tpu.memory_space<vmem>>, vector<16xf32>,
          %swap3A_1139 = vector.shape_cast %swap3A_1138 : vector<16xf32> to vector<16xf32>
          %swap3A_1140 = vector.shape_cast %mul3A_1136 : vector<16xf32> to vector<16xf32>
          tpu.vector_store %arg22[%swap3A_1137], %swap3A_1140 {strides = array<i32>} : memref<448xf32, #tpu.memory_space<vmem>>, vector<16xf32>,
          %add3A_1141 = arith.constant 32 : i32
          %add3A_1142 = arith.addi %mul3A_828, %add3A_1141 : i32
          %swap3A_1143 = arith.index_cast %add3A_1142 : i32 to index
          %swap3A_1144 = tpu.vector_load %arg23[%swap3A_1143] {strides = array<i32>} : memref<3856xf32, #tpu.memory_space<vmem>>, vector<16xf32>,
          %swap3A_1145 = vector.shape_cast %swap3A_1144 : vector<16xf32> to vector<16xf32>
          %swap3A_1146 = vector.shape_cast %sub3A_969 : vector<16xf32> to vector<16xf32>
          tpu.vector_store %arg23[%swap3A_1143], %swap3A_1146 {strides = array<i32>} : memref<3856xf32, #tpu.memory_space<vmem>>, vector<16xf32>,
          %add3A_1147 = arith.constant 32 : i32
          %add3A_1148 = arith.addi %mul3A_828, %add3A_1147 : i32
          %swap3A_1149 = arith.index_cast %add3A_1148 : i32 to index
          %swap3A_1150 = tpu.vector_load %arg24[%swap3A_1149] {strides = array<i32>} : memref<3856xf32, #tpu.memory_space<vmem>>, vector<16xf32>,
          %swap3A_1151 = vector.shape_cast %swap3A_1150 : vector<16xf32> to vector<16xf32>
          %swap3A_1152 = vector.shape_cast %add3A_1026 : vector<16xf32> to vector<16xf32>
          tpu.vector_store %arg24[%swap3A_1149], %swap3A_1152 {strides = array<i32>} : memref<3856xf32, #tpu.memory_space<vmem>>, vector<16xf32>,
          %mul3A_1153 = arith.mulf %sub3A_969, %add3A_1026 : vector<16xf32>
          %swap3A_1154 = arith.constant 368 : index
          %swap3A_1155 = tpu.vector_load %arg22[%swap3A_1154] {strides = array<i32>} : memref<448xf32, #tpu.memory_space<vmem>>, vector<16xf32>,
          %swap3A_1156 = vector.shape_cast %swap3A_1155 : vector<16xf32> to vector<16xf32>
          %swap3A_1157 = vector.shape_cast %mul3A_1153 : vector<16xf32> to vector<16xf32>
          tpu.vector_store %arg22[%swap3A_1154], %swap3A_1157 {strides = array<i32>} : memref<448xf32, #tpu.memory_space<vmem>>, vector<16xf32>,
          %add3A_1158 = arith.constant 48 : i32
          %add3A_1159 = arith.addi %mul3A_828, %add3A_1158 : i32
          %swap3A_1160 = arith.index_cast %add3A_1159 : i32 to index
          %swap3A_1161 = tpu.vector_load %arg23[%swap3A_1160] {strides = array<i32>} : memref<3856xf32, #tpu.memory_space<vmem>>, vector<16xf32>,
          %swap3A_1162 = vector.shape_cast %swap3A_1161 : vector<16xf32> to vector<16xf32>
          %swap3A_1163 = vector.shape_cast %select_n3A_1099 : vector<16xf32> to vector<16xf32>
          tpu.vector_store %arg23[%swap3A_1160], %swap3A_1163 {strides = array<i32>} : memref<3856xf32, #tpu.memory_space<vmem>>, vector<16xf32>,
          %add3A_1164 = arith.constant 48 : i32
          %add3A_1165 = arith.addi %mul3A_828, %add3A_1164 : i32
          %swap3A_1166 = arith.index_cast %add3A_1165 : i32 to index
          %swap3A_1167 = tpu.vector_load %arg24[%swap3A_1166] {strides = array<i32>} : memref<3856xf32, #tpu.memory_space<vmem>>, vector<16xf32>,
          %swap3A_1168 = vector.shape_cast %swap3A_1167 : vector<16xf32> to vector<16xf32>
          %swap3A_1169 = vector.shape_cast %select_n3A_1106 : vector<16xf32> to vector<16xf32>
          tpu.vector_store %arg24[%swap3A_1166], %swap3A_1169 {strides = array<i32>} : memref<3856xf32, #tpu.memory_space<vmem>>, vector<16xf32>,
          %mul3A_1170 = arith.mulf %select_n3A_1099, %select_n3A_1106 : vector<16xf32>
          %swap3A_1171 = arith.constant 384 : index
          %swap3A_1172 = tpu.vector_load %arg22[%swap3A_1171] {strides = array<i32>} : memref<448xf32, #tpu.memory_space<vmem>>, vector<16xf32>,
          %swap3A_1173 = vector.shape_cast %swap3A_1172 : vector<16xf32> to vector<16xf32>
          %swap3A_1174 = vector.shape_cast %mul3A_1170 : vector<16xf32> to vector<16xf32>
          tpu.vector_store %arg22[%swap3A_1171], %swap3A_1174 {strides = array<i32>} : memref<448xf32, #tpu.memory_space<vmem>>, vector<16xf32>,
          %mul3A_1175 = arith.mulf %sub3A_839, %add3A_896 : vector<16xf32>
          %get3A_1176 = arith.constant 337 : index
          %get3A_1177 = tpu.vector_load %arg22[%get3A_1176] {strides = array<i32>} : memref<448xf32, #tpu.memory_space<vmem>>, vector<16xf32>,
          %get3A_1178 = vector.shape_cast %get3A_1177 : vector<16xf32> to vector<16xf32>
          %add3A_1179 = arith.addf %mul3A_1175, %get3A_1178 : vector<16xf32>
          %get3A_1180 = arith.constant 338 : index
          %get3A_1181 = tpu.vector_load %arg22[%get3A_1180] {strides = array<i32>} : memref<448xf32, #tpu.memory_space<vmem>>, vector<16xf32>,
          %get3A_1182 = vector.shape_cast %get3A_1181 : vector<16xf32> to vector<16xf32>
          %add3A_1183 = arith.addf %add3A_1179, %get3A_1182 : vector<16xf32>
          %add3A_1184 = arith.constant 0 : i32
          %add3A_1185 = arith.addi %mul3A_828, %add3A_1184 : i32
          %get3A_1186 = arith.index_cast %add3A_1185 : i32 to index
          %get3A_1187 = tpu.vector_load %arg19[%get3A_1186] {strides = array<i32>} : memref<3856xf32, #tpu.memory_space<vmem>>, vector<16xf32>,
          %get3A_1188 = vector.shape_cast %get3A_1187 : vector<16xf32> to vector<16xf32>
          %mul3A_1189 = arith.constant 6414.13525 : f32
          %mul3A_1190 = vector.broadcast %mul3A_1189 : f32 to vector<16xf32>
          %mul3A_1191 = arith.mulf %mul3A_1190, %add3A_1183 : vector<16xf32>
          %max3A_1192 = arith.constant 1.000000e+00 : f32
          %max3A_1193 = vector.broadcast %max3A_1192 : f32 to vector<16xf32>
          %max3A_1194 = arith.maximumf %get3A_1188, %max3A_1193 : vector<16xf32>
          %div3A_1195 = arith.divf %mul3A_1191, %max3A_1194 : vector<16xf32>
          %add3A_1196 = arith.constant 0 : i32
          %add3A_1197 = arith.addi %mul3A_828, %add3A_1196 : i32
          %swap3A_1198 = arith.index_cast %add3A_1197 : i32 to index
          %swap3A_1199 = tpu.vector_load %arg25[%swap3A_1198] {strides = array<i32>} : memref<3856xf32, #tpu.memory_space<vmem>>, vector<16xf32>,
          %swap3A_1200 = vector.shape_cast %swap3A_1199 : vector<16xf32> to vector<16xf32>
          %swap3A_1201 = vector.shape_cast %div3A_1195 : vector<16xf32> to vector<16xf32>
          tpu.vector_store %arg25[%swap3A_1198], %swap3A_1201 {strides = array<i32>} : memref<3856xf32, #tpu.memory_space<vmem>>, vector<16xf32>,
          %mul3A_1202 = arith.mulf %sub3A_904, %add3A_961 : vector<16xf32>
          %get3A_1203 = arith.constant 353 : index
          %get3A_1204 = tpu.vector_load %arg22[%get3A_1203] {strides = array<i32>} : memref<448xf32, #tpu.memory_space<vmem>>, vector<16xf32>,
          %get3A_1205 = vector.shape_cast %get3A_1204 : vector<16xf32> to vector<16xf32>
          %add3A_1206 = arith.addf %mul3A_1202, %get3A_1205 : vector<16xf32>
          %get3A_1207 = arith.constant 354 : index
          %get3A_1208 = tpu.vector_load %arg22[%get3A_1207] {strides = array<i32>} : memref<448xf32, #tpu.memory_space<vmem>>, vector<16xf32>,
          %get3A_1209 = vector.shape_cast %get3A_1208 : vector<16xf32> to vector<16xf32>
          %add3A_1210 = arith.addf %add3A_1206, %get3A_1209 : vector<16xf32>
          %add3A_1211 = arith.constant 16 : i32
          %add3A_1212 = arith.addi %mul3A_828, %add3A_1211 : i32
          %get3A_1213 = arith.index_cast %add3A_1212 : i32 to index
          %get3A_1214 = tpu.vector_load %arg19[%get3A_1213] {strides = array<i32>} : memref<3856xf32, #tpu.memory_space<vmem>>, vector<16xf32>,
          %get3A_1215 = vector.shape_cast %get3A_1214 : vector<16xf32> to vector<16xf32>
          %mul3A_1216 = arith.constant 6414.13525 : f32
          %mul3A_1217 = vector.broadcast %mul3A_1216 : f32 to vector<16xf32>
          %mul3A_1218 = arith.mulf %mul3A_1217, %add3A_1210 : vector<16xf32>
          %max3A_1219 = arith.constant 1.000000e+00 : f32
          %max3A_1220 = vector.broadcast %max3A_1219 : f32 to vector<16xf32>
          %max3A_1221 = arith.maximumf %get3A_1215, %max3A_1220 : vector<16xf32>
          %div3A_1222 = arith.divf %mul3A_1218, %max3A_1221 : vector<16xf32>
          %add3A_1223 = arith.constant 16 : i32
          %add3A_1224 = arith.addi %mul3A_828, %add3A_1223 : i32
          %swap3A_1225 = arith.index_cast %add3A_1224 : i32 to index
          %swap3A_1226 = tpu.vector_load %arg25[%swap3A_1225] {strides = array<i32>} : memref<3856xf32, #tpu.memory_space<vmem>>, vector<16xf32>,
          %swap3A_1227 = vector.shape_cast %swap3A_1226 : vector<16xf32> to vector<16xf32>
          %swap3A_1228 = vector.shape_cast %div3A_1222 : vector<16xf32> to vector<16xf32>
          tpu.vector_store %arg25[%swap3A_1225], %swap3A_1228 {strides = array<i32>} : memref<3856xf32, #tpu.memory_space<vmem>>, vector<16xf32>,
          %mul3A_1229 = arith.mulf %sub3A_969, %add3A_1026 : vector<16xf32>
          %get3A_1230 = arith.constant 369 : index
          %get3A_1231 = tpu.vector_load %arg22[%get3A_1230] {strides = array<i32>} : memref<448xf32, #tpu.memory_space<vmem>>, vector<16xf32>,
          %get3A_1232 = vector.shape_cast %get3A_1231 : vector<16xf32> to vector<16xf32>
          %add3A_1233 = arith.addf %mul3A_1229, %get3A_1232 : vector<16xf32>
          %get3A_1234 = arith.constant 370 : index
          %get3A_1235 = tpu.vector_load %arg22[%get3A_1234] {strides = array<i32>} : memref<448xf32, #tpu.memory_space<vmem>>, vector<16xf32>,
          %get3A_1236 = vector.shape_cast %get3A_1235 : vector<16xf32> to vector<16xf32>
          %add3A_1237 = arith.addf %add3A_1233, %get3A_1236 : vector<16xf32>
          %add3A_1238 = arith.constant 32 : i32
          %add3A_1239 = arith.addi %mul3A_828, %add3A_1238 : i32
          %get3A_1240 = arith.index_cast %add3A_1239 : i32 to index
          %get3A_1241 = tpu.vector_load %arg19[%get3A_1240] {strides = array<i32>} : memref<3856xf32, #tpu.memory_space<vmem>>, vector<16xf32>,
          %get3A_1242 = vector.shape_cast %get3A_1241 : vector<16xf32> to vector<16xf32>
          %mul3A_1243 = arith.constant 6414.13525 : f32
          %mul3A_1244 = vector.broadcast %mul3A_1243 : f32 to vector<16xf32>
          %mul3A_1245 = arith.mulf %mul3A_1244, %add3A_1237 : vector<16xf32>
          %max3A_1246 = arith.constant 1.000000e+00 : f32
          %max3A_1247 = vector.broadcast %max3A_1246 : f32 to vector<16xf32>
          %max3A_1248 = arith.maximumf %get3A_1242, %max3A_1247 : vector<16xf32>
          %div3A_1249 = arith.divf %mul3A_1245, %max3A_1248 : vector<16xf32>
          %add3A_1250 = arith.constant 32 : i32
          %add3A_1251 = arith.addi %mul3A_828, %add3A_1250 : i32
          %swap3A_1252 = arith.index_cast %add3A_1251 : i32 to index
          %swap3A_1253 = tpu.vector_load %arg25[%swap3A_1252] {strides = array<i32>} : memref<3856xf32, #tpu.memory_space<vmem>>, vector<16xf32>,
          %swap3A_1254 = vector.shape_cast %swap3A_1253 : vector<16xf32> to vector<16xf32>
          %swap3A_1255 = vector.shape_cast %div3A_1249 : vector<16xf32> to vector<16xf32>
          tpu.vector_store %arg25[%swap3A_1252], %swap3A_1255 {strides = array<i32>} : memref<3856xf32, #tpu.memory_space<vmem>>, vector<16xf32>,
          %mul3A_1256 = arith.mulf %select_n3A_1099, %select_n3A_1106 : vector<16xf32>
          %get3A_1257 = arith.constant 385 : index
          %get3A_1258 = tpu.vector_load %arg22[%get3A_1257] {strides = array<i32>} : memref<448xf32, #tpu.memory_space<vmem>>, vector<16xf32>,
          %get3A_1259 = vector.shape_cast %get3A_1258 : vector<16xf32> to vector<16xf32>
          %add3A_1260 = arith.addf %mul3A_1256, %get3A_1259 : vector<16xf32>
          %get3A_1261 = arith.constant 386 : index
          %get3A_1262 = tpu.vector_load %arg22[%get3A_1261] {strides = array<i32>} : memref<448xf32, #tpu.memory_space<vmem>>, vector<16xf32>,
          %get3A_1263 = vector.shape_cast %get3A_1262 : vector<16xf32> to vector<16xf32>
          %add3A_1264 = arith.addf %add3A_1260, %get3A_1263 : vector<16xf32>
          %add3A_1265 = arith.constant 48 : i32
          %add3A_1266 = arith.addi %mul3A_828, %add3A_1265 : i32
          %get3A_1267 = arith.index_cast %add3A_1266 : i32 to index
          %get3A_1268 = tpu.vector_load %arg19[%get3A_1267] {strides = array<i32>} : memref<3856xf32, #tpu.memory_space<vmem>>, vector<16xf32>,
          %get3A_1269 = vector.shape_cast %get3A_1268 : vector<16xf32> to vector<16xf32>
          %mul3A_1270 = arith.constant 6414.13525 : f32
          %mul3A_1271 = vector.broadcast %mul3A_1270 : f32 to vector<16xf32>
          %mul3A_1272 = arith.mulf %mul3A_1271, %add3A_1264 : vector<16xf32>
          %max3A_1273 = arith.constant 1.000000e+00 : f32
          %max3A_1274 = vector.broadcast %max3A_1273 : f32 to vector<16xf32>
          %max3A_1275 = arith.maximumf %get3A_1269, %max3A_1274 : vector<16xf32>
          %div3A_1276 = arith.divf %mul3A_1272, %max3A_1275 : vector<16xf32>
          %add3A_1277 = arith.constant 48 : i32
          %add3A_1278 = arith.addi %mul3A_828, %add3A_1277 : i32
          %swap3A_1279 = arith.index_cast %add3A_1278 : i32 to index
          %swap3A_1280 = tpu.vector_load %arg25[%swap3A_1279] {strides = array<i32>} : memref<3856xf32, #tpu.memory_space<vmem>>, vector<16xf32>,
          %swap3A_1281 = vector.shape_cast %swap3A_1280 : vector<16xf32> to vector<16xf32>
          %swap3A_1282 = vector.shape_cast %div3A_1276 : vector<16xf32> to vector<16xf32>
          tpu.vector_store %arg25[%swap3A_1279], %swap3A_1282 {strides = array<i32>} : memref<3856xf32, #tpu.memory_space<vmem>>, vector<16xf32>,
        } else {
        }
        %eq3A = arith.cmpi eq, %sub3A_470, %scan3A_430 : i32
        %not3A = arith.constant true
        %not3A_483 = arith.xori %ge3A_471, %not3A : i1
        %or3A = arith.ori %eq3A, %not3A_483 : i1
        %jit3A_484 = arith.constant 1.000000e+00 : f32
        %jit3A_485 = arith.constant 0.000000e+00 : f32
        %select_n3A_486 = arith.select %or3A, %jit3A_484, %jit3A_485 : f32
        %broadcast_in_dim3A_487 = vector.broadcast %select_n3A_486 : f32 to vector<16xf32>
        %ge3A_488 = arith.constant 0 : i32
        %ge3A_489 = arith.cmpi sge, %sub3A_470, %ge3A_488 : i32
        %lt3A_490 = arith.constant 64 : i32
        %lt3A_491 = arith.cmpi slt, %sub3A_470, %lt3A_490 : i32
        %and3A_492 = arith.andi %ge3A_489, %lt3A_491 : i1
        %and3A_493 = arith.andi %ge3A_471, %and3A_492 : i1
        %jit3A_494 = arith.constant 1.000000e+00 : f32
        %jit3A_495 = arith.constant 0.000000e+00 : f32
        %select_n3A_496 = arith.select %and3A_493, %jit3A_494, %jit3A_495 : f32
        %broadcast_in_dim3A_497 = vector.broadcast %select_n3A_496 : f32 to vector<16xf32>
        %mul3A_498 = arith.constant 256 : i32
        %mul3A_499 = arith.muli %scan3A_429, %mul3A_498 : i32
        %mul3A_500 = arith.constant 4 : i32
        %mul3A_501 = arith.muli %scan3A_429, %mul3A_500 : i32
        %get3A_502 = arith.index_cast %mul3A_501 : i32 to index
        %get3A_503 = tpu.vector_load %arg14[%get3A_502] {strides = array<i32>} : memref<848xf32, #tpu.memory_space<vmem>>, vector<16xf32>,
        %get3A_504 = vector.shape_cast %get3A_503 : vector<16xf32> to vector<16xf32>
        %slice3A_505 = vector.extract_strided_slice %get3A_504 {offsets = [0], sizes = [1], strides = [1]} : vector<16xf32> to vector<1xf32>
        %squeeze3A_506 = vector.extract %slice3A_505[0] : f32 from vector<1xf32>
        %broadcast_in_dim3A_507 = vector.broadcast %squeeze3A_506 : f32 to vector<16xf32>
        %mul3A_508 = arith.mulf %broadcast_in_dim3A_507, %broadcast_in_dim3A_497 : vector<16xf32>
        %slice3A_509 = vector.extract_strided_slice %get3A_504 {offsets = [1], sizes = [1], strides = [1]} : vector<16xf32> to vector<1xf32>
        %squeeze3A_510 = vector.extract %slice3A_509[0] : f32 from vector<1xf32>
        %broadcast_in_dim3A_511 = vector.broadcast %squeeze3A_510 : f32 to vector<16xf32>
        %mul3A_512 = arith.mulf %broadcast_in_dim3A_511, %broadcast_in_dim3A_497 : vector<16xf32>
        %slice3A_513 = vector.extract_strided_slice %get3A_504 {offsets = [2], sizes = [1], strides = [1]} : vector<16xf32> to vector<1xf32>
        %squeeze3A_514 = vector.extract %slice3A_513[0] : f32 from vector<1xf32>
        %broadcast_in_dim3A_515 = vector.broadcast %squeeze3A_514 : f32 to vector<16xf32>
        %mul3A_516 = arith.mulf %broadcast_in_dim3A_515, %broadcast_in_dim3A_497 : vector<16xf32>
        %add3A_517 = arith.constant 0 : i32
        %add3A_518 = arith.addi %mul3A_499, %add3A_517 : i32
        %get3A_519 = arith.index_cast %add3A_518 : i32 to index
        %get3A_520 = tpu.vector_load %arg12[%get3A_519] {strides = array<i32>} : memref<53248xf32, #tpu.memory_space<vmem>>, vector<16xf32>,
        %get3A_521 = vector.shape_cast %get3A_520 : vector<16xf32> to vector<16xf32>
        %add3A_522 = arith.constant 16 : i32
        %add3A_523 = arith.addi %mul3A_499, %add3A_522 : i32
        %get3A_524 = arith.index_cast %add3A_523 : i32 to index
        %get3A_525 = tpu.vector_load %arg12[%get3A_524] {strides = array<i32>} : memref<53248xf32, #tpu.memory_space<vmem>>, vector<16xf32>,
        %get3A_526 = vector.shape_cast %get3A_525 : vector<16xf32> to vector<16xf32>
        %add3A_527 = arith.constant 32 : i32
        %add3A_528 = arith.addi %mul3A_499, %add3A_527 : i32
        %get3A_529 = arith.index_cast %add3A_528 : i32 to index
        %get3A_530 = tpu.vector_load %arg12[%get3A_529] {strides = array<i32>} : memref<53248xf32, #tpu.memory_space<vmem>>, vector<16xf32>,
        %get3A_531 = vector.shape_cast %get3A_530 : vector<16xf32> to vector<16xf32>
        %add3A_532 = arith.constant 48 : i32
        %add3A_533 = arith.addi %mul3A_499, %add3A_532 : i32
        %get3A_534 = arith.index_cast %add3A_533 : i32 to index
        %get3A_535 = tpu.vector_load %arg12[%get3A_534] {strides = array<i32>} : memref<53248xf32, #tpu.memory_space<vmem>>, vector<16xf32>,
        %get3A_536 = vector.shape_cast %get3A_535 : vector<16xf32> to vector<16xf32>
        %add3A_537 = arith.constant 64 : i32
        %add3A_538 = arith.addi %mul3A_499, %add3A_537 : i32
        %add3A_539 = arith.constant 0 : i32
        %add3A_540 = arith.addi %add3A_538, %add3A_539 : i32
        %get3A_541 = arith.index_cast %add3A_540 : i32 to index
        %get3A_542 = tpu.vector_load %arg12[%get3A_541] {strides = array<i32>} : memref<53248xf32, #tpu.memory_space<vmem>>, vector<16xf32>,
        %get3A_543 = vector.shape_cast %get3A_542 : vector<16xf32> to vector<16xf32>
        %add3A_544 = arith.constant 64 : i32
        %add3A_545 = arith.addi %mul3A_499, %add3A_544 : i32
        %add3A_546 = arith.constant 16 : i32
        %add3A_547 = arith.addi %add3A_545, %add3A_546 : i32
        %get3A_548 = arith.index_cast %add3A_547 : i32 to index
        %get3A_549 = tpu.vector_load %arg12[%get3A_548] {strides = array<i32>} : memref<53248xf32, #tpu.memory_space<vmem>>, vector<16xf32>,
        %get3A_550 = vector.shape_cast %get3A_549 : vector<16xf32> to vector<16xf32>
        %add3A_551 = arith.constant 64 : i32
        %add3A_552 = arith.addi %mul3A_499, %add3A_551 : i32
        %add3A_553 = arith.constant 32 : i32
        %add3A_554 = arith.addi %add3A_552, %add3A_553 : i32
        %get3A_555 = arith.index_cast %add3A_554 : i32 to index
        %get3A_556 = tpu.vector_load %arg12[%get3A_555] {strides = array<i32>} : memref<53248xf32, #tpu.memory_space<vmem>>, vector<16xf32>,
        %get3A_557 = vector.shape_cast %get3A_556 : vector<16xf32> to vector<16xf32>
        %add3A_558 = arith.constant 64 : i32
        %add3A_559 = arith.addi %mul3A_499, %add3A_558 : i32
        %add3A_560 = arith.constant 48 : i32
        %add3A_561 = arith.addi %add3A_559, %add3A_560 : i32
        %get3A_562 = arith.index_cast %add3A_561 : i32 to index
        %get3A_563 = tpu.vector_load %arg12[%get3A_562] {strides = array<i32>} : memref<53248xf32, #tpu.memory_space<vmem>>, vector<16xf32>,
        %get3A_564 = vector.shape_cast %get3A_563 : vector<16xf32> to vector<16xf32>
        %add3A_565 = arith.constant 128 : i32
        %add3A_566 = arith.addi %mul3A_499, %add3A_565 : i32
        %add3A_567 = arith.constant 0 : i32
        %add3A_568 = arith.addi %add3A_566, %add3A_567 : i32
        %get3A_569 = arith.index_cast %add3A_568 : i32 to index
        %get3A_570 = tpu.vector_load %arg12[%get3A_569] {strides = array<i32>} : memref<53248xf32, #tpu.memory_space<vmem>>, vector<16xf32>,
        %get3A_571 = vector.shape_cast %get3A_570 : vector<16xf32> to vector<16xf32>
        %add3A_572 = arith.constant 128 : i32
        %add3A_573 = arith.addi %mul3A_499, %add3A_572 : i32
        %add3A_574 = arith.constant 16 : i32
        %add3A_575 = arith.addi %add3A_573, %add3A_574 : i32
        %get3A_576 = arith.index_cast %add3A_575 : i32 to index
        %get3A_577 = tpu.vector_load %arg12[%get3A_576] {strides = array<i32>} : memref<53248xf32, #tpu.memory_space<vmem>>, vector<16xf32>,
        %get3A_578 = vector.shape_cast %get3A_577 : vector<16xf32> to vector<16xf32>
        %add3A_579 = arith.constant 128 : i32
        %add3A_580 = arith.addi %mul3A_499, %add3A_579 : i32
        %add3A_581 = arith.constant 32 : i32
        %add3A_582 = arith.addi %add3A_580, %add3A_581 : i32
        %get3A_583 = arith.index_cast %add3A_582 : i32 to index
        %get3A_584 = tpu.vector_load %arg12[%get3A_583] {strides = array<i32>} : memref<53248xf32, #tpu.memory_space<vmem>>, vector<16xf32>,
        %get3A_585 = vector.shape_cast %get3A_584 : vector<16xf32> to vector<16xf32>
        %add3A_586 = arith.constant 128 : i32
        %add3A_587 = arith.addi %mul3A_499, %add3A_586 : i32
        %add3A_588 = arith.constant 48 : i32
        %add3A_589 = arith.addi %add3A_587, %add3A_588 : i32
        %get3A_590 = arith.index_cast %add3A_589 : i32 to index
        %get3A_591 = tpu.vector_load %arg12[%get3A_590] {strides = array<i32>} : memref<53248xf32, #tpu.memory_space<vmem>>, vector<16xf32>,
        %get3A_592 = vector.shape_cast %get3A_591 : vector<16xf32> to vector<16xf32>
        %add3A_593 = arith.constant 192 : i32
        %add3A_594 = arith.addi %mul3A_499, %add3A_593 : i32
        %add3A_595 = arith.constant 0 : i32
        %add3A_596 = arith.addi %add3A_594, %add3A_595 : i32
        %get3A_597 = arith.index_cast %add3A_596 : i32 to index
        %get3A_598 = tpu.vector_load %arg12[%get3A_597] {strides = array<i32>} : memref<53248xf32, #tpu.memory_space<vmem>>, vector<16xf32>,
        %get3A_599 = vector.shape_cast %get3A_598 : vector<16xf32> to vector<16xf32>
        %add3A_600 = arith.constant 192 : i32
        %add3A_601 = arith.addi %mul3A_499, %add3A_600 : i32
        %add3A_602 = arith.constant 16 : i32
        %add3A_603 = arith.addi %add3A_601, %add3A_602 : i32
        %get3A_604 = arith.index_cast %add3A_603 : i32 to index
        %get3A_605 = tpu.vector_load %arg12[%get3A_604] {strides = array<i32>} : memref<53248xf32, #tpu.memory_space<vmem>>, vector<16xf32>,
        %get3A_606 = vector.shape_cast %get3A_605 : vector<16xf32> to vector<16xf32>
        %add3A_607 = arith.constant 192 : i32
        %add3A_608 = arith.addi %mul3A_499, %add3A_607 : i32
        %add3A_609 = arith.constant 32 : i32
        %add3A_610 = arith.addi %add3A_608, %add3A_609 : i32
        %get3A_611 = arith.index_cast %add3A_610 : i32 to index
        %get3A_612 = tpu.vector_load %arg12[%get3A_611] {strides = array<i32>} : memref<53248xf32, #tpu.memory_space<vmem>>, vector<16xf32>,
        %get3A_613 = vector.shape_cast %get3A_612 : vector<16xf32> to vector<16xf32>
        %add3A_614 = arith.constant 192 : i32
        %add3A_615 = arith.addi %mul3A_499, %add3A_614 : i32
        %add3A_616 = arith.constant 48 : i32
        %add3A_617 = arith.addi %add3A_615, %add3A_616 : i32
        %get3A_618 = arith.index_cast %add3A_617 : i32 to index
        %get3A_619 = tpu.vector_load %arg12[%get3A_618] {strides = array<i32>} : memref<53248xf32, #tpu.memory_space<vmem>>, vector<16xf32>,
        %get3A_620 = vector.shape_cast %get3A_619 : vector<16xf32> to vector<16xf32>
        %mul3A_621 = arith.mulf %scan3A_432, %broadcast_in_dim3A_487 : vector<16xf32>
        %mul3A_622 = arith.mulf %get3A_521, %broadcast_in_dim3A_497 : vector<16xf32>
        %add3A_623 = arith.addf %mul3A_621, %mul3A_622 : vector<16xf32>
        %mul3A_624 = arith.mulf %scan3A_433, %broadcast_in_dim3A_487 : vector<16xf32>
        %mul3A_625 = arith.mulf %get3A_526, %broadcast_in_dim3A_497 : vector<16xf32>
        %add3A_626 = arith.addf %mul3A_624, %mul3A_625 : vector<16xf32>
        %mul3A_627 = arith.mulf %scan3A_434, %broadcast_in_dim3A_487 : vector<16xf32>
        %mul3A_628 = arith.mulf %get3A_531, %broadcast_in_dim3A_497 : vector<16xf32>
        %add3A_629 = arith.addf %mul3A_627, %mul3A_628 : vector<16xf32>
        %mul3A_630 = arith.mulf %scan3A_435, %broadcast_in_dim3A_487 : vector<16xf32>
        %mul3A_631 = arith.mulf %get3A_536, %broadcast_in_dim3A_497 : vector<16xf32>
        %add3A_632 = arith.addf %mul3A_630, %mul3A_631 : vector<16xf32>
        %mul3A_633 = arith.mulf %scan3A_436, %broadcast_in_dim3A_487 : vector<16xf32>
        %mul3A_634 = arith.mulf %get3A_543, %broadcast_in_dim3A_497 : vector<16xf32>
        %add3A_635 = arith.addf %mul3A_633, %mul3A_634 : vector<16xf32>
        %mul3A_636 = arith.mulf %scan3A_437, %broadcast_in_dim3A_487 : vector<16xf32>
        %mul3A_637 = arith.mulf %get3A_550, %broadcast_in_dim3A_497 : vector<16xf32>
        %add3A_638 = arith.addf %mul3A_636, %mul3A_637 : vector<16xf32>
        %mul3A_639 = arith.mulf %scan3A_438, %broadcast_in_dim3A_487 : vector<16xf32>
        %mul3A_640 = arith.mulf %get3A_557, %broadcast_in_dim3A_497 : vector<16xf32>
        %add3A_641 = arith.addf %mul3A_639, %mul3A_640 : vector<16xf32>
        %mul3A_642 = arith.mulf %scan3A_439, %broadcast_in_dim3A_487 : vector<16xf32>
        %mul3A_643 = arith.mulf %get3A_564, %broadcast_in_dim3A_497 : vector<16xf32>
        %add3A_644 = arith.addf %mul3A_642, %mul3A_643 : vector<16xf32>
        %mul3A_645 = arith.mulf %scan3A_440, %broadcast_in_dim3A_487 : vector<16xf32>
        %mul3A_646 = arith.mulf %get3A_571, %broadcast_in_dim3A_497 : vector<16xf32>
        %add3A_647 = arith.addf %mul3A_645, %mul3A_646 : vector<16xf32>
        %mul3A_648 = arith.mulf %scan3A_441, %broadcast_in_dim3A_487 : vector<16xf32>
        %mul3A_649 = arith.mulf %get3A_578, %broadcast_in_dim3A_497 : vector<16xf32>
        %add3A_650 = arith.addf %mul3A_648, %mul3A_649 : vector<16xf32>
        %mul3A_651 = arith.mulf %scan3A_442, %broadcast_in_dim3A_487 : vector<16xf32>
        %mul3A_652 = arith.mulf %get3A_585, %broadcast_in_dim3A_497 : vector<16xf32>
        %add3A_653 = arith.addf %mul3A_651, %mul3A_652 : vector<16xf32>
        %mul3A_654 = arith.mulf %scan3A_443, %broadcast_in_dim3A_487 : vector<16xf32>
        %mul3A_655 = arith.mulf %get3A_592, %broadcast_in_dim3A_497 : vector<16xf32>
        %add3A_656 = arith.addf %mul3A_654, %mul3A_655 : vector<16xf32>
        %mul3A_657 = arith.mulf %scan3A_444, %broadcast_in_dim3A_487 : vector<16xf32>
        %mul3A_658 = arith.mulf %get3A_599, %broadcast_in_dim3A_497 : vector<16xf32>
        %add3A_659 = arith.addf %mul3A_657, %mul3A_658 : vector<16xf32>
        %mul3A_660 = arith.mulf %scan3A_445, %broadcast_in_dim3A_487 : vector<16xf32>
        %mul3A_661 = arith.mulf %get3A_606, %broadcast_in_dim3A_497 : vector<16xf32>
        %add3A_662 = arith.addf %mul3A_660, %mul3A_661 : vector<16xf32>
        %mul3A_663 = arith.mulf %scan3A_446, %broadcast_in_dim3A_487 : vector<16xf32>
        %mul3A_664 = arith.mulf %get3A_613, %broadcast_in_dim3A_497 : vector<16xf32>
        %add3A_665 = arith.addf %mul3A_663, %mul3A_664 : vector<16xf32>
        %mul3A_666 = arith.mulf %scan3A_447, %broadcast_in_dim3A_487 : vector<16xf32>
        %mul3A_667 = arith.mulf %get3A_620, %broadcast_in_dim3A_497 : vector<16xf32>
        %add3A_668 = arith.addf %mul3A_666, %mul3A_667 : vector<16xf32>
        %mul3A_669 = arith.mulf %mul3A_508, %get3A_18 : vector<16xf32>
        %mul3A_670 = arith.mulf %mul3A_512, %get3A_21 : vector<16xf32>
        %add3A_671 = arith.addf %mul3A_669, %mul3A_670 : vector<16xf32>
        %mul3A_672 = arith.mulf %mul3A_516, %get3A_24 : vector<16xf32>
        %add3A_673 = arith.addf %add3A_671, %mul3A_672 : vector<16xf32>
        %mul3A_674 = arith.mulf %scan3A_448, %broadcast_in_dim3A_487 : vector<16xf32>
        %mul3A_675 = arith.mulf %add3A_673, %get3A_599 : vector<16xf32>
        %add3A_676 = arith.addf %mul3A_674, %mul3A_675 : vector<16xf32>
        %mul3A_677 = arith.mulf %mul3A_508, %get3A_24 : vector<16xf32>
        %mul3A_678 = arith.mulf %mul3A_512, %get3A_18 : vector<16xf32>
        %add3A_679 = arith.addf %mul3A_677, %mul3A_678 : vector<16xf32>
        %mul3A_680 = arith.mulf %mul3A_516, %get3A_21 : vector<16xf32>
        %add3A_681 = arith.addf %add3A_679, %mul3A_680 : vector<16xf32>
        %mul3A_682 = arith.mulf %scan3A_449, %broadcast_in_dim3A_487 : vector<16xf32>
        %mul3A_683 = arith.mulf %add3A_681, %get3A_606 : vector<16xf32>
        %add3A_684 = arith.addf %mul3A_682, %mul3A_683 : vector<16xf32>
        %mul3A_685 = arith.mulf %mul3A_508, %get3A_21 : vector<16xf32>
        %mul3A_686 = arith.mulf %mul3A_512, %get3A_24 : vector<16xf32>
        %add3A_687 = arith.addf %mul3A_685, %mul3A_686 : vector<16xf32>
        %mul3A_688 = arith.mulf %mul3A_516, %get3A_18 : vector<16xf32>
        %add3A_689 = arith.addf %add3A_687, %mul3A_688 : vector<16xf32>
        %mul3A_690 = arith.mulf %scan3A_450, %broadcast_in_dim3A_487 : vector<16xf32>
        %mul3A_691 = arith.mulf %add3A_689, %get3A_613 : vector<16xf32>
        %add3A_692 = arith.addf %mul3A_690, %mul3A_691 : vector<16xf32>
        %mul3A_693 = arith.mulf %mul3A_508, %get3A_18 : vector<16xf32>
        %mul3A_694 = arith.mulf %mul3A_512, %get3A_21 : vector<16xf32>
        %add3A_695 = arith.addf %mul3A_693, %mul3A_694 : vector<16xf32>
        %mul3A_696 = arith.mulf %mul3A_516, %get3A_24 : vector<16xf32>
        %add3A_697 = arith.addf %add3A_695, %mul3A_696 : vector<16xf32>
        %mul3A_698 = arith.mulf %scan3A_451, %broadcast_in_dim3A_487 : vector<16xf32>
        %mul3A_699 = arith.mulf %add3A_697, %get3A_620 : vector<16xf32>
        %add3A_700 = arith.addf %mul3A_698, %mul3A_699 : vector<16xf32>
        %mul3A_701 = arith.mulf %scan3A_452, %broadcast_in_dim3A_487 : vector<16xf32>
        %mul3A_702 = arith.mulf %mul3A_508, %get3A_571 : vector<16xf32>
        %add3A_703 = arith.addf %mul3A_701, %mul3A_702 : vector<16xf32>
        %mul3A_704 = arith.mulf %scan3A_453, %broadcast_in_dim3A_487 : vector<16xf32>
        %mul3A_705 = arith.mulf %mul3A_508, %get3A_578 : vector<16xf32>
        %add3A_706 = arith.addf %mul3A_704, %mul3A_705 : vector<16xf32>
        %mul3A_707 = arith.mulf %scan3A_454, %broadcast_in_dim3A_487 : vector<16xf32>
        %mul3A_708 = arith.mulf %mul3A_508, %get3A_585 : vector<16xf32>
        %add3A_709 = arith.addf %mul3A_707, %mul3A_708 : vector<16xf32>
        %mul3A_710 = arith.mulf %scan3A_455, %broadcast_in_dim3A_487 : vector<16xf32>
        %mul3A_711 = arith.mulf %mul3A_508, %get3A_592 : vector<16xf32>
        %add3A_712 = arith.addf %mul3A_710, %mul3A_711 : vector<16xf32>
        %mul3A_713 = arith.mulf %scan3A_456, %broadcast_in_dim3A_487 : vector<16xf32>
        %mul3A_714 = arith.mulf %mul3A_512, %get3A_571 : vector<16xf32>
        %add3A_715 = arith.addf %mul3A_713, %mul3A_714 : vector<16xf32>
        %mul3A_716 = arith.mulf %scan3A_457, %broadcast_in_dim3A_487 : vector<16xf32>
        %mul3A_717 = arith.mulf %mul3A_512, %get3A_578 : vector<16xf32>
        %add3A_718 = arith.addf %mul3A_716, %mul3A_717 : vector<16xf32>
        %mul3A_719 = arith.mulf %scan3A_458, %broadcast_in_dim3A_487 : vector<16xf32>
        %mul3A_720 = arith.mulf %mul3A_512, %get3A_585 : vector<16xf32>
        %add3A_721 = arith.addf %mul3A_719, %mul3A_720 : vector<16xf32>
        %mul3A_722 = arith.mulf %scan3A_459, %broadcast_in_dim3A_487 : vector<16xf32>
        %mul3A_723 = arith.mulf %mul3A_512, %get3A_592 : vector<16xf32>
        %add3A_724 = arith.addf %mul3A_722, %mul3A_723 : vector<16xf32>
        %mul3A_725 = arith.mulf %scan3A_460, %broadcast_in_dim3A_487 : vector<16xf32>
        %mul3A_726 = arith.mulf %mul3A_516, %get3A_571 : vector<16xf32>
        %add3A_727 = arith.addf %mul3A_725, %mul3A_726 : vector<16xf32>
        %mul3A_728 = arith.mulf %scan3A_461, %broadcast_in_dim3A_487 : vector<16xf32>
        %mul3A_729 = arith.mulf %mul3A_516, %get3A_578 : vector<16xf32>
        %add3A_730 = arith.addf %mul3A_728, %mul3A_729 : vector<16xf32>
        %mul3A_731 = arith.mulf %scan3A_462, %broadcast_in_dim3A_487 : vector<16xf32>
        %mul3A_732 = arith.mulf %mul3A_516, %get3A_585 : vector<16xf32>
        %add3A_733 = arith.addf %mul3A_731, %mul3A_732 : vector<16xf32>
        %mul3A_734 = arith.mulf %scan3A_463, %broadcast_in_dim3A_487 : vector<16xf32>
        %mul3A_735 = arith.mulf %mul3A_516, %get3A_592 : vector<16xf32>
        %add3A_736 = arith.addf %mul3A_734, %mul3A_735 : vector<16xf32>
        %mul3A_737 = arith.mulf %scan3A_464, %broadcast_in_dim3A_487 : vector<16xf32>
        %mul3A_738 = arith.mulf %get3A_504, %get3A_27 : vector<16xf32>
        %mul3A_739 = arith.mulf %mul3A_738, %broadcast_in_dim3A_497 : vector<16xf32>
        %add3A_740 = arith.addf %mul3A_737, %mul3A_739 : vector<16xf32>
        %select_n3A_741 = arith.select %ge3A_471, %sub3A_470, %scan3A_430 : i32
        %jit3A_742 = arith.constant 1.000000e+00 : f32
        %jit3A_743 = arith.constant 0.000000e+00 : f32
        %select_n3A_744 = arith.select %or3A, %jit3A_742, %jit3A_743 : f32
        %mul3A_745 = arith.mulf %scan3A_431, %select_n3A_744 : f32
        %add3A_746 = arith.addf %mul3A_745, %select_n3A_496 : f32
        scf.yield %select_n3A_741, %add3A_746, %add3A_623, %add3A_626, %add3A_629, %add3A_632, %add3A_635, %add3A_638, %add3A_641, %add3A_644, %add3A_647, %add3A_650, %add3A_653, %add3A_656, %add3A_659, %add3A_662, %add3A_665, %add3A_668, %add3A_676, %add3A_684, %add3A_692, %add3A_700, %add3A_703, %add3A_706, %add3A_709, %add3A_712, %add3A_715, %add3A_718, %add3A_721, %add3A_724, %add3A_727, %add3A_730, %add3A_733, %add3A_736, %add3A_740 : i32, f32, vector<16xf32>, vector<16xf32>, vector<16xf32>, vector<16xf32>, vector<16xf32>, vector<16xf32>, vector<16xf32>, vector<16xf32>, vector<16xf32>, vector<16xf32>, vector<16xf32>, vector<16xf32>, vector<16xf32>, vector<16xf32>, vector<16xf32>, vector<16xf32>, vector<16xf32>, vector<16xf32>, vector<16xf32>, vector<16xf32>, vector<16xf32>, vector<16xf32>, vector<16xf32>, vector<16xf32>, vector<16xf32>, vector<16xf32>, vector<16xf32>, vector<16xf32>, vector<16xf32>, vector<16xf32>, vector<16xf32>, vector<16xf32>, vector<16xf32>
      }
      %scan3A_428 = arith.constant 208 : i32
      scf.yield %scan3A_427#0, %scan3A_427#1, %scan3A_427#2, %scan3A_427#3, %scan3A_427#4, %scan3A_427#5, %scan3A_427#6, %scan3A_427#7, %scan3A_427#8, %scan3A_427#9, %scan3A_427#10, %scan3A_427#11, %scan3A_427#12, %scan3A_427#13, %scan3A_427#14, %scan3A_427#15, %scan3A_427#16, %scan3A_427#17, %scan3A_427#18, %scan3A_427#19, %scan3A_427#20, %scan3A_427#21, %scan3A_427#22, %scan3A_427#23, %scan3A_427#24, %scan3A_427#25, %scan3A_427#26, %scan3A_427#27, %scan3A_427#28, %scan3A_427#29, %scan3A_427#30, %scan3A_427#31, %scan3A_427#32, %scan3A_427#33, %scan3A_427#34 : i32, f32, vector<16xf32>, vector<16xf32>, vector<16xf32>, vector<16xf32>, vector<16xf32>, vector<16xf32>, vector<16xf32>, vector<16xf32>, vector<16xf32>, vector<16xf32>, vector<16xf32>, vector<16xf32>, vector<16xf32>, vector<16xf32>, vector<16xf32>, vector<16xf32>, vector<16xf32>, vector<16xf32>, vector<16xf32>, vector<16xf32>, vector<16xf32>, vector<16xf32>, vector<16xf32>, vector<16xf32>, vector<16xf32>, vector<16xf32>, vector<16xf32>, vector<16xf32>, vector<16xf32>, vector<16xf32>, vector<16xf32>, vector<16xf32>, vector<16xf32>
    }
    %while3A_191 = arith.constant 1 : i32
    %while3A_192:35 = scf.for %while3A_229 = %while3A_188 to %while3A_184 step %while3A_191 iter_args(%while3A_230 = %while3A_190#0, %while3A_231 = %while3A_190#1, %while3A_232 = %while3A_190#2, %while3A_233 = %while3A_190#3, %while3A_234 = %while3A_190#4, %while3A_235 = %while3A_190#5, %while3A_236 = %while3A_190#6, %while3A_237 = %while3A_190#7, %while3A_238 = %while3A_190#8, %while3A_239 = %while3A_190#9, %while3A_240 = %while3A_190#10, %while3A_241 = %while3A_190#11, %while3A_242 = %while3A_190#12, %while3A_243 = %while3A_190#13, %while3A_244 = %while3A_190#14, %while3A_245 = %while3A_190#15, %while3A_246 = %while3A_190#16, %while3A_247 = %while3A_190#17, %while3A_248 = %while3A_190#18, %while3A_249 = %while3A_190#19, %while3A_250 = %while3A_190#20, %while3A_251 = %while3A_190#21, %while3A_252 = %while3A_190#22, %while3A_253 = %while3A_190#23, %while3A_254 = %while3A_190#24, %while3A_255 = %while3A_190#25, %while3A_256 = %while3A_190#26, %while3A_257 = %while3A_190#27, %while3A_258 = %while3A_190#28, %while3A_259 = %while3A_190#29, %while3A_260 = %while3A_190#30, %while3A_261 = %while3A_190#31, %while3A_262 = %while3A_190#32, %while3A_263 = %while3A_190#33, %while3A_264 = %while3A_190#34) -> (i32, f32, vector<16xf32>, vector<16xf32>, vector<16xf32>, vector<16xf32>, vector<16xf32>, vector<16xf32>, vector<16xf32>, vector<16xf32>, vector<16xf32>, vector<16xf32>, vector<16xf32>, vector<16xf32>, vector<16xf32>, vector<16xf32>, vector<16xf32>, vector<16xf32>, vector<16xf32>, vector<16xf32>, vector<16xf32>, vector<16xf32>, vector<16xf32>, vector<16xf32>, vector<16xf32>, vector<16xf32>, vector<16xf32>, vector<16xf32>, vector<16xf32>, vector<16xf32>, vector<16xf32>, vector<16xf32>, vector<16xf32>, vector<16xf32>, vector<16xf32>)  : i32 {
      %mul3A_265 = arith.constant 2 : i32
      %mul3A_266 = arith.muli %mul3A_265, %while3A_229 : i32
      %add3A_267 = arith.constant 0 : i32
      %add3A_268 = arith.addi %mul3A_266, %add3A_267 : i32
      %mul3A_269 = arith.constant 208 : i32
      %mul3A_270 = arith.muli %add3A_268, %mul3A_269 : i32
      %add3A_271 = arith.addi %and3A_31, %mul3A_270 : i32
      %min3A_272 = arith.constant 99792 : i32
      %min3A_273 = arith.minsi %add3A_271, %min3A_272 : i32
      %multiple_of3A_274 = tpu.assume_multiple %min3A_273, 8 : i32
      %mul3A_275 = arith.constant 208 : i32
      %mul3A_276 = arith.muli %add3A_268, %mul3A_275 : i32
      %add3A_277 = arith.addi %and3A_31, %mul3A_276 : i32
      %sub3A_278 = arith.subi %add3A_277, %multiple_of3A_274 : i32
      %dma_wait3A_279 = arith.constant 0 : i32
      %dma_wait3A_280 = tpu.memref_slice %arg11[%dma_wait3A_279] : memref<53248xf32, #tpu.memory_space<vmem>> -> memref<53248xf32, #tpu.memory_space<vmem>>
      %dma_wait3A_281 = arith.constant 0 : i32
      %dma_wait3A_282 = tpu.memref_slice %arg3[%dma_wait3A_281] : memref<25600000xf32, #tpu.memory_space<hbm>> -> memref<53248xf32, #tpu.memory_space<hbm>>
      %dma_wait3A_283 = arith.constant 0 : i32
      %dma_wait3A_284 = tpu.memref_slice %arg11[%dma_wait3A_283] : memref<53248xf32, #tpu.memory_space<vmem>> -> memref<53248xf32, #tpu.memory_space<vmem>>
      %dma_wait3A_285 = arith.constant 0 : i32
      %dma_wait3A_286 = tpu.memref_slice %arg3[%dma_wait3A_285] : memref<25600000xf32, #tpu.memory_space<hbm>> -> memref<53248xf32, #tpu.memory_space<hbm>>
      tpu.wait_dma2 semaphore(%arg17 : memref<!tpu.dma_semaphore, #tpu.memory_space<semaphore_mem>>) src(%dma_wait3A_286 : memref<53248xf32, #tpu.memory_space<hbm>>) dst(%dma_wait3A_284 : memref<53248xf32, #tpu.memory_space<vmem>>)
      %dma_wait3A_287 = arith.constant 0 : i32
      %dma_wait3A_288 = tpu.memref_slice %arg13[%dma_wait3A_287] : memref<848xf32, #tpu.memory_space<vmem>> -> memref<832xf32, #tpu.memory_space<vmem>>
      %dma_wait3A_289 = arith.constant 0 : i32
      %dma_wait3A_290 = tpu.memref_slice %arg2[%dma_wait3A_289] : memref<400000xf32, #tpu.memory_space<hbm>> -> memref<832xf32, #tpu.memory_space<hbm>>
      %dma_wait3A_291 = arith.constant 0 : i32
      %dma_wait3A_292 = tpu.memref_slice %arg13[%dma_wait3A_291] : memref<848xf32, #tpu.memory_space<vmem>> -> memref<832xf32, #tpu.memory_space<vmem>>
      %dma_wait3A_293 = arith.constant 0 : i32
      %dma_wait3A_294 = tpu.memref_slice %arg2[%dma_wait3A_293] : memref<400000xf32, #tpu.memory_space<hbm>> -> memref<832xf32, #tpu.memory_space<hbm>>
      tpu.wait_dma2 semaphore(%arg17 : memref<!tpu.dma_semaphore, #tpu.memory_space<semaphore_mem>>) src(%dma_wait3A_294 : memref<832xf32, #tpu.memory_space<hbm>>) dst(%dma_wait3A_292 : memref<832xf32, #tpu.memory_space<vmem>>)
      %dma_wait3A_295 = arith.constant 0 : i32
      %dma_wait3A_296 = tpu.memref_slice %arg15[%dma_wait3A_295] : memref<224xi32, #tpu.memory_space<vmem>> -> memref<208xi32, #tpu.memory_space<vmem>>
      %dma_wait3A_297 = arith.constant 0 : i32
      %dma_wait3A_298 = tpu.memref_slice %arg4[%dma_wait3A_297] : memref<100000xi32, #tpu.memory_space<hbm>> -> memref<208xi32, #tpu.memory_space<hbm>>
      %dma_wait3A_299 = arith.constant 0 : i32
      %dma_wait3A_300 = tpu.memref_slice %arg15[%dma_wait3A_299] : memref<224xi32, #tpu.memory_space<vmem>> -> memref<208xi32, #tpu.memory_space<vmem>>
      %dma_wait3A_301 = arith.constant 0 : i32
      %dma_wait3A_302 = tpu.memref_slice %arg4[%dma_wait3A_301] : memref<100000xi32, #tpu.memory_space<hbm>> -> memref<208xi32, #tpu.memory_space<hbm>>
      tpu.wait_dma2 semaphore(%arg17 : memref<!tpu.dma_semaphore, #tpu.memory_space<semaphore_mem>>) src(%dma_wait3A_302 : memref<208xi32, #tpu.memory_space<hbm>>) dst(%dma_wait3A_300 : memref<208xi32, #tpu.memory_space<vmem>>)
      %add3A_303 = arith.constant 1 : i32
      %add3A_304 = arith.addi %add3A_268, %add3A_303 : i32
      %mul3A_305 = arith.constant 208 : i32
      %mul3A_306 = arith.muli %add3A_304, %mul3A_305 : i32
      %add3A_307 = arith.addi %and3A_31, %mul3A_306 : i32
      %min3A_308 = arith.constant 99792 : i32
      %min3A_309 = arith.minsi %add3A_307, %min3A_308 : i32
      %multiple_of3A_310 = tpu.assume_multiple %min3A_309, 8 : i32
      %mul3A_311 = arith.constant 256 : i32
      %mul3A_312 = arith.muli %multiple_of3A_310, %mul3A_311 : i32
      %multiple_of3A_313 = tpu.assume_multiple %mul3A_312, 8 : i32
      %dma_start3A_314 = arith.constant 0 : i32
      %dma_start3A_315 = tpu.memref_slice %arg12[%dma_start3A_314] : memref<53248xf32, #tpu.memory_space<vmem>> -> memref<53248xf32, #tpu.memory_space<vmem>>
      %dma_start3A_316 = tpu.memref_slice %arg3[%multiple_of3A_313] : memref<25600000xf32, #tpu.memory_space<hbm>> -> memref<53248xf32, #tpu.memory_space<hbm>>
      %dma_start3A_317 = arith.constant 0 : i32
      %dma_start3A_318 = tpu.memref_slice %arg12[%dma_start3A_317] : memref<53248xf32, #tpu.memory_space<vmem>> -> memref<53248xf32, #tpu.memory_space<vmem>>
      %dma_start3A_319 = tpu.memref_slice %arg3[%multiple_of3A_313] : memref<25600000xf32, #tpu.memory_space<hbm>> -> memref<53248xf32, #tpu.memory_space<hbm>>
      tpu.enqueue_dma source(%dma_start3A_319 : memref<53248xf32, #tpu.memory_space<hbm>>) target(%dma_start3A_318 : memref<53248xf32, #tpu.memory_space<vmem>>) target_semaphore(%arg18 : memref<!tpu.dma_semaphore, #tpu.memory_space<semaphore_mem>>)
      %mul3A_320 = arith.constant 4 : i32
      %mul3A_321 = arith.muli %multiple_of3A_310, %mul3A_320 : i32
      %multiple_of3A_322 = tpu.assume_multiple %mul3A_321, 8 : i32
      %dma_start3A_323 = arith.constant 0 : i32
      %dma_start3A_324 = tpu.memref_slice %arg14[%dma_start3A_323] : memref<848xf32, #tpu.memory_space<vmem>> -> memref<832xf32, #tpu.memory_space<vmem>>
      %dma_start3A_325 = tpu.memref_slice %arg2[%multiple_of3A_322] : memref<400000xf32, #tpu.memory_space<hbm>> -> memref<832xf32, #tpu.memory_space<hbm>>
      %dma_start3A_326 = arith.constant 0 : i32
      %dma_start3A_327 = tpu.memref_slice %arg14[%dma_start3A_326] : memref<848xf32, #tpu.memory_space<vmem>> -> memref<832xf32, #tpu.memory_space<vmem>>
      %dma_start3A_328 = tpu.memref_slice %arg2[%multiple_of3A_322] : memref<400000xf32, #tpu.memory_space<hbm>> -> memref<832xf32, #tpu.memory_space<hbm>>
      tpu.enqueue_dma source(%dma_start3A_328 : memref<832xf32, #tpu.memory_space<hbm>>) target(%dma_start3A_327 : memref<832xf32, #tpu.memory_space<vmem>>) target_semaphore(%arg18 : memref<!tpu.dma_semaphore, #tpu.memory_space<semaphore_mem>>)
      %mul3A_329 = arith.constant 208 : i32
      %mul3A_330 = arith.muli %add3A_304, %mul3A_329 : i32
      %add3A_331 = arith.addi %and3A_31, %mul3A_330 : i32
      %min3A_332 = arith.constant 99792 : i32
      %min3A_333 = arith.minsi %add3A_331, %min3A_332 : i32
      %multiple_of3A_334 = tpu.assume_multiple %min3A_333, 8 : i32
      %dma_start3A_335 = arith.constant 0 : i32
      %dma_start3A_336 = tpu.memref_slice %arg16[%dma_start3A_335] : memref<224xi32, #tpu.memory_space<vmem>> -> memref<208xi32, #tpu.memory_space<vmem>>
      %dma_start3A_337 = tpu.memref_slice %arg4[%multiple_of3A_334] : memref<100000xi32, #tpu.memory_space<hbm>> -> memref<208xi32, #tpu.memory_space<hbm>>
      %dma_start3A_338 = arith.constant 0 : i32
      %dma_start3A_339 = tpu.memref_slice %arg16[%dma_start3A_338] : memref<224xi32, #tpu.memory_space<vmem>> -> memref<208xi32, #tpu.memory_space<vmem>>
      %dma_start3A_340 = tpu.memref_slice %arg4[%multiple_of3A_334] : memref<100000xi32, #tpu.memory_space<hbm>> -> memref<208xi32, #tpu.memory_space<hbm>>
      tpu.enqueue_dma source(%dma_start3A_340 : memref<208xi32, #tpu.memory_space<hbm>>) target(%dma_start3A_339 : memref<208xi32, #tpu.memory_space<vmem>>) target_semaphore(%arg18 : memref<!tpu.dma_semaphore, #tpu.memory_space<semaphore_mem>>)
      %scan3A_341 = arith.constant 0 : i32
      %scan3A_342 = arith.constant 208 : i32
      %scan3A_343 = arith.addi %scan3A_341, %scan3A_342 : i32
      %scan3A_344 = arith.constant 1 : i32
      %scan3A_345:35 = scf.for %scan3A_429 = %scan3A_341 to %scan3A_343 step %scan3A_344 iter_args(%scan3A_430 = %while3A_230, %scan3A_431 = %while3A_231, %scan3A_432 = %while3A_232, %scan3A_433 = %while3A_233, %scan3A_434 = %while3A_234, %scan3A_435 = %while3A_235, %scan3A_436 = %while3A_236, %scan3A_437 = %while3A_237, %scan3A_438 = %while3A_238, %scan3A_439 = %while3A_239, %scan3A_440 = %while3A_240, %scan3A_441 = %while3A_241, %scan3A_442 = %while3A_242, %scan3A_443 = %while3A_243, %scan3A_444 = %while3A_244, %scan3A_445 = %while3A_245, %scan3A_446 = %while3A_246, %scan3A_447 = %while3A_247, %scan3A_448 = %while3A_248, %scan3A_449 = %while3A_249, %scan3A_450 = %while3A_250, %scan3A_451 = %while3A_251, %scan3A_452 = %while3A_252, %scan3A_453 = %while3A_253, %scan3A_454 = %while3A_254, %scan3A_455 = %while3A_255, %scan3A_456 = %while3A_256, %scan3A_457 = %while3A_257, %scan3A_458 = %while3A_258, %scan3A_459 = %while3A_259, %scan3A_460 = %while3A_260, %scan3A_461 = %while3A_261, %scan3A_462 = %while3A_262, %scan3A_463 = %while3A_263, %scan3A_464 = %while3A_264) -> (i32, f32, vector<16xf32>, vector<16xf32>, vector<16xf32>, vector<16xf32>, vector<16xf32>, vector<16xf32>, vector<16xf32>, vector<16xf32>, vector<16xf32>, vector<16xf32>, vector<16xf32>, vector<16xf32>, vector<16xf32>, vector<16xf32>, vector<16xf32>, vector<16xf32>, vector<16xf32>, vector<16xf32>, vector<16xf32>, vector<16xf32>, vector<16xf32>, vector<16xf32>, vector<16xf32>, vector<16xf32>, vector<16xf32>, vector<16xf32>, vector<16xf32>, vector<16xf32>, vector<16xf32>, vector<16xf32>, vector<16xf32>, vector<16xf32>, vector<16xf32>)  : i32 {
        %get3A_465 = arith.index_cast %scan3A_429 : i32 to index
        %get3A_466 = tpu.vector_load %arg15[%get3A_465] {strides = array<i32>} : memref<224xi32, #tpu.memory_space<vmem>>, vector<16xi32>,
        %get3A_467 = vector.shape_cast %get3A_466 : vector<16xi32> to vector<16xi32>
        %slice3A_468 = vector.extract_strided_slice %get3A_467 {offsets = [0], sizes = [1], strides = [1]} : vector<16xi32> to vector<1xi32>
        %squeeze3A_469 = vector.extract %slice3A_468[0] : i32 from vector<1xi32>
        %sub3A_470 = arith.subi %squeeze3A_469, %mul3A_114 : i32
        %ge3A_471 = arith.cmpi sge, %scan3A_429, %sub3A_278 : i32
        %ne3A_472 = arith.cmpi ne, %sub3A_470, %scan3A_430 : i32
        %and3A_473 = arith.andi %ne3A_472, %ge3A_471 : i1
        %ge3A_474 = arith.constant 0 : i32
        %ge3A_475 = arith.cmpi sge, %scan3A_430, %ge3A_474 : i32
        %lt3A_476 = arith.constant 64 : i32
        %lt3A_477 = arith.cmpi slt, %scan3A_430, %lt3A_476 : i32
        %and3A_478 = arith.andi %ge3A_475, %lt3A_477 : i1
        %and3A_479 = arith.andi %and3A_473, %and3A_478 : i1
        %convert_element_type3A_480 = arith.extui %and3A_479 : i1 to i32
        %cond3A_481 = arith.constant 0 : i32
        %cond3A_482 = arith.cmpi ne, %convert_element_type3A_480, %cond3A_481 : i32
        scf.if %cond3A_482 {
          %broadcast_in_dim3A_747 = vector.broadcast %scan3A_431 : f32 to vector<16xf32>
          %max3A_748 = arith.constant 1.000000e+00 : f32
          %max3A_749 = vector.broadcast %max3A_748 : f32 to vector<16xf32>
          %max3A_750 = arith.maximumf %broadcast_in_dim3A_747, %max3A_749 : vector<16xf32>
          %div3A_751 = arith.constant 1.000000e+00 : f32
          %div3A_752 = vector.broadcast %div3A_751 : f32 to vector<16xf32>
          %div3A_753 = arith.divf %div3A_752, %max3A_750 : vector<16xf32>
          %mul3A_754 = arith.mulf %scan3A_464, %div3A_753 : vector<16xf32>
          %slice3A_755 = vector.extract_strided_slice %mul3A_754 {offsets = [0], sizes = [1], strides = [1]} : vector<16xf32> to vector<1xf32>
          %squeeze3A_756 = vector.extract %slice3A_755[0] : f32 from vector<1xf32>
          %broadcast_in_dim3A_757 = vector.broadcast %squeeze3A_756 : f32 to vector<16xf32>
          %slice3A_758 = vector.extract_strided_slice %mul3A_754 {offsets = [1], sizes = [1], strides = [1]} : vector<16xf32> to vector<1xf32>
          %squeeze3A_759 = vector.extract %slice3A_758[0] : f32 from vector<1xf32>
          %broadcast_in_dim3A_760 = vector.broadcast %squeeze3A_759 : f32 to vector<16xf32>
          %slice3A_761 = vector.extract_strided_slice %mul3A_754 {offsets = [2], sizes = [1], strides = [1]} : vector<16xf32> to vector<1xf32>
          %squeeze3A_762 = vector.extract %slice3A_761[0] : f32 from vector<1xf32>
          %broadcast_in_dim3A_763 = vector.broadcast %squeeze3A_762 : f32 to vector<16xf32>
          %swap3A = arith.constant 16 : index
          %swap3A_764 = tpu.vector_load %arg22[%swap3A] {strides = array<i32>} : memref<448xf32, #tpu.memory_space<vmem>>, vector<16xf32>,
          %swap3A_765 = vector.shape_cast %swap3A_764 : vector<16xf32> to vector<16xf32>
          %swap3A_766 = vector.shape_cast %scan3A_452 : vector<16xf32> to vector<16xf32>
          tpu.vector_store %arg22[%swap3A], %swap3A_766 {strides = array<i32>} : memref<448xf32, #tpu.memory_space<vmem>>, vector<16xf32>,
          %swap3A_767 = arith.constant 96 : index
          %swap3A_768 = tpu.vector_load %arg22[%swap3A_767] {strides = array<i32>} : memref<448xf32, #tpu.memory_space<vmem>>, vector<16xf32>,
          %swap3A_769 = vector.shape_cast %swap3A_768 : vector<16xf32> to vector<16xf32>
          %swap3A_770 = vector.shape_cast %scan3A_456 : vector<16xf32> to vector<16xf32>
          tpu.vector_store %arg22[%swap3A_767], %swap3A_770 {strides = array<i32>} : memref<448xf32, #tpu.memory_space<vmem>>, vector<16xf32>,
          %swap3A_771 = arith.constant 176 : index
          %swap3A_772 = tpu.vector_load %arg22[%swap3A_771] {strides = array<i32>} : memref<448xf32, #tpu.memory_space<vmem>>, vector<16xf32>,
          %swap3A_773 = vector.shape_cast %swap3A_772 : vector<16xf32> to vector<16xf32>
          %swap3A_774 = vector.shape_cast %scan3A_460 : vector<16xf32> to vector<16xf32>
          tpu.vector_store %arg22[%swap3A_771], %swap3A_774 {strides = array<i32>} : memref<448xf32, #tpu.memory_space<vmem>>, vector<16xf32>,
          %swap3A_775 = arith.constant 256 : index
          %swap3A_776 = tpu.vector_load %arg22[%swap3A_775] {strides = array<i32>} : memref<448xf32, #tpu.memory_space<vmem>>, vector<16xf32>,
          %swap3A_777 = vector.shape_cast %swap3A_776 : vector<16xf32> to vector<16xf32>
          %swap3A_778 = vector.shape_cast %scan3A_440 : vector<16xf32> to vector<16xf32>
          tpu.vector_store %arg22[%swap3A_775], %swap3A_778 {strides = array<i32>} : memref<448xf32, #tpu.memory_space<vmem>>, vector<16xf32>,
          %swap3A_779 = arith.constant 32 : index
          %swap3A_780 = tpu.vector_load %arg22[%swap3A_779] {strides = array<i32>} : memref<448xf32, #tpu.memory_space<vmem>>, vector<16xf32>,
          %swap3A_781 = vector.shape_cast %swap3A_780 : vector<16xf32> to vector<16xf32>
          %swap3A_782 = vector.shape_cast %scan3A_453 : vector<16xf32> to vector<16xf32>
          tpu.vector_store %arg22[%swap3A_779], %swap3A_782 {strides = array<i32>} : memref<448xf32, #tpu.memory_space<vmem>>, vector<16xf32>,
          %swap3A_783 = arith.constant 112 : index
          %swap3A_784 = tpu.vector_load %arg22[%swap3A_783] {strides = array<i32>} : memref<448xf32, #tpu.memory_space<vmem>>, vector<16xf32>,
          %swap3A_785 = vector.shape_cast %swap3A_784 : vector<16xf32> to vector<16xf32>
          %swap3A_786 = vector.shape_cast %scan3A_457 : vector<16xf32> to vector<16xf32>
          tpu.vector_store %arg22[%swap3A_783], %swap3A_786 {strides = array<i32>} : memref<448xf32, #tpu.memory_space<vmem>>, vector<16xf32>,
          %swap3A_787 = arith.constant 192 : index
          %swap3A_788 = tpu.vector_load %arg22[%swap3A_787] {strides = array<i32>} : memref<448xf32, #tpu.memory_space<vmem>>, vector<16xf32>,
          %swap3A_789 = vector.shape_cast %swap3A_788 : vector<16xf32> to vector<16xf32>
          %swap3A_790 = vector.shape_cast %scan3A_461 : vector<16xf32> to vector<16xf32>
          tpu.vector_store %arg22[%swap3A_787], %swap3A_790 {strides = array<i32>} : memref<448xf32, #tpu.memory_space<vmem>>, vector<16xf32>,
          %swap3A_791 = arith.constant 272 : index
          %swap3A_792 = tpu.vector_load %arg22[%swap3A_791] {strides = array<i32>} : memref<448xf32, #tpu.memory_space<vmem>>, vector<16xf32>,
          %swap3A_793 = vector.shape_cast %swap3A_792 : vector<16xf32> to vector<16xf32>
          %swap3A_794 = vector.shape_cast %scan3A_441 : vector<16xf32> to vector<16xf32>
          tpu.vector_store %arg22[%swap3A_791], %swap3A_794 {strides = array<i32>} : memref<448xf32, #tpu.memory_space<vmem>>, vector<16xf32>,
          %swap3A_795 = arith.constant 48 : index
          %swap3A_796 = tpu.vector_load %arg22[%swap3A_795] {strides = array<i32>} : memref<448xf32, #tpu.memory_space<vmem>>, vector<16xf32>,
          %swap3A_797 = vector.shape_cast %swap3A_796 : vector<16xf32> to vector<16xf32>
          %swap3A_798 = vector.shape_cast %scan3A_454 : vector<16xf32> to vector<16xf32>
          tpu.vector_store %arg22[%swap3A_795], %swap3A_798 {strides = array<i32>} : memref<448xf32, #tpu.memory_space<vmem>>, vector<16xf32>,
          %swap3A_799 = arith.constant 128 : index
          %swap3A_800 = tpu.vector_load %arg22[%swap3A_799] {strides = array<i32>} : memref<448xf32, #tpu.memory_space<vmem>>, vector<16xf32>,
          %swap3A_801 = vector.shape_cast %swap3A_800 : vector<16xf32> to vector<16xf32>
          %swap3A_802 = vector.shape_cast %scan3A_458 : vector<16xf32> to vector<16xf32>
          tpu.vector_store %arg22[%swap3A_799], %swap3A_802 {strides = array<i32>} : memref<448xf32, #tpu.memory_space<vmem>>, vector<16xf32>,
          %swap3A_803 = arith.constant 208 : index
          %swap3A_804 = tpu.vector_load %arg22[%swap3A_803] {strides = array<i32>} : memref<448xf32, #tpu.memory_space<vmem>>, vector<16xf32>,
          %swap3A_805 = vector.shape_cast %swap3A_804 : vector<16xf32> to vector<16xf32>
          %swap3A_806 = vector.shape_cast %scan3A_462 : vector<16xf32> to vector<16xf32>
          tpu.vector_store %arg22[%swap3A_803], %swap3A_806 {strides = array<i32>} : memref<448xf32, #tpu.memory_space<vmem>>, vector<16xf32>,
          %swap3A_807 = arith.constant 288 : index
          %swap3A_808 = tpu.vector_load %arg22[%swap3A_807] {strides = array<i32>} : memref<448xf32, #tpu.memory_space<vmem>>, vector<16xf32>,
          %swap3A_809 = vector.shape_cast %swap3A_808 : vector<16xf32> to vector<16xf32>
          %swap3A_810 = vector.shape_cast %scan3A_442 : vector<16xf32> to vector<16xf32>
          tpu.vector_store %arg22[%swap3A_807], %swap3A_810 {strides = array<i32>} : memref<448xf32, #tpu.memory_space<vmem>>, vector<16xf32>,
          %swap3A_811 = arith.constant 64 : index
          %swap3A_812 = tpu.vector_load %arg22[%swap3A_811] {strides = array<i32>} : memref<448xf32, #tpu.memory_space<vmem>>, vector<16xf32>,
          %swap3A_813 = vector.shape_cast %swap3A_812 : vector<16xf32> to vector<16xf32>
          %swap3A_814 = vector.shape_cast %scan3A_455 : vector<16xf32> to vector<16xf32>
          tpu.vector_store %arg22[%swap3A_811], %swap3A_814 {strides = array<i32>} : memref<448xf32, #tpu.memory_space<vmem>>, vector<16xf32>,
          %swap3A_815 = arith.constant 144 : index
          %swap3A_816 = tpu.vector_load %arg22[%swap3A_815] {strides = array<i32>} : memref<448xf32, #tpu.memory_space<vmem>>, vector<16xf32>,
          %swap3A_817 = vector.shape_cast %swap3A_816 : vector<16xf32> to vector<16xf32>
          %swap3A_818 = vector.shape_cast %scan3A_459 : vector<16xf32> to vector<16xf32>
          tpu.vector_store %arg22[%swap3A_815], %swap3A_818 {strides = array<i32>} : memref<448xf32, #tpu.memory_space<vmem>>, vector<16xf32>,
          %swap3A_819 = arith.constant 224 : index
          %swap3A_820 = tpu.vector_load %arg22[%swap3A_819] {strides = array<i32>} : memref<448xf32, #tpu.memory_space<vmem>>, vector<16xf32>,
          %swap3A_821 = vector.shape_cast %swap3A_820 : vector<16xf32> to vector<16xf32>
          %swap3A_822 = vector.shape_cast %scan3A_463 : vector<16xf32> to vector<16xf32>
          tpu.vector_store %arg22[%swap3A_819], %swap3A_822 {strides = array<i32>} : memref<448xf32, #tpu.memory_space<vmem>>, vector<16xf32>,
          %swap3A_823 = arith.constant 304 : index
          %swap3A_824 = tpu.vector_load %arg22[%swap3A_823] {strides = array<i32>} : memref<448xf32, #tpu.memory_space<vmem>>, vector<16xf32>,
          %swap3A_825 = vector.shape_cast %swap3A_824 : vector<16xf32> to vector<16xf32>
          %swap3A_826 = vector.shape_cast %scan3A_443 : vector<16xf32> to vector<16xf32>
          tpu.vector_store %arg22[%swap3A_823], %swap3A_826 {strides = array<i32>} : memref<448xf32, #tpu.memory_space<vmem>>, vector<16xf32>,
          %mul3A_827 = arith.constant 60 : i32
          %mul3A_828 = arith.muli %mul3A_827, %scan3A_430 : i32
          %get3A_829 = arith.constant 64 : index
          %get3A_830 = tpu.vector_load %arg21[%get3A_829] {strides = array<i32>} : memref<80xf32, #tpu.memory_space<vmem>>, vector<16xf32>,
          %get3A_831 = vector.shape_cast %get3A_830 : vector<16xf32> to vector<16xf32>
          %mul3A_832 = arith.mulf %broadcast_in_dim3A_757, %get3A_18 : vector<16xf32>
          %mul3A_833 = arith.mulf %broadcast_in_dim3A_760, %get3A_21 : vector<16xf32>
          %add3A_834 = arith.addf %mul3A_832, %mul3A_833 : vector<16xf32>
          %mul3A_835 = arith.mulf %broadcast_in_dim3A_763, %get3A_24 : vector<16xf32>
          %add3A_836 = arith.addf %add3A_834, %mul3A_835 : vector<16xf32>
          %add3A_837 = arith.addf %scan3A_432, %scan3A_448 : vector<16xf32>
          %mul3A_838 = arith.mulf %scan3A_444, %add3A_836 : vector<16xf32>
          %sub3A_839 = arith.subf %add3A_837, %mul3A_838 : vector<16xf32>
          %get3A_840 = arith.constant 98 : index
          %get3A_841 = tpu.vector_load %arg22[%get3A_840] {strides = array<i32>} : memref<448xf32, #tpu.memory_space<vmem>>, vector<16xf32>,
          %get3A_842 = vector.shape_cast %get3A_841 : vector<16xf32> to vector<16xf32>
          %get3A_843 = arith.constant 177 : index
          %get3A_844 = tpu.vector_load %arg22[%get3A_843] {strides = array<i32>} : memref<448xf32, #tpu.memory_space<vmem>>, vector<16xf32>,
          %get3A_845 = vector.shape_cast %get3A_844 : vector<16xf32> to vector<16xf32>
          %sub3A_846 = arith.subf %get3A_842, %get3A_845 : vector<16xf32>
          %mul3A_847 = arith.mulf %get3A_18, %sub3A_846 : vector<16xf32>
          %get3A_848 = arith.constant 175 : index
          %get3A_849 = tpu.vector_load %arg22[%get3A_848] {strides = array<i32>} : memref<448xf32, #tpu.memory_space<vmem>>, vector<16xf32>,
          %get3A_850 = vector.shape_cast %get3A_849 : vector<16xf32> to vector<16xf32>
          %get3A_851 = arith.constant 17 : index
          %get3A_852 = tpu.vector_load %arg22[%get3A_851] {strides = array<i32>} : memref<448xf32, #tpu.memory_space<vmem>>, vector<16xf32>,
          %get3A_853 = vector.shape_cast %get3A_852 : vector<16xf32> to vector<16xf32>
          %sub3A_854 = arith.subf %get3A_850, %get3A_853 : vector<16xf32>
          %mul3A_855 = arith.mulf %get3A_21, %sub3A_854 : vector<16xf32>
          %add3A_856 = arith.addf %mul3A_847, %mul3A_855 : vector<16xf32>
          %get3A_857 = arith.constant 15 : index
          %get3A_858 = tpu.vector_load %arg22[%get3A_857] {strides = array<i32>} : memref<448xf32, #tpu.memory_space<vmem>>, vector<16xf32>,
          %get3A_859 = vector.shape_cast %get3A_858 : vector<16xf32> to vector<16xf32>
          %get3A_860 = arith.constant 94 : index
          %get3A_861 = tpu.vector_load %arg22[%get3A_860] {strides = array<i32>} : memref<448xf32, #tpu.memory_space<vmem>>, vector<16xf32>,
          %get3A_862 = vector.shape_cast %get3A_861 : vector<16xf32> to vector<16xf32>
          %sub3A_863 = arith.subf %get3A_859, %get3A_862 : vector<16xf32>
          %mul3A_864 = arith.mulf %get3A_24, %sub3A_863 : vector<16xf32>
          %add3A_865 = arith.addf %add3A_856, %mul3A_864 : vector<16xf32>
          %get3A_866 = arith.constant 257 : index
          %get3A_867 = tpu.vector_load %arg22[%get3A_866] {strides = array<i32>} : memref<448xf32, #tpu.memory_space<vmem>>, vector<16xf32>,
          %get3A_868 = vector.shape_cast %get3A_867 : vector<16xf32> to vector<16xf32>
          %get3A_869 = arith.constant 255 : index
          %get3A_870 = tpu.vector_load %arg22[%get3A_869] {strides = array<i32>} : memref<448xf32, #tpu.memory_space<vmem>>, vector<16xf32>,
          %get3A_871 = vector.shape_cast %get3A_870 : vector<16xf32> to vector<16xf32>
          %get3A_872 = arith.constant 258 : index
          %get3A_873 = tpu.vector_load %arg22[%get3A_872] {strides = array<i32>} : memref<448xf32, #tpu.memory_space<vmem>>, vector<16xf32>,
          %get3A_874 = vector.shape_cast %get3A_873 : vector<16xf32> to vector<16xf32>
          %mul3A_875 = arith.mulf %broadcast_in_dim3A_760, %get3A_874 : vector<16xf32>
          %mul3A_876 = arith.mulf %broadcast_in_dim3A_763, %get3A_868 : vector<16xf32>
          %sub3A_877 = arith.subf %mul3A_875, %mul3A_876 : vector<16xf32>
          %mul3A_878 = arith.mulf %get3A_18, %sub3A_877 : vector<16xf32>
          %mul3A_879 = arith.mulf %broadcast_in_dim3A_763, %get3A_871 : vector<16xf32>
          %mul3A_880 = arith.mulf %broadcast_in_dim3A_757, %get3A_868 : vector<16xf32>
          %sub3A_881 = arith.subf %mul3A_879, %mul3A_880 : vector<16xf32>
          %mul3A_882 = arith.mulf %get3A_21, %sub3A_881 : vector<16xf32>
          %add3A_883 = arith.addf %mul3A_878, %mul3A_882 : vector<16xf32>
          %mul3A_884 = arith.mulf %broadcast_in_dim3A_757, %get3A_871 : vector<16xf32>
          %get3A_885 = arith.constant 254 : index
          %get3A_886 = tpu.vector_load %arg22[%get3A_885] {strides = array<i32>} : memref<448xf32, #tpu.memory_space<vmem>>, vector<16xf32>,
          %get3A_887 = vector.shape_cast %get3A_886 : vector<16xf32> to vector<16xf32>
          %mul3A_888 = arith.mulf %broadcast_in_dim3A_760, %get3A_887 : vector<16xf32>
          %sub3A_889 = arith.subf %mul3A_884, %mul3A_888 : vector<16xf32>
          %mul3A_890 = arith.mulf %get3A_24, %sub3A_889 : vector<16xf32>
          %add3A_891 = arith.addf %add3A_883, %mul3A_890 : vector<16xf32>
          %sub3A_892 = arith.subf %add3A_865, %add3A_891 : vector<16xf32>
          %mul3A_893 = arith.constant 5.000000e-01 : f32
          %mul3A_894 = vector.broadcast %mul3A_893 : f32 to vector<16xf32>
          %mul3A_895 = arith.mulf %mul3A_894, %sub3A_892 : vector<16xf32>
          %add3A_896 = arith.addf %scan3A_436, %mul3A_895 : vector<16xf32>
          %mul3A_897 = arith.mulf %broadcast_in_dim3A_757, %get3A_24 : vector<16xf32>
          %mul3A_898 = arith.mulf %broadcast_in_dim3A_760, %get3A_18 : vector<16xf32>
          %add3A_899 = arith.addf %mul3A_897, %mul3A_898 : vector<16xf32>
          %mul3A_900 = arith.mulf %broadcast_in_dim3A_763, %get3A_21 : vector<16xf32>
          %add3A_901 = arith.addf %add3A_899, %mul3A_900 : vector<16xf32>
          %add3A_902 = arith.addf %scan3A_433, %scan3A_449 : vector<16xf32>
          %mul3A_903 = arith.mulf %scan3A_445, %add3A_901 : vector<16xf32>
          %sub3A_904 = arith.subf %add3A_902, %mul3A_903 : vector<16xf32>
          %get3A_905 = arith.constant 114 : index
          %get3A_906 = tpu.vector_load %arg22[%get3A_905] {strides = array<i32>} : memref<448xf32, #tpu.memory_space<vmem>>, vector<16xf32>,
          %get3A_907 = vector.shape_cast %get3A_906 : vector<16xf32> to vector<16xf32>
          %get3A_908 = arith.constant 193 : index
          %get3A_909 = tpu.vector_load %arg22[%get3A_908] {strides = array<i32>} : memref<448xf32, #tpu.memory_space<vmem>>, vector<16xf32>,
          %get3A_910 = vector.shape_cast %get3A_909 : vector<16xf32> to vector<16xf32>
          %sub3A_911 = arith.subf %get3A_907, %get3A_910 : vector<16xf32>
          %mul3A_912 = arith.mulf %get3A_24, %sub3A_911 : vector<16xf32>
          %get3A_913 = arith.constant 191 : index
          %get3A_914 = tpu.vector_load %arg22[%get3A_913] {strides = array<i32>} : memref<448xf32, #tpu.memory_space<vmem>>, vector<16xf32>,
          %get3A_915 = vector.shape_cast %get3A_914 : vector<16xf32> to vector<16xf32>
          %get3A_916 = arith.constant 33 : index
          %get3A_917 = tpu.vector_load %arg22[%get3A_916] {strides = array<i32>} : memref<448xf32, #tpu.memory_space<vmem>>, vector<16xf32>,
          %get3A_918 = vector.shape_cast %get3A_917 : vector<16xf32> to vector<16xf32>
          %sub3A_919 = arith.subf %get3A_915, %get3A_918 : vector<16xf32>
          %mul3A_920 = arith.mulf %get3A_18, %sub3A_919 : vector<16xf32>
          %add3A_921 = arith.addf %mul3A_912, %mul3A_920 : vector<16xf32>
          %get3A_922 = arith.constant 31 : index
          %get3A_923 = tpu.vector_load %arg22[%get3A_922] {strides = array<i32>} : memref<448xf32, #tpu.memory_space<vmem>>, vector<16xf32>,
          %get3A_924 = vector.shape_cast %get3A_923 : vector<16xf32> to vector<16xf32>
          %get3A_925 = arith.constant 110 : index
          %get3A_926 = tpu.vector_load %arg22[%get3A_925] {strides = array<i32>} : memref<448xf32, #tpu.memory_space<vmem>>, vector<16xf32>,
          %get3A_927 = vector.shape_cast %get3A_926 : vector<16xf32> to vector<16xf32>
          %sub3A_928 = arith.subf %get3A_924, %get3A_927 : vector<16xf32>
          %mul3A_929 = arith.mulf %get3A_21, %sub3A_928 : vector<16xf32>
          %add3A_930 = arith.addf %add3A_921, %mul3A_929 : vector<16xf32>
          %get3A_931 = arith.constant 273 : index
          %get3A_932 = tpu.vector_load %arg22[%get3A_931] {strides = array<i32>} : memref<448xf32, #tpu.memory_space<vmem>>, vector<16xf32>,
          %get3A_933 = vector.shape_cast %get3A_932 : vector<16xf32> to vector<16xf32>
          %get3A_934 = arith.constant 271 : index
          %get3A_935 = tpu.vector_load %arg22[%get3A_934] {strides = array<i32>} : memref<448xf32, #tpu.memory_space<vmem>>, vector<16xf32>,
          %get3A_936 = vector.shape_cast %get3A_935 : vector<16xf32> to vector<16xf32>
          %get3A_937 = arith.constant 274 : index
          %get3A_938 = tpu.vector_load %arg22[%get3A_937] {strides = array<i32>} : memref<448xf32, #tpu.memory_space<vmem>>, vector<16xf32>,
          %get3A_939 = vector.shape_cast %get3A_938 : vector<16xf32> to vector<16xf32>
          %mul3A_940 = arith.mulf %broadcast_in_dim3A_760, %get3A_939 : vector<16xf32>
          %mul3A_941 = arith.mulf %broadcast_in_dim3A_763, %get3A_933 : vector<16xf32>
          %sub3A_942 = arith.subf %mul3A_940, %mul3A_941 : vector<16xf32>
          %mul3A_943 = arith.mulf %get3A_24, %sub3A_942 : vector<16xf32>
          %mul3A_944 = arith.mulf %broadcast_in_dim3A_763, %get3A_936 : vector<16xf32>
          %mul3A_945 = arith.mulf %broadcast_in_dim3A_757, %get3A_933 : vector<16xf32>
          %sub3A_946 = arith.subf %mul3A_944, %mul3A_945 : vector<16xf32>
          %mul3A_947 = arith.mulf %get3A_18, %sub3A_946 : vector<16xf32>
          %add3A_948 = arith.addf %mul3A_943, %mul3A_947 : vector<16xf32>
          %mul3A_949 = arith.mulf %broadcast_in_dim3A_757, %get3A_936 : vector<16xf32>
          %get3A_950 = arith.constant 270 : index
          %get3A_951 = tpu.vector_load %arg22[%get3A_950] {strides = array<i32>} : memref<448xf32, #tpu.memory_space<vmem>>, vector<16xf32>,
          %get3A_952 = vector.shape_cast %get3A_951 : vector<16xf32> to vector<16xf32>
          %mul3A_953 = arith.mulf %broadcast_in_dim3A_760, %get3A_952 : vector<16xf32>
          %sub3A_954 = arith.subf %mul3A_949, %mul3A_953 : vector<16xf32>
          %mul3A_955 = arith.mulf %get3A_21, %sub3A_954 : vector<16xf32>
          %add3A_956 = arith.addf %add3A_948, %mul3A_955 : vector<16xf32>
          %sub3A_957 = arith.subf %add3A_930, %add3A_956 : vector<16xf32>
          %mul3A_958 = arith.constant 5.000000e-01 : f32
          %mul3A_959 = vector.broadcast %mul3A_958 : f32 to vector<16xf32>
          %mul3A_960 = arith.mulf %mul3A_959, %sub3A_957 : vector<16xf32>
          %add3A_961 = arith.addf %scan3A_437, %mul3A_960 : vector<16xf32>
          %mul3A_962 = arith.mulf %broadcast_in_dim3A_757, %get3A_21 : vector<16xf32>
          %mul3A_963 = arith.mulf %broadcast_in_dim3A_760, %get3A_24 : vector<16xf32>
          %add3A_964 = arith.addf %mul3A_962, %mul3A_963 : vector<16xf32>
          %mul3A_965 = arith.mulf %broadcast_in_dim3A_763, %get3A_18 : vector<16xf32>
          %add3A_966 = arith.addf %add3A_964, %mul3A_965 : vector<16xf32>
          %add3A_967 = arith.addf %scan3A_434, %scan3A_450 : vector<16xf32>
          %mul3A_968 = arith.mulf %scan3A_446, %add3A_966 : vector<16xf32>
          %sub3A_969 = arith.subf %add3A_967, %mul3A_968 : vector<16xf32>
          %get3A_970 = arith.constant 130 : index
          %get3A_971 = tpu.vector_load %arg22[%get3A_970] {strides = array<i32>} : memref<448xf32, #tpu.memory_space<vmem>>, vector<16xf32>,
          %get3A_972 = vector.shape_cast %get3A_971 : vector<16xf32> to vector<16xf32>
          %get3A_973 = arith.constant 209 : index
          %get3A_974 = tpu.vector_load %arg22[%get3A_973] {strides = array<i32>} : memref<448xf32, #tpu.memory_space<vmem>>, vector<16xf32>,
          %get3A_975 = vector.shape_cast %get3A_974 : vector<16xf32> to vector<16xf32>
          %sub3A_976 = arith.subf %get3A_972, %get3A_975 : vector<16xf32>
          %mul3A_977 = arith.mulf %get3A_21, %sub3A_976 : vector<16xf32>
          %get3A_978 = arith.constant 207 : index
          %get3A_979 = tpu.vector_load %arg22[%get3A_978] {strides = array<i32>} : memref<448xf32, #tpu.memory_space<vmem>>, vector<16xf32>,
          %get3A_980 = vector.shape_cast %get3A_979 : vector<16xf32> to vector<16xf32>
          %get3A_981 = arith.constant 49 : index
          %get3A_982 = tpu.vector_load %arg22[%get3A_981] {strides = array<i32>} : memref<448xf32, #tpu.memory_space<vmem>>, vector<16xf32>,
          %get3A_983 = vector.shape_cast %get3A_982 : vector<16xf32> to vector<16xf32>
          %sub3A_984 = arith.subf %get3A_980, %get3A_983 : vector<16xf32>
          %mul3A_985 = arith.mulf %get3A_24, %sub3A_984 : vector<16xf32>
          %add3A_986 = arith.addf %mul3A_977, %mul3A_985 : vector<16xf32>
          %get3A_987 = arith.constant 47 : index
          %get3A_988 = tpu.vector_load %arg22[%get3A_987] {strides = array<i32>} : memref<448xf32, #tpu.memory_space<vmem>>, vector<16xf32>,
          %get3A_989 = vector.shape_cast %get3A_988 : vector<16xf32> to vector<16xf32>
          %get3A_990 = arith.constant 126 : index
          %get3A_991 = tpu.vector_load %arg22[%get3A_990] {strides = array<i32>} : memref<448xf32, #tpu.memory_space<vmem>>, vector<16xf32>,
          %get3A_992 = vector.shape_cast %get3A_991 : vector<16xf32> to vector<16xf32>
          %sub3A_993 = arith.subf %get3A_989, %get3A_992 : vector<16xf32>
          %mul3A_994 = arith.mulf %get3A_18, %sub3A_993 : vector<16xf32>
          %add3A_995 = arith.addf %add3A_986, %mul3A_994 : vector<16xf32>
          %get3A_996 = arith.constant 289 : index
          %get3A_997 = tpu.vector_load %arg22[%get3A_996] {strides = array<i32>} : memref<448xf32, #tpu.memory_space<vmem>>, vector<16xf32>,
          %get3A_998 = vector.shape_cast %get3A_997 : vector<16xf32> to vector<16xf32>
          %get3A_999 = arith.constant 287 : index
          %get3A_1000 = tpu.vector_load %arg22[%get3A_999] {strides = array<i32>} : memref<448xf32, #tpu.memory_space<vmem>>, vector<16xf32>,
          %get3A_1001 = vector.shape_cast %get3A_1000 : vector<16xf32> to vector<16xf32>
          %get3A_1002 = arith.constant 290 : index
          %get3A_1003 = tpu.vector_load %arg22[%get3A_1002] {strides = array<i32>} : memref<448xf32, #tpu.memory_space<vmem>>, vector<16xf32>,
          %get3A_1004 = vector.shape_cast %get3A_1003 : vector<16xf32> to vector<16xf32>
          %mul3A_1005 = arith.mulf %broadcast_in_dim3A_760, %get3A_1004 : vector<16xf32>
          %mul3A_1006 = arith.mulf %broadcast_in_dim3A_763, %get3A_998 : vector<16xf32>
          %sub3A_1007 = arith.subf %mul3A_1005, %mul3A_1006 : vector<16xf32>
          %mul3A_1008 = arith.mulf %get3A_21, %sub3A_1007 : vector<16xf32>
          %mul3A_1009 = arith.mulf %broadcast_in_dim3A_763, %get3A_1001 : vector<16xf32>
          %mul3A_1010 = arith.mulf %broadcast_in_dim3A_757, %get3A_998 : vector<16xf32>
          %sub3A_1011 = arith.subf %mul3A_1009, %mul3A_1010 : vector<16xf32>
          %mul3A_1012 = arith.mulf %get3A_24, %sub3A_1011 : vector<16xf32>
          %add3A_1013 = arith.addf %mul3A_1008, %mul3A_1012 : vector<16xf32>
          %mul3A_1014 = arith.mulf %broadcast_in_dim3A_757, %get3A_1001 : vector<16xf32>
          %get3A_1015 = arith.constant 286 : index
          %get3A_1016 = tpu.vector_load %arg22[%get3A_1015] {strides = array<i32>} : memref<448xf32, #tpu.memory_space<vmem>>, vector<16xf32>,
          %get3A_1017 = vector.shape_cast %get3A_1016 : vector<16xf32> to vector<16xf32>
          %mul3A_1018 = arith.mulf %broadcast_in_dim3A_760, %get3A_1017 : vector<16xf32>
          %sub3A_1019 = arith.subf %mul3A_1014, %mul3A_1018 : vector<16xf32>
          %mul3A_1020 = arith.mulf %get3A_18, %sub3A_1019 : vector<16xf32>
          %add3A_1021 = arith.addf %add3A_1013, %mul3A_1020 : vector<16xf32>
          %sub3A_1022 = arith.subf %add3A_995, %add3A_1021 : vector<16xf32>
          %mul3A_1023 = arith.constant 5.000000e-01 : f32
          %mul3A_1024 = vector.broadcast %mul3A_1023 : f32 to vector<16xf32>
          %mul3A_1025 = arith.mulf %mul3A_1024, %sub3A_1022 : vector<16xf32>
          %add3A_1026 = arith.addf %scan3A_438, %mul3A_1025 : vector<16xf32>
          %mul3A_1027 = arith.mulf %broadcast_in_dim3A_757, %get3A_18 : vector<16xf32>
          %mul3A_1028 = arith.mulf %broadcast_in_dim3A_760, %get3A_21 : vector<16xf32>
          %add3A_1029 = arith.addf %mul3A_1027, %mul3A_1028 : vector<16xf32>
          %mul3A_1030 = arith.mulf %broadcast_in_dim3A_763, %get3A_24 : vector<16xf32>
          %add3A_1031 = arith.addf %add3A_1029, %mul3A_1030 : vector<16xf32>
          %add3A_1032 = arith.addf %scan3A_435, %scan3A_451 : vector<16xf32>
          %mul3A_1033 = arith.mulf %scan3A_447, %add3A_1031 : vector<16xf32>
          %sub3A_1034 = arith.subf %add3A_1032, %mul3A_1033 : vector<16xf32>
          %get3A_1035 = arith.constant 146 : index
          %get3A_1036 = tpu.vector_load %arg22[%get3A_1035] {strides = array<i32>} : memref<448xf32, #tpu.memory_space<vmem>>, vector<16xf32>,
          %get3A_1037 = vector.shape_cast %get3A_1036 : vector<16xf32> to vector<16xf32>
          %get3A_1038 = arith.constant 225 : index
          %get3A_1039 = tpu.vector_load %arg22[%get3A_1038] {strides = array<i32>} : memref<448xf32, #tpu.memory_space<vmem>>, vector<16xf32>,
          %get3A_1040 = vector.shape_cast %get3A_1039 : vector<16xf32> to vector<16xf32>
          %sub3A_1041 = arith.subf %get3A_1037, %get3A_1040 : vector<16xf32>
          %mul3A_1042 = arith.mulf %get3A_18, %sub3A_1041 : vector<16xf32>
          %get3A_1043 = arith.constant 223 : index
          %get3A_1044 = tpu.vector_load %arg22[%get3A_1043] {strides = array<i32>} : memref<448xf32, #tpu.memory_space<vmem>>, vector<16xf32>,
          %get3A_1045 = vector.shape_cast %get3A_1044 : vector<16xf32> to vector<16xf32>
          %get3A_1046 = arith.constant 65 : index
          %get3A_1047 = tpu.vector_load %arg22[%get3A_1046] {strides = array<i32>} : memref<448xf32, #tpu.memory_space<vmem>>, vector<16xf32>,
          %get3A_1048 = vector.shape_cast %get3A_1047 : vector<16xf32> to vector<16xf32>
          %sub3A_1049 = arith.subf %get3A_1045, %get3A_1048 : vector<16xf32>
          %mul3A_1050 = arith.mulf %get3A_21, %sub3A_1049 : vector<16xf32>
          %add3A_1051 = arith.addf %mul3A_1042, %mul3A_1050 : vector<16xf32>
          %get3A_1052 = arith.constant 63 : index
          %get3A_1053 = tpu.vector_load %arg22[%get3A_1052] {strides = array<i32>} : memref<448xf32, #tpu.memory_space<vmem>>, vector<16xf32>,
          %get3A_1054 = vector.shape_cast %get3A_1053 : vector<16xf32> to vector<16xf32>
          %get3A_1055 = arith.constant 142 : index
          %get3A_1056 = tpu.vector_load %arg22[%get3A_1055] {strides = array<i32>} : memref<448xf32, #tpu.memory_space<vmem>>, vector<16xf32>,
          %get3A_1057 = vector.shape_cast %get3A_1056 : vector<16xf32> to vector<16xf32>
          %sub3A_1058 = arith.subf %get3A_1054, %get3A_1057 : vector<16xf32>
          %mul3A_1059 = arith.mulf %get3A_24, %sub3A_1058 : vector<16xf32>
          %add3A_1060 = arith.addf %add3A_1051, %mul3A_1059 : vector<16xf32>
          %get3A_1061 = arith.constant 305 : index
          %get3A_1062 = tpu.vector_load %arg22[%get3A_1061] {strides = array<i32>} : memref<448xf32, #tpu.memory_space<vmem>>, vector<16xf32>,
          %get3A_1063 = vector.shape_cast %get3A_1062 : vector<16xf32> to vector<16xf32>
          %get3A_1064 = arith.constant 303 : index
          %get3A_1065 = tpu.vector_load %arg22[%get3A_1064] {strides = array<i32>} : memref<448xf32, #tpu.memory_space<vmem>>, vector<16xf32>,
          %get3A_1066 = vector.shape_cast %get3A_1065 : vector<16xf32> to vector<16xf32>
          %get3A_1067 = arith.constant 306 : index
          %get3A_1068 = tpu.vector_load %arg22[%get3A_1067] {strides = array<i32>} : memref<448xf32, #tpu.memory_space<vmem>>, vector<16xf32>,
          %get3A_1069 = vector.shape_cast %get3A_1068 : vector<16xf32> to vector<16xf32>
          %mul3A_1070 = arith.mulf %broadcast_in_dim3A_760, %get3A_1069 : vector<16xf32>
          %mul3A_1071 = arith.mulf %broadcast_in_dim3A_763, %get3A_1063 : vector<16xf32>
          %sub3A_1072 = arith.subf %mul3A_1070, %mul3A_1071 : vector<16xf32>
          %mul3A_1073 = arith.mulf %get3A_18, %sub3A_1072 : vector<16xf32>
          %mul3A_1074 = arith.mulf %broadcast_in_dim3A_763, %get3A_1066 : vector<16xf32>
          %mul3A_1075 = arith.mulf %broadcast_in_dim3A_757, %get3A_1063 : vector<16xf32>
          %sub3A_1076 = arith.subf %mul3A_1074, %mul3A_1075 : vector<16xf32>
          %mul3A_1077 = arith.mulf %get3A_21, %sub3A_1076 : vector<16xf32>
          %add3A_1078 = arith.addf %mul3A_1073, %mul3A_1077 : vector<16xf32>
          %mul3A_1079 = arith.mulf %broadcast_in_dim3A_757, %get3A_1066 : vector<16xf32>
          %get3A_1080 = arith.constant 302 : index
          %get3A_1081 = tpu.vector_load %arg22[%get3A_1080] {strides = array<i32>} : memref<448xf32, #tpu.memory_space<vmem>>, vector<16xf32>,
          %get3A_1082 = vector.shape_cast %get3A_1081 : vector<16xf32> to vector<16xf32>
          %mul3A_1083 = arith.mulf %broadcast_in_dim3A_760, %get3A_1082 : vector<16xf32>
          %sub3A_1084 = arith.subf %mul3A_1079, %mul3A_1083 : vector<16xf32>
          %mul3A_1085 = arith.mulf %get3A_24, %sub3A_1084 : vector<16xf32>
          %add3A_1086 = arith.addf %add3A_1078, %mul3A_1085 : vector<16xf32>
          %sub3A_1087 = arith.subf %add3A_1060, %add3A_1086 : vector<16xf32>
          %mul3A_1088 = arith.constant 5.000000e-01 : f32
          %mul3A_1089 = vector.broadcast %mul3A_1088 : f32 to vector<16xf32>
          %mul3A_1090 = arith.mulf %mul3A_1089, %sub3A_1087 : vector<16xf32>
          %add3A_1091 = arith.addf %scan3A_439, %mul3A_1090 : vector<16xf32>
          %add3A_1092 = arith.constant 48 : i32
          %add3A_1093 = arith.addi %mul3A_828, %add3A_1092 : i32
          %gt3A = arith.constant 5.000000e-01 : f32
          %gt3A_1094 = vector.broadcast %gt3A : f32 to vector<16xf32>
          %gt3A_1095 = arith.cmpf ogt, %get3A_831, %gt3A_1094 : vector<16xf32>
          %get3A_1096 = arith.index_cast %add3A_1093 : i32 to index
          %get3A_1097 = tpu.vector_load %arg23[%get3A_1096] {strides = array<i32>} : memref<3856xf32, #tpu.memory_space<vmem>>, vector<16xf32>,
          %get3A_1098 = vector.shape_cast %get3A_1097 : vector<16xf32> to vector<16xf32>
          %select_n3A_1099 = arith.select %gt3A_1095, %sub3A_1034, %get3A_1098 : vector<16xi1>, vector<16xf32>
          %gt3A_1100 = arith.constant 5.000000e-01 : f32
          %gt3A_1101 = vector.broadcast %gt3A_1100 : f32 to vector<16xf32>
          %gt3A_1102 = arith.cmpf ogt, %get3A_831, %gt3A_1101 : vector<16xf32>
          %get3A_1103 = arith.index_cast %add3A_1093 : i32 to index
          %get3A_1104 = tpu.vector_load %arg24[%get3A_1103] {strides = array<i32>} : memref<3856xf32, #tpu.memory_space<vmem>>, vector<16xf32>,
          %get3A_1105 = vector.shape_cast %get3A_1104 : vector<16xf32> to vector<16xf32>
          %select_n3A_1106 = arith.select %gt3A_1102, %add3A_1091, %get3A_1105 : vector<16xi1>, vector<16xf32>
          %add3A_1107 = arith.constant 0 : i32
          %add3A_1108 = arith.addi %mul3A_828, %add3A_1107 : i32
          %swap3A_1109 = arith.index_cast %add3A_1108 : i32 to index
          %swap3A_1110 = tpu.vector_load %arg23[%swap3A_1109] {strides = array<i32>} : memref<3856xf32, #tpu.memory_space<vmem>>, vector<16xf32>,
          %swap3A_1111 = vector.shape_cast %swap3A_1110 : vector<16xf32> to vector<16xf32>
          %swap3A_1112 = vector.shape_cast %sub3A_839 : vector<16xf32> to vector<16xf32>
          tpu.vector_store %arg23[%swap3A_1109], %swap3A_1112 {strides = array<i32>} : memref<3856xf32, #tpu.memory_space<vmem>>, vector<16xf32>,
          %add3A_1113 = arith.constant 0 : i32
          %add3A_1114 = arith.addi %mul3A_828, %add3A_1113 : i32
          %swap3A_1115 = arith.index_cast %add3A_1114 : i32 to index
          %swap3A_1116 = tpu.vector_load %arg24[%swap3A_1115] {strides = array<i32>} : memref<3856xf32, #tpu.memory_space<vmem>>, vector<16xf32>,
          %swap3A_1117 = vector.shape_cast %swap3A_1116 : vector<16xf32> to vector<16xf32>
          %swap3A_1118 = vector.shape_cast %add3A_896 : vector<16xf32> to vector<16xf32>
          tpu.vector_store %arg24[%swap3A_1115], %swap3A_1118 {strides = array<i32>} : memref<3856xf32, #tpu.memory_space<vmem>>, vector<16xf32>,
          %mul3A_1119 = arith.mulf %sub3A_839, %add3A_896 : vector<16xf32>
          %swap3A_1120 = arith.constant 336 : index
          %swap3A_1121 = tpu.vector_load %arg22[%swap3A_1120] {strides = array<i32>} : memref<448xf32, #tpu.memory_space<vmem>>, vector<16xf32>,
          %swap3A_1122 = vector.shape_cast %swap3A_1121 : vector<16xf32> to vector<16xf32>
          %swap3A_1123 = vector.shape_cast %mul3A_1119 : vector<16xf32> to vector<16xf32>
          tpu.vector_store %arg22[%swap3A_1120], %swap3A_1123 {strides = array<i32>} : memref<448xf32, #tpu.memory_space<vmem>>, vector<16xf32>,
          %add3A_1124 = arith.constant 16 : i32
          %add3A_1125 = arith.addi %mul3A_828, %add3A_1124 : i32
          %swap3A_1126 = arith.index_cast %add3A_1125 : i32 to index
          %swap3A_1127 = tpu.vector_load %arg23[%swap3A_1126] {strides = array<i32>} : memref<3856xf32, #tpu.memory_space<vmem>>, vector<16xf32>,
          %swap3A_1128 = vector.shape_cast %swap3A_1127 : vector<16xf32> to vector<16xf32>
          %swap3A_1129 = vector.shape_cast %sub3A_904 : vector<16xf32> to vector<16xf32>
          tpu.vector_store %arg23[%swap3A_1126], %swap3A_1129 {strides = array<i32>} : memref<3856xf32, #tpu.memory_space<vmem>>, vector<16xf32>,
          %add3A_1130 = arith.constant 16 : i32
          %add3A_1131 = arith.addi %mul3A_828, %add3A_1130 : i32
          %swap3A_1132 = arith.index_cast %add3A_1131 : i32 to index
          %swap3A_1133 = tpu.vector_load %arg24[%swap3A_1132] {strides = array<i32>} : memref<3856xf32, #tpu.memory_space<vmem>>, vector<16xf32>,
          %swap3A_1134 = vector.shape_cast %swap3A_1133 : vector<16xf32> to vector<16xf32>
          %swap3A_1135 = vector.shape_cast %add3A_961 : vector<16xf32> to vector<16xf32>
          tpu.vector_store %arg24[%swap3A_1132], %swap3A_1135 {strides = array<i32>} : memref<3856xf32, #tpu.memory_space<vmem>>, vector<16xf32>,
          %mul3A_1136 = arith.mulf %sub3A_904, %add3A_961 : vector<16xf32>
          %swap3A_1137 = arith.constant 352 : index
          %swap3A_1138 = tpu.vector_load %arg22[%swap3A_1137] {strides = array<i32>} : memref<448xf32, #tpu.memory_space<vmem>>, vector<16xf32>,
          %swap3A_1139 = vector.shape_cast %swap3A_1138 : vector<16xf32> to vector<16xf32>
          %swap3A_1140 = vector.shape_cast %mul3A_1136 : vector<16xf32> to vector<16xf32>
          tpu.vector_store %arg22[%swap3A_1137], %swap3A_1140 {strides = array<i32>} : memref<448xf32, #tpu.memory_space<vmem>>, vector<16xf32>,
          %add3A_1141 = arith.constant 32 : i32
          %add3A_1142 = arith.addi %mul3A_828, %add3A_1141 : i32
          %swap3A_1143 = arith.index_cast %add3A_1142 : i32 to index
          %swap3A_1144 = tpu.vector_load %arg23[%swap3A_1143] {strides = array<i32>} : memref<3856xf32, #tpu.memory_space<vmem>>, vector<16xf32>,
          %swap3A_1145 = vector.shape_cast %swap3A_1144 : vector<16xf32> to vector<16xf32>
          %swap3A_1146 = vector.shape_cast %sub3A_969 : vector<16xf32> to vector<16xf32>
          tpu.vector_store %arg23[%swap3A_1143], %swap3A_1146 {strides = array<i32>} : memref<3856xf32, #tpu.memory_space<vmem>>, vector<16xf32>,
          %add3A_1147 = arith.constant 32 : i32
          %add3A_1148 = arith.addi %mul3A_828, %add3A_1147 : i32
          %swap3A_1149 = arith.index_cast %add3A_1148 : i32 to index
          %swap3A_1150 = tpu.vector_load %arg24[%swap3A_1149] {strides = array<i32>} : memref<3856xf32, #tpu.memory_space<vmem>>, vector<16xf32>,
          %swap3A_1151 = vector.shape_cast %swap3A_1150 : vector<16xf32> to vector<16xf32>
          %swap3A_1152 = vector.shape_cast %add3A_1026 : vector<16xf32> to vector<16xf32>
          tpu.vector_store %arg24[%swap3A_1149], %swap3A_1152 {strides = array<i32>} : memref<3856xf32, #tpu.memory_space<vmem>>, vector<16xf32>,
          %mul3A_1153 = arith.mulf %sub3A_969, %add3A_1026 : vector<16xf32>
          %swap3A_1154 = arith.constant 368 : index
          %swap3A_1155 = tpu.vector_load %arg22[%swap3A_1154] {strides = array<i32>} : memref<448xf32, #tpu.memory_space<vmem>>, vector<16xf32>,
          %swap3A_1156 = vector.shape_cast %swap3A_1155 : vector<16xf32> to vector<16xf32>
          %swap3A_1157 = vector.shape_cast %mul3A_1153 : vector<16xf32> to vector<16xf32>
          tpu.vector_store %arg22[%swap3A_1154], %swap3A_1157 {strides = array<i32>} : memref<448xf32, #tpu.memory_space<vmem>>, vector<16xf32>,
          %add3A_1158 = arith.constant 48 : i32
          %add3A_1159 = arith.addi %mul3A_828, %add3A_1158 : i32
          %swap3A_1160 = arith.index_cast %add3A_1159 : i32 to index
          %swap3A_1161 = tpu.vector_load %arg23[%swap3A_1160] {strides = array<i32>} : memref<3856xf32, #tpu.memory_space<vmem>>, vector<16xf32>,
          %swap3A_1162 = vector.shape_cast %swap3A_1161 : vector<16xf32> to vector<16xf32>
          %swap3A_1163 = vector.shape_cast %select_n3A_1099 : vector<16xf32> to vector<16xf32>
          tpu.vector_store %arg23[%swap3A_1160], %swap3A_1163 {strides = array<i32>} : memref<3856xf32, #tpu.memory_space<vmem>>, vector<16xf32>,
          %add3A_1164 = arith.constant 48 : i32
          %add3A_1165 = arith.addi %mul3A_828, %add3A_1164 : i32
          %swap3A_1166 = arith.index_cast %add3A_1165 : i32 to index
          %swap3A_1167 = tpu.vector_load %arg24[%swap3A_1166] {strides = array<i32>} : memref<3856xf32, #tpu.memory_space<vmem>>, vector<16xf32>,
          %swap3A_1168 = vector.shape_cast %swap3A_1167 : vector<16xf32> to vector<16xf32>
          %swap3A_1169 = vector.shape_cast %select_n3A_1106 : vector<16xf32> to vector<16xf32>
          tpu.vector_store %arg24[%swap3A_1166], %swap3A_1169 {strides = array<i32>} : memref<3856xf32, #tpu.memory_space<vmem>>, vector<16xf32>,
          %mul3A_1170 = arith.mulf %select_n3A_1099, %select_n3A_1106 : vector<16xf32>
          %swap3A_1171 = arith.constant 384 : index
          %swap3A_1172 = tpu.vector_load %arg22[%swap3A_1171] {strides = array<i32>} : memref<448xf32, #tpu.memory_space<vmem>>, vector<16xf32>,
          %swap3A_1173 = vector.shape_cast %swap3A_1172 : vector<16xf32> to vector<16xf32>
          %swap3A_1174 = vector.shape_cast %mul3A_1170 : vector<16xf32> to vector<16xf32>
          tpu.vector_store %arg22[%swap3A_1171], %swap3A_1174 {strides = array<i32>} : memref<448xf32, #tpu.memory_space<vmem>>, vector<16xf32>,
          %mul3A_1175 = arith.mulf %sub3A_839, %add3A_896 : vector<16xf32>
          %get3A_1176 = arith.constant 337 : index
          %get3A_1177 = tpu.vector_load %arg22[%get3A_1176] {strides = array<i32>} : memref<448xf32, #tpu.memory_space<vmem>>, vector<16xf32>,
          %get3A_1178 = vector.shape_cast %get3A_1177 : vector<16xf32> to vector<16xf32>
          %add3A_1179 = arith.addf %mul3A_1175, %get3A_1178 : vector<16xf32>
          %get3A_1180 = arith.constant 338 : index
          %get3A_1181 = tpu.vector_load %arg22[%get3A_1180] {strides = array<i32>} : memref<448xf32, #tpu.memory_space<vmem>>, vector<16xf32>,
          %get3A_1182 = vector.shape_cast %get3A_1181 : vector<16xf32> to vector<16xf32>
          %add3A_1183 = arith.addf %add3A_1179, %get3A_1182 : vector<16xf32>
          %add3A_1184 = arith.constant 0 : i32
          %add3A_1185 = arith.addi %mul3A_828, %add3A_1184 : i32
          %get3A_1186 = arith.index_cast %add3A_1185 : i32 to index
          %get3A_1187 = tpu.vector_load %arg19[%get3A_1186] {strides = array<i32>} : memref<3856xf32, #tpu.memory_space<vmem>>, vector<16xf32>,
          %get3A_1188 = vector.shape_cast %get3A_1187 : vector<16xf32> to vector<16xf32>
          %mul3A_1189 = arith.constant 6414.13525 : f32
          %mul3A_1190 = vector.broadcast %mul3A_1189 : f32 to vector<16xf32>
          %mul3A_1191 = arith.mulf %mul3A_1190, %add3A_1183 : vector<16xf32>
          %max3A_1192 = arith.constant 1.000000e+00 : f32
          %max3A_1193 = vector.broadcast %max3A_1192 : f32 to vector<16xf32>
          %max3A_1194 = arith.maximumf %get3A_1188, %max3A_1193 : vector<16xf32>
          %div3A_1195 = arith.divf %mul3A_1191, %max3A_1194 : vector<16xf32>
          %add3A_1196 = arith.constant 0 : i32
          %add3A_1197 = arith.addi %mul3A_828, %add3A_1196 : i32
          %swap3A_1198 = arith.index_cast %add3A_1197 : i32 to index
          %swap3A_1199 = tpu.vector_load %arg25[%swap3A_1198] {strides = array<i32>} : memref<3856xf32, #tpu.memory_space<vmem>>, vector<16xf32>,
          %swap3A_1200 = vector.shape_cast %swap3A_1199 : vector<16xf32> to vector<16xf32>
          %swap3A_1201 = vector.shape_cast %div3A_1195 : vector<16xf32> to vector<16xf32>
          tpu.vector_store %arg25[%swap3A_1198], %swap3A_1201 {strides = array<i32>} : memref<3856xf32, #tpu.memory_space<vmem>>, vector<16xf32>,
          %mul3A_1202 = arith.mulf %sub3A_904, %add3A_961 : vector<16xf32>
          %get3A_1203 = arith.constant 353 : index
          %get3A_1204 = tpu.vector_load %arg22[%get3A_1203] {strides = array<i32>} : memref<448xf32, #tpu.memory_space<vmem>>, vector<16xf32>,
          %get3A_1205 = vector.shape_cast %get3A_1204 : vector<16xf32> to vector<16xf32>
          %add3A_1206 = arith.addf %mul3A_1202, %get3A_1205 : vector<16xf32>
          %get3A_1207 = arith.constant 354 : index
          %get3A_1208 = tpu.vector_load %arg22[%get3A_1207] {strides = array<i32>} : memref<448xf32, #tpu.memory_space<vmem>>, vector<16xf32>,
          %get3A_1209 = vector.shape_cast %get3A_1208 : vector<16xf32> to vector<16xf32>
          %add3A_1210 = arith.addf %add3A_1206, %get3A_1209 : vector<16xf32>
          %add3A_1211 = arith.constant 16 : i32
          %add3A_1212 = arith.addi %mul3A_828, %add3A_1211 : i32
          %get3A_1213 = arith.index_cast %add3A_1212 : i32 to index
          %get3A_1214 = tpu.vector_load %arg19[%get3A_1213] {strides = array<i32>} : memref<3856xf32, #tpu.memory_space<vmem>>, vector<16xf32>,
          %get3A_1215 = vector.shape_cast %get3A_1214 : vector<16xf32> to vector<16xf32>
          %mul3A_1216 = arith.constant 6414.13525 : f32
          %mul3A_1217 = vector.broadcast %mul3A_1216 : f32 to vector<16xf32>
          %mul3A_1218 = arith.mulf %mul3A_1217, %add3A_1210 : vector<16xf32>
          %max3A_1219 = arith.constant 1.000000e+00 : f32
          %max3A_1220 = vector.broadcast %max3A_1219 : f32 to vector<16xf32>
          %max3A_1221 = arith.maximumf %get3A_1215, %max3A_1220 : vector<16xf32>
          %div3A_1222 = arith.divf %mul3A_1218, %max3A_1221 : vector<16xf32>
          %add3A_1223 = arith.constant 16 : i32
          %add3A_1224 = arith.addi %mul3A_828, %add3A_1223 : i32
          %swap3A_1225 = arith.index_cast %add3A_1224 : i32 to index
          %swap3A_1226 = tpu.vector_load %arg25[%swap3A_1225] {strides = array<i32>} : memref<3856xf32, #tpu.memory_space<vmem>>, vector<16xf32>,
          %swap3A_1227 = vector.shape_cast %swap3A_1226 : vector<16xf32> to vector<16xf32>
          %swap3A_1228 = vector.shape_cast %div3A_1222 : vector<16xf32> to vector<16xf32>
          tpu.vector_store %arg25[%swap3A_1225], %swap3A_1228 {strides = array<i32>} : memref<3856xf32, #tpu.memory_space<vmem>>, vector<16xf32>,
          %mul3A_1229 = arith.mulf %sub3A_969, %add3A_1026 : vector<16xf32>
          %get3A_1230 = arith.constant 369 : index
          %get3A_1231 = tpu.vector_load %arg22[%get3A_1230] {strides = array<i32>} : memref<448xf32, #tpu.memory_space<vmem>>, vector<16xf32>,
          %get3A_1232 = vector.shape_cast %get3A_1231 : vector<16xf32> to vector<16xf32>
          %add3A_1233 = arith.addf %mul3A_1229, %get3A_1232 : vector<16xf32>
          %get3A_1234 = arith.constant 370 : index
          %get3A_1235 = tpu.vector_load %arg22[%get3A_1234] {strides = array<i32>} : memref<448xf32, #tpu.memory_space<vmem>>, vector<16xf32>,
          %get3A_1236 = vector.shape_cast %get3A_1235 : vector<16xf32> to vector<16xf32>
          %add3A_1237 = arith.addf %add3A_1233, %get3A_1236 : vector<16xf32>
          %add3A_1238 = arith.constant 32 : i32
          %add3A_1239 = arith.addi %mul3A_828, %add3A_1238 : i32
          %get3A_1240 = arith.index_cast %add3A_1239 : i32 to index
          %get3A_1241 = tpu.vector_load %arg19[%get3A_1240] {strides = array<i32>} : memref<3856xf32, #tpu.memory_space<vmem>>, vector<16xf32>,
          %get3A_1242 = vector.shape_cast %get3A_1241 : vector<16xf32> to vector<16xf32>
          %mul3A_1243 = arith.constant 6414.13525 : f32
          %mul3A_1244 = vector.broadcast %mul3A_1243 : f32 to vector<16xf32>
          %mul3A_1245 = arith.mulf %mul3A_1244, %add3A_1237 : vector<16xf32>
          %max3A_1246 = arith.constant 1.000000e+00 : f32
          %max3A_1247 = vector.broadcast %max3A_1246 : f32 to vector<16xf32>
          %max3A_1248 = arith.maximumf %get3A_1242, %max3A_1247 : vector<16xf32>
          %div3A_1249 = arith.divf %mul3A_1245, %max3A_1248 : vector<16xf32>
          %add3A_1250 = arith.constant 32 : i32
          %add3A_1251 = arith.addi %mul3A_828, %add3A_1250 : i32
          %swap3A_1252 = arith.index_cast %add3A_1251 : i32 to index
          %swap3A_1253 = tpu.vector_load %arg25[%swap3A_1252] {strides = array<i32>} : memref<3856xf32, #tpu.memory_space<vmem>>, vector<16xf32>,
          %swap3A_1254 = vector.shape_cast %swap3A_1253 : vector<16xf32> to vector<16xf32>
          %swap3A_1255 = vector.shape_cast %div3A_1249 : vector<16xf32> to vector<16xf32>
          tpu.vector_store %arg25[%swap3A_1252], %swap3A_1255 {strides = array<i32>} : memref<3856xf32, #tpu.memory_space<vmem>>, vector<16xf32>,
          %mul3A_1256 = arith.mulf %select_n3A_1099, %select_n3A_1106 : vector<16xf32>
          %get3A_1257 = arith.constant 385 : index
          %get3A_1258 = tpu.vector_load %arg22[%get3A_1257] {strides = array<i32>} : memref<448xf32, #tpu.memory_space<vmem>>, vector<16xf32>,
          %get3A_1259 = vector.shape_cast %get3A_1258 : vector<16xf32> to vector<16xf32>
          %add3A_1260 = arith.addf %mul3A_1256, %get3A_1259 : vector<16xf32>
          %get3A_1261 = arith.constant 386 : index
          %get3A_1262 = tpu.vector_load %arg22[%get3A_1261] {strides = array<i32>} : memref<448xf32, #tpu.memory_space<vmem>>, vector<16xf32>,
          %get3A_1263 = vector.shape_cast %get3A_1262 : vector<16xf32> to vector<16xf32>
          %add3A_1264 = arith.addf %add3A_1260, %get3A_1263 : vector<16xf32>
          %add3A_1265 = arith.constant 48 : i32
          %add3A_1266 = arith.addi %mul3A_828, %add3A_1265 : i32
          %get3A_1267 = arith.index_cast %add3A_1266 : i32 to index
          %get3A_1268 = tpu.vector_load %arg19[%get3A_1267] {strides = array<i32>} : memref<3856xf32, #tpu.memory_space<vmem>>, vector<16xf32>,
          %get3A_1269 = vector.shape_cast %get3A_1268 : vector<16xf32> to vector<16xf32>
          %mul3A_1270 = arith.constant 6414.13525 : f32
          %mul3A_1271 = vector.broadcast %mul3A_1270 : f32 to vector<16xf32>
          %mul3A_1272 = arith.mulf %mul3A_1271, %add3A_1264 : vector<16xf32>
          %max3A_1273 = arith.constant 1.000000e+00 : f32
          %max3A_1274 = vector.broadcast %max3A_1273 : f32 to vector<16xf32>
          %max3A_1275 = arith.maximumf %get3A_1269, %max3A_1274 : vector<16xf32>
          %div3A_1276 = arith.divf %mul3A_1272, %max3A_1275 : vector<16xf32>
          %add3A_1277 = arith.constant 48 : i32
          %add3A_1278 = arith.addi %mul3A_828, %add3A_1277 : i32
          %swap3A_1279 = arith.index_cast %add3A_1278 : i32 to index
          %swap3A_1280 = tpu.vector_load %arg25[%swap3A_1279] {strides = array<i32>} : memref<3856xf32, #tpu.memory_space<vmem>>, vector<16xf32>,
          %swap3A_1281 = vector.shape_cast %swap3A_1280 : vector<16xf32> to vector<16xf32>
          %swap3A_1282 = vector.shape_cast %div3A_1276 : vector<16xf32> to vector<16xf32>
          tpu.vector_store %arg25[%swap3A_1279], %swap3A_1282 {strides = array<i32>} : memref<3856xf32, #tpu.memory_space<vmem>>, vector<16xf32>,
        } else {
        }
        %eq3A = arith.cmpi eq, %sub3A_470, %scan3A_430 : i32
        %not3A = arith.constant true
        %not3A_483 = arith.xori %ge3A_471, %not3A : i1
        %or3A = arith.ori %eq3A, %not3A_483 : i1
        %jit3A_484 = arith.constant 1.000000e+00 : f32
        %jit3A_485 = arith.constant 0.000000e+00 : f32
        %select_n3A_486 = arith.select %or3A, %jit3A_484, %jit3A_485 : f32
        %broadcast_in_dim3A_487 = vector.broadcast %select_n3A_486 : f32 to vector<16xf32>
        %ge3A_488 = arith.constant 0 : i32
        %ge3A_489 = arith.cmpi sge, %sub3A_470, %ge3A_488 : i32
        %lt3A_490 = arith.constant 64 : i32
        %lt3A_491 = arith.cmpi slt, %sub3A_470, %lt3A_490 : i32
        %and3A_492 = arith.andi %ge3A_489, %lt3A_491 : i1
        %and3A_493 = arith.andi %ge3A_471, %and3A_492 : i1
        %jit3A_494 = arith.constant 1.000000e+00 : f32
        %jit3A_495 = arith.constant 0.000000e+00 : f32
        %select_n3A_496 = arith.select %and3A_493, %jit3A_494, %jit3A_495 : f32
        %broadcast_in_dim3A_497 = vector.broadcast %select_n3A_496 : f32 to vector<16xf32>
        %mul3A_498 = arith.constant 256 : i32
        %mul3A_499 = arith.muli %scan3A_429, %mul3A_498 : i32
        %mul3A_500 = arith.constant 4 : i32
        %mul3A_501 = arith.muli %scan3A_429, %mul3A_500 : i32
        %get3A_502 = arith.index_cast %mul3A_501 : i32 to index
        %get3A_503 = tpu.vector_load %arg13[%get3A_502] {strides = array<i32>} : memref<848xf32, #tpu.memory_space<vmem>>, vector<16xf32>,
        %get3A_504 = vector.shape_cast %get3A_503 : vector<16xf32> to vector<16xf32>
        %slice3A_505 = vector.extract_strided_slice %get3A_504 {offsets = [0], sizes = [1], strides = [1]} : vector<16xf32> to vector<1xf32>
        %squeeze3A_506 = vector.extract %slice3A_505[0] : f32 from vector<1xf32>
        %broadcast_in_dim3A_507 = vector.broadcast %squeeze3A_506 : f32 to vector<16xf32>
        %mul3A_508 = arith.mulf %broadcast_in_dim3A_507, %broadcast_in_dim3A_497 : vector<16xf32>
        %slice3A_509 = vector.extract_strided_slice %get3A_504 {offsets = [1], sizes = [1], strides = [1]} : vector<16xf32> to vector<1xf32>
        %squeeze3A_510 = vector.extract %slice3A_509[0] : f32 from vector<1xf32>
        %broadcast_in_dim3A_511 = vector.broadcast %squeeze3A_510 : f32 to vector<16xf32>
        %mul3A_512 = arith.mulf %broadcast_in_dim3A_511, %broadcast_in_dim3A_497 : vector<16xf32>
        %slice3A_513 = vector.extract_strided_slice %get3A_504 {offsets = [2], sizes = [1], strides = [1]} : vector<16xf32> to vector<1xf32>
        %squeeze3A_514 = vector.extract %slice3A_513[0] : f32 from vector<1xf32>
        %broadcast_in_dim3A_515 = vector.broadcast %squeeze3A_514 : f32 to vector<16xf32>
        %mul3A_516 = arith.mulf %broadcast_in_dim3A_515, %broadcast_in_dim3A_497 : vector<16xf32>
        %add3A_517 = arith.constant 0 : i32
        %add3A_518 = arith.addi %mul3A_499, %add3A_517 : i32
        %get3A_519 = arith.index_cast %add3A_518 : i32 to index
        %get3A_520 = tpu.vector_load %arg11[%get3A_519] {strides = array<i32>} : memref<53248xf32, #tpu.memory_space<vmem>>, vector<16xf32>,
        %get3A_521 = vector.shape_cast %get3A_520 : vector<16xf32> to vector<16xf32>
        %add3A_522 = arith.constant 16 : i32
        %add3A_523 = arith.addi %mul3A_499, %add3A_522 : i32
        %get3A_524 = arith.index_cast %add3A_523 : i32 to index
        %get3A_525 = tpu.vector_load %arg11[%get3A_524] {strides = array<i32>} : memref<53248xf32, #tpu.memory_space<vmem>>, vector<16xf32>,
        %get3A_526 = vector.shape_cast %get3A_525 : vector<16xf32> to vector<16xf32>
        %add3A_527 = arith.constant 32 : i32
        %add3A_528 = arith.addi %mul3A_499, %add3A_527 : i32
        %get3A_529 = arith.index_cast %add3A_528 : i32 to index
        %get3A_530 = tpu.vector_load %arg11[%get3A_529] {strides = array<i32>} : memref<53248xf32, #tpu.memory_space<vmem>>, vector<16xf32>,
        %get3A_531 = vector.shape_cast %get3A_530 : vector<16xf32> to vector<16xf32>
        %add3A_532 = arith.constant 48 : i32
        %add3A_533 = arith.addi %mul3A_499, %add3A_532 : i32
        %get3A_534 = arith.index_cast %add3A_533 : i32 to index
        %get3A_535 = tpu.vector_load %arg11[%get3A_534] {strides = array<i32>} : memref<53248xf32, #tpu.memory_space<vmem>>, vector<16xf32>,
        %get3A_536 = vector.shape_cast %get3A_535 : vector<16xf32> to vector<16xf32>
        %add3A_537 = arith.constant 64 : i32
        %add3A_538 = arith.addi %mul3A_499, %add3A_537 : i32
        %add3A_539 = arith.constant 0 : i32
        %add3A_540 = arith.addi %add3A_538, %add3A_539 : i32
        %get3A_541 = arith.index_cast %add3A_540 : i32 to index
        %get3A_542 = tpu.vector_load %arg11[%get3A_541] {strides = array<i32>} : memref<53248xf32, #tpu.memory_space<vmem>>, vector<16xf32>,
        %get3A_543 = vector.shape_cast %get3A_542 : vector<16xf32> to vector<16xf32>
        %add3A_544 = arith.constant 64 : i32
        %add3A_545 = arith.addi %mul3A_499, %add3A_544 : i32
        %add3A_546 = arith.constant 16 : i32
        %add3A_547 = arith.addi %add3A_545, %add3A_546 : i32
        %get3A_548 = arith.index_cast %add3A_547 : i32 to index
        %get3A_549 = tpu.vector_load %arg11[%get3A_548] {strides = array<i32>} : memref<53248xf32, #tpu.memory_space<vmem>>, vector<16xf32>,
        %get3A_550 = vector.shape_cast %get3A_549 : vector<16xf32> to vector<16xf32>
        %add3A_551 = arith.constant 64 : i32
        %add3A_552 = arith.addi %mul3A_499, %add3A_551 : i32
        %add3A_553 = arith.constant 32 : i32
        %add3A_554 = arith.addi %add3A_552, %add3A_553 : i32
        %get3A_555 = arith.index_cast %add3A_554 : i32 to index
        %get3A_556 = tpu.vector_load %arg11[%get3A_555] {strides = array<i32>} : memref<53248xf32, #tpu.memory_space<vmem>>, vector<16xf32>,
        %get3A_557 = vector.shape_cast %get3A_556 : vector<16xf32> to vector<16xf32>
        %add3A_558 = arith.constant 64 : i32
        %add3A_559 = arith.addi %mul3A_499, %add3A_558 : i32
        %add3A_560 = arith.constant 48 : i32
        %add3A_561 = arith.addi %add3A_559, %add3A_560 : i32
        %get3A_562 = arith.index_cast %add3A_561 : i32 to index
        %get3A_563 = tpu.vector_load %arg11[%get3A_562] {strides = array<i32>} : memref<53248xf32, #tpu.memory_space<vmem>>, vector<16xf32>,
        %get3A_564 = vector.shape_cast %get3A_563 : vector<16xf32> to vector<16xf32>
        %add3A_565 = arith.constant 128 : i32
        %add3A_566 = arith.addi %mul3A_499, %add3A_565 : i32
        %add3A_567 = arith.constant 0 : i32
        %add3A_568 = arith.addi %add3A_566, %add3A_567 : i32
        %get3A_569 = arith.index_cast %add3A_568 : i32 to index
        %get3A_570 = tpu.vector_load %arg11[%get3A_569] {strides = array<i32>} : memref<53248xf32, #tpu.memory_space<vmem>>, vector<16xf32>,
        %get3A_571 = vector.shape_cast %get3A_570 : vector<16xf32> to vector<16xf32>
        %add3A_572 = arith.constant 128 : i32
        %add3A_573 = arith.addi %mul3A_499, %add3A_572 : i32
        %add3A_574 = arith.constant 16 : i32
        %add3A_575 = arith.addi %add3A_573, %add3A_574 : i32
        %get3A_576 = arith.index_cast %add3A_575 : i32 to index
        %get3A_577 = tpu.vector_load %arg11[%get3A_576] {strides = array<i32>} : memref<53248xf32, #tpu.memory_space<vmem>>, vector<16xf32>,
        %get3A_578 = vector.shape_cast %get3A_577 : vector<16xf32> to vector<16xf32>
        %add3A_579 = arith.constant 128 : i32
        %add3A_580 = arith.addi %mul3A_499, %add3A_579 : i32
        %add3A_581 = arith.constant 32 : i32
        %add3A_582 = arith.addi %add3A_580, %add3A_581 : i32
        %get3A_583 = arith.index_cast %add3A_582 : i32 to index
        %get3A_584 = tpu.vector_load %arg11[%get3A_583] {strides = array<i32>} : memref<53248xf32, #tpu.memory_space<vmem>>, vector<16xf32>,
        %get3A_585 = vector.shape_cast %get3A_584 : vector<16xf32> to vector<16xf32>
        %add3A_586 = arith.constant 128 : i32
        %add3A_587 = arith.addi %mul3A_499, %add3A_586 : i32
        %add3A_588 = arith.constant 48 : i32
        %add3A_589 = arith.addi %add3A_587, %add3A_588 : i32
        %get3A_590 = arith.index_cast %add3A_589 : i32 to index
        %get3A_591 = tpu.vector_load %arg11[%get3A_590] {strides = array<i32>} : memref<53248xf32, #tpu.memory_space<vmem>>, vector<16xf32>,
        %get3A_592 = vector.shape_cast %get3A_591 : vector<16xf32> to vector<16xf32>
        %add3A_593 = arith.constant 192 : i32
        %add3A_594 = arith.addi %mul3A_499, %add3A_593 : i32
        %add3A_595 = arith.constant 0 : i32
        %add3A_596 = arith.addi %add3A_594, %add3A_595 : i32
        %get3A_597 = arith.index_cast %add3A_596 : i32 to index
        %get3A_598 = tpu.vector_load %arg11[%get3A_597] {strides = array<i32>} : memref<53248xf32, #tpu.memory_space<vmem>>, vector<16xf32>,
        %get3A_599 = vector.shape_cast %get3A_598 : vector<16xf32> to vector<16xf32>
        %add3A_600 = arith.constant 192 : i32
        %add3A_601 = arith.addi %mul3A_499, %add3A_600 : i32
        %add3A_602 = arith.constant 16 : i32
        %add3A_603 = arith.addi %add3A_601, %add3A_602 : i32
        %get3A_604 = arith.index_cast %add3A_603 : i32 to index
        %get3A_605 = tpu.vector_load %arg11[%get3A_604] {strides = array<i32>} : memref<53248xf32, #tpu.memory_space<vmem>>, vector<16xf32>,
        %get3A_606 = vector.shape_cast %get3A_605 : vector<16xf32> to vector<16xf32>
        %add3A_607 = arith.constant 192 : i32
        %add3A_608 = arith.addi %mul3A_499, %add3A_607 : i32
        %add3A_609 = arith.constant 32 : i32
        %add3A_610 = arith.addi %add3A_608, %add3A_609 : i32
        %get3A_611 = arith.index_cast %add3A_610 : i32 to index
        %get3A_612 = tpu.vector_load %arg11[%get3A_611] {strides = array<i32>} : memref<53248xf32, #tpu.memory_space<vmem>>, vector<16xf32>,
        %get3A_613 = vector.shape_cast %get3A_612 : vector<16xf32> to vector<16xf32>
        %add3A_614 = arith.constant 192 : i32
        %add3A_615 = arith.addi %mul3A_499, %add3A_614 : i32
        %add3A_616 = arith.constant 48 : i32
        %add3A_617 = arith.addi %add3A_615, %add3A_616 : i32
        %get3A_618 = arith.index_cast %add3A_617 : i32 to index
        %get3A_619 = tpu.vector_load %arg11[%get3A_618] {strides = array<i32>} : memref<53248xf32, #tpu.memory_space<vmem>>, vector<16xf32>,
        %get3A_620 = vector.shape_cast %get3A_619 : vector<16xf32> to vector<16xf32>
        %mul3A_621 = arith.mulf %scan3A_432, %broadcast_in_dim3A_487 : vector<16xf32>
        %mul3A_622 = arith.mulf %get3A_521, %broadcast_in_dim3A_497 : vector<16xf32>
        %add3A_623 = arith.addf %mul3A_621, %mul3A_622 : vector<16xf32>
        %mul3A_624 = arith.mulf %scan3A_433, %broadcast_in_dim3A_487 : vector<16xf32>
        %mul3A_625 = arith.mulf %get3A_526, %broadcast_in_dim3A_497 : vector<16xf32>
        %add3A_626 = arith.addf %mul3A_624, %mul3A_625 : vector<16xf32>
        %mul3A_627 = arith.mulf %scan3A_434, %broadcast_in_dim3A_487 : vector<16xf32>
        %mul3A_628 = arith.mulf %get3A_531, %broadcast_in_dim3A_497 : vector<16xf32>
        %add3A_629 = arith.addf %mul3A_627, %mul3A_628 : vector<16xf32>
        %mul3A_630 = arith.mulf %scan3A_435, %broadcast_in_dim3A_487 : vector<16xf32>
        %mul3A_631 = arith.mulf %get3A_536, %broadcast_in_dim3A_497 : vector<16xf32>
        %add3A_632 = arith.addf %mul3A_630, %mul3A_631 : vector<16xf32>
        %mul3A_633 = arith.mulf %scan3A_436, %broadcast_in_dim3A_487 : vector<16xf32>
        %mul3A_634 = arith.mulf %get3A_543, %broadcast_in_dim3A_497 : vector<16xf32>
        %add3A_635 = arith.addf %mul3A_633, %mul3A_634 : vector<16xf32>
        %mul3A_636 = arith.mulf %scan3A_437, %broadcast_in_dim3A_487 : vector<16xf32>
        %mul3A_637 = arith.mulf %get3A_550, %broadcast_in_dim3A_497 : vector<16xf32>
        %add3A_638 = arith.addf %mul3A_636, %mul3A_637 : vector<16xf32>
        %mul3A_639 = arith.mulf %scan3A_438, %broadcast_in_dim3A_487 : vector<16xf32>
        %mul3A_640 = arith.mulf %get3A_557, %broadcast_in_dim3A_497 : vector<16xf32>
        %add3A_641 = arith.addf %mul3A_639, %mul3A_640 : vector<16xf32>
        %mul3A_642 = arith.mulf %scan3A_439, %broadcast_in_dim3A_487 : vector<16xf32>
        %mul3A_643 = arith.mulf %get3A_564, %broadcast_in_dim3A_497 : vector<16xf32>
        %add3A_644 = arith.addf %mul3A_642, %mul3A_643 : vector<16xf32>
        %mul3A_645 = arith.mulf %scan3A_440, %broadcast_in_dim3A_487 : vector<16xf32>
        %mul3A_646 = arith.mulf %get3A_571, %broadcast_in_dim3A_497 : vector<16xf32>
        %add3A_647 = arith.addf %mul3A_645, %mul3A_646 : vector<16xf32>
        %mul3A_648 = arith.mulf %scan3A_441, %broadcast_in_dim3A_487 : vector<16xf32>
        %mul3A_649 = arith.mulf %get3A_578, %broadcast_in_dim3A_497 : vector<16xf32>
        %add3A_650 = arith.addf %mul3A_648, %mul3A_649 : vector<16xf32>
        %mul3A_651 = arith.mulf %scan3A_442, %broadcast_in_dim3A_487 : vector<16xf32>
        %mul3A_652 = arith.mulf %get3A_585, %broadcast_in_dim3A_497 : vector<16xf32>
        %add3A_653 = arith.addf %mul3A_651, %mul3A_652 : vector<16xf32>
        %mul3A_654 = arith.mulf %scan3A_443, %broadcast_in_dim3A_487 : vector<16xf32>
        %mul3A_655 = arith.mulf %get3A_592, %broadcast_in_dim3A_497 : vector<16xf32>
        %add3A_656 = arith.addf %mul3A_654, %mul3A_655 : vector<16xf32>
        %mul3A_657 = arith.mulf %scan3A_444, %broadcast_in_dim3A_487 : vector<16xf32>
        %mul3A_658 = arith.mulf %get3A_599, %broadcast_in_dim3A_497 : vector<16xf32>
        %add3A_659 = arith.addf %mul3A_657, %mul3A_658 : vector<16xf32>
        %mul3A_660 = arith.mulf %scan3A_445, %broadcast_in_dim3A_487 : vector<16xf32>
        %mul3A_661 = arith.mulf %get3A_606, %broadcast_in_dim3A_497 : vector<16xf32>
        %add3A_662 = arith.addf %mul3A_660, %mul3A_661 : vector<16xf32>
        %mul3A_663 = arith.mulf %scan3A_446, %broadcast_in_dim3A_487 : vector<16xf32>
        %mul3A_664 = arith.mulf %get3A_613, %broadcast_in_dim3A_497 : vector<16xf32>
        %add3A_665 = arith.addf %mul3A_663, %mul3A_664 : vector<16xf32>
        %mul3A_666 = arith.mulf %scan3A_447, %broadcast_in_dim3A_487 : vector<16xf32>
        %mul3A_667 = arith.mulf %get3A_620, %broadcast_in_dim3A_497 : vector<16xf32>
        %add3A_668 = arith.addf %mul3A_666, %mul3A_667 : vector<16xf32>
        %mul3A_669 = arith.mulf %mul3A_508, %get3A_18 : vector<16xf32>
        %mul3A_670 = arith.mulf %mul3A_512, %get3A_21 : vector<16xf32>
        %add3A_671 = arith.addf %mul3A_669, %mul3A_670 : vector<16xf32>
        %mul3A_672 = arith.mulf %mul3A_516, %get3A_24 : vector<16xf32>
        %add3A_673 = arith.addf %add3A_671, %mul3A_672 : vector<16xf32>
        %mul3A_674 = arith.mulf %scan3A_448, %broadcast_in_dim3A_487 : vector<16xf32>
        %mul3A_675 = arith.mulf %add3A_673, %get3A_599 : vector<16xf32>
        %add3A_676 = arith.addf %mul3A_674, %mul3A_675 : vector<16xf32>
        %mul3A_677 = arith.mulf %mul3A_508, %get3A_24 : vector<16xf32>
        %mul3A_678 = arith.mulf %mul3A_512, %get3A_18 : vector<16xf32>
        %add3A_679 = arith.addf %mul3A_677, %mul3A_678 : vector<16xf32>
        %mul3A_680 = arith.mulf %mul3A_516, %get3A_21 : vector<16xf32>
        %add3A_681 = arith.addf %add3A_679, %mul3A_680 : vector<16xf32>
        %mul3A_682 = arith.mulf %scan3A_449, %broadcast_in_dim3A_487 : vector<16xf32>
        %mul3A_683 = arith.mulf %add3A_681, %get3A_606 : vector<16xf32>
        %add3A_684 = arith.addf %mul3A_682, %mul3A_683 : vector<16xf32>
        %mul3A_685 = arith.mulf %mul3A_508, %get3A_21 : vector<16xf32>
        %mul3A_686 = arith.mulf %mul3A_512, %get3A_24 : vector<16xf32>
        %add3A_687 = arith.addf %mul3A_685, %mul3A_686 : vector<16xf32>
        %mul3A_688 = arith.mulf %mul3A_516, %get3A_18 : vector<16xf32>
        %add3A_689 = arith.addf %add3A_687, %mul3A_688 : vector<16xf32>
        %mul3A_690 = arith.mulf %scan3A_450, %broadcast_in_dim3A_487 : vector<16xf32>
        %mul3A_691 = arith.mulf %add3A_689, %get3A_613 : vector<16xf32>
        %add3A_692 = arith.addf %mul3A_690, %mul3A_691 : vector<16xf32>
        %mul3A_693 = arith.mulf %mul3A_508, %get3A_18 : vector<16xf32>
        %mul3A_694 = arith.mulf %mul3A_512, %get3A_21 : vector<16xf32>
        %add3A_695 = arith.addf %mul3A_693, %mul3A_694 : vector<16xf32>
        %mul3A_696 = arith.mulf %mul3A_516, %get3A_24 : vector<16xf32>
        %add3A_697 = arith.addf %add3A_695, %mul3A_696 : vector<16xf32>
        %mul3A_698 = arith.mulf %scan3A_451, %broadcast_in_dim3A_487 : vector<16xf32>
        %mul3A_699 = arith.mulf %add3A_697, %get3A_620 : vector<16xf32>
        %add3A_700 = arith.addf %mul3A_698, %mul3A_699 : vector<16xf32>
        %mul3A_701 = arith.mulf %scan3A_452, %broadcast_in_dim3A_487 : vector<16xf32>
        %mul3A_702 = arith.mulf %mul3A_508, %get3A_571 : vector<16xf32>
        %add3A_703 = arith.addf %mul3A_701, %mul3A_702 : vector<16xf32>
        %mul3A_704 = arith.mulf %scan3A_453, %broadcast_in_dim3A_487 : vector<16xf32>
        %mul3A_705 = arith.mulf %mul3A_508, %get3A_578 : vector<16xf32>
        %add3A_706 = arith.addf %mul3A_704, %mul3A_705 : vector<16xf32>
        %mul3A_707 = arith.mulf %scan3A_454, %broadcast_in_dim3A_487 : vector<16xf32>
        %mul3A_708 = arith.mulf %mul3A_508, %get3A_585 : vector<16xf32>
        %add3A_709 = arith.addf %mul3A_707, %mul3A_708 : vector<16xf32>
        %mul3A_710 = arith.mulf %scan3A_455, %broadcast_in_dim3A_487 : vector<16xf32>
        %mul3A_711 = arith.mulf %mul3A_508, %get3A_592 : vector<16xf32>
        %add3A_712 = arith.addf %mul3A_710, %mul3A_711 : vector<16xf32>
        %mul3A_713 = arith.mulf %scan3A_456, %broadcast_in_dim3A_487 : vector<16xf32>
        %mul3A_714 = arith.mulf %mul3A_512, %get3A_571 : vector<16xf32>
        %add3A_715 = arith.addf %mul3A_713, %mul3A_714 : vector<16xf32>
        %mul3A_716 = arith.mulf %scan3A_457, %broadcast_in_dim3A_487 : vector<16xf32>
        %mul3A_717 = arith.mulf %mul3A_512, %get3A_578 : vector<16xf32>
        %add3A_718 = arith.addf %mul3A_716, %mul3A_717 : vector<16xf32>
        %mul3A_719 = arith.mulf %scan3A_458, %broadcast_in_dim3A_487 : vector<16xf32>
        %mul3A_720 = arith.mulf %mul3A_512, %get3A_585 : vector<16xf32>
        %add3A_721 = arith.addf %mul3A_719, %mul3A_720 : vector<16xf32>
        %mul3A_722 = arith.mulf %scan3A_459, %broadcast_in_dim3A_487 : vector<16xf32>
        %mul3A_723 = arith.mulf %mul3A_512, %get3A_592 : vector<16xf32>
        %add3A_724 = arith.addf %mul3A_722, %mul3A_723 : vector<16xf32>
        %mul3A_725 = arith.mulf %scan3A_460, %broadcast_in_dim3A_487 : vector<16xf32>
        %mul3A_726 = arith.mulf %mul3A_516, %get3A_571 : vector<16xf32>
        %add3A_727 = arith.addf %mul3A_725, %mul3A_726 : vector<16xf32>
        %mul3A_728 = arith.mulf %scan3A_461, %broadcast_in_dim3A_487 : vector<16xf32>
        %mul3A_729 = arith.mulf %mul3A_516, %get3A_578 : vector<16xf32>
        %add3A_730 = arith.addf %mul3A_728, %mul3A_729 : vector<16xf32>
        %mul3A_731 = arith.mulf %scan3A_462, %broadcast_in_dim3A_487 : vector<16xf32>
        %mul3A_732 = arith.mulf %mul3A_516, %get3A_585 : vector<16xf32>
        %add3A_733 = arith.addf %mul3A_731, %mul3A_732 : vector<16xf32>
        %mul3A_734 = arith.mulf %scan3A_463, %broadcast_in_dim3A_487 : vector<16xf32>
        %mul3A_735 = arith.mulf %mul3A_516, %get3A_592 : vector<16xf32>
        %add3A_736 = arith.addf %mul3A_734, %mul3A_735 : vector<16xf32>
        %mul3A_737 = arith.mulf %scan3A_464, %broadcast_in_dim3A_487 : vector<16xf32>
        %mul3A_738 = arith.mulf %get3A_504, %get3A_27 : vector<16xf32>
        %mul3A_739 = arith.mulf %mul3A_738, %broadcast_in_dim3A_497 : vector<16xf32>
        %add3A_740 = arith.addf %mul3A_737, %mul3A_739 : vector<16xf32>
        %select_n3A_741 = arith.select %ge3A_471, %sub3A_470, %scan3A_430 : i32
        %jit3A_742 = arith.constant 1.000000e+00 : f32
        %jit3A_743 = arith.constant 0.000000e+00 : f32
        %select_n3A_744 = arith.select %or3A, %jit3A_742, %jit3A_743 : f32
        %mul3A_745 = arith.mulf %scan3A_431, %select_n3A_744 : f32
        %add3A_746 = arith.addf %mul3A_745, %select_n3A_496 : f32
        scf.yield %select_n3A_741, %add3A_746, %add3A_623, %add3A_626, %add3A_629, %add3A_632, %add3A_635, %add3A_638, %add3A_641, %add3A_644, %add3A_647, %add3A_650, %add3A_653, %add3A_656, %add3A_659, %add3A_662, %add3A_665, %add3A_668, %add3A_676, %add3A_684, %add3A_692, %add3A_700, %add3A_703, %add3A_706, %add3A_709, %add3A_712, %add3A_715, %add3A_718, %add3A_721, %add3A_724, %add3A_727, %add3A_730, %add3A_733, %add3A_736, %add3A_740 : i32, f32, vector<16xf32>, vector<16xf32>, vector<16xf32>, vector<16xf32>, vector<16xf32>, vector<16xf32>, vector<16xf32>, vector<16xf32>, vector<16xf32>, vector<16xf32>, vector<16xf32>, vector<16xf32>, vector<16xf32>, vector<16xf32>, vector<16xf32>, vector<16xf32>, vector<16xf32>, vector<16xf32>, vector<16xf32>, vector<16xf32>, vector<16xf32>, vector<16xf32>, vector<16xf32>, vector<16xf32>, vector<16xf32>, vector<16xf32>, vector<16xf32>, vector<16xf32>, vector<16xf32>, vector<16xf32>, vector<16xf32>, vector<16xf32>, vector<16xf32>
      }
      %scan3A_346 = arith.constant 208 : i32
      %mul3A_347 = arith.constant 2 : i32
      %mul3A_348 = arith.muli %mul3A_347, %while3A_229 : i32
      %add3A_349 = arith.constant 1 : i32
      %add3A_350 = arith.addi %mul3A_348, %add3A_349 : i32
      %mul3A_351 = arith.constant 208 : i32
      %mul3A_352 = arith.muli %add3A_350, %mul3A_351 : i32
      %add3A_353 = arith.addi %and3A_31, %mul3A_352 : i32
      %min3A_354 = arith.constant 99792 : i32
      %min3A_355 = arith.minsi %add3A_353, %min3A_354 : i32
      %multiple_of3A_356 = tpu.assume_multiple %min3A_355, 8 : i32
      %mul3A_357 = arith.constant 208 : i32
      %mul3A_358 = arith.muli %add3A_350, %mul3A_357 : i32
      %add3A_359 = arith.addi %and3A_31, %mul3A_358 : i32
      %sub3A_360 = arith.subi %add3A_359, %multiple_of3A_356 : i32
      %dma_wait3A_361 = arith.constant 0 : i32
      %dma_wait3A_362 = tpu.memref_slice %arg12[%dma_wait3A_361] : memref<53248xf32, #tpu.memory_space<vmem>> -> memref<53248xf32, #tpu.memory_space<vmem>>
      %dma_wait3A_363 = arith.constant 0 : i32
      %dma_wait3A_364 = tpu.memref_slice %arg3[%dma_wait3A_363] : memref<25600000xf32, #tpu.memory_space<hbm>> -> memref<53248xf32, #tpu.memory_space<hbm>>
      %dma_wait3A_365 = arith.constant 0 : i32
      %dma_wait3A_366 = tpu.memref_slice %arg12[%dma_wait3A_365] : memref<53248xf32, #tpu.memory_space<vmem>> -> memref<53248xf32, #tpu.memory_space<vmem>>
      %dma_wait3A_367 = arith.constant 0 : i32
      %dma_wait3A_368 = tpu.memref_slice %arg3[%dma_wait3A_367] : memref<25600000xf32, #tpu.memory_space<hbm>> -> memref<53248xf32, #tpu.memory_space<hbm>>
      tpu.wait_dma2 semaphore(%arg18 : memref<!tpu.dma_semaphore, #tpu.memory_space<semaphore_mem>>) src(%dma_wait3A_368 : memref<53248xf32, #tpu.memory_space<hbm>>) dst(%dma_wait3A_366 : memref<53248xf32, #tpu.memory_space<vmem>>)
      %dma_wait3A_369 = arith.constant 0 : i32
      %dma_wait3A_370 = tpu.memref_slice %arg14[%dma_wait3A_369] : memref<848xf32, #tpu.memory_space<vmem>> -> memref<832xf32, #tpu.memory_space<vmem>>
      %dma_wait3A_371 = arith.constant 0 : i32
      %dma_wait3A_372 = tpu.memref_slice %arg2[%dma_wait3A_371] : memref<400000xf32, #tpu.memory_space<hbm>> -> memref<832xf32, #tpu.memory_space<hbm>>
      %dma_wait3A_373 = arith.constant 0 : i32
      %dma_wait3A_374 = tpu.memref_slice %arg14[%dma_wait3A_373] : memref<848xf32, #tpu.memory_space<vmem>> -> memref<832xf32, #tpu.memory_space<vmem>>
      %dma_wait3A_375 = arith.constant 0 : i32
      %dma_wait3A_376 = tpu.memref_slice %arg2[%dma_wait3A_375] : memref<400000xf32, #tpu.memory_space<hbm>> -> memref<832xf32, #tpu.memory_space<hbm>>
      tpu.wait_dma2 semaphore(%arg18 : memref<!tpu.dma_semaphore, #tpu.memory_space<semaphore_mem>>) src(%dma_wait3A_376 : memref<832xf32, #tpu.memory_space<hbm>>) dst(%dma_wait3A_374 : memref<832xf32, #tpu.memory_space<vmem>>)
      %dma_wait3A_377 = arith.constant 0 : i32
      %dma_wait3A_378 = tpu.memref_slice %arg16[%dma_wait3A_377] : memref<224xi32, #tpu.memory_space<vmem>> -> memref<208xi32, #tpu.memory_space<vmem>>
      %dma_wait3A_379 = arith.constant 0 : i32
      %dma_wait3A_380 = tpu.memref_slice %arg4[%dma_wait3A_379] : memref<100000xi32, #tpu.memory_space<hbm>> -> memref<208xi32, #tpu.memory_space<hbm>>
      %dma_wait3A_381 = arith.constant 0 : i32
      %dma_wait3A_382 = tpu.memref_slice %arg16[%dma_wait3A_381] : memref<224xi32, #tpu.memory_space<vmem>> -> memref<208xi32, #tpu.memory_space<vmem>>
      %dma_wait3A_383 = arith.constant 0 : i32
      %dma_wait3A_384 = tpu.memref_slice %arg4[%dma_wait3A_383] : memref<100000xi32, #tpu.memory_space<hbm>> -> memref<208xi32, #tpu.memory_space<hbm>>
      tpu.wait_dma2 semaphore(%arg18 : memref<!tpu.dma_semaphore, #tpu.memory_space<semaphore_mem>>) src(%dma_wait3A_384 : memref<208xi32, #tpu.memory_space<hbm>>) dst(%dma_wait3A_382 : memref<208xi32, #tpu.memory_space<vmem>>)
      %add3A_385 = arith.constant 1 : i32
      %add3A_386 = arith.addi %add3A_350, %add3A_385 : i32
      %mul3A_387 = arith.constant 208 : i32
      %mul3A_388 = arith.muli %add3A_386, %mul3A_387 : i32
      %add3A_389 = arith.addi %and3A_31, %mul3A_388 : i32
      %min3A_390 = arith.constant 99792 : i32
      %min3A_391 = arith.minsi %add3A_389, %min3A_390 : i32
      %multiple_of3A_392 = tpu.assume_multiple %min3A_391, 8 : i32
      %mul3A_393 = arith.constant 256 : i32
      %mul3A_394 = arith.muli %multiple_of3A_392, %mul3A_393 : i32
      %multiple_of3A_395 = tpu.assume_multiple %mul3A_394, 8 : i32
      %dma_start3A_396 = arith.constant 0 : i32
      %dma_start3A_397 = tpu.memref_slice %arg11[%dma_start3A_396] : memref<53248xf32, #tpu.memory_space<vmem>> -> memref<53248xf32, #tpu.memory_space<vmem>>
      %dma_start3A_398 = tpu.memref_slice %arg3[%multiple_of3A_395] : memref<25600000xf32, #tpu.memory_space<hbm>> -> memref<53248xf32, #tpu.memory_space<hbm>>
      %dma_start3A_399 = arith.constant 0 : i32
      %dma_start3A_400 = tpu.memref_slice %arg11[%dma_start3A_399] : memref<53248xf32, #tpu.memory_space<vmem>> -> memref<53248xf32, #tpu.memory_space<vmem>>
      %dma_start3A_401 = tpu.memref_slice %arg3[%multiple_of3A_395] : memref<25600000xf32, #tpu.memory_space<hbm>> -> memref<53248xf32, #tpu.memory_space<hbm>>
      tpu.enqueue_dma source(%dma_start3A_401 : memref<53248xf32, #tpu.memory_space<hbm>>) target(%dma_start3A_400 : memref<53248xf32, #tpu.memory_space<vmem>>) target_semaphore(%arg17 : memref<!tpu.dma_semaphore, #tpu.memory_space<semaphore_mem>>)
      %mul3A_402 = arith.constant 4 : i32
      %mul3A_403 = arith.muli %multiple_of3A_392, %mul3A_402 : i32
      %multiple_of3A_404 = tpu.assume_multiple %mul3A_403, 8 : i32
      %dma_start3A_405 = arith.constant 0 : i32
      %dma_start3A_406 = tpu.memref_slice %arg13[%dma_start3A_405] : memref<848xf32, #tpu.memory_space<vmem>> -> memref<832xf32, #tpu.memory_space<vmem>>
      %dma_start3A_407 = tpu.memref_slice %arg2[%multiple_of3A_404] : memref<400000xf32, #tpu.memory_space<hbm>> -> memref<832xf32, #tpu.memory_space<hbm>>
      %dma_start3A_408 = arith.constant 0 : i32
      %dma_start3A_409 = tpu.memref_slice %arg13[%dma_start3A_408] : memref<848xf32, #tpu.memory_space<vmem>> -> memref<832xf32, #tpu.memory_space<vmem>>
      %dma_start3A_410 = tpu.memref_slice %arg2[%multiple_of3A_404] : memref<400000xf32, #tpu.memory_space<hbm>> -> memref<832xf32, #tpu.memory_space<hbm>>
      tpu.enqueue_dma source(%dma_start3A_410 : memref<832xf32, #tpu.memory_space<hbm>>) target(%dma_start3A_409 : memref<832xf32, #tpu.memory_space<vmem>>) target_semaphore(%arg17 : memref<!tpu.dma_semaphore, #tpu.memory_space<semaphore_mem>>)
      %mul3A_411 = arith.constant 208 : i32
      %mul3A_412 = arith.muli %add3A_386, %mul3A_411 : i32
      %add3A_413 = arith.addi %and3A_31, %mul3A_412 : i32
      %min3A_414 = arith.constant 99792 : i32
      %min3A_415 = arith.minsi %add3A_413, %min3A_414 : i32
      %multiple_of3A_416 = tpu.assume_multiple %min3A_415, 8 : i32
      %dma_start3A_417 = arith.constant 0 : i32
      %dma_start3A_418 = tpu.memref_slice %arg15[%dma_start3A_417] : memref<224xi32, #tpu.memory_space<vmem>> -> memref<208xi32, #tpu.memory_space<vmem>>
      %dma_start3A_419 = tpu.memref_slice %arg4[%multiple_of3A_416] : memref<100000xi32, #tpu.memory_space<hbm>> -> memref<208xi32, #tpu.memory_space<hbm>>
      %dma_start3A_420 = arith.constant 0 : i32
      %dma_start3A_421 = tpu.memref_slice %arg15[%dma_start3A_420] : memref<224xi32, #tpu.memory_space<vmem>> -> memref<208xi32, #tpu.memory_space<vmem>>
      %dma_start3A_422 = tpu.memref_slice %arg4[%multiple_of3A_416] : memref<100000xi32, #tpu.memory_space<hbm>> -> memref<208xi32, #tpu.memory_space<hbm>>
      tpu.enqueue_dma source(%dma_start3A_422 : memref<208xi32, #tpu.memory_space<hbm>>) target(%dma_start3A_421 : memref<208xi32, #tpu.memory_space<vmem>>) target_semaphore(%arg17 : memref<!tpu.dma_semaphore, #tpu.memory_space<semaphore_mem>>)
      %scan3A_423 = arith.constant 0 : i32
      %scan3A_424 = arith.constant 208 : i32
      %scan3A_425 = arith.addi %scan3A_423, %scan3A_424 : i32
      %scan3A_426 = arith.constant 1 : i32
      %scan3A_427:35 = scf.for %scan3A_429 = %scan3A_423 to %scan3A_425 step %scan3A_426 iter_args(%scan3A_430 = %scan3A_345#0, %scan3A_431 = %scan3A_345#1, %scan3A_432 = %scan3A_345#2, %scan3A_433 = %scan3A_345#3, %scan3A_434 = %scan3A_345#4, %scan3A_435 = %scan3A_345#5, %scan3A_436 = %scan3A_345#6, %scan3A_437 = %scan3A_345#7, %scan3A_438 = %scan3A_345#8, %scan3A_439 = %scan3A_345#9, %scan3A_440 = %scan3A_345#10, %scan3A_441 = %scan3A_345#11, %scan3A_442 = %scan3A_345#12, %scan3A_443 = %scan3A_345#13, %scan3A_444 = %scan3A_345#14, %scan3A_445 = %scan3A_345#15, %scan3A_446 = %scan3A_345#16, %scan3A_447 = %scan3A_345#17, %scan3A_448 = %scan3A_345#18, %scan3A_449 = %scan3A_345#19, %scan3A_450 = %scan3A_345#20, %scan3A_451 = %scan3A_345#21, %scan3A_452 = %scan3A_345#22, %scan3A_453 = %scan3A_345#23, %scan3A_454 = %scan3A_345#24, %scan3A_455 = %scan3A_345#25, %scan3A_456 = %scan3A_345#26, %scan3A_457 = %scan3A_345#27, %scan3A_458 = %scan3A_345#28, %scan3A_459 = %scan3A_345#29, %scan3A_460 = %scan3A_345#30, %scan3A_461 = %scan3A_345#31, %scan3A_462 = %scan3A_345#32, %scan3A_463 = %scan3A_345#33, %scan3A_464 = %scan3A_345#34) -> (i32, f32, vector<16xf32>, vector<16xf32>, vector<16xf32>, vector<16xf32>, vector<16xf32>, vector<16xf32>, vector<16xf32>, vector<16xf32>, vector<16xf32>, vector<16xf32>, vector<16xf32>, vector<16xf32>, vector<16xf32>, vector<16xf32>, vector<16xf32>, vector<16xf32>, vector<16xf32>, vector<16xf32>, vector<16xf32>, vector<16xf32>, vector<16xf32>, vector<16xf32>, vector<16xf32>, vector<16xf32>, vector<16xf32>, vector<16xf32>, vector<16xf32>, vector<16xf32>, vector<16xf32>, vector<16xf32>, vector<16xf32>, vector<16xf32>, vector<16xf32>)  : i32 {
        %get3A_465 = arith.index_cast %scan3A_429 : i32 to index
        %get3A_466 = tpu.vector_load %arg16[%get3A_465] {strides = array<i32>} : memref<224xi32, #tpu.memory_space<vmem>>, vector<16xi32>,
        %get3A_467 = vector.shape_cast %get3A_466 : vector<16xi32> to vector<16xi32>
        %slice3A_468 = vector.extract_strided_slice %get3A_467 {offsets = [0], sizes = [1], strides = [1]} : vector<16xi32> to vector<1xi32>
        %squeeze3A_469 = vector.extract %slice3A_468[0] : i32 from vector<1xi32>
        %sub3A_470 = arith.subi %squeeze3A_469, %mul3A_114 : i32
        %ge3A_471 = arith.cmpi sge, %scan3A_429, %sub3A_360 : i32
        %ne3A_472 = arith.cmpi ne, %sub3A_470, %scan3A_430 : i32
        %and3A_473 = arith.andi %ne3A_472, %ge3A_471 : i1
        %ge3A_474 = arith.constant 0 : i32
        %ge3A_475 = arith.cmpi sge, %scan3A_430, %ge3A_474 : i32
        %lt3A_476 = arith.constant 64 : i32
        %lt3A_477 = arith.cmpi slt, %scan3A_430, %lt3A_476 : i32
        %and3A_478 = arith.andi %ge3A_475, %lt3A_477 : i1
        %and3A_479 = arith.andi %and3A_473, %and3A_478 : i1
        %convert_element_type3A_480 = arith.extui %and3A_479 : i1 to i32
        %cond3A_481 = arith.constant 0 : i32
        %cond3A_482 = arith.cmpi ne, %convert_element_type3A_480, %cond3A_481 : i32
        scf.if %cond3A_482 {
          %broadcast_in_dim3A_747 = vector.broadcast %scan3A_431 : f32 to vector<16xf32>
          %max3A_748 = arith.constant 1.000000e+00 : f32
          %max3A_749 = vector.broadcast %max3A_748 : f32 to vector<16xf32>
          %max3A_750 = arith.maximumf %broadcast_in_dim3A_747, %max3A_749 : vector<16xf32>
          %div3A_751 = arith.constant 1.000000e+00 : f32
          %div3A_752 = vector.broadcast %div3A_751 : f32 to vector<16xf32>
          %div3A_753 = arith.divf %div3A_752, %max3A_750 : vector<16xf32>
          %mul3A_754 = arith.mulf %scan3A_464, %div3A_753 : vector<16xf32>
          %slice3A_755 = vector.extract_strided_slice %mul3A_754 {offsets = [0], sizes = [1], strides = [1]} : vector<16xf32> to vector<1xf32>
          %squeeze3A_756 = vector.extract %slice3A_755[0] : f32 from vector<1xf32>
          %broadcast_in_dim3A_757 = vector.broadcast %squeeze3A_756 : f32 to vector<16xf32>
          %slice3A_758 = vector.extract_strided_slice %mul3A_754 {offsets = [1], sizes = [1], strides = [1]} : vector<16xf32> to vector<1xf32>
          %squeeze3A_759 = vector.extract %slice3A_758[0] : f32 from vector<1xf32>
          %broadcast_in_dim3A_760 = vector.broadcast %squeeze3A_759 : f32 to vector<16xf32>
          %slice3A_761 = vector.extract_strided_slice %mul3A_754 {offsets = [2], sizes = [1], strides = [1]} : vector<16xf32> to vector<1xf32>
          %squeeze3A_762 = vector.extract %slice3A_761[0] : f32 from vector<1xf32>
          %broadcast_in_dim3A_763 = vector.broadcast %squeeze3A_762 : f32 to vector<16xf32>
          %swap3A = arith.constant 16 : index
          %swap3A_764 = tpu.vector_load %arg22[%swap3A] {strides = array<i32>} : memref<448xf32, #tpu.memory_space<vmem>>, vector<16xf32>,
          %swap3A_765 = vector.shape_cast %swap3A_764 : vector<16xf32> to vector<16xf32>
          %swap3A_766 = vector.shape_cast %scan3A_452 : vector<16xf32> to vector<16xf32>
          tpu.vector_store %arg22[%swap3A], %swap3A_766 {strides = array<i32>} : memref<448xf32, #tpu.memory_space<vmem>>, vector<16xf32>,
          %swap3A_767 = arith.constant 96 : index
          %swap3A_768 = tpu.vector_load %arg22[%swap3A_767] {strides = array<i32>} : memref<448xf32, #tpu.memory_space<vmem>>, vector<16xf32>,
          %swap3A_769 = vector.shape_cast %swap3A_768 : vector<16xf32> to vector<16xf32>
          %swap3A_770 = vector.shape_cast %scan3A_456 : vector<16xf32> to vector<16xf32>
          tpu.vector_store %arg22[%swap3A_767], %swap3A_770 {strides = array<i32>} : memref<448xf32, #tpu.memory_space<vmem>>, vector<16xf32>,
          %swap3A_771 = arith.constant 176 : index
          %swap3A_772 = tpu.vector_load %arg22[%swap3A_771] {strides = array<i32>} : memref<448xf32, #tpu.memory_space<vmem>>, vector<16xf32>,
          %swap3A_773 = vector.shape_cast %swap3A_772 : vector<16xf32> to vector<16xf32>
          %swap3A_774 = vector.shape_cast %scan3A_460 : vector<16xf32> to vector<16xf32>
          tpu.vector_store %arg22[%swap3A_771], %swap3A_774 {strides = array<i32>} : memref<448xf32, #tpu.memory_space<vmem>>, vector<16xf32>,
          %swap3A_775 = arith.constant 256 : index
          %swap3A_776 = tpu.vector_load %arg22[%swap3A_775] {strides = array<i32>} : memref<448xf32, #tpu.memory_space<vmem>>, vector<16xf32>,
          %swap3A_777 = vector.shape_cast %swap3A_776 : vector<16xf32> to vector<16xf32>
          %swap3A_778 = vector.shape_cast %scan3A_440 : vector<16xf32> to vector<16xf32>
          tpu.vector_store %arg22[%swap3A_775], %swap3A_778 {strides = array<i32>} : memref<448xf32, #tpu.memory_space<vmem>>, vector<16xf32>,
          %swap3A_779 = arith.constant 32 : index
          %swap3A_780 = tpu.vector_load %arg22[%swap3A_779] {strides = array<i32>} : memref<448xf32, #tpu.memory_space<vmem>>, vector<16xf32>,
          %swap3A_781 = vector.shape_cast %swap3A_780 : vector<16xf32> to vector<16xf32>
          %swap3A_782 = vector.shape_cast %scan3A_453 : vector<16xf32> to vector<16xf32>
          tpu.vector_store %arg22[%swap3A_779], %swap3A_782 {strides = array<i32>} : memref<448xf32, #tpu.memory_space<vmem>>, vector<16xf32>,
          %swap3A_783 = arith.constant 112 : index
          %swap3A_784 = tpu.vector_load %arg22[%swap3A_783] {strides = array<i32>} : memref<448xf32, #tpu.memory_space<vmem>>, vector<16xf32>,
          %swap3A_785 = vector.shape_cast %swap3A_784 : vector<16xf32> to vector<16xf32>
          %swap3A_786 = vector.shape_cast %scan3A_457 : vector<16xf32> to vector<16xf32>
          tpu.vector_store %arg22[%swap3A_783], %swap3A_786 {strides = array<i32>} : memref<448xf32, #tpu.memory_space<vmem>>, vector<16xf32>,
          %swap3A_787 = arith.constant 192 : index
          %swap3A_788 = tpu.vector_load %arg22[%swap3A_787] {strides = array<i32>} : memref<448xf32, #tpu.memory_space<vmem>>, vector<16xf32>,
          %swap3A_789 = vector.shape_cast %swap3A_788 : vector<16xf32> to vector<16xf32>
          %swap3A_790 = vector.shape_cast %scan3A_461 : vector<16xf32> to vector<16xf32>
          tpu.vector_store %arg22[%swap3A_787], %swap3A_790 {strides = array<i32>} : memref<448xf32, #tpu.memory_space<vmem>>, vector<16xf32>,
          %swap3A_791 = arith.constant 272 : index
          %swap3A_792 = tpu.vector_load %arg22[%swap3A_791] {strides = array<i32>} : memref<448xf32, #tpu.memory_space<vmem>>, vector<16xf32>,
          %swap3A_793 = vector.shape_cast %swap3A_792 : vector<16xf32> to vector<16xf32>
          %swap3A_794 = vector.shape_cast %scan3A_441 : vector<16xf32> to vector<16xf32>
          tpu.vector_store %arg22[%swap3A_791], %swap3A_794 {strides = array<i32>} : memref<448xf32, #tpu.memory_space<vmem>>, vector<16xf32>,
          %swap3A_795 = arith.constant 48 : index
          %swap3A_796 = tpu.vector_load %arg22[%swap3A_795] {strides = array<i32>} : memref<448xf32, #tpu.memory_space<vmem>>, vector<16xf32>,
          %swap3A_797 = vector.shape_cast %swap3A_796 : vector<16xf32> to vector<16xf32>
          %swap3A_798 = vector.shape_cast %scan3A_454 : vector<16xf32> to vector<16xf32>
          tpu.vector_store %arg22[%swap3A_795], %swap3A_798 {strides = array<i32>} : memref<448xf32, #tpu.memory_space<vmem>>, vector<16xf32>,
          %swap3A_799 = arith.constant 128 : index
          %swap3A_800 = tpu.vector_load %arg22[%swap3A_799] {strides = array<i32>} : memref<448xf32, #tpu.memory_space<vmem>>, vector<16xf32>,
          %swap3A_801 = vector.shape_cast %swap3A_800 : vector<16xf32> to vector<16xf32>
          %swap3A_802 = vector.shape_cast %scan3A_458 : vector<16xf32> to vector<16xf32>
          tpu.vector_store %arg22[%swap3A_799], %swap3A_802 {strides = array<i32>} : memref<448xf32, #tpu.memory_space<vmem>>, vector<16xf32>,
          %swap3A_803 = arith.constant 208 : index
          %swap3A_804 = tpu.vector_load %arg22[%swap3A_803] {strides = array<i32>} : memref<448xf32, #tpu.memory_space<vmem>>, vector<16xf32>,
          %swap3A_805 = vector.shape_cast %swap3A_804 : vector<16xf32> to vector<16xf32>
          %swap3A_806 = vector.shape_cast %scan3A_462 : vector<16xf32> to vector<16xf32>
          tpu.vector_store %arg22[%swap3A_803], %swap3A_806 {strides = array<i32>} : memref<448xf32, #tpu.memory_space<vmem>>, vector<16xf32>,
          %swap3A_807 = arith.constant 288 : index
          %swap3A_808 = tpu.vector_load %arg22[%swap3A_807] {strides = array<i32>} : memref<448xf32, #tpu.memory_space<vmem>>, vector<16xf32>,
          %swap3A_809 = vector.shape_cast %swap3A_808 : vector<16xf32> to vector<16xf32>
          %swap3A_810 = vector.shape_cast %scan3A_442 : vector<16xf32> to vector<16xf32>
          tpu.vector_store %arg22[%swap3A_807], %swap3A_810 {strides = array<i32>} : memref<448xf32, #tpu.memory_space<vmem>>, vector<16xf32>,
          %swap3A_811 = arith.constant 64 : index
          %swap3A_812 = tpu.vector_load %arg22[%swap3A_811] {strides = array<i32>} : memref<448xf32, #tpu.memory_space<vmem>>, vector<16xf32>,
          %swap3A_813 = vector.shape_cast %swap3A_812 : vector<16xf32> to vector<16xf32>
          %swap3A_814 = vector.shape_cast %scan3A_455 : vector<16xf32> to vector<16xf32>
          tpu.vector_store %arg22[%swap3A_811], %swap3A_814 {strides = array<i32>} : memref<448xf32, #tpu.memory_space<vmem>>, vector<16xf32>,
          %swap3A_815 = arith.constant 144 : index
          %swap3A_816 = tpu.vector_load %arg22[%swap3A_815] {strides = array<i32>} : memref<448xf32, #tpu.memory_space<vmem>>, vector<16xf32>,
          %swap3A_817 = vector.shape_cast %swap3A_816 : vector<16xf32> to vector<16xf32>
          %swap3A_818 = vector.shape_cast %scan3A_459 : vector<16xf32> to vector<16xf32>
          tpu.vector_store %arg22[%swap3A_815], %swap3A_818 {strides = array<i32>} : memref<448xf32, #tpu.memory_space<vmem>>, vector<16xf32>,
          %swap3A_819 = arith.constant 224 : index
          %swap3A_820 = tpu.vector_load %arg22[%swap3A_819] {strides = array<i32>} : memref<448xf32, #tpu.memory_space<vmem>>, vector<16xf32>,
          %swap3A_821 = vector.shape_cast %swap3A_820 : vector<16xf32> to vector<16xf32>
          %swap3A_822 = vector.shape_cast %scan3A_463 : vector<16xf32> to vector<16xf32>
          tpu.vector_store %arg22[%swap3A_819], %swap3A_822 {strides = array<i32>} : memref<448xf32, #tpu.memory_space<vmem>>, vector<16xf32>,
          %swap3A_823 = arith.constant 304 : index
          %swap3A_824 = tpu.vector_load %arg22[%swap3A_823] {strides = array<i32>} : memref<448xf32, #tpu.memory_space<vmem>>, vector<16xf32>,
          %swap3A_825 = vector.shape_cast %swap3A_824 : vector<16xf32> to vector<16xf32>
          %swap3A_826 = vector.shape_cast %scan3A_443 : vector<16xf32> to vector<16xf32>
          tpu.vector_store %arg22[%swap3A_823], %swap3A_826 {strides = array<i32>} : memref<448xf32, #tpu.memory_space<vmem>>, vector<16xf32>,
          %mul3A_827 = arith.constant 60 : i32
          %mul3A_828 = arith.muli %mul3A_827, %scan3A_430 : i32
          %get3A_829 = arith.constant 64 : index
          %get3A_830 = tpu.vector_load %arg21[%get3A_829] {strides = array<i32>} : memref<80xf32, #tpu.memory_space<vmem>>, vector<16xf32>,
          %get3A_831 = vector.shape_cast %get3A_830 : vector<16xf32> to vector<16xf32>
          %mul3A_832 = arith.mulf %broadcast_in_dim3A_757, %get3A_18 : vector<16xf32>
          %mul3A_833 = arith.mulf %broadcast_in_dim3A_760, %get3A_21 : vector<16xf32>
          %add3A_834 = arith.addf %mul3A_832, %mul3A_833 : vector<16xf32>
          %mul3A_835 = arith.mulf %broadcast_in_dim3A_763, %get3A_24 : vector<16xf32>
          %add3A_836 = arith.addf %add3A_834, %mul3A_835 : vector<16xf32>
          %add3A_837 = arith.addf %scan3A_432, %scan3A_448 : vector<16xf32>
          %mul3A_838 = arith.mulf %scan3A_444, %add3A_836 : vector<16xf32>
          %sub3A_839 = arith.subf %add3A_837, %mul3A_838 : vector<16xf32>
          %get3A_840 = arith.constant 98 : index
          %get3A_841 = tpu.vector_load %arg22[%get3A_840] {strides = array<i32>} : memref<448xf32, #tpu.memory_space<vmem>>, vector<16xf32>,
          %get3A_842 = vector.shape_cast %get3A_841 : vector<16xf32> to vector<16xf32>
          %get3A_843 = arith.constant 177 : index
          %get3A_844 = tpu.vector_load %arg22[%get3A_843] {strides = array<i32>} : memref<448xf32, #tpu.memory_space<vmem>>, vector<16xf32>,
          %get3A_845 = vector.shape_cast %get3A_844 : vector<16xf32> to vector<16xf32>
          %sub3A_846 = arith.subf %get3A_842, %get3A_845 : vector<16xf32>
          %mul3A_847 = arith.mulf %get3A_18, %sub3A_846 : vector<16xf32>
          %get3A_848 = arith.constant 175 : index
          %get3A_849 = tpu.vector_load %arg22[%get3A_848] {strides = array<i32>} : memref<448xf32, #tpu.memory_space<vmem>>, vector<16xf32>,
          %get3A_850 = vector.shape_cast %get3A_849 : vector<16xf32> to vector<16xf32>
          %get3A_851 = arith.constant 17 : index
          %get3A_852 = tpu.vector_load %arg22[%get3A_851] {strides = array<i32>} : memref<448xf32, #tpu.memory_space<vmem>>, vector<16xf32>,
          %get3A_853 = vector.shape_cast %get3A_852 : vector<16xf32> to vector<16xf32>
          %sub3A_854 = arith.subf %get3A_850, %get3A_853 : vector<16xf32>
          %mul3A_855 = arith.mulf %get3A_21, %sub3A_854 : vector<16xf32>
          %add3A_856 = arith.addf %mul3A_847, %mul3A_855 : vector<16xf32>
          %get3A_857 = arith.constant 15 : index
          %get3A_858 = tpu.vector_load %arg22[%get3A_857] {strides = array<i32>} : memref<448xf32, #tpu.memory_space<vmem>>, vector<16xf32>,
          %get3A_859 = vector.shape_cast %get3A_858 : vector<16xf32> to vector<16xf32>
          %get3A_860 = arith.constant 94 : index
          %get3A_861 = tpu.vector_load %arg22[%get3A_860] {strides = array<i32>} : memref<448xf32, #tpu.memory_space<vmem>>, vector<16xf32>,
          %get3A_862 = vector.shape_cast %get3A_861 : vector<16xf32> to vector<16xf32>
          %sub3A_863 = arith.subf %get3A_859, %get3A_862 : vector<16xf32>
          %mul3A_864 = arith.mulf %get3A_24, %sub3A_863 : vector<16xf32>
          %add3A_865 = arith.addf %add3A_856, %mul3A_864 : vector<16xf32>
          %get3A_866 = arith.constant 257 : index
          %get3A_867 = tpu.vector_load %arg22[%get3A_866] {strides = array<i32>} : memref<448xf32, #tpu.memory_space<vmem>>, vector<16xf32>,
          %get3A_868 = vector.shape_cast %get3A_867 : vector<16xf32> to vector<16xf32>
          %get3A_869 = arith.constant 255 : index
          %get3A_870 = tpu.vector_load %arg22[%get3A_869] {strides = array<i32>} : memref<448xf32, #tpu.memory_space<vmem>>, vector<16xf32>,
          %get3A_871 = vector.shape_cast %get3A_870 : vector<16xf32> to vector<16xf32>
          %get3A_872 = arith.constant 258 : index
          %get3A_873 = tpu.vector_load %arg22[%get3A_872] {strides = array<i32>} : memref<448xf32, #tpu.memory_space<vmem>>, vector<16xf32>,
          %get3A_874 = vector.shape_cast %get3A_873 : vector<16xf32> to vector<16xf32>
          %mul3A_875 = arith.mulf %broadcast_in_dim3A_760, %get3A_874 : vector<16xf32>
          %mul3A_876 = arith.mulf %broadcast_in_dim3A_763, %get3A_868 : vector<16xf32>
          %sub3A_877 = arith.subf %mul3A_875, %mul3A_876 : vector<16xf32>
          %mul3A_878 = arith.mulf %get3A_18, %sub3A_877 : vector<16xf32>
          %mul3A_879 = arith.mulf %broadcast_in_dim3A_763, %get3A_871 : vector<16xf32>
          %mul3A_880 = arith.mulf %broadcast_in_dim3A_757, %get3A_868 : vector<16xf32>
          %sub3A_881 = arith.subf %mul3A_879, %mul3A_880 : vector<16xf32>
          %mul3A_882 = arith.mulf %get3A_21, %sub3A_881 : vector<16xf32>
          %add3A_883 = arith.addf %mul3A_878, %mul3A_882 : vector<16xf32>
          %mul3A_884 = arith.mulf %broadcast_in_dim3A_757, %get3A_871 : vector<16xf32>
          %get3A_885 = arith.constant 254 : index
          %get3A_886 = tpu.vector_load %arg22[%get3A_885] {strides = array<i32>} : memref<448xf32, #tpu.memory_space<vmem>>, vector<16xf32>,
          %get3A_887 = vector.shape_cast %get3A_886 : vector<16xf32> to vector<16xf32>
          %mul3A_888 = arith.mulf %broadcast_in_dim3A_760, %get3A_887 : vector<16xf32>
          %sub3A_889 = arith.subf %mul3A_884, %mul3A_888 : vector<16xf32>
          %mul3A_890 = arith.mulf %get3A_24, %sub3A_889 : vector<16xf32>
          %add3A_891 = arith.addf %add3A_883, %mul3A_890 : vector<16xf32>
          %sub3A_892 = arith.subf %add3A_865, %add3A_891 : vector<16xf32>
          %mul3A_893 = arith.constant 5.000000e-01 : f32
          %mul3A_894 = vector.broadcast %mul3A_893 : f32 to vector<16xf32>
          %mul3A_895 = arith.mulf %mul3A_894, %sub3A_892 : vector<16xf32>
          %add3A_896 = arith.addf %scan3A_436, %mul3A_895 : vector<16xf32>
          %mul3A_897 = arith.mulf %broadcast_in_dim3A_757, %get3A_24 : vector<16xf32>
          %mul3A_898 = arith.mulf %broadcast_in_dim3A_760, %get3A_18 : vector<16xf32>
          %add3A_899 = arith.addf %mul3A_897, %mul3A_898 : vector<16xf32>
          %mul3A_900 = arith.mulf %broadcast_in_dim3A_763, %get3A_21 : vector<16xf32>
          %add3A_901 = arith.addf %add3A_899, %mul3A_900 : vector<16xf32>
          %add3A_902 = arith.addf %scan3A_433, %scan3A_449 : vector<16xf32>
          %mul3A_903 = arith.mulf %scan3A_445, %add3A_901 : vector<16xf32>
          %sub3A_904 = arith.subf %add3A_902, %mul3A_903 : vector<16xf32>
          %get3A_905 = arith.constant 114 : index
          %get3A_906 = tpu.vector_load %arg22[%get3A_905] {strides = array<i32>} : memref<448xf32, #tpu.memory_space<vmem>>, vector<16xf32>,
          %get3A_907 = vector.shape_cast %get3A_906 : vector<16xf32> to vector<16xf32>
          %get3A_908 = arith.constant 193 : index
          %get3A_909 = tpu.vector_load %arg22[%get3A_908] {strides = array<i32>} : memref<448xf32, #tpu.memory_space<vmem>>, vector<16xf32>,
          %get3A_910 = vector.shape_cast %get3A_909 : vector<16xf32> to vector<16xf32>
          %sub3A_911 = arith.subf %get3A_907, %get3A_910 : vector<16xf32>
          %mul3A_912 = arith.mulf %get3A_24, %sub3A_911 : vector<16xf32>
          %get3A_913 = arith.constant 191 : index
          %get3A_914 = tpu.vector_load %arg22[%get3A_913] {strides = array<i32>} : memref<448xf32, #tpu.memory_space<vmem>>, vector<16xf32>,
          %get3A_915 = vector.shape_cast %get3A_914 : vector<16xf32> to vector<16xf32>
          %get3A_916 = arith.constant 33 : index
          %get3A_917 = tpu.vector_load %arg22[%get3A_916] {strides = array<i32>} : memref<448xf32, #tpu.memory_space<vmem>>, vector<16xf32>,
          %get3A_918 = vector.shape_cast %get3A_917 : vector<16xf32> to vector<16xf32>
          %sub3A_919 = arith.subf %get3A_915, %get3A_918 : vector<16xf32>
          %mul3A_920 = arith.mulf %get3A_18, %sub3A_919 : vector<16xf32>
          %add3A_921 = arith.addf %mul3A_912, %mul3A_920 : vector<16xf32>
          %get3A_922 = arith.constant 31 : index
          %get3A_923 = tpu.vector_load %arg22[%get3A_922] {strides = array<i32>} : memref<448xf32, #tpu.memory_space<vmem>>, vector<16xf32>,
          %get3A_924 = vector.shape_cast %get3A_923 : vector<16xf32> to vector<16xf32>
          %get3A_925 = arith.constant 110 : index
          %get3A_926 = tpu.vector_load %arg22[%get3A_925] {strides = array<i32>} : memref<448xf32, #tpu.memory_space<vmem>>, vector<16xf32>,
          %get3A_927 = vector.shape_cast %get3A_926 : vector<16xf32> to vector<16xf32>
          %sub3A_928 = arith.subf %get3A_924, %get3A_927 : vector<16xf32>
          %mul3A_929 = arith.mulf %get3A_21, %sub3A_928 : vector<16xf32>
          %add3A_930 = arith.addf %add3A_921, %mul3A_929 : vector<16xf32>
          %get3A_931 = arith.constant 273 : index
          %get3A_932 = tpu.vector_load %arg22[%get3A_931] {strides = array<i32>} : memref<448xf32, #tpu.memory_space<vmem>>, vector<16xf32>,
          %get3A_933 = vector.shape_cast %get3A_932 : vector<16xf32> to vector<16xf32>
          %get3A_934 = arith.constant 271 : index
          %get3A_935 = tpu.vector_load %arg22[%get3A_934] {strides = array<i32>} : memref<448xf32, #tpu.memory_space<vmem>>, vector<16xf32>,
          %get3A_936 = vector.shape_cast %get3A_935 : vector<16xf32> to vector<16xf32>
          %get3A_937 = arith.constant 274 : index
          %get3A_938 = tpu.vector_load %arg22[%get3A_937] {strides = array<i32>} : memref<448xf32, #tpu.memory_space<vmem>>, vector<16xf32>,
          %get3A_939 = vector.shape_cast %get3A_938 : vector<16xf32> to vector<16xf32>
          %mul3A_940 = arith.mulf %broadcast_in_dim3A_760, %get3A_939 : vector<16xf32>
          %mul3A_941 = arith.mulf %broadcast_in_dim3A_763, %get3A_933 : vector<16xf32>
          %sub3A_942 = arith.subf %mul3A_940, %mul3A_941 : vector<16xf32>
          %mul3A_943 = arith.mulf %get3A_24, %sub3A_942 : vector<16xf32>
          %mul3A_944 = arith.mulf %broadcast_in_dim3A_763, %get3A_936 : vector<16xf32>
          %mul3A_945 = arith.mulf %broadcast_in_dim3A_757, %get3A_933 : vector<16xf32>
          %sub3A_946 = arith.subf %mul3A_944, %mul3A_945 : vector<16xf32>
          %mul3A_947 = arith.mulf %get3A_18, %sub3A_946 : vector<16xf32>
          %add3A_948 = arith.addf %mul3A_943, %mul3A_947 : vector<16xf32>
          %mul3A_949 = arith.mulf %broadcast_in_dim3A_757, %get3A_936 : vector<16xf32>
          %get3A_950 = arith.constant 270 : index
          %get3A_951 = tpu.vector_load %arg22[%get3A_950] {strides = array<i32>} : memref<448xf32, #tpu.memory_space<vmem>>, vector<16xf32>,
          %get3A_952 = vector.shape_cast %get3A_951 : vector<16xf32> to vector<16xf32>
          %mul3A_953 = arith.mulf %broadcast_in_dim3A_760, %get3A_952 : vector<16xf32>
          %sub3A_954 = arith.subf %mul3A_949, %mul3A_953 : vector<16xf32>
          %mul3A_955 = arith.mulf %get3A_21, %sub3A_954 : vector<16xf32>
          %add3A_956 = arith.addf %add3A_948, %mul3A_955 : vector<16xf32>
          %sub3A_957 = arith.subf %add3A_930, %add3A_956 : vector<16xf32>
          %mul3A_958 = arith.constant 5.000000e-01 : f32
          %mul3A_959 = vector.broadcast %mul3A_958 : f32 to vector<16xf32>
          %mul3A_960 = arith.mulf %mul3A_959, %sub3A_957 : vector<16xf32>
          %add3A_961 = arith.addf %scan3A_437, %mul3A_960 : vector<16xf32>
          %mul3A_962 = arith.mulf %broadcast_in_dim3A_757, %get3A_21 : vector<16xf32>
          %mul3A_963 = arith.mulf %broadcast_in_dim3A_760, %get3A_24 : vector<16xf32>
          %add3A_964 = arith.addf %mul3A_962, %mul3A_963 : vector<16xf32>
          %mul3A_965 = arith.mulf %broadcast_in_dim3A_763, %get3A_18 : vector<16xf32>
          %add3A_966 = arith.addf %add3A_964, %mul3A_965 : vector<16xf32>
          %add3A_967 = arith.addf %scan3A_434, %scan3A_450 : vector<16xf32>
          %mul3A_968 = arith.mulf %scan3A_446, %add3A_966 : vector<16xf32>
          %sub3A_969 = arith.subf %add3A_967, %mul3A_968 : vector<16xf32>
          %get3A_970 = arith.constant 130 : index
          %get3A_971 = tpu.vector_load %arg22[%get3A_970] {strides = array<i32>} : memref<448xf32, #tpu.memory_space<vmem>>, vector<16xf32>,
          %get3A_972 = vector.shape_cast %get3A_971 : vector<16xf32> to vector<16xf32>
          %get3A_973 = arith.constant 209 : index
          %get3A_974 = tpu.vector_load %arg22[%get3A_973] {strides = array<i32>} : memref<448xf32, #tpu.memory_space<vmem>>, vector<16xf32>,
          %get3A_975 = vector.shape_cast %get3A_974 : vector<16xf32> to vector<16xf32>
          %sub3A_976 = arith.subf %get3A_972, %get3A_975 : vector<16xf32>
          %mul3A_977 = arith.mulf %get3A_21, %sub3A_976 : vector<16xf32>
          %get3A_978 = arith.constant 207 : index
          %get3A_979 = tpu.vector_load %arg22[%get3A_978] {strides = array<i32>} : memref<448xf32, #tpu.memory_space<vmem>>, vector<16xf32>,
          %get3A_980 = vector.shape_cast %get3A_979 : vector<16xf32> to vector<16xf32>
          %get3A_981 = arith.constant 49 : index
          %get3A_982 = tpu.vector_load %arg22[%get3A_981] {strides = array<i32>} : memref<448xf32, #tpu.memory_space<vmem>>, vector<16xf32>,
          %get3A_983 = vector.shape_cast %get3A_982 : vector<16xf32> to vector<16xf32>
          %sub3A_984 = arith.subf %get3A_980, %get3A_983 : vector<16xf32>
          %mul3A_985 = arith.mulf %get3A_24, %sub3A_984 : vector<16xf32>
          %add3A_986 = arith.addf %mul3A_977, %mul3A_985 : vector<16xf32>
          %get3A_987 = arith.constant 47 : index
          %get3A_988 = tpu.vector_load %arg22[%get3A_987] {strides = array<i32>} : memref<448xf32, #tpu.memory_space<vmem>>, vector<16xf32>,
          %get3A_989 = vector.shape_cast %get3A_988 : vector<16xf32> to vector<16xf32>
          %get3A_990 = arith.constant 126 : index
          %get3A_991 = tpu.vector_load %arg22[%get3A_990] {strides = array<i32>} : memref<448xf32, #tpu.memory_space<vmem>>, vector<16xf32>,
          %get3A_992 = vector.shape_cast %get3A_991 : vector<16xf32> to vector<16xf32>
          %sub3A_993 = arith.subf %get3A_989, %get3A_992 : vector<16xf32>
          %mul3A_994 = arith.mulf %get3A_18, %sub3A_993 : vector<16xf32>
          %add3A_995 = arith.addf %add3A_986, %mul3A_994 : vector<16xf32>
          %get3A_996 = arith.constant 289 : index
          %get3A_997 = tpu.vector_load %arg22[%get3A_996] {strides = array<i32>} : memref<448xf32, #tpu.memory_space<vmem>>, vector<16xf32>,
          %get3A_998 = vector.shape_cast %get3A_997 : vector<16xf32> to vector<16xf32>
          %get3A_999 = arith.constant 287 : index
          %get3A_1000 = tpu.vector_load %arg22[%get3A_999] {strides = array<i32>} : memref<448xf32, #tpu.memory_space<vmem>>, vector<16xf32>,
          %get3A_1001 = vector.shape_cast %get3A_1000 : vector<16xf32> to vector<16xf32>
          %get3A_1002 = arith.constant 290 : index
          %get3A_1003 = tpu.vector_load %arg22[%get3A_1002] {strides = array<i32>} : memref<448xf32, #tpu.memory_space<vmem>>, vector<16xf32>,
          %get3A_1004 = vector.shape_cast %get3A_1003 : vector<16xf32> to vector<16xf32>
          %mul3A_1005 = arith.mulf %broadcast_in_dim3A_760, %get3A_1004 : vector<16xf32>
          %mul3A_1006 = arith.mulf %broadcast_in_dim3A_763, %get3A_998 : vector<16xf32>
          %sub3A_1007 = arith.subf %mul3A_1005, %mul3A_1006 : vector<16xf32>
          %mul3A_1008 = arith.mulf %get3A_21, %sub3A_1007 : vector<16xf32>
          %mul3A_1009 = arith.mulf %broadcast_in_dim3A_763, %get3A_1001 : vector<16xf32>
          %mul3A_1010 = arith.mulf %broadcast_in_dim3A_757, %get3A_998 : vector<16xf32>
          %sub3A_1011 = arith.subf %mul3A_1009, %mul3A_1010 : vector<16xf32>
          %mul3A_1012 = arith.mulf %get3A_24, %sub3A_1011 : vector<16xf32>
          %add3A_1013 = arith.addf %mul3A_1008, %mul3A_1012 : vector<16xf32>
          %mul3A_1014 = arith.mulf %broadcast_in_dim3A_757, %get3A_1001 : vector<16xf32>
          %get3A_1015 = arith.constant 286 : index
          %get3A_1016 = tpu.vector_load %arg22[%get3A_1015] {strides = array<i32>} : memref<448xf32, #tpu.memory_space<vmem>>, vector<16xf32>,
          %get3A_1017 = vector.shape_cast %get3A_1016 : vector<16xf32> to vector<16xf32>
          %mul3A_1018 = arith.mulf %broadcast_in_dim3A_760, %get3A_1017 : vector<16xf32>
          %sub3A_1019 = arith.subf %mul3A_1014, %mul3A_1018 : vector<16xf32>
          %mul3A_1020 = arith.mulf %get3A_18, %sub3A_1019 : vector<16xf32>
          %add3A_1021 = arith.addf %add3A_1013, %mul3A_1020 : vector<16xf32>
          %sub3A_1022 = arith.subf %add3A_995, %add3A_1021 : vector<16xf32>
          %mul3A_1023 = arith.constant 5.000000e-01 : f32
          %mul3A_1024 = vector.broadcast %mul3A_1023 : f32 to vector<16xf32>
          %mul3A_1025 = arith.mulf %mul3A_1024, %sub3A_1022 : vector<16xf32>
          %add3A_1026 = arith.addf %scan3A_438, %mul3A_1025 : vector<16xf32>
          %mul3A_1027 = arith.mulf %broadcast_in_dim3A_757, %get3A_18 : vector<16xf32>
          %mul3A_1028 = arith.mulf %broadcast_in_dim3A_760, %get3A_21 : vector<16xf32>
          %add3A_1029 = arith.addf %mul3A_1027, %mul3A_1028 : vector<16xf32>
          %mul3A_1030 = arith.mulf %broadcast_in_dim3A_763, %get3A_24 : vector<16xf32>
          %add3A_1031 = arith.addf %add3A_1029, %mul3A_1030 : vector<16xf32>
          %add3A_1032 = arith.addf %scan3A_435, %scan3A_451 : vector<16xf32>
          %mul3A_1033 = arith.mulf %scan3A_447, %add3A_1031 : vector<16xf32>
          %sub3A_1034 = arith.subf %add3A_1032, %mul3A_1033 : vector<16xf32>
          %get3A_1035 = arith.constant 146 : index
          %get3A_1036 = tpu.vector_load %arg22[%get3A_1035] {strides = array<i32>} : memref<448xf32, #tpu.memory_space<vmem>>, vector<16xf32>,
          %get3A_1037 = vector.shape_cast %get3A_1036 : vector<16xf32> to vector<16xf32>
          %get3A_1038 = arith.constant 225 : index
          %get3A_1039 = tpu.vector_load %arg22[%get3A_1038] {strides = array<i32>} : memref<448xf32, #tpu.memory_space<vmem>>, vector<16xf32>,
          %get3A_1040 = vector.shape_cast %get3A_1039 : vector<16xf32> to vector<16xf32>
          %sub3A_1041 = arith.subf %get3A_1037, %get3A_1040 : vector<16xf32>
          %mul3A_1042 = arith.mulf %get3A_18, %sub3A_1041 : vector<16xf32>
          %get3A_1043 = arith.constant 223 : index
          %get3A_1044 = tpu.vector_load %arg22[%get3A_1043] {strides = array<i32>} : memref<448xf32, #tpu.memory_space<vmem>>, vector<16xf32>,
          %get3A_1045 = vector.shape_cast %get3A_1044 : vector<16xf32> to vector<16xf32>
          %get3A_1046 = arith.constant 65 : index
          %get3A_1047 = tpu.vector_load %arg22[%get3A_1046] {strides = array<i32>} : memref<448xf32, #tpu.memory_space<vmem>>, vector<16xf32>,
          %get3A_1048 = vector.shape_cast %get3A_1047 : vector<16xf32> to vector<16xf32>
          %sub3A_1049 = arith.subf %get3A_1045, %get3A_1048 : vector<16xf32>
          %mul3A_1050 = arith.mulf %get3A_21, %sub3A_1049 : vector<16xf32>
          %add3A_1051 = arith.addf %mul3A_1042, %mul3A_1050 : vector<16xf32>
          %get3A_1052 = arith.constant 63 : index
          %get3A_1053 = tpu.vector_load %arg22[%get3A_1052] {strides = array<i32>} : memref<448xf32, #tpu.memory_space<vmem>>, vector<16xf32>,
          %get3A_1054 = vector.shape_cast %get3A_1053 : vector<16xf32> to vector<16xf32>
          %get3A_1055 = arith.constant 142 : index
          %get3A_1056 = tpu.vector_load %arg22[%get3A_1055] {strides = array<i32>} : memref<448xf32, #tpu.memory_space<vmem>>, vector<16xf32>,
          %get3A_1057 = vector.shape_cast %get3A_1056 : vector<16xf32> to vector<16xf32>
          %sub3A_1058 = arith.subf %get3A_1054, %get3A_1057 : vector<16xf32>
          %mul3A_1059 = arith.mulf %get3A_24, %sub3A_1058 : vector<16xf32>
          %add3A_1060 = arith.addf %add3A_1051, %mul3A_1059 : vector<16xf32>
          %get3A_1061 = arith.constant 305 : index
          %get3A_1062 = tpu.vector_load %arg22[%get3A_1061] {strides = array<i32>} : memref<448xf32, #tpu.memory_space<vmem>>, vector<16xf32>,
          %get3A_1063 = vector.shape_cast %get3A_1062 : vector<16xf32> to vector<16xf32>
          %get3A_1064 = arith.constant 303 : index
          %get3A_1065 = tpu.vector_load %arg22[%get3A_1064] {strides = array<i32>} : memref<448xf32, #tpu.memory_space<vmem>>, vector<16xf32>,
          %get3A_1066 = vector.shape_cast %get3A_1065 : vector<16xf32> to vector<16xf32>
          %get3A_1067 = arith.constant 306 : index
          %get3A_1068 = tpu.vector_load %arg22[%get3A_1067] {strides = array<i32>} : memref<448xf32, #tpu.memory_space<vmem>>, vector<16xf32>,
          %get3A_1069 = vector.shape_cast %get3A_1068 : vector<16xf32> to vector<16xf32>
          %mul3A_1070 = arith.mulf %broadcast_in_dim3A_760, %get3A_1069 : vector<16xf32>
          %mul3A_1071 = arith.mulf %broadcast_in_dim3A_763, %get3A_1063 : vector<16xf32>
          %sub3A_1072 = arith.subf %mul3A_1070, %mul3A_1071 : vector<16xf32>
          %mul3A_1073 = arith.mulf %get3A_18, %sub3A_1072 : vector<16xf32>
          %mul3A_1074 = arith.mulf %broadcast_in_dim3A_763, %get3A_1066 : vector<16xf32>
          %mul3A_1075 = arith.mulf %broadcast_in_dim3A_757, %get3A_1063 : vector<16xf32>
          %sub3A_1076 = arith.subf %mul3A_1074, %mul3A_1075 : vector<16xf32>
          %mul3A_1077 = arith.mulf %get3A_21, %sub3A_1076 : vector<16xf32>
          %add3A_1078 = arith.addf %mul3A_1073, %mul3A_1077 : vector<16xf32>
          %mul3A_1079 = arith.mulf %broadcast_in_dim3A_757, %get3A_1066 : vector<16xf32>
          %get3A_1080 = arith.constant 302 : index
          %get3A_1081 = tpu.vector_load %arg22[%get3A_1080] {strides = array<i32>} : memref<448xf32, #tpu.memory_space<vmem>>, vector<16xf32>,
          %get3A_1082 = vector.shape_cast %get3A_1081 : vector<16xf32> to vector<16xf32>
          %mul3A_1083 = arith.mulf %broadcast_in_dim3A_760, %get3A_1082 : vector<16xf32>
          %sub3A_1084 = arith.subf %mul3A_1079, %mul3A_1083 : vector<16xf32>
          %mul3A_1085 = arith.mulf %get3A_24, %sub3A_1084 : vector<16xf32>
          %add3A_1086 = arith.addf %add3A_1078, %mul3A_1085 : vector<16xf32>
          %sub3A_1087 = arith.subf %add3A_1060, %add3A_1086 : vector<16xf32>
          %mul3A_1088 = arith.constant 5.000000e-01 : f32
          %mul3A_1089 = vector.broadcast %mul3A_1088 : f32 to vector<16xf32>
          %mul3A_1090 = arith.mulf %mul3A_1089, %sub3A_1087 : vector<16xf32>
          %add3A_1091 = arith.addf %scan3A_439, %mul3A_1090 : vector<16xf32>
          %add3A_1092 = arith.constant 48 : i32
          %add3A_1093 = arith.addi %mul3A_828, %add3A_1092 : i32
          %gt3A = arith.constant 5.000000e-01 : f32
          %gt3A_1094 = vector.broadcast %gt3A : f32 to vector<16xf32>
          %gt3A_1095 = arith.cmpf ogt, %get3A_831, %gt3A_1094 : vector<16xf32>
          %get3A_1096 = arith.index_cast %add3A_1093 : i32 to index
          %get3A_1097 = tpu.vector_load %arg23[%get3A_1096] {strides = array<i32>} : memref<3856xf32, #tpu.memory_space<vmem>>, vector<16xf32>,
          %get3A_1098 = vector.shape_cast %get3A_1097 : vector<16xf32> to vector<16xf32>
          %select_n3A_1099 = arith.select %gt3A_1095, %sub3A_1034, %get3A_1098 : vector<16xi1>, vector<16xf32>
          %gt3A_1100 = arith.constant 5.000000e-01 : f32
          %gt3A_1101 = vector.broadcast %gt3A_1100 : f32 to vector<16xf32>
          %gt3A_1102 = arith.cmpf ogt, %get3A_831, %gt3A_1101 : vector<16xf32>
          %get3A_1103 = arith.index_cast %add3A_1093 : i32 to index
          %get3A_1104 = tpu.vector_load %arg24[%get3A_1103] {strides = array<i32>} : memref<3856xf32, #tpu.memory_space<vmem>>, vector<16xf32>,
          %get3A_1105 = vector.shape_cast %get3A_1104 : vector<16xf32> to vector<16xf32>
          %select_n3A_1106 = arith.select %gt3A_1102, %add3A_1091, %get3A_1105 : vector<16xi1>, vector<16xf32>
          %add3A_1107 = arith.constant 0 : i32
          %add3A_1108 = arith.addi %mul3A_828, %add3A_1107 : i32
          %swap3A_1109 = arith.index_cast %add3A_1108 : i32 to index
          %swap3A_1110 = tpu.vector_load %arg23[%swap3A_1109] {strides = array<i32>} : memref<3856xf32, #tpu.memory_space<vmem>>, vector<16xf32>,
          %swap3A_1111 = vector.shape_cast %swap3A_1110 : vector<16xf32> to vector<16xf32>
          %swap3A_1112 = vector.shape_cast %sub3A_839 : vector<16xf32> to vector<16xf32>
          tpu.vector_store %arg23[%swap3A_1109], %swap3A_1112 {strides = array<i32>} : memref<3856xf32, #tpu.memory_space<vmem>>, vector<16xf32>,
          %add3A_1113 = arith.constant 0 : i32
          %add3A_1114 = arith.addi %mul3A_828, %add3A_1113 : i32
          %swap3A_1115 = arith.index_cast %add3A_1114 : i32 to index
          %swap3A_1116 = tpu.vector_load %arg24[%swap3A_1115] {strides = array<i32>} : memref<3856xf32, #tpu.memory_space<vmem>>, vector<16xf32>,
          %swap3A_1117 = vector.shape_cast %swap3A_1116 : vector<16xf32> to vector<16xf32>
          %swap3A_1118 = vector.shape_cast %add3A_896 : vector<16xf32> to vector<16xf32>
          tpu.vector_store %arg24[%swap3A_1115], %swap3A_1118 {strides = array<i32>} : memref<3856xf32, #tpu.memory_space<vmem>>, vector<16xf32>,
          %mul3A_1119 = arith.mulf %sub3A_839, %add3A_896 : vector<16xf32>
          %swap3A_1120 = arith.constant 336 : index
          %swap3A_1121 = tpu.vector_load %arg22[%swap3A_1120] {strides = array<i32>} : memref<448xf32, #tpu.memory_space<vmem>>, vector<16xf32>,
          %swap3A_1122 = vector.shape_cast %swap3A_1121 : vector<16xf32> to vector<16xf32>
          %swap3A_1123 = vector.shape_cast %mul3A_1119 : vector<16xf32> to vector<16xf32>
          tpu.vector_store %arg22[%swap3A_1120], %swap3A_1123 {strides = array<i32>} : memref<448xf32, #tpu.memory_space<vmem>>, vector<16xf32>,
          %add3A_1124 = arith.constant 16 : i32
          %add3A_1125 = arith.addi %mul3A_828, %add3A_1124 : i32
          %swap3A_1126 = arith.index_cast %add3A_1125 : i32 to index
          %swap3A_1127 = tpu.vector_load %arg23[%swap3A_1126] {strides = array<i32>} : memref<3856xf32, #tpu.memory_space<vmem>>, vector<16xf32>,
          %swap3A_1128 = vector.shape_cast %swap3A_1127 : vector<16xf32> to vector<16xf32>
          %swap3A_1129 = vector.shape_cast %sub3A_904 : vector<16xf32> to vector<16xf32>
          tpu.vector_store %arg23[%swap3A_1126], %swap3A_1129 {strides = array<i32>} : memref<3856xf32, #tpu.memory_space<vmem>>, vector<16xf32>,
          %add3A_1130 = arith.constant 16 : i32
          %add3A_1131 = arith.addi %mul3A_828, %add3A_1130 : i32
          %swap3A_1132 = arith.index_cast %add3A_1131 : i32 to index
          %swap3A_1133 = tpu.vector_load %arg24[%swap3A_1132] {strides = array<i32>} : memref<3856xf32, #tpu.memory_space<vmem>>, vector<16xf32>,
          %swap3A_1134 = vector.shape_cast %swap3A_1133 : vector<16xf32> to vector<16xf32>
          %swap3A_1135 = vector.shape_cast %add3A_961 : vector<16xf32> to vector<16xf32>
          tpu.vector_store %arg24[%swap3A_1132], %swap3A_1135 {strides = array<i32>} : memref<3856xf32, #tpu.memory_space<vmem>>, vector<16xf32>,
          %mul3A_1136 = arith.mulf %sub3A_904, %add3A_961 : vector<16xf32>
          %swap3A_1137 = arith.constant 352 : index
          %swap3A_1138 = tpu.vector_load %arg22[%swap3A_1137] {strides = array<i32>} : memref<448xf32, #tpu.memory_space<vmem>>, vector<16xf32>,
          %swap3A_1139 = vector.shape_cast %swap3A_1138 : vector<16xf32> to vector<16xf32>
          %swap3A_1140 = vector.shape_cast %mul3A_1136 : vector<16xf32> to vector<16xf32>
          tpu.vector_store %arg22[%swap3A_1137], %swap3A_1140 {strides = array<i32>} : memref<448xf32, #tpu.memory_space<vmem>>, vector<16xf32>,
          %add3A_1141 = arith.constant 32 : i32
          %add3A_1142 = arith.addi %mul3A_828, %add3A_1141 : i32
          %swap3A_1143 = arith.index_cast %add3A_1142 : i32 to index
          %swap3A_1144 = tpu.vector_load %arg23[%swap3A_1143] {strides = array<i32>} : memref<3856xf32, #tpu.memory_space<vmem>>, vector<16xf32>,
          %swap3A_1145 = vector.shape_cast %swap3A_1144 : vector<16xf32> to vector<16xf32>
          %swap3A_1146 = vector.shape_cast %sub3A_969 : vector<16xf32> to vector<16xf32>
          tpu.vector_store %arg23[%swap3A_1143], %swap3A_1146 {strides = array<i32>} : memref<3856xf32, #tpu.memory_space<vmem>>, vector<16xf32>,
          %add3A_1147 = arith.constant 32 : i32
          %add3A_1148 = arith.addi %mul3A_828, %add3A_1147 : i32
          %swap3A_1149 = arith.index_cast %add3A_1148 : i32 to index
          %swap3A_1150 = tpu.vector_load %arg24[%swap3A_1149] {strides = array<i32>} : memref<3856xf32, #tpu.memory_space<vmem>>, vector<16xf32>,
          %swap3A_1151 = vector.shape_cast %swap3A_1150 : vector<16xf32> to vector<16xf32>
          %swap3A_1152 = vector.shape_cast %add3A_1026 : vector<16xf32> to vector<16xf32>
          tpu.vector_store %arg24[%swap3A_1149], %swap3A_1152 {strides = array<i32>} : memref<3856xf32, #tpu.memory_space<vmem>>, vector<16xf32>,
          %mul3A_1153 = arith.mulf %sub3A_969, %add3A_1026 : vector<16xf32>
          %swap3A_1154 = arith.constant 368 : index
          %swap3A_1155 = tpu.vector_load %arg22[%swap3A_1154] {strides = array<i32>} : memref<448xf32, #tpu.memory_space<vmem>>, vector<16xf32>,
          %swap3A_1156 = vector.shape_cast %swap3A_1155 : vector<16xf32> to vector<16xf32>
          %swap3A_1157 = vector.shape_cast %mul3A_1153 : vector<16xf32> to vector<16xf32>
          tpu.vector_store %arg22[%swap3A_1154], %swap3A_1157 {strides = array<i32>} : memref<448xf32, #tpu.memory_space<vmem>>, vector<16xf32>,
          %add3A_1158 = arith.constant 48 : i32
          %add3A_1159 = arith.addi %mul3A_828, %add3A_1158 : i32
          %swap3A_1160 = arith.index_cast %add3A_1159 : i32 to index
          %swap3A_1161 = tpu.vector_load %arg23[%swap3A_1160] {strides = array<i32>} : memref<3856xf32, #tpu.memory_space<vmem>>, vector<16xf32>,
          %swap3A_1162 = vector.shape_cast %swap3A_1161 : vector<16xf32> to vector<16xf32>
          %swap3A_1163 = vector.shape_cast %select_n3A_1099 : vector<16xf32> to vector<16xf32>
          tpu.vector_store %arg23[%swap3A_1160], %swap3A_1163 {strides = array<i32>} : memref<3856xf32, #tpu.memory_space<vmem>>, vector<16xf32>,
          %add3A_1164 = arith.constant 48 : i32
          %add3A_1165 = arith.addi %mul3A_828, %add3A_1164 : i32
          %swap3A_1166 = arith.index_cast %add3A_1165 : i32 to index
          %swap3A_1167 = tpu.vector_load %arg24[%swap3A_1166] {strides = array<i32>} : memref<3856xf32, #tpu.memory_space<vmem>>, vector<16xf32>,
          %swap3A_1168 = vector.shape_cast %swap3A_1167 : vector<16xf32> to vector<16xf32>
          %swap3A_1169 = vector.shape_cast %select_n3A_1106 : vector<16xf32> to vector<16xf32>
          tpu.vector_store %arg24[%swap3A_1166], %swap3A_1169 {strides = array<i32>} : memref<3856xf32, #tpu.memory_space<vmem>>, vector<16xf32>,
          %mul3A_1170 = arith.mulf %select_n3A_1099, %select_n3A_1106 : vector<16xf32>
          %swap3A_1171 = arith.constant 384 : index
          %swap3A_1172 = tpu.vector_load %arg22[%swap3A_1171] {strides = array<i32>} : memref<448xf32, #tpu.memory_space<vmem>>, vector<16xf32>,
          %swap3A_1173 = vector.shape_cast %swap3A_1172 : vector<16xf32> to vector<16xf32>
          %swap3A_1174 = vector.shape_cast %mul3A_1170 : vector<16xf32> to vector<16xf32>
          tpu.vector_store %arg22[%swap3A_1171], %swap3A_1174 {strides = array<i32>} : memref<448xf32, #tpu.memory_space<vmem>>, vector<16xf32>,
          %mul3A_1175 = arith.mulf %sub3A_839, %add3A_896 : vector<16xf32>
          %get3A_1176 = arith.constant 337 : index
          %get3A_1177 = tpu.vector_load %arg22[%get3A_1176] {strides = array<i32>} : memref<448xf32, #tpu.memory_space<vmem>>, vector<16xf32>,
          %get3A_1178 = vector.shape_cast %get3A_1177 : vector<16xf32> to vector<16xf32>
          %add3A_1179 = arith.addf %mul3A_1175, %get3A_1178 : vector<16xf32>
          %get3A_1180 = arith.constant 338 : index
          %get3A_1181 = tpu.vector_load %arg22[%get3A_1180] {strides = array<i32>} : memref<448xf32, #tpu.memory_space<vmem>>, vector<16xf32>,
          %get3A_1182 = vector.shape_cast %get3A_1181 : vector<16xf32> to vector<16xf32>
          %add3A_1183 = arith.addf %add3A_1179, %get3A_1182 : vector<16xf32>
          %add3A_1184 = arith.constant 0 : i32
          %add3A_1185 = arith.addi %mul3A_828, %add3A_1184 : i32
          %get3A_1186 = arith.index_cast %add3A_1185 : i32 to index
          %get3A_1187 = tpu.vector_load %arg19[%get3A_1186] {strides = array<i32>} : memref<3856xf32, #tpu.memory_space<vmem>>, vector<16xf32>,
          %get3A_1188 = vector.shape_cast %get3A_1187 : vector<16xf32> to vector<16xf32>
          %mul3A_1189 = arith.constant 6414.13525 : f32
          %mul3A_1190 = vector.broadcast %mul3A_1189 : f32 to vector<16xf32>
          %mul3A_1191 = arith.mulf %mul3A_1190, %add3A_1183 : vector<16xf32>
          %max3A_1192 = arith.constant 1.000000e+00 : f32
          %max3A_1193 = vector.broadcast %max3A_1192 : f32 to vector<16xf32>
          %max3A_1194 = arith.maximumf %get3A_1188, %max3A_1193 : vector<16xf32>
          %div3A_1195 = arith.divf %mul3A_1191, %max3A_1194 : vector<16xf32>
          %add3A_1196 = arith.constant 0 : i32
          %add3A_1197 = arith.addi %mul3A_828, %add3A_1196 : i32
          %swap3A_1198 = arith.index_cast %add3A_1197 : i32 to index
          %swap3A_1199 = tpu.vector_load %arg25[%swap3A_1198] {strides = array<i32>} : memref<3856xf32, #tpu.memory_space<vmem>>, vector<16xf32>,
          %swap3A_1200 = vector.shape_cast %swap3A_1199 : vector<16xf32> to vector<16xf32>
          %swap3A_1201 = vector.shape_cast %div3A_1195 : vector<16xf32> to vector<16xf32>
          tpu.vector_store %arg25[%swap3A_1198], %swap3A_1201 {strides = array<i32>} : memref<3856xf32, #tpu.memory_space<vmem>>, vector<16xf32>,
          %mul3A_1202 = arith.mulf %sub3A_904, %add3A_961 : vector<16xf32>
          %get3A_1203 = arith.constant 353 : index
          %get3A_1204 = tpu.vector_load %arg22[%get3A_1203] {strides = array<i32>} : memref<448xf32, #tpu.memory_space<vmem>>, vector<16xf32>,
          %get3A_1205 = vector.shape_cast %get3A_1204 : vector<16xf32> to vector<16xf32>
          %add3A_1206 = arith.addf %mul3A_1202, %get3A_1205 : vector<16xf32>
          %get3A_1207 = arith.constant 354 : index
          %get3A_1208 = tpu.vector_load %arg22[%get3A_1207] {strides = array<i32>} : memref<448xf32, #tpu.memory_space<vmem>>, vector<16xf32>,
          %get3A_1209 = vector.shape_cast %get3A_1208 : vector<16xf32> to vector<16xf32>
          %add3A_1210 = arith.addf %add3A_1206, %get3A_1209 : vector<16xf32>
          %add3A_1211 = arith.constant 16 : i32
          %add3A_1212 = arith.addi %mul3A_828, %add3A_1211 : i32
          %get3A_1213 = arith.index_cast %add3A_1212 : i32 to index
          %get3A_1214 = tpu.vector_load %arg19[%get3A_1213] {strides = array<i32>} : memref<3856xf32, #tpu.memory_space<vmem>>, vector<16xf32>,
          %get3A_1215 = vector.shape_cast %get3A_1214 : vector<16xf32> to vector<16xf32>
          %mul3A_1216 = arith.constant 6414.13525 : f32
          %mul3A_1217 = vector.broadcast %mul3A_1216 : f32 to vector<16xf32>
          %mul3A_1218 = arith.mulf %mul3A_1217, %add3A_1210 : vector<16xf32>
          %max3A_1219 = arith.constant 1.000000e+00 : f32
          %max3A_1220 = vector.broadcast %max3A_1219 : f32 to vector<16xf32>
          %max3A_1221 = arith.maximumf %get3A_1215, %max3A_1220 : vector<16xf32>
          %div3A_1222 = arith.divf %mul3A_1218, %max3A_1221 : vector<16xf32>
          %add3A_1223 = arith.constant 16 : i32
          %add3A_1224 = arith.addi %mul3A_828, %add3A_1223 : i32
          %swap3A_1225 = arith.index_cast %add3A_1224 : i32 to index
          %swap3A_1226 = tpu.vector_load %arg25[%swap3A_1225] {strides = array<i32>} : memref<3856xf32, #tpu.memory_space<vmem>>, vector<16xf32>,
          %swap3A_1227 = vector.shape_cast %swap3A_1226 : vector<16xf32> to vector<16xf32>
          %swap3A_1228 = vector.shape_cast %div3A_1222 : vector<16xf32> to vector<16xf32>
          tpu.vector_store %arg25[%swap3A_1225], %swap3A_1228 {strides = array<i32>} : memref<3856xf32, #tpu.memory_space<vmem>>, vector<16xf32>,
          %mul3A_1229 = arith.mulf %sub3A_969, %add3A_1026 : vector<16xf32>
          %get3A_1230 = arith.constant 369 : index
          %get3A_1231 = tpu.vector_load %arg22[%get3A_1230] {strides = array<i32>} : memref<448xf32, #tpu.memory_space<vmem>>, vector<16xf32>,
          %get3A_1232 = vector.shape_cast %get3A_1231 : vector<16xf32> to vector<16xf32>
          %add3A_1233 = arith.addf %mul3A_1229, %get3A_1232 : vector<16xf32>
          %get3A_1234 = arith.constant 370 : index
          %get3A_1235 = tpu.vector_load %arg22[%get3A_1234] {strides = array<i32>} : memref<448xf32, #tpu.memory_space<vmem>>, vector<16xf32>,
          %get3A_1236 = vector.shape_cast %get3A_1235 : vector<16xf32> to vector<16xf32>
          %add3A_1237 = arith.addf %add3A_1233, %get3A_1236 : vector<16xf32>
          %add3A_1238 = arith.constant 32 : i32
          %add3A_1239 = arith.addi %mul3A_828, %add3A_1238 : i32
          %get3A_1240 = arith.index_cast %add3A_1239 : i32 to index
          %get3A_1241 = tpu.vector_load %arg19[%get3A_1240] {strides = array<i32>} : memref<3856xf32, #tpu.memory_space<vmem>>, vector<16xf32>,
          %get3A_1242 = vector.shape_cast %get3A_1241 : vector<16xf32> to vector<16xf32>
          %mul3A_1243 = arith.constant 6414.13525 : f32
          %mul3A_1244 = vector.broadcast %mul3A_1243 : f32 to vector<16xf32>
          %mul3A_1245 = arith.mulf %mul3A_1244, %add3A_1237 : vector<16xf32>
          %max3A_1246 = arith.constant 1.000000e+00 : f32
          %max3A_1247 = vector.broadcast %max3A_1246 : f32 to vector<16xf32>
          %max3A_1248 = arith.maximumf %get3A_1242, %max3A_1247 : vector<16xf32>
          %div3A_1249 = arith.divf %mul3A_1245, %max3A_1248 : vector<16xf32>
          %add3A_1250 = arith.constant 32 : i32
          %add3A_1251 = arith.addi %mul3A_828, %add3A_1250 : i32
          %swap3A_1252 = arith.index_cast %add3A_1251 : i32 to index
          %swap3A_1253 = tpu.vector_load %arg25[%swap3A_1252] {strides = array<i32>} : memref<3856xf32, #tpu.memory_space<vmem>>, vector<16xf32>,
          %swap3A_1254 = vector.shape_cast %swap3A_1253 : vector<16xf32> to vector<16xf32>
          %swap3A_1255 = vector.shape_cast %div3A_1249 : vector<16xf32> to vector<16xf32>
          tpu.vector_store %arg25[%swap3A_1252], %swap3A_1255 {strides = array<i32>} : memref<3856xf32, #tpu.memory_space<vmem>>, vector<16xf32>,
          %mul3A_1256 = arith.mulf %select_n3A_1099, %select_n3A_1106 : vector<16xf32>
          %get3A_1257 = arith.constant 385 : index
          %get3A_1258 = tpu.vector_load %arg22[%get3A_1257] {strides = array<i32>} : memref<448xf32, #tpu.memory_space<vmem>>, vector<16xf32>,
          %get3A_1259 = vector.shape_cast %get3A_1258 : vector<16xf32> to vector<16xf32>
          %add3A_1260 = arith.addf %mul3A_1256, %get3A_1259 : vector<16xf32>
          %get3A_1261 = arith.constant 386 : index
          %get3A_1262 = tpu.vector_load %arg22[%get3A_1261] {strides = array<i32>} : memref<448xf32, #tpu.memory_space<vmem>>, vector<16xf32>,
          %get3A_1263 = vector.shape_cast %get3A_1262 : vector<16xf32> to vector<16xf32>
          %add3A_1264 = arith.addf %add3A_1260, %get3A_1263 : vector<16xf32>
          %add3A_1265 = arith.constant 48 : i32
          %add3A_1266 = arith.addi %mul3A_828, %add3A_1265 : i32
          %get3A_1267 = arith.index_cast %add3A_1266 : i32 to index
          %get3A_1268 = tpu.vector_load %arg19[%get3A_1267] {strides = array<i32>} : memref<3856xf32, #tpu.memory_space<vmem>>, vector<16xf32>,
          %get3A_1269 = vector.shape_cast %get3A_1268 : vector<16xf32> to vector<16xf32>
          %mul3A_1270 = arith.constant 6414.13525 : f32
          %mul3A_1271 = vector.broadcast %mul3A_1270 : f32 to vector<16xf32>
          %mul3A_1272 = arith.mulf %mul3A_1271, %add3A_1264 : vector<16xf32>
          %max3A_1273 = arith.constant 1.000000e+00 : f32
          %max3A_1274 = vector.broadcast %max3A_1273 : f32 to vector<16xf32>
          %max3A_1275 = arith.maximumf %get3A_1269, %max3A_1274 : vector<16xf32>
          %div3A_1276 = arith.divf %mul3A_1272, %max3A_1275 : vector<16xf32>
          %add3A_1277 = arith.constant 48 : i32
          %add3A_1278 = arith.addi %mul3A_828, %add3A_1277 : i32
          %swap3A_1279 = arith.index_cast %add3A_1278 : i32 to index
          %swap3A_1280 = tpu.vector_load %arg25[%swap3A_1279] {strides = array<i32>} : memref<3856xf32, #tpu.memory_space<vmem>>, vector<16xf32>,
          %swap3A_1281 = vector.shape_cast %swap3A_1280 : vector<16xf32> to vector<16xf32>
          %swap3A_1282 = vector.shape_cast %div3A_1276 : vector<16xf32> to vector<16xf32>
          tpu.vector_store %arg25[%swap3A_1279], %swap3A_1282 {strides = array<i32>} : memref<3856xf32, #tpu.memory_space<vmem>>, vector<16xf32>,
        } else {
        }
        %eq3A = arith.cmpi eq, %sub3A_470, %scan3A_430 : i32
        %not3A = arith.constant true
        %not3A_483 = arith.xori %ge3A_471, %not3A : i1
        %or3A = arith.ori %eq3A, %not3A_483 : i1
        %jit3A_484 = arith.constant 1.000000e+00 : f32
        %jit3A_485 = arith.constant 0.000000e+00 : f32
        %select_n3A_486 = arith.select %or3A, %jit3A_484, %jit3A_485 : f32
        %broadcast_in_dim3A_487 = vector.broadcast %select_n3A_486 : f32 to vector<16xf32>
        %ge3A_488 = arith.constant 0 : i32
        %ge3A_489 = arith.cmpi sge, %sub3A_470, %ge3A_488 : i32
        %lt3A_490 = arith.constant 64 : i32
        %lt3A_491 = arith.cmpi slt, %sub3A_470, %lt3A_490 : i32
        %and3A_492 = arith.andi %ge3A_489, %lt3A_491 : i1
        %and3A_493 = arith.andi %ge3A_471, %and3A_492 : i1
        %jit3A_494 = arith.constant 1.000000e+00 : f32
        %jit3A_495 = arith.constant 0.000000e+00 : f32
        %select_n3A_496 = arith.select %and3A_493, %jit3A_494, %jit3A_495 : f32
        %broadcast_in_dim3A_497 = vector.broadcast %select_n3A_496 : f32 to vector<16xf32>
        %mul3A_498 = arith.constant 256 : i32
        %mul3A_499 = arith.muli %scan3A_429, %mul3A_498 : i32
        %mul3A_500 = arith.constant 4 : i32
        %mul3A_501 = arith.muli %scan3A_429, %mul3A_500 : i32
        %get3A_502 = arith.index_cast %mul3A_501 : i32 to index
        %get3A_503 = tpu.vector_load %arg14[%get3A_502] {strides = array<i32>} : memref<848xf32, #tpu.memory_space<vmem>>, vector<16xf32>,
        %get3A_504 = vector.shape_cast %get3A_503 : vector<16xf32> to vector<16xf32>
        %slice3A_505 = vector.extract_strided_slice %get3A_504 {offsets = [0], sizes = [1], strides = [1]} : vector<16xf32> to vector<1xf32>
        %squeeze3A_506 = vector.extract %slice3A_505[0] : f32 from vector<1xf32>
        %broadcast_in_dim3A_507 = vector.broadcast %squeeze3A_506 : f32 to vector<16xf32>
        %mul3A_508 = arith.mulf %broadcast_in_dim3A_507, %broadcast_in_dim3A_497 : vector<16xf32>
        %slice3A_509 = vector.extract_strided_slice %get3A_504 {offsets = [1], sizes = [1], strides = [1]} : vector<16xf32> to vector<1xf32>
        %squeeze3A_510 = vector.extract %slice3A_509[0] : f32 from vector<1xf32>
        %broadcast_in_dim3A_511 = vector.broadcast %squeeze3A_510 : f32 to vector<16xf32>
        %mul3A_512 = arith.mulf %broadcast_in_dim3A_511, %broadcast_in_dim3A_497 : vector<16xf32>
        %slice3A_513 = vector.extract_strided_slice %get3A_504 {offsets = [2], sizes = [1], strides = [1]} : vector<16xf32> to vector<1xf32>
        %squeeze3A_514 = vector.extract %slice3A_513[0] : f32 from vector<1xf32>
        %broadcast_in_dim3A_515 = vector.broadcast %squeeze3A_514 : f32 to vector<16xf32>
        %mul3A_516 = arith.mulf %broadcast_in_dim3A_515, %broadcast_in_dim3A_497 : vector<16xf32>
        %add3A_517 = arith.constant 0 : i32
        %add3A_518 = arith.addi %mul3A_499, %add3A_517 : i32
        %get3A_519 = arith.index_cast %add3A_518 : i32 to index
        %get3A_520 = tpu.vector_load %arg12[%get3A_519] {strides = array<i32>} : memref<53248xf32, #tpu.memory_space<vmem>>, vector<16xf32>,
        %get3A_521 = vector.shape_cast %get3A_520 : vector<16xf32> to vector<16xf32>
        %add3A_522 = arith.constant 16 : i32
        %add3A_523 = arith.addi %mul3A_499, %add3A_522 : i32
        %get3A_524 = arith.index_cast %add3A_523 : i32 to index
        %get3A_525 = tpu.vector_load %arg12[%get3A_524] {strides = array<i32>} : memref<53248xf32, #tpu.memory_space<vmem>>, vector<16xf32>,
        %get3A_526 = vector.shape_cast %get3A_525 : vector<16xf32> to vector<16xf32>
        %add3A_527 = arith.constant 32 : i32
        %add3A_528 = arith.addi %mul3A_499, %add3A_527 : i32
        %get3A_529 = arith.index_cast %add3A_528 : i32 to index
        %get3A_530 = tpu.vector_load %arg12[%get3A_529] {strides = array<i32>} : memref<53248xf32, #tpu.memory_space<vmem>>, vector<16xf32>,
        %get3A_531 = vector.shape_cast %get3A_530 : vector<16xf32> to vector<16xf32>
        %add3A_532 = arith.constant 48 : i32
        %add3A_533 = arith.addi %mul3A_499, %add3A_532 : i32
        %get3A_534 = arith.index_cast %add3A_533 : i32 to index
        %get3A_535 = tpu.vector_load %arg12[%get3A_534] {strides = array<i32>} : memref<53248xf32, #tpu.memory_space<vmem>>, vector<16xf32>,
        %get3A_536 = vector.shape_cast %get3A_535 : vector<16xf32> to vector<16xf32>
        %add3A_537 = arith.constant 64 : i32
        %add3A_538 = arith.addi %mul3A_499, %add3A_537 : i32
        %add3A_539 = arith.constant 0 : i32
        %add3A_540 = arith.addi %add3A_538, %add3A_539 : i32
        %get3A_541 = arith.index_cast %add3A_540 : i32 to index
        %get3A_542 = tpu.vector_load %arg12[%get3A_541] {strides = array<i32>} : memref<53248xf32, #tpu.memory_space<vmem>>, vector<16xf32>,
        %get3A_543 = vector.shape_cast %get3A_542 : vector<16xf32> to vector<16xf32>
        %add3A_544 = arith.constant 64 : i32
        %add3A_545 = arith.addi %mul3A_499, %add3A_544 : i32
        %add3A_546 = arith.constant 16 : i32
        %add3A_547 = arith.addi %add3A_545, %add3A_546 : i32
        %get3A_548 = arith.index_cast %add3A_547 : i32 to index
        %get3A_549 = tpu.vector_load %arg12[%get3A_548] {strides = array<i32>} : memref<53248xf32, #tpu.memory_space<vmem>>, vector<16xf32>,
        %get3A_550 = vector.shape_cast %get3A_549 : vector<16xf32> to vector<16xf32>
        %add3A_551 = arith.constant 64 : i32
        %add3A_552 = arith.addi %mul3A_499, %add3A_551 : i32
        %add3A_553 = arith.constant 32 : i32
        %add3A_554 = arith.addi %add3A_552, %add3A_553 : i32
        %get3A_555 = arith.index_cast %add3A_554 : i32 to index
        %get3A_556 = tpu.vector_load %arg12[%get3A_555] {strides = array<i32>} : memref<53248xf32, #tpu.memory_space<vmem>>, vector<16xf32>,
        %get3A_557 = vector.shape_cast %get3A_556 : vector<16xf32> to vector<16xf32>
        %add3A_558 = arith.constant 64 : i32
        %add3A_559 = arith.addi %mul3A_499, %add3A_558 : i32
        %add3A_560 = arith.constant 48 : i32
        %add3A_561 = arith.addi %add3A_559, %add3A_560 : i32
        %get3A_562 = arith.index_cast %add3A_561 : i32 to index
        %get3A_563 = tpu.vector_load %arg12[%get3A_562] {strides = array<i32>} : memref<53248xf32, #tpu.memory_space<vmem>>, vector<16xf32>,
        %get3A_564 = vector.shape_cast %get3A_563 : vector<16xf32> to vector<16xf32>
        %add3A_565 = arith.constant 128 : i32
        %add3A_566 = arith.addi %mul3A_499, %add3A_565 : i32
        %add3A_567 = arith.constant 0 : i32
        %add3A_568 = arith.addi %add3A_566, %add3A_567 : i32
        %get3A_569 = arith.index_cast %add3A_568 : i32 to index
        %get3A_570 = tpu.vector_load %arg12[%get3A_569] {strides = array<i32>} : memref<53248xf32, #tpu.memory_space<vmem>>, vector<16xf32>,
        %get3A_571 = vector.shape_cast %get3A_570 : vector<16xf32> to vector<16xf32>
        %add3A_572 = arith.constant 128 : i32
        %add3A_573 = arith.addi %mul3A_499, %add3A_572 : i32
        %add3A_574 = arith.constant 16 : i32
        %add3A_575 = arith.addi %add3A_573, %add3A_574 : i32
        %get3A_576 = arith.index_cast %add3A_575 : i32 to index
        %get3A_577 = tpu.vector_load %arg12[%get3A_576] {strides = array<i32>} : memref<53248xf32, #tpu.memory_space<vmem>>, vector<16xf32>,
        %get3A_578 = vector.shape_cast %get3A_577 : vector<16xf32> to vector<16xf32>
        %add3A_579 = arith.constant 128 : i32
        %add3A_580 = arith.addi %mul3A_499, %add3A_579 : i32
        %add3A_581 = arith.constant 32 : i32
        %add3A_582 = arith.addi %add3A_580, %add3A_581 : i32
        %get3A_583 = arith.index_cast %add3A_582 : i32 to index
        %get3A_584 = tpu.vector_load %arg12[%get3A_583] {strides = array<i32>} : memref<53248xf32, #tpu.memory_space<vmem>>, vector<16xf32>,
        %get3A_585 = vector.shape_cast %get3A_584 : vector<16xf32> to vector<16xf32>
        %add3A_586 = arith.constant 128 : i32
        %add3A_587 = arith.addi %mul3A_499, %add3A_586 : i32
        %add3A_588 = arith.constant 48 : i32
        %add3A_589 = arith.addi %add3A_587, %add3A_588 : i32
        %get3A_590 = arith.index_cast %add3A_589 : i32 to index
        %get3A_591 = tpu.vector_load %arg12[%get3A_590] {strides = array<i32>} : memref<53248xf32, #tpu.memory_space<vmem>>, vector<16xf32>,
        %get3A_592 = vector.shape_cast %get3A_591 : vector<16xf32> to vector<16xf32>
        %add3A_593 = arith.constant 192 : i32
        %add3A_594 = arith.addi %mul3A_499, %add3A_593 : i32
        %add3A_595 = arith.constant 0 : i32
        %add3A_596 = arith.addi %add3A_594, %add3A_595 : i32
        %get3A_597 = arith.index_cast %add3A_596 : i32 to index
        %get3A_598 = tpu.vector_load %arg12[%get3A_597] {strides = array<i32>} : memref<53248xf32, #tpu.memory_space<vmem>>, vector<16xf32>,
        %get3A_599 = vector.shape_cast %get3A_598 : vector<16xf32> to vector<16xf32>
        %add3A_600 = arith.constant 192 : i32
        %add3A_601 = arith.addi %mul3A_499, %add3A_600 : i32
        %add3A_602 = arith.constant 16 : i32
        %add3A_603 = arith.addi %add3A_601, %add3A_602 : i32
        %get3A_604 = arith.index_cast %add3A_603 : i32 to index
        %get3A_605 = tpu.vector_load %arg12[%get3A_604] {strides = array<i32>} : memref<53248xf32, #tpu.memory_space<vmem>>, vector<16xf32>,
        %get3A_606 = vector.shape_cast %get3A_605 : vector<16xf32> to vector<16xf32>
        %add3A_607 = arith.constant 192 : i32
        %add3A_608 = arith.addi %mul3A_499, %add3A_607 : i32
        %add3A_609 = arith.constant 32 : i32
        %add3A_610 = arith.addi %add3A_608, %add3A_609 : i32
        %get3A_611 = arith.index_cast %add3A_610 : i32 to index
        %get3A_612 = tpu.vector_load %arg12[%get3A_611] {strides = array<i32>} : memref<53248xf32, #tpu.memory_space<vmem>>, vector<16xf32>,
        %get3A_613 = vector.shape_cast %get3A_612 : vector<16xf32> to vector<16xf32>
        %add3A_614 = arith.constant 192 : i32
        %add3A_615 = arith.addi %mul3A_499, %add3A_614 : i32
        %add3A_616 = arith.constant 48 : i32
        %add3A_617 = arith.addi %add3A_615, %add3A_616 : i32
        %get3A_618 = arith.index_cast %add3A_617 : i32 to index
        %get3A_619 = tpu.vector_load %arg12[%get3A_618] {strides = array<i32>} : memref<53248xf32, #tpu.memory_space<vmem>>, vector<16xf32>,
        %get3A_620 = vector.shape_cast %get3A_619 : vector<16xf32> to vector<16xf32>
        %mul3A_621 = arith.mulf %scan3A_432, %broadcast_in_dim3A_487 : vector<16xf32>
        %mul3A_622 = arith.mulf %get3A_521, %broadcast_in_dim3A_497 : vector<16xf32>
        %add3A_623 = arith.addf %mul3A_621, %mul3A_622 : vector<16xf32>
        %mul3A_624 = arith.mulf %scan3A_433, %broadcast_in_dim3A_487 : vector<16xf32>
        %mul3A_625 = arith.mulf %get3A_526, %broadcast_in_dim3A_497 : vector<16xf32>
        %add3A_626 = arith.addf %mul3A_624, %mul3A_625 : vector<16xf32>
        %mul3A_627 = arith.mulf %scan3A_434, %broadcast_in_dim3A_487 : vector<16xf32>
        %mul3A_628 = arith.mulf %get3A_531, %broadcast_in_dim3A_497 : vector<16xf32>
        %add3A_629 = arith.addf %mul3A_627, %mul3A_628 : vector<16xf32>
        %mul3A_630 = arith.mulf %scan3A_435, %broadcast_in_dim3A_487 : vector<16xf32>
        %mul3A_631 = arith.mulf %get3A_536, %broadcast_in_dim3A_497 : vector<16xf32>
        %add3A_632 = arith.addf %mul3A_630, %mul3A_631 : vector<16xf32>
        %mul3A_633 = arith.mulf %scan3A_436, %broadcast_in_dim3A_487 : vector<16xf32>
        %mul3A_634 = arith.mulf %get3A_543, %broadcast_in_dim3A_497 : vector<16xf32>
        %add3A_635 = arith.addf %mul3A_633, %mul3A_634 : vector<16xf32>
        %mul3A_636 = arith.mulf %scan3A_437, %broadcast_in_dim3A_487 : vector<16xf32>
        %mul3A_637 = arith.mulf %get3A_550, %broadcast_in_dim3A_497 : vector<16xf32>
        %add3A_638 = arith.addf %mul3A_636, %mul3A_637 : vector<16xf32>
        %mul3A_639 = arith.mulf %scan3A_438, %broadcast_in_dim3A_487 : vector<16xf32>
        %mul3A_640 = arith.mulf %get3A_557, %broadcast_in_dim3A_497 : vector<16xf32>
        %add3A_641 = arith.addf %mul3A_639, %mul3A_640 : vector<16xf32>
        %mul3A_642 = arith.mulf %scan3A_439, %broadcast_in_dim3A_487 : vector<16xf32>
        %mul3A_643 = arith.mulf %get3A_564, %broadcast_in_dim3A_497 : vector<16xf32>
        %add3A_644 = arith.addf %mul3A_642, %mul3A_643 : vector<16xf32>
        %mul3A_645 = arith.mulf %scan3A_440, %broadcast_in_dim3A_487 : vector<16xf32>
        %mul3A_646 = arith.mulf %get3A_571, %broadcast_in_dim3A_497 : vector<16xf32>
        %add3A_647 = arith.addf %mul3A_645, %mul3A_646 : vector<16xf32>
        %mul3A_648 = arith.mulf %scan3A_441, %broadcast_in_dim3A_487 : vector<16xf32>
        %mul3A_649 = arith.mulf %get3A_578, %broadcast_in_dim3A_497 : vector<16xf32>
        %add3A_650 = arith.addf %mul3A_648, %mul3A_649 : vector<16xf32>
        %mul3A_651 = arith.mulf %scan3A_442, %broadcast_in_dim3A_487 : vector<16xf32>
        %mul3A_652 = arith.mulf %get3A_585, %broadcast_in_dim3A_497 : vector<16xf32>
        %add3A_653 = arith.addf %mul3A_651, %mul3A_652 : vector<16xf32>
        %mul3A_654 = arith.mulf %scan3A_443, %broadcast_in_dim3A_487 : vector<16xf32>
        %mul3A_655 = arith.mulf %get3A_592, %broadcast_in_dim3A_497 : vector<16xf32>
        %add3A_656 = arith.addf %mul3A_654, %mul3A_655 : vector<16xf32>
        %mul3A_657 = arith.mulf %scan3A_444, %broadcast_in_dim3A_487 : vector<16xf32>
        %mul3A_658 = arith.mulf %get3A_599, %broadcast_in_dim3A_497 : vector<16xf32>
        %add3A_659 = arith.addf %mul3A_657, %mul3A_658 : vector<16xf32>
        %mul3A_660 = arith.mulf %scan3A_445, %broadcast_in_dim3A_487 : vector<16xf32>
        %mul3A_661 = arith.mulf %get3A_606, %broadcast_in_dim3A_497 : vector<16xf32>
        %add3A_662 = arith.addf %mul3A_660, %mul3A_661 : vector<16xf32>
        %mul3A_663 = arith.mulf %scan3A_446, %broadcast_in_dim3A_487 : vector<16xf32>
        %mul3A_664 = arith.mulf %get3A_613, %broadcast_in_dim3A_497 : vector<16xf32>
        %add3A_665 = arith.addf %mul3A_663, %mul3A_664 : vector<16xf32>
        %mul3A_666 = arith.mulf %scan3A_447, %broadcast_in_dim3A_487 : vector<16xf32>
        %mul3A_667 = arith.mulf %get3A_620, %broadcast_in_dim3A_497 : vector<16xf32>
        %add3A_668 = arith.addf %mul3A_666, %mul3A_667 : vector<16xf32>
        %mul3A_669 = arith.mulf %mul3A_508, %get3A_18 : vector<16xf32>
        %mul3A_670 = arith.mulf %mul3A_512, %get3A_21 : vector<16xf32>
        %add3A_671 = arith.addf %mul3A_669, %mul3A_670 : vector<16xf32>
        %mul3A_672 = arith.mulf %mul3A_516, %get3A_24 : vector<16xf32>
        %add3A_673 = arith.addf %add3A_671, %mul3A_672 : vector<16xf32>
        %mul3A_674 = arith.mulf %scan3A_448, %broadcast_in_dim3A_487 : vector<16xf32>
        %mul3A_675 = arith.mulf %add3A_673, %get3A_599 : vector<16xf32>
        %add3A_676 = arith.addf %mul3A_674, %mul3A_675 : vector<16xf32>
        %mul3A_677 = arith.mulf %mul3A_508, %get3A_24 : vector<16xf32>
        %mul3A_678 = arith.mulf %mul3A_512, %get3A_18 : vector<16xf32>
        %add3A_679 = arith.addf %mul3A_677, %mul3A_678 : vector<16xf32>
        %mul3A_680 = arith.mulf %mul3A_516, %get3A_21 : vector<16xf32>
        %add3A_681 = arith.addf %add3A_679, %mul3A_680 : vector<16xf32>
        %mul3A_682 = arith.mulf %scan3A_449, %broadcast_in_dim3A_487 : vector<16xf32>
        %mul3A_683 = arith.mulf %add3A_681, %get3A_606 : vector<16xf32>
        %add3A_684 = arith.addf %mul3A_682, %mul3A_683 : vector<16xf32>
        %mul3A_685 = arith.mulf %mul3A_508, %get3A_21 : vector<16xf32>
        %mul3A_686 = arith.mulf %mul3A_512, %get3A_24 : vector<16xf32>
        %add3A_687 = arith.addf %mul3A_685, %mul3A_686 : vector<16xf32>
        %mul3A_688 = arith.mulf %mul3A_516, %get3A_18 : vector<16xf32>
        %add3A_689 = arith.addf %add3A_687, %mul3A_688 : vector<16xf32>
        %mul3A_690 = arith.mulf %scan3A_450, %broadcast_in_dim3A_487 : vector<16xf32>
        %mul3A_691 = arith.mulf %add3A_689, %get3A_613 : vector<16xf32>
        %add3A_692 = arith.addf %mul3A_690, %mul3A_691 : vector<16xf32>
        %mul3A_693 = arith.mulf %mul3A_508, %get3A_18 : vector<16xf32>
        %mul3A_694 = arith.mulf %mul3A_512, %get3A_21 : vector<16xf32>
        %add3A_695 = arith.addf %mul3A_693, %mul3A_694 : vector<16xf32>
        %mul3A_696 = arith.mulf %mul3A_516, %get3A_24 : vector<16xf32>
        %add3A_697 = arith.addf %add3A_695, %mul3A_696 : vector<16xf32>
        %mul3A_698 = arith.mulf %scan3A_451, %broadcast_in_dim3A_487 : vector<16xf32>
        %mul3A_699 = arith.mulf %add3A_697, %get3A_620 : vector<16xf32>
        %add3A_700 = arith.addf %mul3A_698, %mul3A_699 : vector<16xf32>
        %mul3A_701 = arith.mulf %scan3A_452, %broadcast_in_dim3A_487 : vector<16xf32>
        %mul3A_702 = arith.mulf %mul3A_508, %get3A_571 : vector<16xf32>
        %add3A_703 = arith.addf %mul3A_701, %mul3A_702 : vector<16xf32>
        %mul3A_704 = arith.mulf %scan3A_453, %broadcast_in_dim3A_487 : vector<16xf32>
        %mul3A_705 = arith.mulf %mul3A_508, %get3A_578 : vector<16xf32>
        %add3A_706 = arith.addf %mul3A_704, %mul3A_705 : vector<16xf32>
        %mul3A_707 = arith.mulf %scan3A_454, %broadcast_in_dim3A_487 : vector<16xf32>
        %mul3A_708 = arith.mulf %mul3A_508, %get3A_585 : vector<16xf32>
        %add3A_709 = arith.addf %mul3A_707, %mul3A_708 : vector<16xf32>
        %mul3A_710 = arith.mulf %scan3A_455, %broadcast_in_dim3A_487 : vector<16xf32>
        %mul3A_711 = arith.mulf %mul3A_508, %get3A_592 : vector<16xf32>
        %add3A_712 = arith.addf %mul3A_710, %mul3A_711 : vector<16xf32>
        %mul3A_713 = arith.mulf %scan3A_456, %broadcast_in_dim3A_487 : vector<16xf32>
        %mul3A_714 = arith.mulf %mul3A_512, %get3A_571 : vector<16xf32>
        %add3A_715 = arith.addf %mul3A_713, %mul3A_714 : vector<16xf32>
        %mul3A_716 = arith.mulf %scan3A_457, %broadcast_in_dim3A_487 : vector<16xf32>
        %mul3A_717 = arith.mulf %mul3A_512, %get3A_578 : vector<16xf32>
        %add3A_718 = arith.addf %mul3A_716, %mul3A_717 : vector<16xf32>
        %mul3A_719 = arith.mulf %scan3A_458, %broadcast_in_dim3A_487 : vector<16xf32>
        %mul3A_720 = arith.mulf %mul3A_512, %get3A_585 : vector<16xf32>
        %add3A_721 = arith.addf %mul3A_719, %mul3A_720 : vector<16xf32>
        %mul3A_722 = arith.mulf %scan3A_459, %broadcast_in_dim3A_487 : vector<16xf32>
        %mul3A_723 = arith.mulf %mul3A_512, %get3A_592 : vector<16xf32>
        %add3A_724 = arith.addf %mul3A_722, %mul3A_723 : vector<16xf32>
        %mul3A_725 = arith.mulf %scan3A_460, %broadcast_in_dim3A_487 : vector<16xf32>
        %mul3A_726 = arith.mulf %mul3A_516, %get3A_571 : vector<16xf32>
        %add3A_727 = arith.addf %mul3A_725, %mul3A_726 : vector<16xf32>
        %mul3A_728 = arith.mulf %scan3A_461, %broadcast_in_dim3A_487 : vector<16xf32>
        %mul3A_729 = arith.mulf %mul3A_516, %get3A_578 : vector<16xf32>
        %add3A_730 = arith.addf %mul3A_728, %mul3A_729 : vector<16xf32>
        %mul3A_731 = arith.mulf %scan3A_462, %broadcast_in_dim3A_487 : vector<16xf32>
        %mul3A_732 = arith.mulf %mul3A_516, %get3A_585 : vector<16xf32>
        %add3A_733 = arith.addf %mul3A_731, %mul3A_732 : vector<16xf32>
        %mul3A_734 = arith.mulf %scan3A_463, %broadcast_in_dim3A_487 : vector<16xf32>
        %mul3A_735 = arith.mulf %mul3A_516, %get3A_592 : vector<16xf32>
        %add3A_736 = arith.addf %mul3A_734, %mul3A_735 : vector<16xf32>
        %mul3A_737 = arith.mulf %scan3A_464, %broadcast_in_dim3A_487 : vector<16xf32>
        %mul3A_738 = arith.mulf %get3A_504, %get3A_27 : vector<16xf32>
        %mul3A_739 = arith.mulf %mul3A_738, %broadcast_in_dim3A_497 : vector<16xf32>
        %add3A_740 = arith.addf %mul3A_737, %mul3A_739 : vector<16xf32>
        %select_n3A_741 = arith.select %ge3A_471, %sub3A_470, %scan3A_430 : i32
        %jit3A_742 = arith.constant 1.000000e+00 : f32
        %jit3A_743 = arith.constant 0.000000e+00 : f32
        %select_n3A_744 = arith.select %or3A, %jit3A_742, %jit3A_743 : f32
        %mul3A_745 = arith.mulf %scan3A_431, %select_n3A_744 : f32
        %add3A_746 = arith.addf %mul3A_745, %select_n3A_496 : f32
        scf.yield %select_n3A_741, %add3A_746, %add3A_623, %add3A_626, %add3A_629, %add3A_632, %add3A_635, %add3A_638, %add3A_641, %add3A_644, %add3A_647, %add3A_650, %add3A_653, %add3A_656, %add3A_659, %add3A_662, %add3A_665, %add3A_668, %add3A_676, %add3A_684, %add3A_692, %add3A_700, %add3A_703, %add3A_706, %add3A_709, %add3A_712, %add3A_715, %add3A_718, %add3A_721, %add3A_724, %add3A_727, %add3A_730, %add3A_733, %add3A_736, %add3A_740 : i32, f32, vector<16xf32>, vector<16xf32>, vector<16xf32>, vector<16xf32>, vector<16xf32>, vector<16xf32>, vector<16xf32>, vector<16xf32>, vector<16xf32>, vector<16xf32>, vector<16xf32>, vector<16xf32>, vector<16xf32>, vector<16xf32>, vector<16xf32>, vector<16xf32>, vector<16xf32>, vector<16xf32>, vector<16xf32>, vector<16xf32>, vector<16xf32>, vector<16xf32>, vector<16xf32>, vector<16xf32>, vector<16xf32>, vector<16xf32>, vector<16xf32>, vector<16xf32>, vector<16xf32>, vector<16xf32>, vector<16xf32>, vector<16xf32>, vector<16xf32>
      }
      %scan3A_428 = arith.constant 208 : i32
      scf.yield %scan3A_427#0, %scan3A_427#1, %scan3A_427#2, %scan3A_427#3, %scan3A_427#4, %scan3A_427#5, %scan3A_427#6, %scan3A_427#7, %scan3A_427#8, %scan3A_427#9, %scan3A_427#10, %scan3A_427#11, %scan3A_427#12, %scan3A_427#13, %scan3A_427#14, %scan3A_427#15, %scan3A_427#16, %scan3A_427#17, %scan3A_427#18, %scan3A_427#19, %scan3A_427#20, %scan3A_427#21, %scan3A_427#22, %scan3A_427#23, %scan3A_427#24, %scan3A_427#25, %scan3A_427#26, %scan3A_427#27, %scan3A_427#28, %scan3A_427#29, %scan3A_427#30, %scan3A_427#31, %scan3A_427#32, %scan3A_427#33, %scan3A_427#34 : i32, f32, vector<16xf32>, vector<16xf32>, vector<16xf32>, vector<16xf32>, vector<16xf32>, vector<16xf32>, vector<16xf32>, vector<16xf32>, vector<16xf32>, vector<16xf32>, vector<16xf32>, vector<16xf32>, vector<16xf32>, vector<16xf32>, vector<16xf32>, vector<16xf32>, vector<16xf32>, vector<16xf32>, vector<16xf32>, vector<16xf32>, vector<16xf32>, vector<16xf32>, vector<16xf32>, vector<16xf32>, vector<16xf32>, vector<16xf32>, vector<16xf32>, vector<16xf32>, vector<16xf32>, vector<16xf32>, vector<16xf32>, vector<16xf32>, vector<16xf32>
    }
    %ge3A = arith.constant 0 : i32
    %ge3A_193 = arith.cmpi sge, %while3A_192#0, %ge3A : i32
    %lt3A = arith.constant 64 : i32
    %lt3A_194 = arith.cmpi slt, %while3A_192#0, %lt3A : i32
    %and3A_195 = arith.andi %ge3A_193, %lt3A_194 : i1
    %convert_element_type3A = arith.extui %and3A_195 : i1 to i32
    %cond3A = arith.constant 0 : i32
    %cond3A_196 = arith.cmpi ne, %convert_element_type3A, %cond3A : i32
    scf.if %cond3A_196 {
      %broadcast_in_dim3A_229 = vector.broadcast %while3A_192#1 : f32 to vector<16xf32>
      %max3A_230 = arith.constant 1.000000e+00 : f32
      %max3A_231 = vector.broadcast %max3A_230 : f32 to vector<16xf32>
      %max3A_232 = arith.maximumf %broadcast_in_dim3A_229, %max3A_231 : vector<16xf32>
      %div3A_233 = arith.constant 1.000000e+00 : f32
      %div3A_234 = vector.broadcast %div3A_233 : f32 to vector<16xf32>
      %div3A_235 = arith.divf %div3A_234, %max3A_232 : vector<16xf32>
      %mul3A_236 = arith.mulf %while3A_192#34, %div3A_235 : vector<16xf32>
      %slice3A_237 = vector.extract_strided_slice %mul3A_236 {offsets = [0], sizes = [1], strides = [1]} : vector<16xf32> to vector<1xf32>
      %squeeze3A_238 = vector.extract %slice3A_237[0] : f32 from vector<1xf32>
      %broadcast_in_dim3A_239 = vector.broadcast %squeeze3A_238 : f32 to vector<16xf32>
      %slice3A_240 = vector.extract_strided_slice %mul3A_236 {offsets = [1], sizes = [1], strides = [1]} : vector<16xf32> to vector<1xf32>
      %squeeze3A_241 = vector.extract %slice3A_240[0] : f32 from vector<1xf32>
      %broadcast_in_dim3A_242 = vector.broadcast %squeeze3A_241 : f32 to vector<16xf32>
      %slice3A_243 = vector.extract_strided_slice %mul3A_236 {offsets = [2], sizes = [1], strides = [1]} : vector<16xf32> to vector<1xf32>
      %squeeze3A_244 = vector.extract %slice3A_243[0] : f32 from vector<1xf32>
      %broadcast_in_dim3A_245 = vector.broadcast %squeeze3A_244 : f32 to vector<16xf32>
      %swap3A = arith.constant 16 : index
      %swap3A_246 = tpu.vector_load %arg22[%swap3A] {strides = array<i32>} : memref<448xf32, #tpu.memory_space<vmem>>, vector<16xf32>,
      %swap3A_247 = vector.shape_cast %swap3A_246 : vector<16xf32> to vector<16xf32>
      %swap3A_248 = vector.shape_cast %while3A_192#22 : vector<16xf32> to vector<16xf32>
      tpu.vector_store %arg22[%swap3A], %swap3A_248 {strides = array<i32>} : memref<448xf32, #tpu.memory_space<vmem>>, vector<16xf32>,
      %swap3A_249 = arith.constant 96 : index
      %swap3A_250 = tpu.vector_load %arg22[%swap3A_249] {strides = array<i32>} : memref<448xf32, #tpu.memory_space<vmem>>, vector<16xf32>,
      %swap3A_251 = vector.shape_cast %swap3A_250 : vector<16xf32> to vector<16xf32>
      %swap3A_252 = vector.shape_cast %while3A_192#26 : vector<16xf32> to vector<16xf32>
      tpu.vector_store %arg22[%swap3A_249], %swap3A_252 {strides = array<i32>} : memref<448xf32, #tpu.memory_space<vmem>>, vector<16xf32>,
      %swap3A_253 = arith.constant 176 : index
      %swap3A_254 = tpu.vector_load %arg22[%swap3A_253] {strides = array<i32>} : memref<448xf32, #tpu.memory_space<vmem>>, vector<16xf32>,
      %swap3A_255 = vector.shape_cast %swap3A_254 : vector<16xf32> to vector<16xf32>
      %swap3A_256 = vector.shape_cast %while3A_192#30 : vector<16xf32> to vector<16xf32>
      tpu.vector_store %arg22[%swap3A_253], %swap3A_256 {strides = array<i32>} : memref<448xf32, #tpu.memory_space<vmem>>, vector<16xf32>,
      %swap3A_257 = arith.constant 256 : index
      %swap3A_258 = tpu.vector_load %arg22[%swap3A_257] {strides = array<i32>} : memref<448xf32, #tpu.memory_space<vmem>>, vector<16xf32>,
      %swap3A_259 = vector.shape_cast %swap3A_258 : vector<16xf32> to vector<16xf32>
      %swap3A_260 = vector.shape_cast %while3A_192#10 : vector<16xf32> to vector<16xf32>
      tpu.vector_store %arg22[%swap3A_257], %swap3A_260 {strides = array<i32>} : memref<448xf32, #tpu.memory_space<vmem>>, vector<16xf32>,
      %swap3A_261 = arith.constant 32 : index
      %swap3A_262 = tpu.vector_load %arg22[%swap3A_261] {strides = array<i32>} : memref<448xf32, #tpu.memory_space<vmem>>, vector<16xf32>,
      %swap3A_263 = vector.shape_cast %swap3A_262 : vector<16xf32> to vector<16xf32>
      %swap3A_264 = vector.shape_cast %while3A_192#23 : vector<16xf32> to vector<16xf32>
      tpu.vector_store %arg22[%swap3A_261], %swap3A_264 {strides = array<i32>} : memref<448xf32, #tpu.memory_space<vmem>>, vector<16xf32>,
      %swap3A_265 = arith.constant 112 : index
      %swap3A_266 = tpu.vector_load %arg22[%swap3A_265] {strides = array<i32>} : memref<448xf32, #tpu.memory_space<vmem>>, vector<16xf32>,
      %swap3A_267 = vector.shape_cast %swap3A_266 : vector<16xf32> to vector<16xf32>
      %swap3A_268 = vector.shape_cast %while3A_192#27 : vector<16xf32> to vector<16xf32>
      tpu.vector_store %arg22[%swap3A_265], %swap3A_268 {strides = array<i32>} : memref<448xf32, #tpu.memory_space<vmem>>, vector<16xf32>,
      %swap3A_269 = arith.constant 192 : index
      %swap3A_270 = tpu.vector_load %arg22[%swap3A_269] {strides = array<i32>} : memref<448xf32, #tpu.memory_space<vmem>>, vector<16xf32>,
      %swap3A_271 = vector.shape_cast %swap3A_270 : vector<16xf32> to vector<16xf32>
      %swap3A_272 = vector.shape_cast %while3A_192#31 : vector<16xf32> to vector<16xf32>
      tpu.vector_store %arg22[%swap3A_269], %swap3A_272 {strides = array<i32>} : memref<448xf32, #tpu.memory_space<vmem>>, vector<16xf32>,
      %swap3A_273 = arith.constant 272 : index
      %swap3A_274 = tpu.vector_load %arg22[%swap3A_273] {strides = array<i32>} : memref<448xf32, #tpu.memory_space<vmem>>, vector<16xf32>,
      %swap3A_275 = vector.shape_cast %swap3A_274 : vector<16xf32> to vector<16xf32>
      %swap3A_276 = vector.shape_cast %while3A_192#11 : vector<16xf32> to vector<16xf32>
      tpu.vector_store %arg22[%swap3A_273], %swap3A_276 {strides = array<i32>} : memref<448xf32, #tpu.memory_space<vmem>>, vector<16xf32>,
      %swap3A_277 = arith.constant 48 : index
      %swap3A_278 = tpu.vector_load %arg22[%swap3A_277] {strides = array<i32>} : memref<448xf32, #tpu.memory_space<vmem>>, vector<16xf32>,
      %swap3A_279 = vector.shape_cast %swap3A_278 : vector<16xf32> to vector<16xf32>
      %swap3A_280 = vector.shape_cast %while3A_192#24 : vector<16xf32> to vector<16xf32>
      tpu.vector_store %arg22[%swap3A_277], %swap3A_280 {strides = array<i32>} : memref<448xf32, #tpu.memory_space<vmem>>, vector<16xf32>,
      %swap3A_281 = arith.constant 128 : index
      %swap3A_282 = tpu.vector_load %arg22[%swap3A_281] {strides = array<i32>} : memref<448xf32, #tpu.memory_space<vmem>>, vector<16xf32>,
      %swap3A_283 = vector.shape_cast %swap3A_282 : vector<16xf32> to vector<16xf32>
      %swap3A_284 = vector.shape_cast %while3A_192#28 : vector<16xf32> to vector<16xf32>
      tpu.vector_store %arg22[%swap3A_281], %swap3A_284 {strides = array<i32>} : memref<448xf32, #tpu.memory_space<vmem>>, vector<16xf32>,
      %swap3A_285 = arith.constant 208 : index
      %swap3A_286 = tpu.vector_load %arg22[%swap3A_285] {strides = array<i32>} : memref<448xf32, #tpu.memory_space<vmem>>, vector<16xf32>,
      %swap3A_287 = vector.shape_cast %swap3A_286 : vector<16xf32> to vector<16xf32>
      %swap3A_288 = vector.shape_cast %while3A_192#32 : vector<16xf32> to vector<16xf32>
      tpu.vector_store %arg22[%swap3A_285], %swap3A_288 {strides = array<i32>} : memref<448xf32, #tpu.memory_space<vmem>>, vector<16xf32>,
      %swap3A_289 = arith.constant 288 : index
      %swap3A_290 = tpu.vector_load %arg22[%swap3A_289] {strides = array<i32>} : memref<448xf32, #tpu.memory_space<vmem>>, vector<16xf32>,
      %swap3A_291 = vector.shape_cast %swap3A_290 : vector<16xf32> to vector<16xf32>
      %swap3A_292 = vector.shape_cast %while3A_192#12 : vector<16xf32> to vector<16xf32>
      tpu.vector_store %arg22[%swap3A_289], %swap3A_292 {strides = array<i32>} : memref<448xf32, #tpu.memory_space<vmem>>, vector<16xf32>,
      %swap3A_293 = arith.constant 64 : index
      %swap3A_294 = tpu.vector_load %arg22[%swap3A_293] {strides = array<i32>} : memref<448xf32, #tpu.memory_space<vmem>>, vector<16xf32>,
      %swap3A_295 = vector.shape_cast %swap3A_294 : vector<16xf32> to vector<16xf32>
      %swap3A_296 = vector.shape_cast %while3A_192#25 : vector<16xf32> to vector<16xf32>
      tpu.vector_store %arg22[%swap3A_293], %swap3A_296 {strides = array<i32>} : memref<448xf32, #tpu.memory_space<vmem>>, vector<16xf32>,
      %swap3A_297 = arith.constant 144 : index
      %swap3A_298 = tpu.vector_load %arg22[%swap3A_297] {strides = array<i32>} : memref<448xf32, #tpu.memory_space<vmem>>, vector<16xf32>,
      %swap3A_299 = vector.shape_cast %swap3A_298 : vector<16xf32> to vector<16xf32>
      %swap3A_300 = vector.shape_cast %while3A_192#29 : vector<16xf32> to vector<16xf32>
      tpu.vector_store %arg22[%swap3A_297], %swap3A_300 {strides = array<i32>} : memref<448xf32, #tpu.memory_space<vmem>>, vector<16xf32>,
      %swap3A_301 = arith.constant 224 : index
      %swap3A_302 = tpu.vector_load %arg22[%swap3A_301] {strides = array<i32>} : memref<448xf32, #tpu.memory_space<vmem>>, vector<16xf32>,
      %swap3A_303 = vector.shape_cast %swap3A_302 : vector<16xf32> to vector<16xf32>
      %swap3A_304 = vector.shape_cast %while3A_192#33 : vector<16xf32> to vector<16xf32>
      tpu.vector_store %arg22[%swap3A_301], %swap3A_304 {strides = array<i32>} : memref<448xf32, #tpu.memory_space<vmem>>, vector<16xf32>,
      %swap3A_305 = arith.constant 304 : index
      %swap3A_306 = tpu.vector_load %arg22[%swap3A_305] {strides = array<i32>} : memref<448xf32, #tpu.memory_space<vmem>>, vector<16xf32>,
      %swap3A_307 = vector.shape_cast %swap3A_306 : vector<16xf32> to vector<16xf32>
      %swap3A_308 = vector.shape_cast %while3A_192#13 : vector<16xf32> to vector<16xf32>
      tpu.vector_store %arg22[%swap3A_305], %swap3A_308 {strides = array<i32>} : memref<448xf32, #tpu.memory_space<vmem>>, vector<16xf32>,
      %mul3A_309 = arith.constant 60 : i32
      %mul3A_310 = arith.muli %mul3A_309, %while3A_192#0 : i32
      %get3A_311 = arith.constant 64 : index
      %get3A_312 = tpu.vector_load %arg21[%get3A_311] {strides = array<i32>} : memref<80xf32, #tpu.memory_space<vmem>>, vector<16xf32>,
      %get3A_313 = vector.shape_cast %get3A_312 : vector<16xf32> to vector<16xf32>
      %mul3A_314 = arith.mulf %broadcast_in_dim3A_239, %get3A_18 : vector<16xf32>
      %mul3A_315 = arith.mulf %broadcast_in_dim3A_242, %get3A_21 : vector<16xf32>
      %add3A_316 = arith.addf %mul3A_314, %mul3A_315 : vector<16xf32>
      %mul3A_317 = arith.mulf %broadcast_in_dim3A_245, %get3A_24 : vector<16xf32>
      %add3A_318 = arith.addf %add3A_316, %mul3A_317 : vector<16xf32>
      %add3A_319 = arith.addf %while3A_192#2, %while3A_192#18 : vector<16xf32>
      %mul3A_320 = arith.mulf %while3A_192#14, %add3A_318 : vector<16xf32>
      %sub3A_321 = arith.subf %add3A_319, %mul3A_320 : vector<16xf32>
      %get3A_322 = arith.constant 98 : index
      %get3A_323 = tpu.vector_load %arg22[%get3A_322] {strides = array<i32>} : memref<448xf32, #tpu.memory_space<vmem>>, vector<16xf32>,
      %get3A_324 = vector.shape_cast %get3A_323 : vector<16xf32> to vector<16xf32>
      %get3A_325 = arith.constant 177 : index
      %get3A_326 = tpu.vector_load %arg22[%get3A_325] {strides = array<i32>} : memref<448xf32, #tpu.memory_space<vmem>>, vector<16xf32>,
      %get3A_327 = vector.shape_cast %get3A_326 : vector<16xf32> to vector<16xf32>
      %sub3A_328 = arith.subf %get3A_324, %get3A_327 : vector<16xf32>
      %mul3A_329 = arith.mulf %get3A_18, %sub3A_328 : vector<16xf32>
      %get3A_330 = arith.constant 175 : index
      %get3A_331 = tpu.vector_load %arg22[%get3A_330] {strides = array<i32>} : memref<448xf32, #tpu.memory_space<vmem>>, vector<16xf32>,
      %get3A_332 = vector.shape_cast %get3A_331 : vector<16xf32> to vector<16xf32>
      %get3A_333 = arith.constant 17 : index
      %get3A_334 = tpu.vector_load %arg22[%get3A_333] {strides = array<i32>} : memref<448xf32, #tpu.memory_space<vmem>>, vector<16xf32>,
      %get3A_335 = vector.shape_cast %get3A_334 : vector<16xf32> to vector<16xf32>
      %sub3A_336 = arith.subf %get3A_332, %get3A_335 : vector<16xf32>
      %mul3A_337 = arith.mulf %get3A_21, %sub3A_336 : vector<16xf32>
      %add3A_338 = arith.addf %mul3A_329, %mul3A_337 : vector<16xf32>
      %get3A_339 = arith.constant 15 : index
      %get3A_340 = tpu.vector_load %arg22[%get3A_339] {strides = array<i32>} : memref<448xf32, #tpu.memory_space<vmem>>, vector<16xf32>,
      %get3A_341 = vector.shape_cast %get3A_340 : vector<16xf32> to vector<16xf32>
      %get3A_342 = arith.constant 94 : index
      %get3A_343 = tpu.vector_load %arg22[%get3A_342] {strides = array<i32>} : memref<448xf32, #tpu.memory_space<vmem>>, vector<16xf32>,
      %get3A_344 = vector.shape_cast %get3A_343 : vector<16xf32> to vector<16xf32>
      %sub3A_345 = arith.subf %get3A_341, %get3A_344 : vector<16xf32>
      %mul3A_346 = arith.mulf %get3A_24, %sub3A_345 : vector<16xf32>
      %add3A_347 = arith.addf %add3A_338, %mul3A_346 : vector<16xf32>
      %get3A_348 = arith.constant 257 : index
      %get3A_349 = tpu.vector_load %arg22[%get3A_348] {strides = array<i32>} : memref<448xf32, #tpu.memory_space<vmem>>, vector<16xf32>,
      %get3A_350 = vector.shape_cast %get3A_349 : vector<16xf32> to vector<16xf32>
      %get3A_351 = arith.constant 255 : index
      %get3A_352 = tpu.vector_load %arg22[%get3A_351] {strides = array<i32>} : memref<448xf32, #tpu.memory_space<vmem>>, vector<16xf32>,
      %get3A_353 = vector.shape_cast %get3A_352 : vector<16xf32> to vector<16xf32>
      %get3A_354 = arith.constant 258 : index
      %get3A_355 = tpu.vector_load %arg22[%get3A_354] {strides = array<i32>} : memref<448xf32, #tpu.memory_space<vmem>>, vector<16xf32>,
      %get3A_356 = vector.shape_cast %get3A_355 : vector<16xf32> to vector<16xf32>
      %mul3A_357 = arith.mulf %broadcast_in_dim3A_242, %get3A_356 : vector<16xf32>
      %mul3A_358 = arith.mulf %broadcast_in_dim3A_245, %get3A_350 : vector<16xf32>
      %sub3A_359 = arith.subf %mul3A_357, %mul3A_358 : vector<16xf32>
      %mul3A_360 = arith.mulf %get3A_18, %sub3A_359 : vector<16xf32>
      %mul3A_361 = arith.mulf %broadcast_in_dim3A_245, %get3A_353 : vector<16xf32>
      %mul3A_362 = arith.mulf %broadcast_in_dim3A_239, %get3A_350 : vector<16xf32>
      %sub3A_363 = arith.subf %mul3A_361, %mul3A_362 : vector<16xf32>
      %mul3A_364 = arith.mulf %get3A_21, %sub3A_363 : vector<16xf32>
      %add3A_365 = arith.addf %mul3A_360, %mul3A_364 : vector<16xf32>
      %mul3A_366 = arith.mulf %broadcast_in_dim3A_239, %get3A_353 : vector<16xf32>
      %get3A_367 = arith.constant 254 : index
      %get3A_368 = tpu.vector_load %arg22[%get3A_367] {strides = array<i32>} : memref<448xf32, #tpu.memory_space<vmem>>, vector<16xf32>,
      %get3A_369 = vector.shape_cast %get3A_368 : vector<16xf32> to vector<16xf32>
      %mul3A_370 = arith.mulf %broadcast_in_dim3A_242, %get3A_369 : vector<16xf32>
      %sub3A_371 = arith.subf %mul3A_366, %mul3A_370 : vector<16xf32>
      %mul3A_372 = arith.mulf %get3A_24, %sub3A_371 : vector<16xf32>
      %add3A_373 = arith.addf %add3A_365, %mul3A_372 : vector<16xf32>
      %sub3A_374 = arith.subf %add3A_347, %add3A_373 : vector<16xf32>
      %mul3A_375 = arith.constant 5.000000e-01 : f32
      %mul3A_376 = vector.broadcast %mul3A_375 : f32 to vector<16xf32>
      %mul3A_377 = arith.mulf %mul3A_376, %sub3A_374 : vector<16xf32>
      %add3A_378 = arith.addf %while3A_192#6, %mul3A_377 : vector<16xf32>
      %mul3A_379 = arith.mulf %broadcast_in_dim3A_239, %get3A_24 : vector<16xf32>
      %mul3A_380 = arith.mulf %broadcast_in_dim3A_242, %get3A_18 : vector<16xf32>
      %add3A_381 = arith.addf %mul3A_379, %mul3A_380 : vector<16xf32>
      %mul3A_382 = arith.mulf %broadcast_in_dim3A_245, %get3A_21 : vector<16xf32>
      %add3A_383 = arith.addf %add3A_381, %mul3A_382 : vector<16xf32>
      %add3A_384 = arith.addf %while3A_192#3, %while3A_192#19 : vector<16xf32>
      %mul3A_385 = arith.mulf %while3A_192#15, %add3A_383 : vector<16xf32>
      %sub3A_386 = arith.subf %add3A_384, %mul3A_385 : vector<16xf32>
      %get3A_387 = arith.constant 114 : index
      %get3A_388 = tpu.vector_load %arg22[%get3A_387] {strides = array<i32>} : memref<448xf32, #tpu.memory_space<vmem>>, vector<16xf32>,
      %get3A_389 = vector.shape_cast %get3A_388 : vector<16xf32> to vector<16xf32>
      %get3A_390 = arith.constant 193 : index
      %get3A_391 = tpu.vector_load %arg22[%get3A_390] {strides = array<i32>} : memref<448xf32, #tpu.memory_space<vmem>>, vector<16xf32>,
      %get3A_392 = vector.shape_cast %get3A_391 : vector<16xf32> to vector<16xf32>
      %sub3A_393 = arith.subf %get3A_389, %get3A_392 : vector<16xf32>
      %mul3A_394 = arith.mulf %get3A_24, %sub3A_393 : vector<16xf32>
      %get3A_395 = arith.constant 191 : index
      %get3A_396 = tpu.vector_load %arg22[%get3A_395] {strides = array<i32>} : memref<448xf32, #tpu.memory_space<vmem>>, vector<16xf32>,
      %get3A_397 = vector.shape_cast %get3A_396 : vector<16xf32> to vector<16xf32>
      %get3A_398 = arith.constant 33 : index
      %get3A_399 = tpu.vector_load %arg22[%get3A_398] {strides = array<i32>} : memref<448xf32, #tpu.memory_space<vmem>>, vector<16xf32>,
      %get3A_400 = vector.shape_cast %get3A_399 : vector<16xf32> to vector<16xf32>
      %sub3A_401 = arith.subf %get3A_397, %get3A_400 : vector<16xf32>
      %mul3A_402 = arith.mulf %get3A_18, %sub3A_401 : vector<16xf32>
      %add3A_403 = arith.addf %mul3A_394, %mul3A_402 : vector<16xf32>
      %get3A_404 = arith.constant 31 : index
      %get3A_405 = tpu.vector_load %arg22[%get3A_404] {strides = array<i32>} : memref<448xf32, #tpu.memory_space<vmem>>, vector<16xf32>,
      %get3A_406 = vector.shape_cast %get3A_405 : vector<16xf32> to vector<16xf32>
      %get3A_407 = arith.constant 110 : index
      %get3A_408 = tpu.vector_load %arg22[%get3A_407] {strides = array<i32>} : memref<448xf32, #tpu.memory_space<vmem>>, vector<16xf32>,
      %get3A_409 = vector.shape_cast %get3A_408 : vector<16xf32> to vector<16xf32>
      %sub3A_410 = arith.subf %get3A_406, %get3A_409 : vector<16xf32>
      %mul3A_411 = arith.mulf %get3A_21, %sub3A_410 : vector<16xf32>
      %add3A_412 = arith.addf %add3A_403, %mul3A_411 : vector<16xf32>
      %get3A_413 = arith.constant 273 : index
      %get3A_414 = tpu.vector_load %arg22[%get3A_413] {strides = array<i32>} : memref<448xf32, #tpu.memory_space<vmem>>, vector<16xf32>,
      %get3A_415 = vector.shape_cast %get3A_414 : vector<16xf32> to vector<16xf32>
      %get3A_416 = arith.constant 271 : index
      %get3A_417 = tpu.vector_load %arg22[%get3A_416] {strides = array<i32>} : memref<448xf32, #tpu.memory_space<vmem>>, vector<16xf32>,
      %get3A_418 = vector.shape_cast %get3A_417 : vector<16xf32> to vector<16xf32>
      %get3A_419 = arith.constant 274 : index
      %get3A_420 = tpu.vector_load %arg22[%get3A_419] {strides = array<i32>} : memref<448xf32, #tpu.memory_space<vmem>>, vector<16xf32>,
      %get3A_421 = vector.shape_cast %get3A_420 : vector<16xf32> to vector<16xf32>
      %mul3A_422 = arith.mulf %broadcast_in_dim3A_242, %get3A_421 : vector<16xf32>
      %mul3A_423 = arith.mulf %broadcast_in_dim3A_245, %get3A_415 : vector<16xf32>
      %sub3A_424 = arith.subf %mul3A_422, %mul3A_423 : vector<16xf32>
      %mul3A_425 = arith.mulf %get3A_24, %sub3A_424 : vector<16xf32>
      %mul3A_426 = arith.mulf %broadcast_in_dim3A_245, %get3A_418 : vector<16xf32>
      %mul3A_427 = arith.mulf %broadcast_in_dim3A_239, %get3A_415 : vector<16xf32>
      %sub3A_428 = arith.subf %mul3A_426, %mul3A_427 : vector<16xf32>
      %mul3A_429 = arith.mulf %get3A_18, %sub3A_428 : vector<16xf32>
      %add3A_430 = arith.addf %mul3A_425, %mul3A_429 : vector<16xf32>
      %mul3A_431 = arith.mulf %broadcast_in_dim3A_239, %get3A_418 : vector<16xf32>
      %get3A_432 = arith.constant 270 : index
      %get3A_433 = tpu.vector_load %arg22[%get3A_432] {strides = array<i32>} : memref<448xf32, #tpu.memory_space<vmem>>, vector<16xf32>,
      %get3A_434 = vector.shape_cast %get3A_433 : vector<16xf32> to vector<16xf32>
      %mul3A_435 = arith.mulf %broadcast_in_dim3A_242, %get3A_434 : vector<16xf32>
      %sub3A_436 = arith.subf %mul3A_431, %mul3A_435 : vector<16xf32>
      %mul3A_437 = arith.mulf %get3A_21, %sub3A_436 : vector<16xf32>
      %add3A_438 = arith.addf %add3A_430, %mul3A_437 : vector<16xf32>
      %sub3A_439 = arith.subf %add3A_412, %add3A_438 : vector<16xf32>
      %mul3A_440 = arith.constant 5.000000e-01 : f32
      %mul3A_441 = vector.broadcast %mul3A_440 : f32 to vector<16xf32>
      %mul3A_442 = arith.mulf %mul3A_441, %sub3A_439 : vector<16xf32>
      %add3A_443 = arith.addf %while3A_192#7, %mul3A_442 : vector<16xf32>
      %mul3A_444 = arith.mulf %broadcast_in_dim3A_239, %get3A_21 : vector<16xf32>
      %mul3A_445 = arith.mulf %broadcast_in_dim3A_242, %get3A_24 : vector<16xf32>
      %add3A_446 = arith.addf %mul3A_444, %mul3A_445 : vector<16xf32>
      %mul3A_447 = arith.mulf %broadcast_in_dim3A_245, %get3A_18 : vector<16xf32>
      %add3A_448 = arith.addf %add3A_446, %mul3A_447 : vector<16xf32>
      %add3A_449 = arith.addf %while3A_192#4, %while3A_192#20 : vector<16xf32>
      %mul3A_450 = arith.mulf %while3A_192#16, %add3A_448 : vector<16xf32>
      %sub3A_451 = arith.subf %add3A_449, %mul3A_450 : vector<16xf32>
      %get3A_452 = arith.constant 130 : index
      %get3A_453 = tpu.vector_load %arg22[%get3A_452] {strides = array<i32>} : memref<448xf32, #tpu.memory_space<vmem>>, vector<16xf32>,
      %get3A_454 = vector.shape_cast %get3A_453 : vector<16xf32> to vector<16xf32>
      %get3A_455 = arith.constant 209 : index
      %get3A_456 = tpu.vector_load %arg22[%get3A_455] {strides = array<i32>} : memref<448xf32, #tpu.memory_space<vmem>>, vector<16xf32>,
      %get3A_457 = vector.shape_cast %get3A_456 : vector<16xf32> to vector<16xf32>
      %sub3A_458 = arith.subf %get3A_454, %get3A_457 : vector<16xf32>
      %mul3A_459 = arith.mulf %get3A_21, %sub3A_458 : vector<16xf32>
      %get3A_460 = arith.constant 207 : index
      %get3A_461 = tpu.vector_load %arg22[%get3A_460] {strides = array<i32>} : memref<448xf32, #tpu.memory_space<vmem>>, vector<16xf32>,
      %get3A_462 = vector.shape_cast %get3A_461 : vector<16xf32> to vector<16xf32>
      %get3A_463 = arith.constant 49 : index
      %get3A_464 = tpu.vector_load %arg22[%get3A_463] {strides = array<i32>} : memref<448xf32, #tpu.memory_space<vmem>>, vector<16xf32>,
      %get3A_465 = vector.shape_cast %get3A_464 : vector<16xf32> to vector<16xf32>
      %sub3A_466 = arith.subf %get3A_462, %get3A_465 : vector<16xf32>
      %mul3A_467 = arith.mulf %get3A_24, %sub3A_466 : vector<16xf32>
      %add3A_468 = arith.addf %mul3A_459, %mul3A_467 : vector<16xf32>
      %get3A_469 = arith.constant 47 : index
      %get3A_470 = tpu.vector_load %arg22[%get3A_469] {strides = array<i32>} : memref<448xf32, #tpu.memory_space<vmem>>, vector<16xf32>,
      %get3A_471 = vector.shape_cast %get3A_470 : vector<16xf32> to vector<16xf32>
      %get3A_472 = arith.constant 126 : index
      %get3A_473 = tpu.vector_load %arg22[%get3A_472] {strides = array<i32>} : memref<448xf32, #tpu.memory_space<vmem>>, vector<16xf32>,
      %get3A_474 = vector.shape_cast %get3A_473 : vector<16xf32> to vector<16xf32>
      %sub3A_475 = arith.subf %get3A_471, %get3A_474 : vector<16xf32>
      %mul3A_476 = arith.mulf %get3A_18, %sub3A_475 : vector<16xf32>
      %add3A_477 = arith.addf %add3A_468, %mul3A_476 : vector<16xf32>
      %get3A_478 = arith.constant 289 : index
      %get3A_479 = tpu.vector_load %arg22[%get3A_478] {strides = array<i32>} : memref<448xf32, #tpu.memory_space<vmem>>, vector<16xf32>,
      %get3A_480 = vector.shape_cast %get3A_479 : vector<16xf32> to vector<16xf32>
      %get3A_481 = arith.constant 287 : index
      %get3A_482 = tpu.vector_load %arg22[%get3A_481] {strides = array<i32>} : memref<448xf32, #tpu.memory_space<vmem>>, vector<16xf32>,
      %get3A_483 = vector.shape_cast %get3A_482 : vector<16xf32> to vector<16xf32>
      %get3A_484 = arith.constant 290 : index
      %get3A_485 = tpu.vector_load %arg22[%get3A_484] {strides = array<i32>} : memref<448xf32, #tpu.memory_space<vmem>>, vector<16xf32>,
      %get3A_486 = vector.shape_cast %get3A_485 : vector<16xf32> to vector<16xf32>
      %mul3A_487 = arith.mulf %broadcast_in_dim3A_242, %get3A_486 : vector<16xf32>
      %mul3A_488 = arith.mulf %broadcast_in_dim3A_245, %get3A_480 : vector<16xf32>
      %sub3A_489 = arith.subf %mul3A_487, %mul3A_488 : vector<16xf32>
      %mul3A_490 = arith.mulf %get3A_21, %sub3A_489 : vector<16xf32>
      %mul3A_491 = arith.mulf %broadcast_in_dim3A_245, %get3A_483 : vector<16xf32>
      %mul3A_492 = arith.mulf %broadcast_in_dim3A_239, %get3A_480 : vector<16xf32>
      %sub3A_493 = arith.subf %mul3A_491, %mul3A_492 : vector<16xf32>
      %mul3A_494 = arith.mulf %get3A_24, %sub3A_493 : vector<16xf32>
      %add3A_495 = arith.addf %mul3A_490, %mul3A_494 : vector<16xf32>
      %mul3A_496 = arith.mulf %broadcast_in_dim3A_239, %get3A_483 : vector<16xf32>
      %get3A_497 = arith.constant 286 : index
      %get3A_498 = tpu.vector_load %arg22[%get3A_497] {strides = array<i32>} : memref<448xf32, #tpu.memory_space<vmem>>, vector<16xf32>,
      %get3A_499 = vector.shape_cast %get3A_498 : vector<16xf32> to vector<16xf32>
      %mul3A_500 = arith.mulf %broadcast_in_dim3A_242, %get3A_499 : vector<16xf32>
      %sub3A_501 = arith.subf %mul3A_496, %mul3A_500 : vector<16xf32>
      %mul3A_502 = arith.mulf %get3A_18, %sub3A_501 : vector<16xf32>
      %add3A_503 = arith.addf %add3A_495, %mul3A_502 : vector<16xf32>
      %sub3A_504 = arith.subf %add3A_477, %add3A_503 : vector<16xf32>
      %mul3A_505 = arith.constant 5.000000e-01 : f32
      %mul3A_506 = vector.broadcast %mul3A_505 : f32 to vector<16xf32>
      %mul3A_507 = arith.mulf %mul3A_506, %sub3A_504 : vector<16xf32>
      %add3A_508 = arith.addf %while3A_192#8, %mul3A_507 : vector<16xf32>
      %mul3A_509 = arith.mulf %broadcast_in_dim3A_239, %get3A_18 : vector<16xf32>
      %mul3A_510 = arith.mulf %broadcast_in_dim3A_242, %get3A_21 : vector<16xf32>
      %add3A_511 = arith.addf %mul3A_509, %mul3A_510 : vector<16xf32>
      %mul3A_512 = arith.mulf %broadcast_in_dim3A_245, %get3A_24 : vector<16xf32>
      %add3A_513 = arith.addf %add3A_511, %mul3A_512 : vector<16xf32>
      %add3A_514 = arith.addf %while3A_192#5, %while3A_192#21 : vector<16xf32>
      %mul3A_515 = arith.mulf %while3A_192#17, %add3A_513 : vector<16xf32>
      %sub3A_516 = arith.subf %add3A_514, %mul3A_515 : vector<16xf32>
      %get3A_517 = arith.constant 146 : index
      %get3A_518 = tpu.vector_load %arg22[%get3A_517] {strides = array<i32>} : memref<448xf32, #tpu.memory_space<vmem>>, vector<16xf32>,
      %get3A_519 = vector.shape_cast %get3A_518 : vector<16xf32> to vector<16xf32>
      %get3A_520 = arith.constant 225 : index
      %get3A_521 = tpu.vector_load %arg22[%get3A_520] {strides = array<i32>} : memref<448xf32, #tpu.memory_space<vmem>>, vector<16xf32>,
      %get3A_522 = vector.shape_cast %get3A_521 : vector<16xf32> to vector<16xf32>
      %sub3A_523 = arith.subf %get3A_519, %get3A_522 : vector<16xf32>
      %mul3A_524 = arith.mulf %get3A_18, %sub3A_523 : vector<16xf32>
      %get3A_525 = arith.constant 223 : index
      %get3A_526 = tpu.vector_load %arg22[%get3A_525] {strides = array<i32>} : memref<448xf32, #tpu.memory_space<vmem>>, vector<16xf32>,
      %get3A_527 = vector.shape_cast %get3A_526 : vector<16xf32> to vector<16xf32>
      %get3A_528 = arith.constant 65 : index
      %get3A_529 = tpu.vector_load %arg22[%get3A_528] {strides = array<i32>} : memref<448xf32, #tpu.memory_space<vmem>>, vector<16xf32>,
      %get3A_530 = vector.shape_cast %get3A_529 : vector<16xf32> to vector<16xf32>
      %sub3A_531 = arith.subf %get3A_527, %get3A_530 : vector<16xf32>
      %mul3A_532 = arith.mulf %get3A_21, %sub3A_531 : vector<16xf32>
      %add3A_533 = arith.addf %mul3A_524, %mul3A_532 : vector<16xf32>
      %get3A_534 = arith.constant 63 : index
      %get3A_535 = tpu.vector_load %arg22[%get3A_534] {strides = array<i32>} : memref<448xf32, #tpu.memory_space<vmem>>, vector<16xf32>,
      %get3A_536 = vector.shape_cast %get3A_535 : vector<16xf32> to vector<16xf32>
      %get3A_537 = arith.constant 142 : index
      %get3A_538 = tpu.vector_load %arg22[%get3A_537] {strides = array<i32>} : memref<448xf32, #tpu.memory_space<vmem>>, vector<16xf32>,
      %get3A_539 = vector.shape_cast %get3A_538 : vector<16xf32> to vector<16xf32>
      %sub3A_540 = arith.subf %get3A_536, %get3A_539 : vector<16xf32>
      %mul3A_541 = arith.mulf %get3A_24, %sub3A_540 : vector<16xf32>
      %add3A_542 = arith.addf %add3A_533, %mul3A_541 : vector<16xf32>
      %get3A_543 = arith.constant 305 : index
      %get3A_544 = tpu.vector_load %arg22[%get3A_543] {strides = array<i32>} : memref<448xf32, #tpu.memory_space<vmem>>, vector<16xf32>,
      %get3A_545 = vector.shape_cast %get3A_544 : vector<16xf32> to vector<16xf32>
      %get3A_546 = arith.constant 303 : index
      %get3A_547 = tpu.vector_load %arg22[%get3A_546] {strides = array<i32>} : memref<448xf32, #tpu.memory_space<vmem>>, vector<16xf32>,
      %get3A_548 = vector.shape_cast %get3A_547 : vector<16xf32> to vector<16xf32>
      %get3A_549 = arith.constant 306 : index
      %get3A_550 = tpu.vector_load %arg22[%get3A_549] {strides = array<i32>} : memref<448xf32, #tpu.memory_space<vmem>>, vector<16xf32>,
      %get3A_551 = vector.shape_cast %get3A_550 : vector<16xf32> to vector<16xf32>
      %mul3A_552 = arith.mulf %broadcast_in_dim3A_242, %get3A_551 : vector<16xf32>
      %mul3A_553 = arith.mulf %broadcast_in_dim3A_245, %get3A_545 : vector<16xf32>
      %sub3A_554 = arith.subf %mul3A_552, %mul3A_553 : vector<16xf32>
      %mul3A_555 = arith.mulf %get3A_18, %sub3A_554 : vector<16xf32>
      %mul3A_556 = arith.mulf %broadcast_in_dim3A_245, %get3A_548 : vector<16xf32>
      %mul3A_557 = arith.mulf %broadcast_in_dim3A_239, %get3A_545 : vector<16xf32>
      %sub3A_558 = arith.subf %mul3A_556, %mul3A_557 : vector<16xf32>
      %mul3A_559 = arith.mulf %get3A_21, %sub3A_558 : vector<16xf32>
      %add3A_560 = arith.addf %mul3A_555, %mul3A_559 : vector<16xf32>
      %mul3A_561 = arith.mulf %broadcast_in_dim3A_239, %get3A_548 : vector<16xf32>
      %get3A_562 = arith.constant 302 : index
      %get3A_563 = tpu.vector_load %arg22[%get3A_562] {strides = array<i32>} : memref<448xf32, #tpu.memory_space<vmem>>, vector<16xf32>,
      %get3A_564 = vector.shape_cast %get3A_563 : vector<16xf32> to vector<16xf32>
      %mul3A_565 = arith.mulf %broadcast_in_dim3A_242, %get3A_564 : vector<16xf32>
      %sub3A_566 = arith.subf %mul3A_561, %mul3A_565 : vector<16xf32>
      %mul3A_567 = arith.mulf %get3A_24, %sub3A_566 : vector<16xf32>
      %add3A_568 = arith.addf %add3A_560, %mul3A_567 : vector<16xf32>
      %sub3A_569 = arith.subf %add3A_542, %add3A_568 : vector<16xf32>
      %mul3A_570 = arith.constant 5.000000e-01 : f32
      %mul3A_571 = vector.broadcast %mul3A_570 : f32 to vector<16xf32>
      %mul3A_572 = arith.mulf %mul3A_571, %sub3A_569 : vector<16xf32>
      %add3A_573 = arith.addf %while3A_192#9, %mul3A_572 : vector<16xf32>
      %add3A_574 = arith.constant 48 : i32
      %add3A_575 = arith.addi %mul3A_310, %add3A_574 : i32
      %gt3A = arith.constant 5.000000e-01 : f32
      %gt3A_576 = vector.broadcast %gt3A : f32 to vector<16xf32>
      %gt3A_577 = arith.cmpf ogt, %get3A_313, %gt3A_576 : vector<16xf32>
      %get3A_578 = arith.index_cast %add3A_575 : i32 to index
      %get3A_579 = tpu.vector_load %arg23[%get3A_578] {strides = array<i32>} : memref<3856xf32, #tpu.memory_space<vmem>>, vector<16xf32>,
      %get3A_580 = vector.shape_cast %get3A_579 : vector<16xf32> to vector<16xf32>
      %select_n3A_581 = arith.select %gt3A_577, %sub3A_516, %get3A_580 : vector<16xi1>, vector<16xf32>
      %gt3A_582 = arith.constant 5.000000e-01 : f32
      %gt3A_583 = vector.broadcast %gt3A_582 : f32 to vector<16xf32>
      %gt3A_584 = arith.cmpf ogt, %get3A_313, %gt3A_583 : vector<16xf32>
      %get3A_585 = arith.index_cast %add3A_575 : i32 to index
      %get3A_586 = tpu.vector_load %arg24[%get3A_585] {strides = array<i32>} : memref<3856xf32, #tpu.memory_space<vmem>>, vector<16xf32>,
      %get3A_587 = vector.shape_cast %get3A_586 : vector<16xf32> to vector<16xf32>
      %select_n3A_588 = arith.select %gt3A_584, %add3A_573, %get3A_587 : vector<16xi1>, vector<16xf32>
      %add3A_589 = arith.constant 0 : i32
      %add3A_590 = arith.addi %mul3A_310, %add3A_589 : i32
      %swap3A_591 = arith.index_cast %add3A_590 : i32 to index
      %swap3A_592 = tpu.vector_load %arg23[%swap3A_591] {strides = array<i32>} : memref<3856xf32, #tpu.memory_space<vmem>>, vector<16xf32>,
      %swap3A_593 = vector.shape_cast %swap3A_592 : vector<16xf32> to vector<16xf32>
      %swap3A_594 = vector.shape_cast %sub3A_321 : vector<16xf32> to vector<16xf32>
      tpu.vector_store %arg23[%swap3A_591], %swap3A_594 {strides = array<i32>} : memref<3856xf32, #tpu.memory_space<vmem>>, vector<16xf32>,
      %add3A_595 = arith.constant 0 : i32
      %add3A_596 = arith.addi %mul3A_310, %add3A_595 : i32
      %swap3A_597 = arith.index_cast %add3A_596 : i32 to index
      %swap3A_598 = tpu.vector_load %arg24[%swap3A_597] {strides = array<i32>} : memref<3856xf32, #tpu.memory_space<vmem>>, vector<16xf32>,
      %swap3A_599 = vector.shape_cast %swap3A_598 : vector<16xf32> to vector<16xf32>
      %swap3A_600 = vector.shape_cast %add3A_378 : vector<16xf32> to vector<16xf32>
      tpu.vector_store %arg24[%swap3A_597], %swap3A_600 {strides = array<i32>} : memref<3856xf32, #tpu.memory_space<vmem>>, vector<16xf32>,
      %mul3A_601 = arith.mulf %sub3A_321, %add3A_378 : vector<16xf32>
      %swap3A_602 = arith.constant 336 : index
      %swap3A_603 = tpu.vector_load %arg22[%swap3A_602] {strides = array<i32>} : memref<448xf32, #tpu.memory_space<vmem>>, vector<16xf32>,
      %swap3A_604 = vector.shape_cast %swap3A_603 : vector<16xf32> to vector<16xf32>
      %swap3A_605 = vector.shape_cast %mul3A_601 : vector<16xf32> to vector<16xf32>
      tpu.vector_store %arg22[%swap3A_602], %swap3A_605 {strides = array<i32>} : memref<448xf32, #tpu.memory_space<vmem>>, vector<16xf32>,
      %add3A_606 = arith.constant 16 : i32
      %add3A_607 = arith.addi %mul3A_310, %add3A_606 : i32
      %swap3A_608 = arith.index_cast %add3A_607 : i32 to index
      %swap3A_609 = tpu.vector_load %arg23[%swap3A_608] {strides = array<i32>} : memref<3856xf32, #tpu.memory_space<vmem>>, vector<16xf32>,
      %swap3A_610 = vector.shape_cast %swap3A_609 : vector<16xf32> to vector<16xf32>
      %swap3A_611 = vector.shape_cast %sub3A_386 : vector<16xf32> to vector<16xf32>
      tpu.vector_store %arg23[%swap3A_608], %swap3A_611 {strides = array<i32>} : memref<3856xf32, #tpu.memory_space<vmem>>, vector<16xf32>,
      %add3A_612 = arith.constant 16 : i32
      %add3A_613 = arith.addi %mul3A_310, %add3A_612 : i32
      %swap3A_614 = arith.index_cast %add3A_613 : i32 to index
      %swap3A_615 = tpu.vector_load %arg24[%swap3A_614] {strides = array<i32>} : memref<3856xf32, #tpu.memory_space<vmem>>, vector<16xf32>,
      %swap3A_616 = vector.shape_cast %swap3A_615 : vector<16xf32> to vector<16xf32>
      %swap3A_617 = vector.shape_cast %add3A_443 : vector<16xf32> to vector<16xf32>
      tpu.vector_store %arg24[%swap3A_614], %swap3A_617 {strides = array<i32>} : memref<3856xf32, #tpu.memory_space<vmem>>, vector<16xf32>,
      %mul3A_618 = arith.mulf %sub3A_386, %add3A_443 : vector<16xf32>
      %swap3A_619 = arith.constant 352 : index
      %swap3A_620 = tpu.vector_load %arg22[%swap3A_619] {strides = array<i32>} : memref<448xf32, #tpu.memory_space<vmem>>, vector<16xf32>,
      %swap3A_621 = vector.shape_cast %swap3A_620 : vector<16xf32> to vector<16xf32>
      %swap3A_622 = vector.shape_cast %mul3A_618 : vector<16xf32> to vector<16xf32>
      tpu.vector_store %arg22[%swap3A_619], %swap3A_622 {strides = array<i32>} : memref<448xf32, #tpu.memory_space<vmem>>, vector<16xf32>,
      %add3A_623 = arith.constant 32 : i32
      %add3A_624 = arith.addi %mul3A_310, %add3A_623 : i32
      %swap3A_625 = arith.index_cast %add3A_624 : i32 to index
      %swap3A_626 = tpu.vector_load %arg23[%swap3A_625] {strides = array<i32>} : memref<3856xf32, #tpu.memory_space<vmem>>, vector<16xf32>,
      %swap3A_627 = vector.shape_cast %swap3A_626 : vector<16xf32> to vector<16xf32>
      %swap3A_628 = vector.shape_cast %sub3A_451 : vector<16xf32> to vector<16xf32>
      tpu.vector_store %arg23[%swap3A_625], %swap3A_628 {strides = array<i32>} : memref<3856xf32, #tpu.memory_space<vmem>>, vector<16xf32>,
      %add3A_629 = arith.constant 32 : i32
      %add3A_630 = arith.addi %mul3A_310, %add3A_629 : i32
      %swap3A_631 = arith.index_cast %add3A_630 : i32 to index
      %swap3A_632 = tpu.vector_load %arg24[%swap3A_631] {strides = array<i32>} : memref<3856xf32, #tpu.memory_space<vmem>>, vector<16xf32>,
      %swap3A_633 = vector.shape_cast %swap3A_632 : vector<16xf32> to vector<16xf32>
      %swap3A_634 = vector.shape_cast %add3A_508 : vector<16xf32> to vector<16xf32>
      tpu.vector_store %arg24[%swap3A_631], %swap3A_634 {strides = array<i32>} : memref<3856xf32, #tpu.memory_space<vmem>>, vector<16xf32>,
      %mul3A_635 = arith.mulf %sub3A_451, %add3A_508 : vector<16xf32>
      %swap3A_636 = arith.constant 368 : index
      %swap3A_637 = tpu.vector_load %arg22[%swap3A_636] {strides = array<i32>} : memref<448xf32, #tpu.memory_space<vmem>>, vector<16xf32>,
      %swap3A_638 = vector.shape_cast %swap3A_637 : vector<16xf32> to vector<16xf32>
      %swap3A_639 = vector.shape_cast %mul3A_635 : vector<16xf32> to vector<16xf32>
      tpu.vector_store %arg22[%swap3A_636], %swap3A_639 {strides = array<i32>} : memref<448xf32, #tpu.memory_space<vmem>>, vector<16xf32>,
      %add3A_640 = arith.constant 48 : i32
      %add3A_641 = arith.addi %mul3A_310, %add3A_640 : i32
      %swap3A_642 = arith.index_cast %add3A_641 : i32 to index
      %swap3A_643 = tpu.vector_load %arg23[%swap3A_642] {strides = array<i32>} : memref<3856xf32, #tpu.memory_space<vmem>>, vector<16xf32>,
      %swap3A_644 = vector.shape_cast %swap3A_643 : vector<16xf32> to vector<16xf32>
      %swap3A_645 = vector.shape_cast %select_n3A_581 : vector<16xf32> to vector<16xf32>
      tpu.vector_store %arg23[%swap3A_642], %swap3A_645 {strides = array<i32>} : memref<3856xf32, #tpu.memory_space<vmem>>, vector<16xf32>,
      %add3A_646 = arith.constant 48 : i32
      %add3A_647 = arith.addi %mul3A_310, %add3A_646 : i32
      %swap3A_648 = arith.index_cast %add3A_647 : i32 to index
      %swap3A_649 = tpu.vector_load %arg24[%swap3A_648] {strides = array<i32>} : memref<3856xf32, #tpu.memory_space<vmem>>, vector<16xf32>,
      %swap3A_650 = vector.shape_cast %swap3A_649 : vector<16xf32> to vector<16xf32>
      %swap3A_651 = vector.shape_cast %select_n3A_588 : vector<16xf32> to vector<16xf32>
      tpu.vector_store %arg24[%swap3A_648], %swap3A_651 {strides = array<i32>} : memref<3856xf32, #tpu.memory_space<vmem>>, vector<16xf32>,
      %mul3A_652 = arith.mulf %select_n3A_581, %select_n3A_588 : vector<16xf32>
      %swap3A_653 = arith.constant 384 : index
      %swap3A_654 = tpu.vector_load %arg22[%swap3A_653] {strides = array<i32>} : memref<448xf32, #tpu.memory_space<vmem>>, vector<16xf32>,
      %swap3A_655 = vector.shape_cast %swap3A_654 : vector<16xf32> to vector<16xf32>
      %swap3A_656 = vector.shape_cast %mul3A_652 : vector<16xf32> to vector<16xf32>
      tpu.vector_store %arg22[%swap3A_653], %swap3A_656 {strides = array<i32>} : memref<448xf32, #tpu.memory_space<vmem>>, vector<16xf32>,
      %mul3A_657 = arith.mulf %sub3A_321, %add3A_378 : vector<16xf32>
      %get3A_658 = arith.constant 337 : index
      %get3A_659 = tpu.vector_load %arg22[%get3A_658] {strides = array<i32>} : memref<448xf32, #tpu.memory_space<vmem>>, vector<16xf32>,
      %get3A_660 = vector.shape_cast %get3A_659 : vector<16xf32> to vector<16xf32>
      %add3A_661 = arith.addf %mul3A_657, %get3A_660 : vector<16xf32>
      %get3A_662 = arith.constant 338 : index
      %get3A_663 = tpu.vector_load %arg22[%get3A_662] {strides = array<i32>} : memref<448xf32, #tpu.memory_space<vmem>>, vector<16xf32>,
      %get3A_664 = vector.shape_cast %get3A_663 : vector<16xf32> to vector<16xf32>
      %add3A_665 = arith.addf %add3A_661, %get3A_664 : vector<16xf32>
      %add3A_666 = arith.constant 0 : i32
      %add3A_667 = arith.addi %mul3A_310, %add3A_666 : i32
      %get3A_668 = arith.index_cast %add3A_667 : i32 to index
      %get3A_669 = tpu.vector_load %arg19[%get3A_668] {strides = array<i32>} : memref<3856xf32, #tpu.memory_space<vmem>>, vector<16xf32>,
      %get3A_670 = vector.shape_cast %get3A_669 : vector<16xf32> to vector<16xf32>
      %mul3A_671 = arith.constant 6414.13525 : f32
      %mul3A_672 = vector.broadcast %mul3A_671 : f32 to vector<16xf32>
      %mul3A_673 = arith.mulf %mul3A_672, %add3A_665 : vector<16xf32>
      %max3A_674 = arith.constant 1.000000e+00 : f32
      %max3A_675 = vector.broadcast %max3A_674 : f32 to vector<16xf32>
      %max3A_676 = arith.maximumf %get3A_670, %max3A_675 : vector<16xf32>
      %div3A_677 = arith.divf %mul3A_673, %max3A_676 : vector<16xf32>
      %add3A_678 = arith.constant 0 : i32
      %add3A_679 = arith.addi %mul3A_310, %add3A_678 : i32
      %swap3A_680 = arith.index_cast %add3A_679 : i32 to index
      %swap3A_681 = tpu.vector_load %arg25[%swap3A_680] {strides = array<i32>} : memref<3856xf32, #tpu.memory_space<vmem>>, vector<16xf32>,
      %swap3A_682 = vector.shape_cast %swap3A_681 : vector<16xf32> to vector<16xf32>
      %swap3A_683 = vector.shape_cast %div3A_677 : vector<16xf32> to vector<16xf32>
      tpu.vector_store %arg25[%swap3A_680], %swap3A_683 {strides = array<i32>} : memref<3856xf32, #tpu.memory_space<vmem>>, vector<16xf32>,
      %mul3A_684 = arith.mulf %sub3A_386, %add3A_443 : vector<16xf32>
      %get3A_685 = arith.constant 353 : index
      %get3A_686 = tpu.vector_load %arg22[%get3A_685] {strides = array<i32>} : memref<448xf32, #tpu.memory_space<vmem>>, vector<16xf32>,
      %get3A_687 = vector.shape_cast %get3A_686 : vector<16xf32> to vector<16xf32>
      %add3A_688 = arith.addf %mul3A_684, %get3A_687 : vector<16xf32>
      %get3A_689 = arith.constant 354 : index
      %get3A_690 = tpu.vector_load %arg22[%get3A_689] {strides = array<i32>} : memref<448xf32, #tpu.memory_space<vmem>>, vector<16xf32>,
      %get3A_691 = vector.shape_cast %get3A_690 : vector<16xf32> to vector<16xf32>
      %add3A_692 = arith.addf %add3A_688, %get3A_691 : vector<16xf32>
      %add3A_693 = arith.constant 16 : i32
      %add3A_694 = arith.addi %mul3A_310, %add3A_693 : i32
      %get3A_695 = arith.index_cast %add3A_694 : i32 to index
      %get3A_696 = tpu.vector_load %arg19[%get3A_695] {strides = array<i32>} : memref<3856xf32, #tpu.memory_space<vmem>>, vector<16xf32>,
      %get3A_697 = vector.shape_cast %get3A_696 : vector<16xf32> to vector<16xf32>
      %mul3A_698 = arith.constant 6414.13525 : f32
      %mul3A_699 = vector.broadcast %mul3A_698 : f32 to vector<16xf32>
      %mul3A_700 = arith.mulf %mul3A_699, %add3A_692 : vector<16xf32>
      %max3A_701 = arith.constant 1.000000e+00 : f32
      %max3A_702 = vector.broadcast %max3A_701 : f32 to vector<16xf32>
      %max3A_703 = arith.maximumf %get3A_697, %max3A_702 : vector<16xf32>
      %div3A_704 = arith.divf %mul3A_700, %max3A_703 : vector<16xf32>
      %add3A_705 = arith.constant 16 : i32
      %add3A_706 = arith.addi %mul3A_310, %add3A_705 : i32
      %swap3A_707 = arith.index_cast %add3A_706 : i32 to index
      %swap3A_708 = tpu.vector_load %arg25[%swap3A_707] {strides = array<i32>} : memref<3856xf32, #tpu.memory_space<vmem>>, vector<16xf32>,
      %swap3A_709 = vector.shape_cast %swap3A_708 : vector<16xf32> to vector<16xf32>
      %swap3A_710 = vector.shape_cast %div3A_704 : vector<16xf32> to vector<16xf32>
      tpu.vector_store %arg25[%swap3A_707], %swap3A_710 {strides = array<i32>} : memref<3856xf32, #tpu.memory_space<vmem>>, vector<16xf32>,
      %mul3A_711 = arith.mulf %sub3A_451, %add3A_508 : vector<16xf32>
      %get3A_712 = arith.constant 369 : index
      %get3A_713 = tpu.vector_load %arg22[%get3A_712] {strides = array<i32>} : memref<448xf32, #tpu.memory_space<vmem>>, vector<16xf32>,
      %get3A_714 = vector.shape_cast %get3A_713 : vector<16xf32> to vector<16xf32>
      %add3A_715 = arith.addf %mul3A_711, %get3A_714 : vector<16xf32>
      %get3A_716 = arith.constant 370 : index
      %get3A_717 = tpu.vector_load %arg22[%get3A_716] {strides = array<i32>} : memref<448xf32, #tpu.memory_space<vmem>>, vector<16xf32>,
      %get3A_718 = vector.shape_cast %get3A_717 : vector<16xf32> to vector<16xf32>
      %add3A_719 = arith.addf %add3A_715, %get3A_718 : vector<16xf32>
      %add3A_720 = arith.constant 32 : i32
      %add3A_721 = arith.addi %mul3A_310, %add3A_720 : i32
      %get3A_722 = arith.index_cast %add3A_721 : i32 to index
      %get3A_723 = tpu.vector_load %arg19[%get3A_722] {strides = array<i32>} : memref<3856xf32, #tpu.memory_space<vmem>>, vector<16xf32>,
      %get3A_724 = vector.shape_cast %get3A_723 : vector<16xf32> to vector<16xf32>
      %mul3A_725 = arith.constant 6414.13525 : f32
      %mul3A_726 = vector.broadcast %mul3A_725 : f32 to vector<16xf32>
      %mul3A_727 = arith.mulf %mul3A_726, %add3A_719 : vector<16xf32>
      %max3A_728 = arith.constant 1.000000e+00 : f32
      %max3A_729 = vector.broadcast %max3A_728 : f32 to vector<16xf32>
      %max3A_730 = arith.maximumf %get3A_724, %max3A_729 : vector<16xf32>
      %div3A_731 = arith.divf %mul3A_727, %max3A_730 : vector<16xf32>
      %add3A_732 = arith.constant 32 : i32
      %add3A_733 = arith.addi %mul3A_310, %add3A_732 : i32
      %swap3A_734 = arith.index_cast %add3A_733 : i32 to index
      %swap3A_735 = tpu.vector_load %arg25[%swap3A_734] {strides = array<i32>} : memref<3856xf32, #tpu.memory_space<vmem>>, vector<16xf32>,
      %swap3A_736 = vector.shape_cast %swap3A_735 : vector<16xf32> to vector<16xf32>
      %swap3A_737 = vector.shape_cast %div3A_731 : vector<16xf32> to vector<16xf32>
      tpu.vector_store %arg25[%swap3A_734], %swap3A_737 {strides = array<i32>} : memref<3856xf32, #tpu.memory_space<vmem>>, vector<16xf32>,
      %mul3A_738 = arith.mulf %select_n3A_581, %select_n3A_588 : vector<16xf32>
      %get3A_739 = arith.constant 385 : index
      %get3A_740 = tpu.vector_load %arg22[%get3A_739] {strides = array<i32>} : memref<448xf32, #tpu.memory_space<vmem>>, vector<16xf32>,
      %get3A_741 = vector.shape_cast %get3A_740 : vector<16xf32> to vector<16xf32>
      %add3A_742 = arith.addf %mul3A_738, %get3A_741 : vector<16xf32>
      %get3A_743 = arith.constant 386 : index
      %get3A_744 = tpu.vector_load %arg22[%get3A_743] {strides = array<i32>} : memref<448xf32, #tpu.memory_space<vmem>>, vector<16xf32>,
      %get3A_745 = vector.shape_cast %get3A_744 : vector<16xf32> to vector<16xf32>
      %add3A_746 = arith.addf %add3A_742, %get3A_745 : vector<16xf32>
      %add3A_747 = arith.constant 48 : i32
      %add3A_748 = arith.addi %mul3A_310, %add3A_747 : i32
      %get3A_749 = arith.index_cast %add3A_748 : i32 to index
      %get3A_750 = tpu.vector_load %arg19[%get3A_749] {strides = array<i32>} : memref<3856xf32, #tpu.memory_space<vmem>>, vector<16xf32>,
      %get3A_751 = vector.shape_cast %get3A_750 : vector<16xf32> to vector<16xf32>
      %mul3A_752 = arith.constant 6414.13525 : f32
      %mul3A_753 = vector.broadcast %mul3A_752 : f32 to vector<16xf32>
      %mul3A_754 = arith.mulf %mul3A_753, %add3A_746 : vector<16xf32>
      %max3A_755 = arith.constant 1.000000e+00 : f32
      %max3A_756 = vector.broadcast %max3A_755 : f32 to vector<16xf32>
      %max3A_757 = arith.maximumf %get3A_751, %max3A_756 : vector<16xf32>
      %div3A_758 = arith.divf %mul3A_754, %max3A_757 : vector<16xf32>
      %add3A_759 = arith.constant 48 : i32
      %add3A_760 = arith.addi %mul3A_310, %add3A_759 : i32
      %swap3A_761 = arith.index_cast %add3A_760 : i32 to index
      %swap3A_762 = tpu.vector_load %arg25[%swap3A_761] {strides = array<i32>} : memref<3856xf32, #tpu.memory_space<vmem>>, vector<16xf32>,
      %swap3A_763 = vector.shape_cast %swap3A_762 : vector<16xf32> to vector<16xf32>
      %swap3A_764 = vector.shape_cast %div3A_758 : vector<16xf32> to vector<16xf32>
      tpu.vector_store %arg25[%swap3A_761], %swap3A_764 {strides = array<i32>} : memref<3856xf32, #tpu.memory_space<vmem>>, vector<16xf32>,
    } else {
    }
    %dma_wait3A = arith.constant 0 : i32
    %dma_wait3A_197 = tpu.memref_slice %arg11[%dma_wait3A] : memref<53248xf32, #tpu.memory_space<vmem>> -> memref<53248xf32, #tpu.memory_space<vmem>>
    %dma_wait3A_198 = arith.constant 0 : i32
    %dma_wait3A_199 = tpu.memref_slice %arg3[%dma_wait3A_198] : memref<25600000xf32, #tpu.memory_space<hbm>> -> memref<53248xf32, #tpu.memory_space<hbm>>
    %dma_wait3A_200 = arith.constant 0 : i32
    %dma_wait3A_201 = tpu.memref_slice %arg11[%dma_wait3A_200] : memref<53248xf32, #tpu.memory_space<vmem>> -> memref<53248xf32, #tpu.memory_space<vmem>>
    %dma_wait3A_202 = arith.constant 0 : i32
    %dma_wait3A_203 = tpu.memref_slice %arg3[%dma_wait3A_202] : memref<25600000xf32, #tpu.memory_space<hbm>> -> memref<53248xf32, #tpu.memory_space<hbm>>
    tpu.wait_dma2 semaphore(%arg17 : memref<!tpu.dma_semaphore, #tpu.memory_space<semaphore_mem>>) src(%dma_wait3A_203 : memref<53248xf32, #tpu.memory_space<hbm>>) dst(%dma_wait3A_201 : memref<53248xf32, #tpu.memory_space<vmem>>)
    %dma_wait3A_204 = arith.constant 0 : i32
    %dma_wait3A_205 = tpu.memref_slice %arg13[%dma_wait3A_204] : memref<848xf32, #tpu.memory_space<vmem>> -> memref<832xf32, #tpu.memory_space<vmem>>
    %dma_wait3A_206 = arith.constant 0 : i32
    %dma_wait3A_207 = tpu.memref_slice %arg2[%dma_wait3A_206] : memref<400000xf32, #tpu.memory_space<hbm>> -> memref<832xf32, #tpu.memory_space<hbm>>
    %dma_wait3A_208 = arith.constant 0 : i32
    %dma_wait3A_209 = tpu.memref_slice %arg13[%dma_wait3A_208] : memref<848xf32, #tpu.memory_space<vmem>> -> memref<832xf32, #tpu.memory_space<vmem>>
    %dma_wait3A_210 = arith.constant 0 : i32
    %dma_wait3A_211 = tpu.memref_slice %arg2[%dma_wait3A_210] : memref<400000xf32, #tpu.memory_space<hbm>> -> memref<832xf32, #tpu.memory_space<hbm>>
    tpu.wait_dma2 semaphore(%arg17 : memref<!tpu.dma_semaphore, #tpu.memory_space<semaphore_mem>>) src(%dma_wait3A_211 : memref<832xf32, #tpu.memory_space<hbm>>) dst(%dma_wait3A_209 : memref<832xf32, #tpu.memory_space<vmem>>)
    %dma_wait3A_212 = arith.constant 0 : i32
    %dma_wait3A_213 = tpu.memref_slice %arg15[%dma_wait3A_212] : memref<224xi32, #tpu.memory_space<vmem>> -> memref<208xi32, #tpu.memory_space<vmem>>
    %dma_wait3A_214 = arith.constant 0 : i32
    %dma_wait3A_215 = tpu.memref_slice %arg4[%dma_wait3A_214] : memref<100000xi32, #tpu.memory_space<hbm>> -> memref<208xi32, #tpu.memory_space<hbm>>
    %dma_wait3A_216 = arith.constant 0 : i32
    %dma_wait3A_217 = tpu.memref_slice %arg15[%dma_wait3A_216] : memref<224xi32, #tpu.memory_space<vmem>> -> memref<208xi32, #tpu.memory_space<vmem>>
    %dma_wait3A_218 = arith.constant 0 : i32
    %dma_wait3A_219 = tpu.memref_slice %arg4[%dma_wait3A_218] : memref<100000xi32, #tpu.memory_space<hbm>> -> memref<208xi32, #tpu.memory_space<hbm>>
    tpu.wait_dma2 semaphore(%arg17 : memref<!tpu.dma_semaphore, #tpu.memory_space<semaphore_mem>>) src(%dma_wait3A_219 : memref<208xi32, #tpu.memory_space<hbm>>) dst(%dma_wait3A_217 : memref<208xi32, #tpu.memory_space<vmem>>)
    %mul3A_220 = arith.constant 3840 : i32
    %mul3A_221 = arith.muli %add3A, %mul3A_220 : i32
    %multiple_of3A_222 = tpu.assume_multiple %mul3A_221, 8 : i32
    "tpu.region"() ({
      %run_scoped3A = tpu.sem_alloc : memref<!tpu.dma_semaphore, #tpu.memory_space<semaphore_mem>>
      %dma_start3A_229 = arith.constant 0 : i32
      %dma_start3A_230 = tpu.memref_slice %arg23[%dma_start3A_229] : memref<3856xf32, #tpu.memory_space<vmem>> -> memref<3840xf32, #tpu.memory_space<vmem>>
      %dma_start3A_231 = tpu.memref_slice %arg8[%multiple_of3A_222] : memref<122880xf32, #tpu.memory_space<hbm>> -> memref<3840xf32, #tpu.memory_space<hbm>>
      %dma_start3A_232 = tpu.memref_slice %arg8[%multiple_of3A_222] : memref<122880xf32, #tpu.memory_space<hbm>> -> memref<3840xf32, #tpu.memory_space<hbm>>
      %dma_start3A_233 = arith.constant 0 : i32
      %dma_start3A_234 = tpu.memref_slice %arg23[%dma_start3A_233] : memref<3856xf32, #tpu.memory_space<vmem>> -> memref<3840xf32, #tpu.memory_space<vmem>>
      tpu.enqueue_dma source(%dma_start3A_234 : memref<3840xf32, #tpu.memory_space<vmem>>) target(%dma_start3A_232 : memref<3840xf32, #tpu.memory_space<hbm>>) target_semaphore(%run_scoped3A : memref<!tpu.dma_semaphore, #tpu.memory_space<semaphore_mem>>)
      %dma_wait3A_235 = arith.constant 0 : i32
      %dma_wait3A_236 = tpu.memref_slice %arg23[%dma_wait3A_235] : memref<3856xf32, #tpu.memory_space<vmem>> -> memref<3840xf32, #tpu.memory_space<vmem>>
      %dma_wait3A_237 = tpu.memref_slice %arg8[%multiple_of3A_222] : memref<122880xf32, #tpu.memory_space<hbm>> -> memref<3840xf32, #tpu.memory_space<hbm>>
      %dma_wait3A_238 = tpu.memref_slice %arg8[%multiple_of3A_222] : memref<122880xf32, #tpu.memory_space<hbm>> -> memref<3840xf32, #tpu.memory_space<hbm>>
      %dma_wait3A_239 = arith.constant 0 : i32
      %dma_wait3A_240 = tpu.memref_slice %arg23[%dma_wait3A_239] : memref<3856xf32, #tpu.memory_space<vmem>> -> memref<3840xf32, #tpu.memory_space<vmem>>
      tpu.wait_dma2 semaphore(%run_scoped3A : memref<!tpu.dma_semaphore, #tpu.memory_space<semaphore_mem>>) src(%dma_wait3A_240 : memref<3840xf32, #tpu.memory_space<vmem>>) dst(%dma_wait3A_238 : memref<3840xf32, #tpu.memory_space<hbm>>)
      tpu.yield
    }) : () -> ()
    %mul3A_223 = arith.constant 3840 : i32
    %mul3A_224 = arith.muli %add3A, %mul3A_223 : i32
    %multiple_of3A_225 = tpu.assume_multiple %mul3A_224, 8 : i32
    "tpu.region"() ({
      %run_scoped3A = tpu.sem_alloc : memref<!tpu.dma_semaphore, #tpu.memory_space<semaphore_mem>>
      %dma_start3A_229 = arith.constant 0 : i32
      %dma_start3A_230 = tpu.memref_slice %arg24[%dma_start3A_229] : memref<3856xf32, #tpu.memory_space<vmem>> -> memref<3840xf32, #tpu.memory_space<vmem>>
      %dma_start3A_231 = tpu.memref_slice %arg9[%multiple_of3A_225] : memref<122880xf32, #tpu.memory_space<hbm>> -> memref<3840xf32, #tpu.memory_space<hbm>>
      %dma_start3A_232 = tpu.memref_slice %arg9[%multiple_of3A_225] : memref<122880xf32, #tpu.memory_space<hbm>> -> memref<3840xf32, #tpu.memory_space<hbm>>
      %dma_start3A_233 = arith.constant 0 : i32
      %dma_start3A_234 = tpu.memref_slice %arg24[%dma_start3A_233] : memref<3856xf32, #tpu.memory_space<vmem>> -> memref<3840xf32, #tpu.memory_space<vmem>>
      tpu.enqueue_dma source(%dma_start3A_234 : memref<3840xf32, #tpu.memory_space<vmem>>) target(%dma_start3A_232 : memref<3840xf32, #tpu.memory_space<hbm>>) target_semaphore(%run_scoped3A : memref<!tpu.dma_semaphore, #tpu.memory_space<semaphore_mem>>)
      %dma_wait3A_235 = arith.constant 0 : i32
      %dma_wait3A_236 = tpu.memref_slice %arg24[%dma_wait3A_235] : memref<3856xf32, #tpu.memory_space<vmem>> -> memref<3840xf32, #tpu.memory_space<vmem>>
      %dma_wait3A_237 = tpu.memref_slice %arg9[%multiple_of3A_225] : memref<122880xf32, #tpu.memory_space<hbm>> -> memref<3840xf32, #tpu.memory_space<hbm>>
      %dma_wait3A_238 = tpu.memref_slice %arg9[%multiple_of3A_225] : memref<122880xf32, #tpu.memory_space<hbm>> -> memref<3840xf32, #tpu.memory_space<hbm>>
      %dma_wait3A_239 = arith.constant 0 : i32
      %dma_wait3A_240 = tpu.memref_slice %arg24[%dma_wait3A_239] : memref<3856xf32, #tpu.memory_space<vmem>> -> memref<3840xf32, #tpu.memory_space<vmem>>
      tpu.wait_dma2 semaphore(%run_scoped3A : memref<!tpu.dma_semaphore, #tpu.memory_space<semaphore_mem>>) src(%dma_wait3A_240 : memref<3840xf32, #tpu.memory_space<vmem>>) dst(%dma_wait3A_238 : memref<3840xf32, #tpu.memory_space<hbm>>)
      tpu.yield
    }) : () -> ()
    %mul3A_226 = arith.constant 3840 : i32
    %mul3A_227 = arith.muli %add3A, %mul3A_226 : i32
    %multiple_of3A_228 = tpu.assume_multiple %mul3A_227, 8 : i32
    "tpu.region"() ({
      %run_scoped3A = tpu.sem_alloc : memref<!tpu.dma_semaphore, #tpu.memory_space<semaphore_mem>>
      %dma_start3A_229 = arith.constant 0 : i32
      %dma_start3A_230 = tpu.memref_slice %arg25[%dma_start3A_229] : memref<3856xf32, #tpu.memory_space<vmem>> -> memref<3840xf32, #tpu.memory_space<vmem>>
      %dma_start3A_231 = tpu.memref_slice %arg10[%multiple_of3A_228] : memref<122880xf32, #tpu.memory_space<hbm>> -> memref<3840xf32, #tpu.memory_space<hbm>>
      %dma_start3A_232 = tpu.memref_slice %arg10[%multiple_of3A_228] : memref<122880xf32, #tpu.memory_space<hbm>> -> memref<3840xf32, #tpu.memory_space<hbm>>
      %dma_start3A_233 = arith.constant 0 : i32
      %dma_start3A_234 = tpu.memref_slice %arg25[%dma_start3A_233] : memref<3856xf32, #tpu.memory_space<vmem>> -> memref<3840xf32, #tpu.memory_space<vmem>>
      tpu.enqueue_dma source(%dma_start3A_234 : memref<3840xf32, #tpu.memory_space<vmem>>) target(%dma_start3A_232 : memref<3840xf32, #tpu.memory_space<hbm>>) target_semaphore(%run_scoped3A : memref<!tpu.dma_semaphore, #tpu.memory_space<semaphore_mem>>)
      %dma_wait3A_235 = arith.constant 0 : i32
      %dma_wait3A_236 = tpu.memref_slice %arg25[%dma_wait3A_235] : memref<3856xf32, #tpu.memory_space<vmem>> -> memref<3840xf32, #tpu.memory_space<vmem>>
      %dma_wait3A_237 = tpu.memref_slice %arg10[%multiple_of3A_228] : memref<122880xf32, #tpu.memory_space<hbm>> -> memref<3840xf32, #tpu.memory_space<hbm>>
      %dma_wait3A_238 = tpu.memref_slice %arg10[%multiple_of3A_228] : memref<122880xf32, #tpu.memory_space<hbm>> -> memref<3840xf32, #tpu.memory_space<hbm>>
      %dma_wait3A_239 = arith.constant 0 : i32
      %dma_wait3A_240 = tpu.memref_slice %arg25[%dma_wait3A_239] : memref<3856xf32, #tpu.memory_space<vmem>> -> memref<3840xf32, #tpu.memory_space<vmem>>
      tpu.wait_dma2 semaphore(%run_scoped3A : memref<!tpu.dma_semaphore, #tpu.memory_space<semaphore_mem>>) src(%dma_wait3A_240 : memref<3840xf32, #tpu.memory_space<vmem>>) dst(%dma_wait3A_238 : memref<3840xf32, #tpu.memory_space<hbm>>)
      tpu.yield
    }) : () -> ()
    return
  }
}

</mosaic_0001>

<sc_bundles>
// kernel: _run.3.cloned.1.call-start
scs
__scs_entry_jumppad:
0x0: {  	(pc) =	sbr.rel $0x88, $3  }
0x1: {  	(tag) =	ssettag $0x0;
	lr =	simm.s32 $0x1  }
0x2: {  	[smem:$0x3F9B] =	sst lr;
	_ =	strace $0xD0000000  }
0x3: {  	_ = 	snop  }
0x4: {  	_ = 	snop  }
0x5: {  	_ = 	snop  }
0x6: {  	_ = 	snop  }
0x7: {  	_ = 	snop  }
__scs_overlays_trampoline_lowered:
0x8: {  	[smem:$0x3FAA] =	sst s0  }
0x9: {  	[smem:$0x3FAB] =	sst s1  }
0xa: {  	[smem:$0x3FAC] =	sst s2  }
0xb: {  	[smem:$0x3FAD] =	sst s3  }
0xc: {  	[smem:$0x3FAE] =	sst s4  }
0xd: {  	[smem:$0x3FAF] =	sst s5  }
0xe: {  	[smem:$0x3FB0] =	sst s6  }
0xf: {  	[smem:$0x3FB1] =	sst s7  }
0x10: {  	[smem:$0x3FB2] =	sst s8  }
0x11: {  	[smem:$0x3FB3] =	sst s9;
	s0 =	simm.s32 @!p0 $0x0  }
0x12: {  	s1 =	sld [smem:$0x3F99];
	s0 =	simm.s32 @p0 $0x1  }
0x13: {  	[smem:$0x3FB4] =	sst s0;
	s0 =	simm.s32 @!p1 $0x0  }
0x14: {  	s2 =	sld [smem:$0x3F98];
	s0 =	simm.s32 @p1 $0x1  }
0x15: {  	[smem:$0x3FB5] =	sst s0;
	s0 =	simm.s32 @!p2 $0x0  }
0x16: {  	s3 =	sld [smem:$0x3FDB];
	s0 =	simm.s32 @p2 $0x1  }
0x17: {  	s4 =	simm.s32 $0x1BF5;
	[smem:$0x3FB7] =	sst s0  }
0x18: {  	s0 =	sld [smem:$0x3F9A];
	_ =	swait.ge [sflag:s4], $0x0  }
0x19: {  	s7 =	sld [smem:$0x3F9B]  }
0x1a: {  	s8 =	sadd.s32 $0xFFFFE003, lr  }
0x1b: {  	s9 =	sadd.s32 $0xFFFFFEF7, lr;
	s5 =	simm.s32 $0xFFFFFFFF;
	p2 =	slt.u32 s8, $0xFFFFF086  }
0x1c: {  	p1 =	slt.u32 s9, $0xF7A;
	s5 =	simm.s32 @!p2 $0x0  }
0x1d: {  	s5 =	simm.s32 @p1 $0x1;
	p0 =	seq.s32 s7, s2  }
0x1e: {  	s7 =	smul.u32 @!p0 $0xF7A, s2;
	p2 =	seq.s32 @!p0 s5, $0x0  }
0x1f: {  	s9 =	smul.u32 $0xF7A, s1;
	s8 =	simm.s32 @!p0 $0x1BF5;
	p2 =	por !p2, p0  }
0x20: {  	[sflag:s8] =	ssyncset.s32 @!p0 $0xFFFFF086;
	s6 =	sadd.s32 @!p0 s3, s7;
	s7 =	simm.s32 @!p0 $0x108  }
0x21: {  	s3 =	sadd.s32 s3, s9;
	s6 =	sadd.s32 @!p0 $0x88, s6;
	s7 =	simm.s32 @p2 $0x1082  }
0x22: {  	[simem:s7], [sflag:s8] =	dma.local @!p0 [hbm:s6], $0xF7A  }
0x23: {  	s9 =	sor.u32 $0xD0000000, s2;
	s6 =	simm.s32 $0x108;
	_ =	swait.ge @!p0 [sflag:s8], $0x0  }
0x24: {  	s3 =	sadd.s32 $0x88, s3;
	s6 =	simm.s32 @!p1 $0x1082;
	[sflag:s4] =	ssyncset.s32 $0xFFFFF086  }
0x25: {  	[simem:s6], [sflag:s4] =	dma.local [hbm:s3], $0xF7A  }
0x26: {  	[smem:$0x3F9B] =	sst s1;
	(tag) =	ssettag s2;
	_ =	strace s9  }
0x27: {  	s1 =	sld [smem:$0x3FAB]  }
0x28: {  	s2 =	sld [smem:$0x3FAC]  }
0x29: {  	s4 =	sld [smem:$0x3FAE]  }
0x2a: {  	p0 =	seq.s32 s5, $0x0;
	s5 =	sld [smem:$0x3FAF]  }
0x2b: {  	s6 =	sld [smem:$0x3FB0]  }
0x2c: {  	s7 =	sld [smem:$0x3FB1]  }
0x2d: {  	s3 =	simm.s32 $0x108;
	s8 =	sld [smem:$0x3FB2]  }
0x2e: {  	s3 =	simm.s32 @!p0 $0x1082;
	s9 =	sld [smem:$0x3FB3]  }
0x2f: {  	lr =	sadd.s32 s0, s3;
	s0 =	sld [smem:$0x3FAA]  }
0x30: {  	s3 =	sld [smem:$0x3FAD]  }
0x31: {  	[smem:$0x3FB6] =	sst s10  }
0x32: {  	s10 =	sld [smem:$0x3FB4];
	_ =	sdelay $0x3  }
0x33: {  	p0 =	seq.s32 s10, $0x1;
	s10 =	sld [smem:$0x3FB6];
	_ =	sdelay $0x3  }
0x34: {  	[smem:$0x3FB6] =	sst s10  }
0x35: {  	s10 =	sld [smem:$0x3FB5];
	_ =	sdelay $0x3  }
0x36: {  	p1 =	seq.s32 s10, $0x1;
	s10 =	sld [smem:$0x3FB6];
	_ =	sdelay $0x3  }
0x37: {  	[smem:$0x3FB6] =	sst s10  }
0x38: {  	s10 =	sld [smem:$0x3FB7]  }
0x39: {  	_ = 	snop;
	(pc) =	sbr.ind lr, $3  }
0x3a: {  	_ = 	snop  }
0x3b: {  	_ = 	snop  }
0x3c: {  	p2 =	seq.s32 s10, $0x1;
	s10 =	sld [smem:$0x3FB6]  }
0x3d: {  	_ =	shalt  }
0x3e: {  	_ =	shalt  }
0x3f: {  	_ =	shalt  }
0x40: {  	_ =	shalt  }
0x41: {  	_ =	shalt  }
0x42: {  	_ =	shalt  }
0x43: {  	_ =	shalt  }
0x44: {  	_ =	shalt  }
0x45: {  	_ =	shalt  }
0x46: {  	_ =	shalt  }
0x47: {  	_ =	shalt  }
0x48: {  	_ =	shalt  }
0x49: {  	_ =	shalt  }
0x4a: {  	_ =	shalt  }
0x4b: {  	_ =	shalt  }
0x4c: {  	_ =	shalt  }
0x4d: {  	_ =	shalt  }
0x4e: {  	_ =	shalt  }
0x4f: {  	_ =	shalt  }
0x50: {  	_ =	shalt  }
0x51: {  	_ =	shalt  }
0x52: {  	_ =	shalt  }
0x53: {  	_ =	shalt  }
0x54: {  	_ =	shalt  }
0x55: {  	_ =	shalt  }
0x56: {  	_ =	shalt  }
0x57: {  	_ =	shalt  }
0x58: {  	_ =	shalt  }
0x59: {  	_ =	shalt  }
0x5a: {  	_ =	shalt  }
0x5b: {  	_ =	shalt  }
0x5c: {  	_ =	shalt  }
0x5d: {  	_ =	shalt  }
0x5e: {  	_ =	shalt  }
0x5f: {  	_ =	shalt  }
0x60: {  	_ =	shalt  }
0x61: {  	_ =	shalt  }
0x62: {  	_ =	shalt  }
0x63: {  	_ =	shalt  }
0x64: {  	_ =	shalt  }
0x65: {  	_ =	shalt  }
0x66: {  	_ =	shalt  }
0x67: {  	_ =	shalt  }
0x68: {  	_ =	shalt  }
0x69: {  	_ =	shalt  }
0x6a: {  	_ =	shalt  }
0x6b: {  	_ =	shalt  }
0x6c: {  	_ =	shalt  }
0x6d: {  	_ =	shalt  }
0x6e: {  	_ =	shalt  }
0x6f: {  	_ =	shalt  }
0x70: {  	_ =	shalt  }
0x71: {  	_ =	shalt  }
0x72: {  	_ =	shalt  }
0x73: {  	_ =	shalt  }
0x74: {  	_ =	shalt  }
0x75: {  	_ =	shalt  }
0x76: {  	_ =	shalt  }
0x77: {  	_ =	shalt  }
0x78: {  	_ =	shalt  }
0x79: {  	_ =	shalt  }
0x7a: {  	_ =	shalt  }
0x7b: {  	_ =	shalt  }
0x7c: {  	_ =	shalt  }
0x7d: {  	_ =	shalt  }
0x7e: {  	_ =	shalt  }
0x7f: {  	_ =	shalt  }
0x80: {  	_ =	shalt  }
0x81: {  	_ =	shalt  }
0x82: {  	_ =	shalt  }
0x83: {  	_ =	shalt  }
0x84: {  	_ =	shalt  }
0x85: {  	_ =	shalt  }
0x86: {  	_ =	shalt  }
0x87: {  	_ =	shalt  }
.Lfunc_end0:
.L_simem_size_0:
called_computation_lowered:
.L_overlay_start_0:
0x88: {  	s2 =	sld [smem:$0x3FD9]  }
0x89: {  	s3 =	sld [smem:$0x3FFE];
	_ =	sdelay $0x1  }
0x8a: {  	s1 =	srdreg.scid  }
0x8b: {  	s0 =	sand.u32 $0x1, s1  }
0x8c: {  	s15 =	sshll.u32 s0, $0xA;
	s2 =	sadd.s32 s3, s2  }
0x8d: {  	s2 =	sadd.s32 s2, s15  }
0x8e: {  	[smem:$0x3FC2] =	sst s2  }
0x8f: {  	_ = 	snop  }
0x90: {  	s2 =	sld [smem:$0x3FC9]  }
0x91: {  	s16 =	sld [smem:$0x3FC8]  }
0x92: {  	s4 =	sld [smem:$0x3FC7]  }
0x93: {  	s5 =	sld [smem:$0x3FD0]  }
0x94: {  	s6 =	sld [smem:$0x3FC6]  }
0x95: {  	s7 =	sld [smem:$0x3FC5]  }
0x96: {  	s9 =	simm.s32 $0xA;
	s10 =	simm.s32 $0x10;
	s8 =	sld [smem:$0x3FC4]  }
0x97: {  	[smem:s10], [sflag:s9] =	dma.local [hbm:s5], $0x1  }
0x98: {  	_ =	swait.eq [sflag:s9], $0x1  }
0x99: {  	s17 =	sld [smem:$0x10];
	[sflag:s9] =	ssyncset.done $0x0  }
0x9a: {  	s18 =	sld [smem:$0x11];
	[sflag:s9] =	ssyncadd.s32 $0xFFFFFFFF  }
0x9b: {  	s19 =	sld [smem:$0x12];
	(tm) =	ssettm $0x1  }
0x9c: {  	s11 =	sld [smem:$0x3FFB];
	_ =	sdelay $0x3  }
0x9d: {  	_ =	strace s11  }
0x9e: {  	s11 =	sld [smem:$0x3FFC];
	_ =	sdelay $0x3  }
0x9f: {  	_ =	strace s11  }
0xa0: {  	s11 =	sld [smem:$0x3FFD];
	_ =	sdelay $0x3  }
0xa1: {  	_ =	strace s11  }
0xa2: {  	_ =	strace $0x8FFFFFFF  }
0xa3: {  	s20 =	sld [smem:$0x3FDB];
	_ =	sdelay $0x1  }
0xa4: {  	s12 =	simm.s32 $_scs_section_size  }
0xa5: {  	s13 =	simm.s32 $_size__tile_overlayer_lowered;
	s14 =	simm.s32 $_tile_overlayer_lowered  }
0xa6: {  	s23 =	simm.s32 $0x1BFF;
	s22 =	sshll.u32 s14, $0x1;
	s11 =	sadd.s32 s12, s20  }
0xa7: {  	s21 =	sshll.u32 s13, $0x1;
	s15 =	simm.s32 $0x0;
	s13 =	sadd.s32 s22, s11  }
0xa8: {  	[timem:s15], [sflag:s23] =	dma.local [hbm:s13], s21  }
0xa9: {  	_ =	swait.ge [sflag:s23], s21  }
0xaa: {  	s12 =	ssub.s32 $0x0, s21;
	[sflag:s23] =	ssyncset.done $0x0  }
0xab: {  	[sflag:s23] =	ssyncadd.s32 s12;
	_ =	sdelay $0x1  }
0xac: {  	s24 =	simm.s32 $0x1B8B  }
0xad: {  	_ =	swait.ge [sflag:s24], $0x1  }
0xae: {  	[sflag:s24] =	ssyncset.done $0x0  }
0xaf: {  	s25 =	simm.s32 $0x1B8E;
	[sflag:s24] =	ssyncadd.s32 $0xFFFFFFFF  }
0xb0: {  	s26 =	simm.s32 $execute0_lowered;
	[smem:$0x3FD2] =	sst s25  }
0xb1: {  	s12 =	sshll.u32 s26, $0x1;
	_ =	strace $0x80000046;
	[dreg:$0x1] =	wrdreg $0xFFFFFFFF  }
0xb2: {  	s28 =	simm.s32 $_size_execute0_lowered;
	s11 =	sadd.s32 s11, s12;
	[dreg:$0x0] =	wrdreg $0x0  }
0xb3: {  	s12 =	sshll.u32 s28, $0x1;
	[dreg:$0x2] =	wrdreg s11  }
0xb4: {  	[dreg:$0x3] =	wrdreg s12  }
0xb5: {  	[dreg:$0x4] =	wrdreg $0xC0  }
0xb6: {  	_ =	task [dreg:s15], $0x5FFFF  }
0xb7: {  	[dreg:$0x1] =	wrdreg $0xFFFFFFFF  }
0xb8: {  	[dreg:$0x0] =	wrdreg $0x60  }
0xb9: {  	[dreg:$0x2] =	wrdreg s2  }
0xba: {  	[dreg:$0x3] =	wrdreg s16  }
0xbb: {  	[dreg:$0x4] =	wrdreg s4  }
0xbc: {  	[dreg:$0x5] =	wrdreg s6  }
0xbd: {  	[dreg:$0x6] =	wrdreg s7  }
0xbe: {  	[dreg:$0x7] =	wrdreg s8  }
0xbf: {  	[dreg:$0x8] =	wrdreg s17  }
0xc0: {  	[dreg:$0x9] =	wrdreg s18  }
0xc1: {  	[dreg:$0xa] =	wrdreg s19  }
0xc2: {  	[dreg:$0xb] =	wrdreg $0x9  }
0xc3: {  	_ =	task.clear_ibuf [dreg:s15], $0xCFFFF;
	_ =	strace $0x90000046  }
0xc4: {  	s29 =	simm.s32 $0x9;
	_ =	strace $0x80000048  }
0xc5: {  	_ =	swait.ge [sflag:s29], $0x1  }
0xc6: {  	[sflag:s29] =	ssyncadd.s32 $0xFFFFFFFF  }
0xc7: {  	_ =	strace $0x90000048  }
0xc8: {  	_ =	sfence  }
0xc9: {  	s30 =	sld [smem:$0x0];
	_ =	sdelay $0x2  }
0xca: {  	s31 =	sshll.u32 s1, $0xD;
	s1 =	sshrl.u32 s1, $0x2  }
0xcb: {  	s3 =	sand.u32 $0x4000, s31;
	s1 =	sadd.s32 s1, s30  }
0xcc: {  	s0 =	sor.u32 s3, s0;
	s1 =	sshll.u32 s1, $0x11  }
0xcd: {  	s0 =	sor.u32 s1, s0  }
0xce: {  	s0 =	sadd.s32 $0x8F2B, s0  }
0xcf: {  	[sflag:s0] =	ssyncadd.remote.s32 $0x1  }
0xd0: {  	_ =	sfence.sel $0xFFFF  }
0xd1: {  	[dreg:$0x0] =	wrdreg $0xFFFFFFFF;
	(pc) =	sbr.abs _section_cstart, $3  }
0xd2: {  	[dreg:$0x1] =	wrdreg $0xFFFFFFFF  }
0xd3: {  	_ =	task.clear_ibuf [dreg:s15], $0x2FFFF;
	_ =	strace $0x9FFFFFFF  }
0xd4: {  	(tm) =	ssettm $0x7FFFFFFF  }
0xd5: {  	_ =	shalt  }
tec
execute0_lowered:
.L_overlay_start_1:
0x0: {  	(tag) =	ssettag $0x1  }
0x1: {  	s0 =	rddreg [dreg:$0x0]  }
0x2: {  	s1 =	rddreg [dreg:$0x1]  }
0x3: {  	s2 =	rddreg [dreg:$0x2]  }
0x4: {  	s3 =	rddreg [dreg:$0x3]  }
0x5: {  	s4 =	rddreg [dreg:$0x6]  }
0x6: {  	s5 =	rddreg [dreg:$0x7]  }
0x7: {  	s6 =	rddreg [dreg:$0x8];
	s7 =	srdreg.scid  }
0x8: {  	s8 =	stileid.u32;
	s11 =	simm.s32 $0x0;
	s16 =	simm.s32 $0x3  }
0x9: {  	s19 =	simm.s32 $0x1;
	s7 =	sand.u32 $0x1, s7;
	s8 =	sshll.u32 s8, $0x1  }
0xa: {  	s20 =	simm.s32 $0x1A000;
	s21 =	simm.s32 $0x1A700;
	s10 =	sor.u32 s7, s8  }
0xb: {  	s22 =	simm.s32 $0xD000;
	s23 =	simm.s32 $0x1A380;
	s8 =	smul.u32 $0x1E0, s10  }
0xc: {  	s24 =	simm.s32 $0x1A800;
	[smem:$0x7FF] =	sst s11;
	s9 =	ssub.s32 $0x2, s7  }
0xd: {  	_ =	strace $0x80000047;
	[dreg:$0xa] =	wrdreg s10;
	s3 =	sadd.s32 s3, s8  }
.Ltmp0:
0xe: {  	s28 =	sadd.s32 s4, s8;
	[dreg:$0xb] =	wrdreg s3;
	(pc) =	sbr.rel .LBB2_1-.Ltmp0, $4  }
0xf: {  	s26 =	sshrl.u32 s9, $0x1;
	s29 =	sadd.s32 s5, s8;
	[dreg:$0xc] =	wrdreg s28  }
0x10: {  	s7 =	ssub.s32 s9, s26;
	s30 =	sadd.s32 s6, s8;
	[dreg:$0xd] =	wrdreg s29  }
0x11: {  	s25 =	simm.s32 $0x2;
	s31 =	smax.u32 s7, $0x1;
	[dreg:$0xe] =	wrdreg s30  }
0x12: {  	v0 =	vimm.f32 $0.0e+00;
	s10 =	sshll.u32 s10, $0x6;
	s5 =	simm.s32 $0x0;
	[dreg:$0xf] =	wrdreg s31  }
.LBB2_15:
0x13: {  	_ =	swait.ge [sflag:s19], $0xD000  }
0x14: {  	[sflag:s19] =	ssyncset.done $0x0  }
0x15: {  	[sflag:s19] =	ssyncadd.s32 $0xFFFF3000  }
0x16: {  	_ =	swait.ge [sflag:s19], $0x340  }
0x17: {  	[sflag:s19] =	ssyncset.done $0x0  }
0x18: {  	[sflag:s19] =	ssyncadd.s32 $0xFFFFFCC0  }
0x19: {  	_ =	swait.ge [sflag:s19], $0xD0  }
0x1a: {  	s11 =	simm.s32 $0x0;
	[sflag:s19] =	ssyncset.done $0x0  }
0x1b: {  	s4 =	simm.s32 $0x1BB80;
	s3 =	rddreg [dreg:$0xc];
	[sflag:s19] =	ssyncadd.s32 $0xFFFFFF30  }
0x1c: {  	[hbm4b:s3+s11] =	stream.linear.scatter [tilespmem:s4], [sflag:$0x3], $0xF00, $0x38;
	[tilespmem:$0x1EA00] =	vst v63  }
0x1d: {  	_ =	swait.ge [sflag:s16], $0xF00  }
0x1e: {  	[sflag:s16] =	ssyncset.done $0x0  }
0x1f: {  	s28 =	simm.s32 $0x1CB00;
	s26 =	rddreg [dreg:$0xd];
	[sflag:s16] =	ssyncadd.s32 $0xFFFFF100  }
0x20: {  	[hbm4b:s26+s11] =	stream.linear.scatter [tilespmem:s28], [sflag:$0x3], $0xF00, $0x38;
	[tilespmem:$0x1EA00] =	vst v63  }
0x21: {  	_ =	swait.ge [sflag:s16], $0xF00  }
0x22: {  	[sflag:s16] =	ssyncset.done $0x0  }
0x23: {  	s30 =	simm.s32 $0x1DA80;
	s29 =	rddreg [dreg:$0xe];
	[sflag:s16] =	ssyncadd.s32 $0xFFFFF100  }
0x24: {  	[hbm4b:s29+s11] =	stream.linear.scatter [tilespmem:s30], [sflag:$0x3], $0xF00, $0x38;
	[tilespmem:$0x1EA00] =	vst v63  }
0x25: {  	_ =	swait.ge [sflag:s16], $0xF00  }
0x26: {  	s5 =	sadd.s32 $0x1, s5;
	s31 =	rddreg [dreg:$0xf]  }
0x27: {  	p0 =	sne.s32 s5, s31  }
.Ltmp1:
0x28: {  	_ = 	snop;
	(pc) =	sbr.rel @!p0 .LBB2_16-.Ltmp1, $3  }
0x29: {  	_ =	sdelay $0x1  }
0x2a: {  	[sflag:s16] =	ssyncset.done $0x0  }
0x2b: {  	[sflag:s16] =	ssyncadd.s32 $0xFFFFF100  }
.LBB2_1:
0x2c: {  	[dreg:$0x10] =	wrdreg s5  }
0x2d: {  	s3 =	rddreg [dreg:$0x4];
	s4 =	simm.s32 $0x1B880  }
0x2e: {  	[tilespmem:s4], [sflag:$0x3] =	stream.linear.gather [hbm4b:s3+s11], $0x80, $0x38;
	[tilespmem:$0x1EA00] =	vst v63  }
0x2f: {  	_ =	swait.ge [sflag:s16], $0x80  }
0x30: {  	[sflag:s16] =	ssyncset.done $0x0  }
0x31: {  	s29 =	simm.s32 $0x1A900;
	s28 =	rddreg [dreg:$0xb];
	[sflag:s16] =	ssyncadd.s32 $0xFFFFFF80  }
0x32: {  	[tilespmem:s29], [sflag:$0x3] =	stream.linear.gather [hbm4b:s28+s11], $0xF00, $0x38;
	[tilespmem:$0x1EA00] =	vst v63  }
0x33: {  	_ =	swait.ge [sflag:s16], $0xF00  }
0x34: {  	[sflag:s16] =	ssyncset.done $0x0  }
0x35: {  	[sflag:s16] =	ssyncadd.s32 $0xFFFFF100  }
0x36: {  	s31 =	simm.s32 $0x1B900;
	s30 =	rddreg [dreg:$0x5]  }
0x37: {  	[tilespmem:s31], [sflag:$0x3] =	stream.linear.gather [hbm4b:s30+s11], $0x80, $0x38;
	[tilespmem:$0x1EA00] =	vst v63  }
0x38: {  	_ =	swait.ge [sflag:s16], $0x80  }
0x39: {  	[sflag:s16] =	ssyncset.done $0x0  }
0x3a: {  	[sflag:s16] =	ssyncadd.s32 $0xFFFFFF80  }
0x3b: {  	[tilespmem:$0x1B980] =	vst v0  }
0x3c: {  	[tilespmem:$0x1B990] =	vst v0  }
0x3d: {  	[tilespmem:$0x1B9A0] =	vst v0  }
0x3e: {  	[tilespmem:$0x1B9B0] =	vst v0  }
0x3f: {  	[tilespmem:$0x1B9C0] =	vst v0  }
0x40: {  	[tilespmem:$0x1B9D0] =	vst v0  }
0x41: {  	[tilespmem:$0x1B9E0] =	vst v0  }
0x42: {  	[tilespmem:$0x1B9F0] =	vst v0  }
0x43: {  	[tilespmem:$0x1BA00] =	vst v0  }
0x44: {  	[tilespmem:$0x1BA10] =	vst v0  }
0x45: {  	[tilespmem:$0x1BA20] =	vst v0  }
0x46: {  	[tilespmem:$0x1BA30] =	vst v0  }
0x47: {  	[tilespmem:$0x1BA40] =	vst v0  }
0x48: {  	[tilespmem:$0x1BA50] =	vst v0  }
0x49: {  	[tilespmem:$0x1BA60] =	vst v0  }
0x4a: {  	[tilespmem:$0x1BA70] =	vst v0  }
0x4b: {  	[tilespmem:$0x1BA80] =	vst v0  }
0x4c: {  	[tilespmem:$0x1BA90] =	vst v0  }
0x4d: {  	[tilespmem:$0x1BAA0] =	vst v0  }
0x4e: {  	[tilespmem:$0x1BAB0] =	vst v0  }
0x4f: {  	[tilespmem:$0x1BAC0] =	vst v0  }
0x50: {  	[tilespmem:$0x1BAD0] =	vst v0  }
0x51: {  	[tilespmem:$0x1BAE0] =	vst v0  }
0x52: {  	[tilespmem:$0x1BAF0] =	vst v0  }
0x53: {  	[tilespmem:$0x1BB00] =	vst v0  }
0x54: {  	[tilespmem:$0x1BB10] =	vst v0  }
0x55: {  	[tilespmem:$0x1BB20] =	vst v0  }
0x56: {  	s3 =	simm.s32 $0x40;
	s4 =	simm.s32 $0x0;
	[tilespmem:$0x1BB30] =	vst v0  }
.LBB2_2:
0x57: {  	p0 =	sne.s32 s3, $0x3C00;
	[tilespmem:s4+$0x1DA80] =	vst v0;
	s5 =	smov.u32 s3;
	s3 =	sadd.s32 $0x40, s3  }
.Ltmp2:
0x58: {  	[tilespmem:s4+$0x1BB80] =	vst v0;
	(pc) =	sbr.rel @p0 .LBB2_2-.Ltmp2, $2  }
0x59: {  	[tilespmem:s4+$0x1CB00] =	vst v0;
	_ =	sdelay $0x2  }
0x5a: {  	s4 =	sshra.s32 s5, $0x2  }
0x5b: {  	[tilespmem:s4+$0x1DA80] =	vst v0  }
0x5c: {  	[tilespmem:s4+$0x1BB80] =	vst v0  }
0x5d: {  	[tilespmem:s4+$0x1CB00] =	vst v0;
	s3 =	rddreg [dreg:$0xa]  }
0x5e: {  	v1 =	vld [tilespmem:s3+$0x1B880];
	_ =	sdelay $0x4  }
0x5f: {  	(v2sf) =	vpush v1, $0x0  }
0x60: {  	(v2sf) =	vpush v1, $0x1;
	_ =	sdelay $0xd  }
0x61: {  	s18 =	spop (v2sf)  }
0x62: {  	s4 =	sand.u32 $0xFFFFFFF8, s18;
	s26 =	spop (v2sf)  }
0x63: {  	s3 =	ssub.s32 s26, s4  }
0x64: {  	s5 =	sadd.s32 $0xCF, s3  }
0x65: {  	s6 =	smulhi.u32 $0x4EC4EC4F, s5;
	s7 =	sshra.s32 s5, $0x1F  }
0x66: {  	s7 =	smul.u32 $0x4EC4EC4F, s7;
	_ =	sdelay $0x1  }
0x67: {  	s6 =	sadd.s32 s7, s6  }
0x68: {  	s7 =	sshrl.u32 s6, $0x1F;
	s6 =	sshra.s32 s6, $0x6  }
0x69: {  	s7 =	sadd.s32 s7, s6  }
0x6a: {  	p0 =	slt.s32 s4, $0x185D0;
	s8 =	smov.u32 s4;
	s6 =	smul.u32 $0xFFFFFF30, s7  }
0x6b: {  	s3 =	ssub.s32 $0xFFFFFF31, s3;
	s8 =	simm.s32 @!p0 $0x185D0;
	p1 =	slt.s32 s5, $0x1  }
0x6c: {  	v3 =	vld [tilespmem:$0x1B910];
	s28 =	sshll.u32 s8, $0x5;
	s5 =	simm.s32 $0x1;
	p6 =	sne.s32 s6, s3  }
0x6d: {  	v25 =	vimm.f32 $0.0e+00;
	v16 =	vimm.f32 $0.0e+00;
	v24 =	vimm.f32 $0.0e+00;
	v2 =	vld [tilespmem:$0x1B920];
	s29 =	sshrl.u32 s8, $0x1;
	s3 =	sand.u32 $0x1FFFFF00, s28;
	p0 =	por !p1, !p6  }
0x6e: {  	v30 =	vimm.f32 $0.0e+00;
	v31 =	vimm.f32 $0.0e+00;
	v18 =	vimm.f32 $0.0e+00;
	v26 =	vld [tilespmem:$0x1B930];
	s6 =	simm.s32 $0x0;
	s3 =	sadd.s32 s1, s3;
	p0 =	por !p0, !p0  }
0x6f: {  	v28 =	vimm.f32 $0.0e+00;
	v32 =	vimm.f32 $0.0e+00;
	v34 =	vimm.f32 $0.0e+00;
	v1 =	vld [tilespmem:$0x1B900];
	[tilespmem:s6], [sflag:$0x1] =	stream.linear.gather [hbm4b:s3+s6], $0xD000, $0x38  }
0x70: {  	v17 =	vimm.f32 $0.0e+00;
	v27 =	vimm.f32 $0.0e+00;
	v33 =	vimm.f32 $0.0e+00;
	s3 =	sand.u32 $0x1FFFFFFC, s29;
	s5 =	simm.s32 @!p0 $0x0  }
0x71: {  	v35 =	vimm.f32 $0.0e+00;
	v4 =	vimm.f32 $0.0e+00;
	v5 =	vimm.f32 $0.0e+00;
	s3 =	sadd.s32 s0, s3;
	s5 =	ssub.s32 s7, s5  }
0x72: {  	v12 =	vimm.f32 $0.0e+00;
	v14 =	vimm.f32 $0.0e+00;
	v6 =	vimm.f32 $0.0e+00;
	[tilespmem:s20], [sflag:$0x1] =	stream.linear.gather [hbm4b:s3+s6], $0x340, $0x38;
	[tilespmem:$0x1EA00] =	vst v63  }
.Ltmp3:
0x73: {  	v11 =	vimm.f32 $0.0e+00;
	v23 =	vimm.f32 $0.0e+00;
	v15 =	vimm.f32 $0.0e+00;
	s30 =	sshrl.u32 s8, $0x3;
	p0 =	sgt.s32 s5, $0x1;
	(pc) =	sbr.rel .LBB2_4-.Ltmp3, $4  }
0x74: {  	v20 =	vimm.f32 $0.0e+00;
	v29 =	vimm.f32 $0.0e+00;
	v36 =	vimm.f32 $0.0e+00;
	s31 =	simm.s32 $0xFFFFFFFF;
	s3 =	sadd.s32 s2, s30;
	s5 =	simm.s32 @!p0 $0x1  }
0x75: {  	v37 =	vimm.f32 $0.0e+00;
	v7 =	vimm.f32 $0.0e+00;
	v8 =	vimm.f32 $0.0e+00;
	[tilespmem:s21], [sflag:$0x1] =	stream.linear.gather [hbm4b:s3+s6], $0xD0, $0x38;
	[tilespmem:$0x1EA00] =	vst v63  }
0x76: {  	v13 =	vimm.f32 $0.0e+00;
	v19 =	vimm.f32 $0.0e+00;
	v9 =	vimm.f32 $0.0e+00;
	s17 =	simm.s32 $0x0;
	s18 =	simm.f32 $0.0e+00;
	s5 =	sadd.s32 $0x1, s5  }
0x77: {  	v10 =	vimm.f32 $0.0e+00;
	v21 =	vimm.f32 $0.0e+00;
	v22 =	vimm.f32 $0.0e+00;
	s15 =	sadd.s32 $0x1A0, s4;
	s3 =	sshrl.u32 s5, $0x1;
	s5 =	sadd.s32 $0xD0, s4  }
.LBB2_12:
0x78: {  	s17 =	sadd.s32 $0x1, s17  }
0x79: {  	p0 =	sne.s32 s17, s3  }
.Ltmp4:
0x7a: {  	_ = 	snop;
	(pc) =	sbr.rel @!p0 .LBB2_13-.Ltmp4, $1  }
0x7b: {  	_ =	sdelay $0x3  }
.LBB2_4:
0x7c: {  	_ =	swait.ge [sflag:s19], $0xD000  }
0x7d: {  	s29 =	smul.u32 $0x1A0, s17;
	[sflag:s19] =	ssyncset.done $0x0  }
0x7e: {  	[sflag:s19] =	ssyncadd.s32 $0xFFFF3000  }
0x7f: {  	s28 =	sadd.s32 s29, s5;
	_ =	swait.ge [sflag:s19], $0x340  }
0x80: {  	p0 =	slt.s32 s28, $0x185D0;
	s26 =	smov.u32 s28;
	[sflag:s19] =	ssyncset.done $0x0  }
0x81: {  	s26 =	simm.s32 @!p0 $0x185D0;
	[sflag:s19] =	ssyncadd.s32 $0xFFFFFCC0  }
0x82: {  	s7 =	sshll.u32 s26, $0x5;
	_ =	swait.ge [sflag:s19], $0xD0  }
0x83: {  	s7 =	sand.u32 $0x1FFFFF00, s7;
	[sflag:s19] =	ssyncset.done $0x0  }
0x84: {  	s30 =	sshrl.u32 s26, $0x1;
	s7 =	sadd.s32 s1, s7;
	[sflag:s19] =	ssyncadd.s32 $0xFFFFFF30  }
0x85: {  	[tilespmem:s22], [sflag:$0x2] =	stream.linear.gather [hbm4b:s7+s6], $0xD000, $0x38;
	[tilespmem:$0x1EA00] =	vst v63  }
0x86: {  	s7 =	sand.u32 $0x1FFFFFFC, s30  }
0x87: {  	s7 =	sadd.s32 s0, s7  }
0x88: {  	[tilespmem:s23], [sflag:$0x2] =	stream.linear.gather [hbm4b:s7+s6], $0x340, $0x38;
	[tilespmem:$0x1EA00] =	vst v63  }
.Ltmp5:
0x89: {  	s11 =	simm.s32 $0x1A000;
	s8 =	sadd.s32 s4, s29;
	(pc) =	sbr.rel .LBB2_5-.Ltmp5, $4  }
0x8a: {  	p0 =	slt.s32 s8, $0x185D0;
	s9 =	sshrl.u32 s26, $0x3;
	s7 =	smov.u32 s8  }
0x8b: {  	s12 =	simm.s32 $0x1A700;
	s9 =	sadd.s32 s2, s9;
	s7 =	simm.s32 @!p0 $0x185D0  }
0x8c: {  	[tilespmem:s24], [sflag:$0x2] =	stream.linear.gather [hbm4b:s9+s6], $0xD0, $0x38;
	[tilespmem:$0x1EA00] =	vst v63  }
0x8d: {  	s13 =	simm.s32 $0x80;
	s14 =	simm.s32 $0x0;
	s9 =	ssub.s32 s8, s7  }
.LBB2_7:
0x8e: {  	p2 =	slt.u32 s8, $0x40;
	s7 =	simm.f32 $1.000000000e+00  }
0x8f: {  	s30 =	simm.f32 $1.000000000e+00;
	s7 =	simm.s32 @!p2 $0x0;
	p2 =	seq.s32 s8, s31  }
0x90: {  	s30 =	simm.s32 @!p2 $0x0  }
0x91: {  	s30 =	simm.s32 @p0 $0x3F800000  }
0x92: {  	v22 =	vmul.f32 s30, v22;
	v21 =	vmul.f32 s30, v21  }
0x93: {  	v10 =	vmul.f32 s30, v10;
	v9 =	vmul.f32 s30, v9  }
0x94: {  	v19 =	vmul.f32 s30, v19;
	v13 =	vmul.f32 s30, v13  }
0x95: {  	v8 =	vmul.f32 s30, v8;
	v7 =	vmul.f32 s30, v7  }
0x96: {  	v37 =	vmul.f32 s30, v37;
	v36 =	vmul.f32 s30, v36  }
0x97: {  	v29 =	vmul.f32 s30, v29;
	v20 =	vmul.f32 s30, v20  }
0x98: {  	v15 =	vmul.f32 s30, v15;
	v23 =	vmul.f32 s30, v23  }
0x99: {  	v38 =	vld [tilespmem:s11+$0x0];
	v11 =	vmul.f32 s30, v11;
	v6 =	vmul.f32 s30, v6  }
0x9a: {  	v39 =	vld [tilespmem:s13+$0xFFFFFF80];
	v14 =	vmul.f32 s30, v14;
	v12 =	vmul.f32 s30, v12  }
0x9b: {  	v42 =	vld [tilespmem:s13+$0xFFFFFF90];
	v5 =	vmul.f32 s30, v5;
	v4 =	vmul.f32 s30, v4  }
0x9c: {  	v44 =	vld [tilespmem:s13+$0xFFFFFFA0];
	v35 =	vmul.f32 s30, v35;
	v33 =	vmul.f32 s30, v33  }
0x9d: {  	v45 =	vld [tilespmem:s13+$0xFFFFFFB0];
	v27 =	vmul.f32 s30, v27;
	v17 =	vmul.f32 s30, v17  }
0x9e: {  	v46 =	vld [tilespmem:s13+$0xFFFFFFC0];
	v34 =	vmul.f32 s30, v34;
	v32 =	vmul.f32 s30, v32  }
0x9f: {  	v47 =	vld [tilespmem:s13+$0xFFFFFFD0];
	v28 =	vmul.f32 s30, v28;
	v18 =	vmul.f32 s30, v18  }
0xa0: {  	p1 =	sge.s32 s14, s9;
	v48 =	vld [tilespmem:s13+$0xFFFFFFE0];
	v31 =	vmul.f32 s30, v31;
	v30 =	vmul.f32 s30, v30  }
0xa1: {  	v49 =	vld [tilespmem:s13+$0xFFFFFFF0];
	s7 =	simm.s32 @!p1 $0x0;
	v24 =	vmul.f32 s30, v24;
	v16 =	vmul.f32 s30, v16  }
0xa2: {  	v50 =	vld [tilespmem:s13+$0x0];
	v25 =	vmul.f32 s30, v25;
	v40 =	vmul.f32 s7, v38  }
0xa3: {  	v51 =	vld [tilespmem:s13+$0x10];
	v41 =	vbroadcast v38, $0x1;
	v43 =	vbroadcast v38, $0x2  }
0xa4: {  	v39 =	vmul.f32 s7, v39;
	v42 =	vmul.f32 s7, v42  }
0xa5: {  	v44 =	vmul.f32 s7, v44;
	v45 =	vmul.f32 s7, v45  }
0xa6: {  	v61 =	vmul.f32 s7, v46;
	v62 =	vmul.f32 s7, v47  }
0xa7: {  	v52 =	vld [tilespmem:s13+$0x60];
	v63 =	vmul.f32 s7, v48;
	v56 =	vmul.f32 s7, v49  }
0xa8: {  	v57 =	vmul.f32 s7, v50;
	v58 =	vmul.f32 s7, v51  }
0xa9: {  	v38 =	vmul.f32 v38, v26;
	v40 =	vbroadcast v40, $0x0  }
0xaa: {  	v46 =	vld [tilespmem:s13+$0x20];
	v41 =	vmul.f32 s7, v41;
	v22 =	vadd.f32 v39, v22;
	v21 =	vadd.f32 v42, v21  }
0xab: {  	v47 =	vld [tilespmem:s13+$0x30];
	v43 =	vmul.f32 s7, v43;
	v10 =	vadd.f32 v44, v10;
	v9 =	vadd.f32 v45, v9  }
0xac: {  	v48 =	vld [tilespmem:s13+$0x40];
	v19 =	vadd.f32 v61, v19;
	v13 =	vadd.f32 v62, v13;
	v44 =	vmul.f32 s7, v52  }
0xad: {  	v49 =	vld [tilespmem:s13+$0x50];
	v8 =	vadd.f32 v63, v8;
	v38 =	vmul.f32 s7, v38;
	v53 =	vmul.f32 v40, v1  }
0xae: {  	v7 =	vadd.f32 v56, v7;
	v62 =	vmul.f32 v41, v3;
	v55 =	vmul.f32 v43, v2  }
0xaf: {  	v54 =	vld [tilespmem:s13+$0x70];
	v37 =	vadd.f32 v57, v37;
	v63 =	vmul.f32 v40, v2;
	v56 =	vmul.f32 v41, v1  }
0xb0: {  	v36 =	vadd.f32 v58, v36;
	v57 =	vmul.f32 v41, v2;
	v59 =	vmul.f32 s7, v46  }
0xb1: {  	v11 =	vadd.f32 v44, v11;
	v60 =	vmul.f32 s7, v47;
	v61 =	vmul.f32 s7, v48  }
0xb2: {  	v25 =	vadd.f32 v38, v25;
	v42 =	vmul.f32 s7, v49;
	v58 =	vmul.f32 v46, v41  }
0xb3: {  	v45 =	vadd.f32 v62, v53;
	v39 =	vadd.f32 v56, v63;
	v62 =	vmul.f32 v43, v1  }
0xb4: {  	v63 =	vmul.f32 s7, v54;
	v56 =	vmul.f32 v50, v41;
	v29 =	vadd.f32 v59, v29  }
0xb5: {  	v20 =	vadd.f32 v60, v20;
	v15 =	vadd.f32 v61, v15;
	v60 =	vmul.f32 v40, v3  }
0xb6: {  	v61 =	vmul.f32 v43, v3;
	v23 =	vadd.f32 v42, v23;
	v28 =	vadd.f32 v58, v28  }
0xb7: {  	v59 =	vmul.f32 v47, v41;
	v45 =	vadd.f32 v45, v55;
	v6 =	vadd.f32 v63, v6  }
0xb8: {  	v55 =	vmul.f32 v46, v40;
	v34 =	vadd.f32 v56, v34;
	v63 =	vmul.f32 v47, v43  }
0xb9: {  	v53 =	vadd.f32 v57, v60;
	v39 =	vadd.f32 v39, v61;
	v57 =	vmul.f32 v51, v41  }
0xba: {  	v60 =	vmul.f32 v50, v43;
	v61 =	vmul.f32 v51, v43;
	v18 =	vadd.f32 v59, v18  }
0xbb: {  	v48 =	vmul.f32 v48, v45;
	v27 =	vadd.f32 v55, v27;
	v16 =	vadd.f32 v63, v16  }
0xbc: {  	s14 =	sadd.s32 $0x1, s14;
	v53 =	vadd.f32 v53, v62;
	v39 =	vmul.f32 v49, v39;
	v32 =	vadd.f32 v57, v32  }
0xbd: {  	p0 =	sne.s32 s14, $0xD0;
	v62 =	vmul.f32 v46, v43;
	v31 =	vadd.f32 v60, v31;
	v30 =	vadd.f32 v61, v30  }
.Ltmp6:
0xbe: {  	v14 =	vadd.f32 v48, v14;
	v49 =	vmul.f32 v52, v53;
	v52 =	vmul.f32 v54, v45;
	(pc) =	sbr.rel @!p0 .LBB2_8-.Ltmp6, $4  }
0xbf: {  	v53 =	vmul.f32 v50, v40;
	v12 =	vadd.f32 v39, v12;
	v54 =	vmul.f32 v51, v40  }
0xc0: {  	s18 =	smul.f32 s30, s18;
	v40 =	vmul.f32 v47, v40;
	v24 =	vadd.f32 v62, v24;
	v5 =	vadd.f32 v49, v5  }
0xc1: {  	s11 =	sadd.s32 $0x4, s11;
	s12 =	sadd.s32 $0x1, s12;
	v4 =	vadd.f32 v52, v4;
	v35 =	vadd.f32 v53, v35  }
0xc2: {  	s31 =	smov.u32 @p1 s8;
	s13 =	sadd.s32 $0x100, s13;
	s18 =	sadd.f32 s18, s7;
	v33 =	vadd.f32 v54, v33;
	v17 =	vadd.f32 v40, v17  }
.LBB2_5:
0xc3: {  	v38 =	vld [tilespmem:s12+$0x0];
	_ =	sdelay $0x4  }
0xc4: {  	(v2sf) =	vpush v38, $0x0;
	_ =	sdelay $0xd  }
0xc5: {  	p0 =	slt.s32 s14, s9  }
0xc6: {  	p1 =	sgt.u32 @!p0 s31, $0x3F;
	s7 =	spop (v2sf)  }
0xc7: {  	p1 =	por p0, p1;
	s8 =	ssub.s32 s7, s10  }
0xc8: {  	p2 =	seq.s32 @!p1 s8, s31  }
0xc9: {  	p1 =	por p1, p2  }
.Ltmp7:
0xca: {  	_ = 	snop;
	(pc) =	sbr.rel @p1 .LBB2_7-.Ltmp7, $1  }
0xcb: {  	_ =	sdelay $0x3  }
0xcc: {  	[tilespmem:$0x1B9E0] =	vst v34  }
0xcd: {  	v38 =	vmov s18;
	[tilespmem:$0x1BA30] =	vst v31  }
0xce: {  	[tilespmem:$0x1B9F0] =	vst v32;
	v38 =	vmax.f32 v38, $1.000000000e+00  }
0xcf: {  	[tilespmem:$0x1BA40] =	vst v30;
	v42 =	vld [tilespmem:$0x1B9E2];
	v38 =	vbroadcast v38, $0x0  }
0xd0: {  	[tilespmem:$0x1B990] =	vst v35;
	v43 =	vld [tilespmem:$0x1BA31]  }
0xd1: {  	[tilespmem:$0x1B9A0] =	vst v33;
	v44 =	vld [tilespmem:$0x1BA2F];
	(erf) = vrcp.f32 v38  }
0xd2: {  	v45 =	vld [tilespmem:$0x1B991]  }
0xd3: {  	v46 =	vld [tilespmem:$0x1B98F]  }
0xd4: {  	v47 =	vld [tilespmem:$0x1B9DE]  }
0xd5: {  	[tilespmem:$0x1BA00] =	vst v28  }
0xd6: {  	[tilespmem:$0x1BA50] =	vst v24;
	v53 =	vld [tilespmem:$0x1B9F2]  }
0xd7: {  	[tilespmem:$0x1BA80] =	vst v37;
	v54 =	vld [tilespmem:$0x1BA41];
	v42 =	vsub.f32 v42, v43;
	v44 =	vsub.f32 v44, v45  }
0xd8: {  	[tilespmem:$0x1BA90] =	vst v36  }
0xd9: {  	v48 =	vld [tilespmem:$0x1BA81];
	v46 =	vsub.f32 v46, v47;
	v42 =	vmul.f32 v42, v1;
	v44 =	vmul.f32 v44, v3  }
0xda: {  	v49 =	vld [tilespmem:$0x1BA7F];
	v38 =	vpop (erf)  }
0xdb: {  	[tilespmem:$0x1B9B0] =	vst v27;
	v50 =	vld [tilespmem:$0x1BA82];
	v46 =	vmul.f32 v46, v2;
	v42 =	vadd.f32 v44, v42;
	v38 =	vmul.f32 v25, v38  }
0xdc: {  	[tilespmem:$0x1B9C0] =	vst v17;
	v53 =	vsub.f32 v53, v54;
	v54 =	vld [tilespmem:$0x1BA4F]  }
0xdd: {  	[tilespmem:$0x1BAA0] =	vst v29;
	v42 =	vadd.f32 v46, v42;
	v46 =	vld [tilespmem:$0x1B9B1];
	v40 =	vbroadcast v38, $0x0;
	v41 =	vbroadcast v38, $0x1  }
0xde: {  	v47 =	vld [tilespmem:$0x1BA92];
	v39 =	vbroadcast v38, $0x2  }
0xdf: {  	v52 =	vld [tilespmem:$0x1BA7E];
	v61 =	vmul.f32 v40, v1;
	v51 =	vmul.f32 v41, v3  }
0xe0: {  	v55 =	vld [tilespmem:$0x1BA3F];
	v62 =	vmul.f32 v39, v2;
	v50 =	vmul.f32 v50, v41  }
0xe1: {  	v56 =	vadd.f32 v14, v22;
	v58 =	vld [tilespmem:$0x1B99F];
	v57 =	vmul.f32 v48, v39;
	v43 =	vmul.f32 v49, v39  }
0xe2: {  	v59 =	vld [tilespmem:$0x1B9EE];
	v46 =	vsub.f32 v54, v46;
	v48 =	vmul.f32 v48, v40;
	v44 =	vmul.f32 v40, v2  }
0xe3: {  	v47 =	vmul.f32 v47, v41;
	v38 =	vadd.f32 v51, v61;
	v51 =	vld [tilespmem:$0x1B9A1];
	v63 =	vsub.f32 v50, v57  }
0xe4: {  	v50 =	vld [tilespmem:$0x1BA91];
	v43 =	vsub.f32 v43, v48;
	v57 =	vmul.f32 v49, v40;
	v61 =	vmul.f32 v52, v41  }
0xe5: {  	v46 =	vmul.f32 v46, v2;
	v49 =	vld [tilespmem:$0x1BA8E];
	v38 =	vadd.f32 v38, v62;
	v45 =	vmul.f32 v63, v1  }
0xe6: {  	[tilespmem:$0x1BAB0] =	vst v20;
	v52 =	vld [tilespmem:$0x1BA8F];
	v43 =	vmul.f32 v43, v3;
	v48 =	vsub.f32 v57, v61;
	v57 =	vmul.f32 v41, v1  }
0xe7: {  	[tilespmem:$0x1BA10] =	vst v18;
	v58 =	vsub.f32 v58, v59;
	v59 =	vld [tilespmem:$0x1BAA2];
	v63 =	vmul.f32 v39, v3;
	v60 =	vmul.f32 v38, v15  }
0xe8: {  	[tilespmem:$0x1BA60] =	vst v16;
	v61 =	vld [tilespmem:$0x1BA02];
	v43 =	vadd.f32 v45, v43;
	v62 =	vmul.f32 v48, v2;
	v44 =	vadd.f32 v57, v44  }
0xe9: {  	v48 =	vld [tilespmem:$0x1BA51];
	v45 =	vmul.f32 v53, v2;
	v51 =	vsub.f32 v55, v51;
	v55 =	vmul.f32 v50, v39  }
0xea: {  	v53 =	vld [tilespmem:$0x1B9AF];
	v50 =	vmul.f32 v50, v40;
	v49 =	vmul.f32 v49, v41;
	v56 =	vsub.f32 v56, v60  }
0xeb: {  	v57 =	vld [tilespmem:$0x1B9FE];
	v43 =	vadd.f32 v62, v43;
	v44 =	vadd.f32 v44, v63;
	v62 =	vmul.f32 v52, v39  }
0xec: {  	v60 =	vadd.f32 v12, v21;
	v63 =	vld [tilespmem:$0x1BAA1];
	v52 =	vmul.f32 v52, v40;
	v51 =	vmul.f32 v51, v1  }
0xed: {  	v47 =	vsub.f32 v47, v55;
	v55 =	vld [tilespmem:$0x1BA9F];
	v50 =	vsub.f32 v62, v50;
	v44 =	vmul.f32 v44, v23  }
0xee: {  	v62 =	vmul.f32 v58, v3;
	v58 =	vld [tilespmem:$0x1BA9E];
	v49 =	vsub.f32 v52, v49;
	v42 =	vsub.f32 v42, v43  }
0xef: {  	v52 =	vld [tilespmem:$0x1BA12];
	v45 =	vadd.f32 v51, v45;
	v47 =	vmul.f32 v47, v2;
	v51 =	vmul.f32 v59, v41  }
0xf0: {  	v53 =	vsub.f32 v53, v57;
	v57 =	vld [tilespmem:$0x1BA0E];
	v50 =	vmul.f32 v50, v1;
	v49 =	vmul.f32 v49, v3  }
0xf1: {  	v43 =	vsub.f32 v60, v44;
	v44 =	vld [tilespmem:$0x1BA61];
	v42 =	vmul.f32 $5.000000000e-01, v42;
	v59 =	vmul.f32 v63, v39  }
0xf2: {  	v48 =	vsub.f32 v61, v48;
	v60 =	vld [tilespmem:$0x1B9C1];
	v61 =	vmul.f32 v63, v40;
	v54 =	vmul.f32 v55, v39  }
0xf3: {  	v45 =	vadd.f32 v62, v45;
	v62 =	vld [tilespmem:$0x1B9BF];
	v63 =	vmul.f32 v40, v3;
	v47 =	vadd.f32 v47, v50  }
0xf4: {  	v48 =	vmul.f32 v48, v3;
	v51 =	vsub.f32 v51, v59;
	v59 =	vld [tilespmem:$0x1BAB1];
	v54 =	vsub.f32 v54, v61  }
0xf5: {  	v53 =	vmul.f32 v53, v1;
	v42 =	vadd.f32 v42, v19;
	v47 =	vadd.f32 v49, v47;
	v61 =	vld [tilespmem:$0x1BAB2]  }
0xf6: {  	v46 =	vadd.f32 v46, v48;
	v48 =	vmul.f32 v51, v3;
	v51 =	vmul.f32 v54, v2;
	v54 =	vld [tilespmem:$0x1BAAF]  }
0xf7: {  	v50 =	vld [tilespmem:$0x1BA5F];
	v49 =	vmul.f32 v41, v2;
	v44 =	vsub.f32 v52, v44;
	v45 =	vsub.f32 v45, v47  }
0xf8: {  	v47 =	vmul.f32 v55, v40;
	v55 =	vmul.f32 v58, v41;
	v58 =	vld [tilespmem:$0x1BAAE];
	v57 =	vsub.f32 v62, v57  }
0xf9: {  	v49 =	vadd.f32 v49, v63;
	v44 =	vmul.f32 v44, v1;
	v52 =	vmul.f32 v59, v39  }
0xfa: {  	v47 =	vsub.f32 v47, v55;
	v63 =	vmul.f32 v59, v40;
	v57 =	vmul.f32 v57, v2  }
0xfb: {  	v48 =	vadd.f32 v48, v51;
	v51 =	vmul.f32 v61, v41;
	v61 =	vmul.f32 v54, v39  }
0xfc: {  	v50 =	vsub.f32 v50, v60;
	v62 =	vmul.f32 v47, v1;
	v40 =	vmul.f32 v54, v40  }
0xfd: {  	v41 =	vmul.f32 v58, v41;
	v51 =	vsub.f32 v51, v52;
	v60 =	vsub.f32 v61, v63  }
0xfe: {  	v46 =	vadd.f32 v53, v46;
	v39 =	vmul.f32 v39, v1;
	v63 =	vmul.f32 v50, v3  }
0xff: {  	v40 =	vsub.f32 v40, v41;
	v54 =	vmul.f32 v51, v1;
	v55 =	vmul.f32 v60, v3  }
0x100: {  	v61 =	vmul.f32 $5.000000000e-01, v45;
	v45 =	vadd.f32 v62, v48;
	v39 =	vadd.f32 v49, v39  }
0x101: {  	s7 =	smul.u32 $0x3C, s31;
	v44 =	vadd.f32 v63, v44;
	v40 =	vmul.f32 v40, v2;
	v58 =	vadd.f32 v54, v55  }
0x102: {  	v41 =	vadd.f32 v61, v13;
	v45 =	vsub.f32 v46, v45  }
0x103: {  	v59 =	vld [tilespmem:$0x1B940];
	[tilespmem:s7+$0x1BB80] =	vst v56;
	v61 =	vmul.f32 v42, v56;
	v44 =	vadd.f32 v57, v44;
	v40 =	vadd.f32 v40, v58  }
0x104: {  	[tilespmem:s7+$0x1CB00] =	vst v42;
	v62 =	vadd.f32 v5, v10;
	v60 =	vld [tilespmem:s7+$0x1BBB0]  }
0x105: {  	v39 =	vmul.f32 v39, v11;
	v63 =	vld [tilespmem:s7+$0x1CB30];
	v45 =	vmul.f32 $5.000000000e-01, v45;
	[tilespmem:$0x1BAD0] =	vst v61;
	v40 =	vsub.f32 v44, v40  }
0x106: {  	v38 =	vmul.f32 v38, v6;
	v51 =	vadd.f32 v4, v9;
	[tilespmem:s7+$0x1BB90] =	vst v43;
	v43 =	vmul.f32 v41, v43  }
0x107: {  	v39 =	vsub.f32 v62, v39;
	[tilespmem:s7+$0x1CB10] =	vst v41;
	v48 =	vadd.f32 v45, v8;
	v40 =	vmul.f32 $5.000000000e-01, v40  }
0x108: {  	[tilespmem:$0x1BAE0] =	vst v43  }
0x109: {  	v38 =	vsub.f32 v51, v38;
	[tilespmem:s7+$0x1BBA0] =	vst v39;
	v39 =	vmul.f32 v48, v39;
	v40 =	vadd.f32 v40, v7  }
0x10a: {  	vm0 =	vgt.f32 v59, $5.000000000e-01;
	[tilespmem:s7+$0x1CB20] =	vst v48  }
0x10b: {  	v38 =	vsel vm0, v38, v60;
	[tilespmem:$0x1BAF0] =	vst v39;
	v40 =	vsel vm0, v40, v63  }
0x10c: {  	[tilespmem:s7+$0x1BBB0] =	vst v38;
	v38 =	vmul.f32 v40, v38  }
0x10d: {  	[tilespmem:s7+$0x1CB30] =	vst v40  }
0x10e: {  	[tilespmem:$0x1BB00] =	vst v38  }
0x10f: {  	v52 =	vld [tilespmem:s7+$0x1A900];
	_ =	sdelay $0x4  }
0x110: {  	v41 =	vld [tilespmem:$0x1BAD1];
	v40 =	vmax.f32 v52, $1.000000000e+00  }
0x111: {  	(erf) = vrcp.f32 v40  }
0x112: {  	v53 =	vld [tilespmem:$0x1BAD2];
	_ =	sdelay $0x2  }
0x113: {  	v41 =	vadd.f32 v41, v61;
	_ =	sdelay $0x1  }
0x114: {  	v40 =	vadd.f32 v53, v41;
	_ =	sdelay $0x1  }
0x115: {  	v54 =	vld [tilespmem:s7+$0x1A910];
	v40 =	vmul.f32 $6.414135250e+03, v40  }
0x116: {  	v55 =	vpop (erf)  }
0x117: {  	v40 =	vmul.f32 v55, v40;
	_ =	sdelay $0x1  }
0x118: {  	[tilespmem:s7+$0x1DA80] =	vst v40  }
0x119: {  	v41 =	vmax.f32 v54, $1.000000000e+00;
	v40 =	vld [tilespmem:$0x1BAE1]  }
0x11a: {  	(erf) = vrcp.f32 v41  }
0x11b: {  	v56 =	vld [tilespmem:$0x1BAE2];
	_ =	sdelay $0x2  }
0x11c: {  	v40 =	vadd.f32 v40, v43;
	_ =	sdelay $0x1  }
0x11d: {  	v40 =	vadd.f32 v56, v40;
	_ =	sdelay $0x1  }
0x11e: {  	v57 =	vld [tilespmem:s7+$0x1A920];
	v40 =	vmul.f32 $6.414135250e+03, v40  }
0x11f: {  	v58 =	vpop (erf)  }
0x120: {  	v40 =	vmul.f32 v58, v40;
	_ =	sdelay $0x1  }
0x121: {  	[tilespmem:s7+$0x1DA90] =	vst v40  }
0x122: {  	v41 =	vmax.f32 v57, $1.000000000e+00;
	v40 =	vld [tilespmem:$0x1BAF1]  }
0x123: {  	(erf) = vrcp.f32 v41  }
0x124: {  	v59 =	vld [tilespmem:$0x1BAF2];
	_ =	sdelay $0x2  }
0x125: {  	v39 =	vadd.f32 v40, v39;
	_ =	sdelay $0x1  }
0x126: {  	v39 =	vadd.f32 v59, v39;
	_ =	sdelay $0x1  }
0x127: {  	v60 =	vld [tilespmem:s7+$0x1A930];
	v39 =	vmul.f32 $6.414135250e+03, v39  }
0x128: {  	v61 =	vpop (erf)  }
0x129: {  	v39 =	vmul.f32 v61, v39;
	_ =	sdelay $0x1  }
0x12a: {  	[tilespmem:s7+$0x1DAA0] =	vst v39  }
0x12b: {  	v40 =	vmax.f32 v60, $1.000000000e+00;
	v39 =	vld [tilespmem:$0x1BB01]  }
0x12c: {  	(erf) = vrcp.f32 v40  }
0x12d: {  	v62 =	vld [tilespmem:$0x1BB02];
	_ =	sdelay $0x2  }
0x12e: {  	v38 =	vadd.f32 v39, v38;
	_ =	sdelay $0x1  }
0x12f: {  	v38 =	vadd.f32 v62, v38;
	_ =	sdelay $0x1  }
.Ltmp8:
0x130: {  	v38 =	vmul.f32 $6.414135250e+03, v38;
	(pc) =	sbr.rel .LBB2_7-.Ltmp8, $3  }
0x131: {  	v63 =	vpop (erf)  }
0x132: {  	v38 =	vmul.f32 v63, v38;
	_ =	sdelay $0x1  }
0x133: {  	[tilespmem:s7+$0x1DAB0] =	vst v38  }
.LBB2_8:
0x134: {  	_ =	swait.ge [sflag:s25], $0xD000  }
0x135: {  	[sflag:s25] =	ssyncset.done $0x0  }
0x136: {  	[sflag:s25] =	ssyncadd.s32 $0xFFFF3000  }
0x137: {  	s7 =	sadd.s32 s29, s15;
	_ =	swait.ge [sflag:s25], $0x340  }
0x138: {  	p0 =	slt.s32 s7, $0x185D0;
	[sflag:s25] =	ssyncset.done $0x0  }
0x139: {  	s7 =	simm.s32 @!p0 $0x185D0;
	[sflag:s25] =	ssyncadd.s32 $0xFFFFFCC0  }
0x13a: {  	s8 =	sshll.u32 s7, $0x5;
	_ =	swait.ge [sflag:s25], $0xD0  }
0x13b: {  	s29 =	simm.s32 $0x0;
	s8 =	sand.u32 $0x1FFFFF00, s8;
	[sflag:s25] =	ssyncset.done $0x0  }
0x13c: {  	s30 =	sshrl.u32 s7, $0x1;
	s8 =	sadd.s32 s1, s8;
	[sflag:s25] =	ssyncadd.s32 $0xFFFFFF30  }
0x13d: {  	[tilespmem:s29], [sflag:$0x1] =	stream.linear.gather [hbm4b:s8+s29], $0xD000, $0x38;
	[tilespmem:$0x1EA00] =	vst v63  }
.Ltmp9:
0x13e: {  	s9 =	ssub.s32 s28, s26;
	s8 =	sand.u32 $0x1FFFFFFC, s30;
	(pc) =	sbr.rel .LBB2_9-.Ltmp9, $4  }
0x13f: {  	s11 =	simm.s32 $0x1A380;
	s7 =	sshrl.u32 s7, $0x3;
	s8 =	sadd.s32 s0, s8  }
0x140: {  	[tilespmem:s20], [sflag:$0x1] =	stream.linear.gather [hbm4b:s8+s29], $0x340, $0x38;
	[tilespmem:$0x1EA00] =	vst v63  }
0x141: {  	s12 =	simm.s32 $0x1A800;
	s13 =	simm.s32 $0xD080;
	s7 =	sadd.s32 s2, s7  }
0x142: {  	[tilespmem:s21], [sflag:$0x1] =	stream.linear.gather [hbm4b:s7+s29], $0xD0, $0x38;
	[tilespmem:$0x1EA00] =	vst v63  }
.LBB2_11:
0x143: {  	p2 =	slt.u32 s8, $0x40;
	s7 =	simm.f32 $1.000000000e+00  }
0x144: {  	s14 =	simm.f32 $1.000000000e+00;
	s7 =	simm.s32 @!p2 $0x0;
	p2 =	seq.s32 s8, s31  }
0x145: {  	s14 =	simm.s32 @!p2 $0x0  }
0x146: {  	s14 =	simm.s32 @p0 $0x3F800000  }
0x147: {  	v22 =	vmul.f32 s14, v22;
	v21 =	vmul.f32 s14, v21  }
0x148: {  	v10 =	vmul.f32 s14, v10;
	v9 =	vmul.f32 s14, v9  }
0x149: {  	v19 =	vmul.f32 s14, v19;
	v13 =	vmul.f32 s14, v13  }
0x14a: {  	v8 =	vmul.f32 s14, v8;
	v7 =	vmul.f32 s14, v7  }
0x14b: {  	v37 =	vmul.f32 s14, v37;
	v36 =	vmul.f32 s14, v36  }
0x14c: {  	v29 =	vmul.f32 s14, v29;
	v20 =	vmul.f32 s14, v20  }
0x14d: {  	v15 =	vmul.f32 s14, v15;
	v23 =	vmul.f32 s14, v23  }
0x14e: {  	v38 =	vld [tilespmem:s11+$0x0];
	v11 =	vmul.f32 s14, v11;
	v6 =	vmul.f32 s14, v6  }
0x14f: {  	v39 =	vld [tilespmem:s13+$0xFFFFFF80];
	v14 =	vmul.f32 s14, v14;
	v12 =	vmul.f32 s14, v12  }
0x150: {  	v42 =	vld [tilespmem:s13+$0xFFFFFF90];
	v5 =	vmul.f32 s14, v5;
	v4 =	vmul.f32 s14, v4  }
0x151: {  	v44 =	vld [tilespmem:s13+$0xFFFFFFA0];
	v35 =	vmul.f32 s14, v35;
	v33 =	vmul.f32 s14, v33  }
0x152: {  	v45 =	vld [tilespmem:s13+$0xFFFFFFB0];
	v27 =	vmul.f32 s14, v27;
	v17 =	vmul.f32 s14, v17  }
0x153: {  	v46 =	vld [tilespmem:s13+$0xFFFFFFC0];
	v34 =	vmul.f32 s14, v34;
	v32 =	vmul.f32 s14, v32  }
0x154: {  	v47 =	vld [tilespmem:s13+$0xFFFFFFD0];
	v28 =	vmul.f32 s14, v28;
	v18 =	vmul.f32 s14, v18  }
0x155: {  	p1 =	sge.s32 s29, s9;
	v48 =	vld [tilespmem:s13+$0xFFFFFFE0];
	v31 =	vmul.f32 s14, v31;
	v30 =	vmul.f32 s14, v30  }
0x156: {  	v49 =	vld [tilespmem:s13+$0xFFFFFFF0];
	s7 =	simm.s32 @!p1 $0x0;
	v24 =	vmul.f32 s14, v24;
	v16 =	vmul.f32 s14, v16  }
0x157: {  	v50 =	vld [tilespmem:s13+$0x0];
	v25 =	vmul.f32 s14, v25;
	v40 =	vmul.f32 s7, v38  }
0x158: {  	v51 =	vld [tilespmem:s13+$0x10];
	v41 =	vbroadcast v38, $0x1;
	v43 =	vbroadcast v38, $0x2  }
0x159: {  	v39 =	vmul.f32 s7, v39;
	v42 =	vmul.f32 s7, v42  }
0x15a: {  	v44 =	vmul.f32 s7, v44;
	v45 =	vmul.f32 s7, v45  }
0x15b: {  	v61 =	vmul.f32 s7, v46;
	v62 =	vmul.f32 s7, v47  }
0x15c: {  	v52 =	vld [tilespmem:s13+$0x60];
	v63 =	vmul.f32 s7, v48;
	v56 =	vmul.f32 s7, v49  }
0x15d: {  	v57 =	vmul.f32 s7, v50;
	v58 =	vmul.f32 s7, v51  }
0x15e: {  	v38 =	vmul.f32 v38, v26;
	v40 =	vbroadcast v40, $0x0  }
0x15f: {  	v46 =	vld [tilespmem:s13+$0x20];
	v41 =	vmul.f32 s7, v41;
	v22 =	vadd.f32 v39, v22;
	v21 =	vadd.f32 v42, v21  }
0x160: {  	v47 =	vld [tilespmem:s13+$0x30];
	v43 =	vmul.f32 s7, v43;
	v10 =	vadd.f32 v44, v10;
	v9 =	vadd.f32 v45, v9  }
0x161: {  	v48 =	vld [tilespmem:s13+$0x40];
	v19 =	vadd.f32 v61, v19;
	v13 =	vadd.f32 v62, v13;
	v44 =	vmul.f32 s7, v52  }
0x162: {  	v49 =	vld [tilespmem:s13+$0x50];
	v8 =	vadd.f32 v63, v8;
	v38 =	vmul.f32 s7, v38;
	v53 =	vmul.f32 v40, v1  }
0x163: {  	v7 =	vadd.f32 v56, v7;
	v62 =	vmul.f32 v41, v3;
	v55 =	vmul.f32 v43, v2  }
0x164: {  	v54 =	vld [tilespmem:s13+$0x70];
	v37 =	vadd.f32 v57, v37;
	v63 =	vmul.f32 v40, v2;
	v56 =	vmul.f32 v41, v1  }
0x165: {  	v36 =	vadd.f32 v58, v36;
	v57 =	vmul.f32 v41, v2;
	v59 =	vmul.f32 s7, v46  }
0x166: {  	v11 =	vadd.f32 v44, v11;
	v60 =	vmul.f32 s7, v47;
	v61 =	vmul.f32 s7, v48  }
0x167: {  	v25 =	vadd.f32 v38, v25;
	v42 =	vmul.f32 s7, v49;
	v58 =	vmul.f32 v46, v41  }
0x168: {  	v45 =	vadd.f32 v62, v53;
	v39 =	vadd.f32 v56, v63;
	v62 =	vmul.f32 v43, v1  }
0x169: {  	v63 =	vmul.f32 s7, v54;
	v56 =	vmul.f32 v50, v41;
	v29 =	vadd.f32 v59, v29  }
0x16a: {  	v20 =	vadd.f32 v60, v20;
	v15 =	vadd.f32 v61, v15;
	v60 =	vmul.f32 v40, v3  }
0x16b: {  	v61 =	vmul.f32 v43, v3;
	v23 =	vadd.f32 v42, v23;
	v28 =	vadd.f32 v58, v28  }
0x16c: {  	v59 =	vmul.f32 v47, v41;
	v45 =	vadd.f32 v45, v55;
	v6 =	vadd.f32 v63, v6  }
0x16d: {  	v55 =	vmul.f32 v46, v40;
	v34 =	vadd.f32 v56, v34;
	v63 =	vmul.f32 v47, v43  }
0x16e: {  	v53 =	vadd.f32 v57, v60;
	v39 =	vadd.f32 v39, v61;
	v57 =	vmul.f32 v51, v41  }
0x16f: {  	v60 =	vmul.f32 v50, v43;
	v61 =	vmul.f32 v51, v43;
	v18 =	vadd.f32 v59, v18  }
0x170: {  	v48 =	vmul.f32 v48, v45;
	v27 =	vadd.f32 v55, v27;
	v16 =	vadd.f32 v63, v16  }
0x171: {  	s29 =	sadd.s32 $0x1, s29;
	v53 =	vadd.f32 v53, v62;
	v39 =	vmul.f32 v49, v39;
	v32 =	vadd.f32 v57, v32  }
0x172: {  	p0 =	sne.s32 s29, $0xD0;
	v62 =	vmul.f32 v46, v43;
	v31 =	vadd.f32 v60, v31;
	v30 =	vadd.f32 v61, v30  }
.Ltmp10:
0x173: {  	v14 =	vadd.f32 v48, v14;
	v49 =	vmul.f32 v52, v53;
	v52 =	vmul.f32 v54, v45;
	(pc) =	sbr.rel @!p0 .LBB2_12-.Ltmp10, $4  }
0x174: {  	v53 =	vmul.f32 v50, v40;
	v12 =	vadd.f32 v39, v12;
	v54 =	vmul.f32 v51, v40  }
0x175: {  	s18 =	smul.f32 s14, s18;
	v40 =	vmul.f32 v47, v40;
	v24 =	vadd.f32 v62, v24;
	v5 =	vadd.f32 v49, v5  }
0x176: {  	s11 =	sadd.s32 $0x4, s11;
	s12 =	sadd.s32 $0x1, s12;
	v4 =	vadd.f32 v52, v4;
	v35 =	vadd.f32 v53, v35  }
0x177: {  	s31 =	smov.u32 @p1 s8;
	s13 =	sadd.s32 $0x100, s13;
	s18 =	sadd.f32 s18, s7;
	v33 =	vadd.f32 v54, v33;
	v17 =	vadd.f32 v40, v17  }
.LBB2_9:
0x178: {  	v38 =	vld [tilespmem:s12+$0x0];
	_ =	sdelay $0x4  }
0x179: {  	(v2sf) =	vpush v38, $0x0;
	_ =	sdelay $0xd  }
0x17a: {  	p0 =	slt.s32 s29, s9  }
0x17b: {  	p1 =	sgt.u32 @!p0 s31, $0x3F;
	s7 =	spop (v2sf)  }
0x17c: {  	p1 =	por p0, p1;
	s8 =	ssub.s32 s7, s10  }
0x17d: {  	p2 =	seq.s32 @!p1 s8, s31  }
0x17e: {  	p1 =	por p1, p2  }
.Ltmp11:
0x17f: {  	_ = 	snop;
	(pc) =	sbr.rel @p1 .LBB2_11-.Ltmp11, $1  }
0x180: {  	_ =	sdelay $0x3  }
0x181: {  	[tilespmem:$0x1B9E0] =	vst v34  }
0x182: {  	v38 =	vmov s18;
	[tilespmem:$0x1BA30] =	vst v31  }
0x183: {  	[tilespmem:$0x1B9F0] =	vst v32;
	v38 =	vmax.f32 v38, $1.000000000e+00  }
0x184: {  	[tilespmem:$0x1BA40] =	vst v30;
	v42 =	vld [tilespmem:$0x1B9E2];
	v38 =	vbroadcast v38, $0x0  }
0x185: {  	[tilespmem:$0x1B990] =	vst v35;
	v43 =	vld [tilespmem:$0x1BA31]  }
0x186: {  	[tilespmem:$0x1B9A0] =	vst v33;
	v44 =	vld [tilespmem:$0x1BA2F];
	(erf) = vrcp.f32 v38  }
0x187: {  	v45 =	vld [tilespmem:$0x1B991]  }
0x188: {  	v46 =	vld [tilespmem:$0x1B98F]  }
0x189: {  	v47 =	vld [tilespmem:$0x1B9DE]  }
0x18a: {  	[tilespmem:$0x1BA00] =	vst v28  }
0x18b: {  	[tilespmem:$0x1BA50] =	vst v24;
	v53 =	vld [tilespmem:$0x1B9F2]  }
0x18c: {  	[tilespmem:$0x1BA80] =	vst v37;
	v54 =	vld [tilespmem:$0x1BA41];
	v42 =	vsub.f32 v42, v43;
	v44 =	vsub.f32 v44, v45  }
0x18d: {  	[tilespmem:$0x1BA90] =	vst v36  }
0x18e: {  	v48 =	vld [tilespmem:$0x1BA81];
	v46 =	vsub.f32 v46, v47;
	v42 =	vmul.f32 v42, v1;
	v44 =	vmul.f32 v44, v3  }
0x18f: {  	v49 =	vld [tilespmem:$0x1BA7F];
	v38 =	vpop (erf)  }
0x190: {  	[tilespmem:$0x1B9B0] =	vst v27;
	v50 =	vld [tilespmem:$0x1BA82];
	v46 =	vmul.f32 v46, v2;
	v42 =	vadd.f32 v44, v42;
	v38 =	vmul.f32 v25, v38  }
0x191: {  	[tilespmem:$0x1B9C0] =	vst v17;
	v53 =	vsub.f32 v53, v54;
	v54 =	vld [tilespmem:$0x1BA4F]  }
0x192: {  	[tilespmem:$0x1BAA0] =	vst v29;
	v42 =	vadd.f32 v46, v42;
	v46 =	vld [tilespmem:$0x1B9B1];
	v40 =	vbroadcast v38, $0x0;
	v41 =	vbroadcast v38, $0x1  }
0x193: {  	v47 =	vld [tilespmem:$0x1BA92];
	v39 =	vbroadcast v38, $0x2  }
0x194: {  	v52 =	vld [tilespmem:$0x1BA7E];
	v61 =	vmul.f32 v40, v1;
	v51 =	vmul.f32 v41, v3  }
0x195: {  	v55 =	vld [tilespmem:$0x1BA3F];
	v62 =	vmul.f32 v39, v2;
	v50 =	vmul.f32 v50, v41  }
0x196: {  	v56 =	vadd.f32 v14, v22;
	v58 =	vld [tilespmem:$0x1B99F];
	v57 =	vmul.f32 v48, v39;
	v43 =	vmul.f32 v49, v39  }
0x197: {  	v59 =	vld [tilespmem:$0x1B9EE];
	v46 =	vsub.f32 v54, v46;
	v48 =	vmul.f32 v48, v40;
	v44 =	vmul.f32 v40, v2  }
0x198: {  	v47 =	vmul.f32 v47, v41;
	v38 =	vadd.f32 v51, v61;
	v51 =	vld [tilespmem:$0x1B9A1];
	v63 =	vsub.f32 v50, v57  }
0x199: {  	v50 =	vld [tilespmem:$0x1BA91];
	v43 =	vsub.f32 v43, v48;
	v57 =	vmul.f32 v49, v40;
	v61 =	vmul.f32 v52, v41  }
0x19a: {  	v46 =	vmul.f32 v46, v2;
	v49 =	vld [tilespmem:$0x1BA8E];
	v38 =	vadd.f32 v38, v62;
	v45 =	vmul.f32 v63, v1  }
0x19b: {  	[tilespmem:$0x1BAB0] =	vst v20;
	v52 =	vld [tilespmem:$0x1BA8F];
	v43 =	vmul.f32 v43, v3;
	v48 =	vsub.f32 v57, v61;
	v57 =	vmul.f32 v41, v1  }
0x19c: {  	[tilespmem:$0x1BA10] =	vst v18;
	v58 =	vsub.f32 v58, v59;
	v59 =	vld [tilespmem:$0x1BAA2];
	v63 =	vmul.f32 v39, v3;
	v60 =	vmul.f32 v38, v15  }
0x19d: {  	[tilespmem:$0x1BA60] =	vst v16;
	v61 =	vld [tilespmem:$0x1BA02];
	v43 =	vadd.f32 v45, v43;
	v62 =	vmul.f32 v48, v2;
	v44 =	vadd.f32 v57, v44  }
0x19e: {  	v48 =	vld [tilespmem:$0x1BA51];
	v45 =	vmul.f32 v53, v2;
	v51 =	vsub.f32 v55, v51;
	v55 =	vmul.f32 v50, v39  }
0x19f: {  	v53 =	vld [tilespmem:$0x1B9AF];
	v50 =	vmul.f32 v50, v40;
	v49 =	vmul.f32 v49, v41;
	v56 =	vsub.f32 v56, v60  }
0x1a0: {  	v57 =	vld [tilespmem:$0x1B9FE];
	v43 =	vadd.f32 v62, v43;
	v44 =	vadd.f32 v44, v63;
	v62 =	vmul.f32 v52, v39  }
0x1a1: {  	v60 =	vadd.f32 v12, v21;
	v63 =	vld [tilespmem:$0x1BAA1];
	v52 =	vmul.f32 v52, v40;
	v51 =	vmul.f32 v51, v1  }
0x1a2: {  	v47 =	vsub.f32 v47, v55;
	v55 =	vld [tilespmem:$0x1BA9F];
	v50 =	vsub.f32 v62, v50;
	v44 =	vmul.f32 v44, v23  }
0x1a3: {  	v62 =	vmul.f32 v58, v3;
	v58 =	vld [tilespmem:$0x1BA9E];
	v49 =	vsub.f32 v52, v49;
	v42 =	vsub.f32 v42, v43  }
0x1a4: {  	v52 =	vld [tilespmem:$0x1BA12];
	v45 =	vadd.f32 v51, v45;
	v47 =	vmul.f32 v47, v2;
	v51 =	vmul.f32 v59, v41  }
0x1a5: {  	v53 =	vsub.f32 v53, v57;
	v57 =	vld [tilespmem:$0x1BA0E];
	v50 =	vmul.f32 v50, v1;
	v49 =	vmul.f32 v49, v3  }
0x1a6: {  	v43 =	vsub.f32 v60, v44;
	v44 =	vld [tilespmem:$0x1BA61];
	v42 =	vmul.f32 $5.000000000e-01, v42;
	v59 =	vmul.f32 v63, v39  }
0x1a7: {  	v48 =	vsub.f32 v61, v48;
	v60 =	vld [tilespmem:$0x1B9C1];
	v61 =	vmul.f32 v63, v40;
	v54 =	vmul.f32 v55, v39  }
0x1a8: {  	v45 =	vadd.f32 v62, v45;
	v62 =	vld [tilespmem:$0x1B9BF];
	v63 =	vmul.f32 v40, v3;
	v47 =	vadd.f32 v47, v50  }
0x1a9: {  	v48 =	vmul.f32 v48, v3;
	v51 =	vsub.f32 v51, v59;
	v59 =	vld [tilespmem:$0x1BAB1];
	v54 =	vsub.f32 v54, v61  }
0x1aa: {  	v53 =	vmul.f32 v53, v1;
	v42 =	vadd.f32 v42, v19;
	v47 =	vadd.f32 v49, v47;
	v61 =	vld [tilespmem:$0x1BAB2]  }
0x1ab: {  	v46 =	vadd.f32 v46, v48;
	v48 =	vmul.f32 v51, v3;
	v51 =	vmul.f32 v54, v2;
	v54 =	vld [tilespmem:$0x1BAAF]  }
0x1ac: {  	v50 =	vld [tilespmem:$0x1BA5F];
	v49 =	vmul.f32 v41, v2;
	v44 =	vsub.f32 v52, v44;
	v45 =	vsub.f32 v45, v47  }
0x1ad: {  	v47 =	vmul.f32 v55, v40;
	v55 =	vmul.f32 v58, v41;
	v58 =	vld [tilespmem:$0x1BAAE];
	v57 =	vsub.f32 v62, v57  }
0x1ae: {  	v49 =	vadd.f32 v49, v63;
	v44 =	vmul.f32 v44, v1;
	v52 =	vmul.f32 v59, v39  }
0x1af: {  	v47 =	vsub.f32 v47, v55;
	v63 =	vmul.f32 v59, v40;
	v57 =	vmul.f32 v57, v2  }
0x1b0: {  	v48 =	vadd.f32 v48, v51;
	v51 =	vmul.f32 v61, v41;
	v61 =	vmul.f32 v54, v39  }
0x1b1: {  	v50 =	vsub.f32 v50, v60;
	v62 =	vmul.f32 v47, v1;
	v40 =	vmul.f32 v54, v40  }
0x1b2: {  	v41 =	vmul.f32 v58, v41;
	v51 =	vsub.f32 v51, v52;
	v60 =	vsub.f32 v61, v63  }
0x1b3: {  	v46 =	vadd.f32 v53, v46;
	v39 =	vmul.f32 v39, v1;
	v63 =	vmul.f32 v50, v3  }
0x1b4: {  	v40 =	vsub.f32 v40, v41;
	v54 =	vmul.f32 v51, v1;
	v55 =	vmul.f32 v60, v3  }
0x1b5: {  	v61 =	vmul.f32 $5.000000000e-01, v45;
	v45 =	vadd.f32 v62, v48;
	v39 =	vadd.f32 v49, v39  }
0x1b6: {  	s7 =	smul.u32 $0x3C, s31;
	v44 =	vadd.f32 v63, v44;
	v40 =	vmul.f32 v40, v2;
	v58 =	vadd.f32 v54, v55  }
0x1b7: {  	v41 =	vadd.f32 v61, v13;
	v45 =	vsub.f32 v46, v45  }
0x1b8: {  	v59 =	vld [tilespmem:$0x1B940];
	[tilespmem:s7+$0x1BB80] =	vst v56;
	v61 =	vmul.f32 v42, v56;
	v44 =	vadd.f32 v57, v44;
	v40 =	vadd.f32 v40, v58  }
0x1b9: {  	[tilespmem:s7+$0x1CB00] =	vst v42;
	v62 =	vadd.f32 v5, v10;
	v60 =	vld [tilespmem:s7+$0x1BBB0]  }
0x1ba: {  	v39 =	vmul.f32 v39, v11;
	v63 =	vld [tilespmem:s7+$0x1CB30];
	v45 =	vmul.f32 $5.000000000e-01, v45;
	[tilespmem:$0x1BAD0] =	vst v61;
	v40 =	vsub.f32 v44, v40  }
0x1bb: {  	v38 =	vmul.f32 v38, v6;
	v51 =	vadd.f32 v4, v9;
	[tilespmem:s7+$0x1BB90] =	vst v43;
	v43 =	vmul.f32 v41, v43  }
0x1bc: {  	v39 =	vsub.f32 v62, v39;
	[tilespmem:s7+$0x1CB10] =	vst v41;
	v48 =	vadd.f32 v45, v8;
	v40 =	vmul.f32 $5.000000000e-01, v40  }
0x1bd: {  	[tilespmem:$0x1BAE0] =	vst v43  }
0x1be: {  	v38 =	vsub.f32 v51, v38;
	[tilespmem:s7+$0x1BBA0] =	vst v39;
	v39 =	vmul.f32 v48, v39;
	v40 =	vadd.f32 v40, v7  }
0x1bf: {  	vm0 =	vgt.f32 v59, $5.000000000e-01;
	[tilespmem:s7+$0x1CB20] =	vst v48  }
0x1c0: {  	v38 =	vsel vm0, v38, v60;
	[tilespmem:$0x1BAF0] =	vst v39;
	v40 =	vsel vm0, v40, v63  }
0x1c1: {  	[tilespmem:s7+$0x1BBB0] =	vst v38;
	v38 =	vmul.f32 v40, v38  }
0x1c2: {  	[tilespmem:s7+$0x1CB30] =	vst v40  }
0x1c3: {  	[tilespmem:$0x1BB00] =	vst v38  }
0x1c4: {  	v52 =	vld [tilespmem:s7+$0x1A900];
	_ =	sdelay $0x4  }
0x1c5: {  	v41 =	vld [tilespmem:$0x1BAD1];
	v40 =	vmax.f32 v52, $1.000000000e+00  }
0x1c6: {  	(erf) = vrcp.f32 v40  }
0x1c7: {  	v53 =	vld [tilespmem:$0x1BAD2];
	_ =	sdelay $0x2  }
0x1c8: {  	v41 =	vadd.f32 v41, v61;
	_ =	sdelay $0x1  }
0x1c9: {  	v40 =	vadd.f32 v53, v41;
	_ =	sdelay $0x1  }
0x1ca: {  	v54 =	vld [tilespmem:s7+$0x1A910];
	v40 =	vmul.f32 $6.414135250e+03, v40  }
0x1cb: {  	v55 =	vpop (erf)  }
0x1cc: {  	v40 =	vmul.f32 v55, v40;
	_ =	sdelay $0x1  }
0x1cd: {  	[tilespmem:s7+$0x1DA80] =	vst v40  }
0x1ce: {  	v41 =	vmax.f32 v54, $1.000000000e+00;
	v40 =	vld [tilespmem:$0x1BAE1]  }
0x1cf: {  	(erf) = vrcp.f32 v41  }
0x1d0: {  	v56 =	vld [tilespmem:$0x1BAE2];
	_ =	sdelay $0x2  }
0x1d1: {  	v40 =	vadd.f32 v40, v43;
	_ =	sdelay $0x1  }
0x1d2: {  	v40 =	vadd.f32 v56, v40;
	_ =	sdelay $0x1  }
0x1d3: {  	v57 =	vld [tilespmem:s7+$0x1A920];
	v40 =	vmul.f32 $6.414135250e+03, v40  }
0x1d4: {  	v58 =	vpop (erf)  }
0x1d5: {  	v40 =	vmul.f32 v58, v40;
	_ =	sdelay $0x1  }
0x1d6: {  	[tilespmem:s7+$0x1DA90] =	vst v40  }
0x1d7: {  	v41 =	vmax.f32 v57, $1.000000000e+00;
	v40 =	vld [tilespmem:$0x1BAF1]  }
0x1d8: {  	(erf) = vrcp.f32 v41  }
0x1d9: {  	v59 =	vld [tilespmem:$0x1BAF2];
	_ =	sdelay $0x2  }
0x1da: {  	v39 =	vadd.f32 v40, v39;
	_ =	sdelay $0x1  }
0x1db: {  	v39 =	vadd.f32 v59, v39;
	_ =	sdelay $0x1  }
0x1dc: {  	v60 =	vld [tilespmem:s7+$0x1A930];
	v39 =	vmul.f32 $6.414135250e+03, v39  }
0x1dd: {  	v61 =	vpop (erf)  }
0x1de: {  	v39 =	vmul.f32 v61, v39;
	_ =	sdelay $0x1  }
0x1df: {  	[tilespmem:s7+$0x1DAA0] =	vst v39  }
0x1e0: {  	v40 =	vmax.f32 v60, $1.000000000e+00;
	v39 =	vld [tilespmem:$0x1BB01]  }
0x1e1: {  	(erf) = vrcp.f32 v40  }
0x1e2: {  	v62 =	vld [tilespmem:$0x1BB02];
	_ =	sdelay $0x2  }
0x1e3: {  	v38 =	vadd.f32 v39, v38;
	_ =	sdelay $0x1  }
0x1e4: {  	v38 =	vadd.f32 v62, v38;
	_ =	sdelay $0x1  }
.Ltmp12:
0x1e5: {  	v38 =	vmul.f32 $6.414135250e+03, v38;
	(pc) =	sbr.rel .LBB2_11-.Ltmp12, $3  }
0x1e6: {  	v63 =	vpop (erf)  }
0x1e7: {  	v38 =	vmul.f32 v63, v38;
	_ =	sdelay $0x1  }
0x1e8: {  	[tilespmem:s7+$0x1DAB0] =	vst v38  }
.LBB2_13:
0x1e9: {  	p0 =	sgt.u32 s31, $0x3F  }
.Ltmp13:
0x1ea: {  	_ = 	snop;
	(pc) =	sbr.rel @p0 .LBB2_15-.Ltmp13, $2  }
0x1eb: {  	_ =	sdelay $0x2  }
0x1ec: {  	s5 =	rddreg [dreg:$0x10]  }
0x1ed: {  	v26 =	vmov s18  }
0x1ee: {  	[tilespmem:$0x1B9E0] =	vst v34;
	v26 =	vmax.f32 v26, $1.000000000e+00  }
0x1ef: {  	[tilespmem:$0x1BA30] =	vst v31;
	v26 =	vbroadcast v26, $0x0  }
0x1f0: {  	[tilespmem:$0x1B9F0] =	vst v32  }
0x1f1: {  	[tilespmem:$0x1BA40] =	vst v30;
	v47 =	vld [tilespmem:$0x1B9E2];
	(erf) = vrcp.f32 v26  }
0x1f2: {  	[tilespmem:$0x1B990] =	vst v35;
	v48 =	vld [tilespmem:$0x1BA31]  }
0x1f3: {  	[tilespmem:$0x1B9A0] =	vst v33;
	v49 =	vld [tilespmem:$0x1BA2F]  }
0x1f4: {  	[tilespmem:$0x1BA80] =	vst v37;
	v50 =	vld [tilespmem:$0x1B991]  }
0x1f5: {  	[tilespmem:$0x1BA90] =	vst v36;
	v35 =	vld [tilespmem:$0x1B98F]  }
0x1f6: {  	v36 =	vld [tilespmem:$0x1BA81]  }
0x1f7: {  	v39 =	vld [tilespmem:$0x1B9DE]  }
0x1f8: {  	v37 =	vld [tilespmem:$0x1BA82]  }
0x1f9: {  	v38 =	vld [tilespmem:$0x1BA7F]  }
0x1fa: {  	[tilespmem:$0x1BA00] =	vst v28;
	v41 =	vld [tilespmem:$0x1BA7E];
	v55 =	vsub.f32 v47, v48;
	v59 =	vsub.f32 v49, v50;
	v26 =	vpop (erf)  }
0x1fb: {  	[tilespmem:$0x1B9B0] =	vst v27;
	v42 =	vld [tilespmem:$0x1B9F2];
	v25 =	vmul.f32 v25, v26  }
0x1fc: {  	[tilespmem:$0x1BAA0] =	vst v29;
	v58 =	vld [tilespmem:$0x1BA3F];
	v35 =	vsub.f32 v35, v39;
	v27 =	vmul.f32 v55, v1;
	v29 =	vmul.f32 v59, v3  }
0x1fd: {  	v60 =	vld [tilespmem:$0x1B9A1];
	v26 =	vbroadcast v25, $0x0;
	v30 =	vbroadcast v25, $0x1  }
0x1fe: {  	v63 =	vld [tilespmem:$0x1BA91];
	v47 =	vmul.f32 v35, v2;
	v25 =	vbroadcast v25, $0x2  }
0x1ff: {  	v45 =	vld [tilespmem:$0x1BA8F];
	v51 =	vmul.f32 v26, v1;
	v40 =	vmul.f32 v30, v3  }
0x200: {  	v44 =	vld [tilespmem:$0x1BA92];
	v53 =	vmul.f32 v37, v30;
	v54 =	vmul.f32 v36, v25  }
0x201: {  	v48 =	vld [tilespmem:$0x1B99F];
	v27 =	vadd.f32 v29, v27;
	v56 =	vmul.f32 v38, v25;
	v57 =	vmul.f32 v36, v26  }
0x202: {  	[tilespmem:$0x1BAB0] =	vst v20;
	v50 =	vld [tilespmem:$0x1BA8E];
	v61 =	vmul.f32 v38, v26;
	v62 =	vmul.f32 v41, v30  }
0x203: {  	[tilespmem:$0x1BA10] =	vst v18;
	v39 =	vld [tilespmem:$0x1BAAF];
	v27 =	vadd.f32 v47, v27;
	v46 =	vmul.f32 v25, v2;
	v37 =	vmul.f32 v63, v26  }
0x204: {  	v59 =	vld [tilespmem:$0x1BA02];
	v34 =	vmul.f32 v45, v26;
	v41 =	vmul.f32 v25, v3;
	v52 =	vadd.f32 v40, v51  }
0x205: {  	[tilespmem:$0x1BA50] =	vst v24;
	v47 =	vld [tilespmem:$0x1BAA1];
	v38 =	vmul.f32 v30, v2;
	v28 =	vsub.f32 v53, v54;
	v31 =	vsub.f32 v56, v57  }
0x206: {  	[tilespmem:$0x1BA60] =	vst v16;
	v40 =	vld [tilespmem:$0x1BA41];
	v32 =	vsub.f32 v61, v62;
	v51 =	vmul.f32 v26, v2;
	v53 =	vmul.f32 v44, v30  }
0x207: {  	v54 =	vmul.f32 v63, v25;
	v56 =	vmul.f32 v45, v25;
	v57 =	vsub.f32 v58, v60;
	v60 =	vld [tilespmem:$0x1BA51]  }
0x208: {  	v14 =	vadd.f32 v14, v22;
	v58 =	vmul.f32 v30, v1;
	v63 =	vld [tilespmem:$0x1BA4F];
	v28 =	vmul.f32 v28, v1  }
0x209: {  	v12 =	vadd.f32 v12, v21;
	v45 =	vld [tilespmem:$0x1B9FE];
	v31 =	vmul.f32 v31, v3;
	v49 =	vmul.f32 v32, v2  }
0x20a: {  	v24 =	vadd.f32 v52, v46;
	v52 =	vld [tilespmem:$0x1B9EE];
	v37 =	vsub.f32 v56, v37;
	v32 =	vmul.f32 v50, v30  }
0x20b: {  	v16 =	vmul.f32 v57, v1;
	v29 =	vadd.f32 v58, v51;
	v51 =	vld [tilespmem:$0x1BA9F];
	v57 =	vmul.f32 v47, v25  }
0x20c: {  	v58 =	vld [tilespmem:$0x1BA5F];
	v28 =	vadd.f32 v28, v31;
	v31 =	vsub.f32 v53, v54;
	v37 =	vmul.f32 v37, v1  }
0x20d: {  	v32 =	vsub.f32 v34, v32;
	v46 =	vadd.f32 v29, v41;
	v15 =	vmul.f32 v24, v15;
	v53 =	vld [tilespmem:$0x1BA9E]  }
0x20e: {  	[tilespmem:$0x1B9C0] =	vst v17;
	v29 =	vmul.f32 v47, v26;
	v41 =	vld [tilespmem:$0x1BAAE];
	v55 =	vsub.f32 v42, v40;
	v56 =	vsub.f32 v59, v60  }
0x20f: {  	v40 =	vld [tilespmem:$0x1B9B1];
	v28 =	vadd.f32 v49, v28;
	v31 =	vmul.f32 v31, v2;
	v44 =	vmul.f32 v32, v3  }
0x210: {  	v42 =	vld [tilespmem:$0x1B9AF];
	v14 =	vsub.f32 v14, v15;
	v61 =	vmul.f32 v55, v2;
	v62 =	vsub.f32 v48, v52  }
0x211: {  	v49 =	vld [tilespmem:$0x1BAA2];
	v52 =	vmul.f32 v46, v23;
	v60 =	vmul.f32 v51, v25;
	v43 =	vadd.f32 v31, v37  }
0x212: {  	v54 =	vld [tilespmem:$0x1BA12];
	v22 =	vmul.f32 v56, v3;
	v27 =	vsub.f32 v27, v28;
	v16 =	vadd.f32 v16, v61  }
0x213: {  	v55 =	vld [tilespmem:$0x1BA61];
	v18 =	vmul.f32 v62, v3;
	v62 =	vmul.f32 v26, v3;
	v36 =	vsub.f32 v60, v29  }
0x214: {  	v37 =	vld [tilespmem:$0x1BAB2];
	v47 =	vmul.f32 v41, v30;
	v48 =	vadd.f32 v44, v43;
	v50 =	vmul.f32 $5.000000000e-01, v27  }
0x215: {  	v61 =	vld [tilespmem:$0x1B9C1];
	v59 =	vsub.f32 v63, v40;
	v17 =	vsub.f32 v42, v45;
	v27 =	vmul.f32 v51, v26  }
0x216: {  	v63 =	vld [tilespmem:$0x1BAB1];
	v45 =	vmul.f32 v39, v25;
	v16 =	vadd.f32 v18, v16;
	v20 =	vmul.f32 v49, v30  }
0x217: {  	v40 =	vld [tilespmem:$0x1B9BF];
	v23 =	vmul.f32 v36, v2;
	v18 =	vmul.f32 v53, v30;
	v19 =	vadd.f32 v50, v19  }
0x218: {  	v42 =	vld [tilespmem:$0x1BA0E];
	v31 =	vmul.f32 v59, v2;
	v15 =	vsub.f32 v54, v55;
	v16 =	vsub.f32 v16, v48  }
0x219: {  	v17 =	vmul.f32 v17, v1;
	v20 =	vsub.f32 v20, v57;
	v18 =	vsub.f32 v27, v18  }
0x21a: {  	v43 =	vmul.f32 v37, v30;
	v22 =	vadd.f32 v31, v22;
	v15 =	vmul.f32 v15, v1  }
0x21b: {  	v28 =	vsub.f32 v58, v61;
	v16 =	vmul.f32 $5.000000000e-01, v16;
	v20 =	vmul.f32 v20, v3  }
0x21c: {  	v44 =	vmul.f32 v63, v25;
	v46 =	vmul.f32 v63, v26;
	v17 =	vadd.f32 v17, v22  }
0x21d: {  	v18 =	vmul.f32 v18, v1;
	v22 =	vsub.f32 v40, v42;
	v20 =	vadd.f32 v20, v23  }
0x21e: {  	v26 =	vmul.f32 v39, v26;
	v23 =	vsub.f32 v43, v44;
	v21 =	vsub.f32 v45, v46  }
0x21f: {  	v28 =	vmul.f32 v28, v3;
	v13 =	vadd.f32 v16, v13;
	v16 =	vadd.f32 v38, v62  }
0x220: {  	v48 =	vsub.f32 v26, v47;
	v23 =	vmul.f32 v23, v1;
	v3 =	vmul.f32 v21, v3  }
0x221: {  	v15 =	vadd.f32 v28, v15;
	v49 =	vmul.f32 v22, v2;
	v1 =	vmul.f32 v25, v1  }
0x222: {  	s3 =	smul.u32 $0x3C, s31;
	v18 =	vadd.f32 v18, v20;
	v2 =	vmul.f32 v48, v2;
	v3 =	vadd.f32 v23, v3  }
0x223: {  	v15 =	vadd.f32 v49, v15;
	v1 =	vadd.f32 v16, v1  }
0x224: {  	v50 =	vld [tilespmem:$0x1B940];
	[tilespmem:s3+$0x1BB80] =	vst v14;
	v14 =	vmul.f32 v19, v14;
	v51 =	vsub.f32 v17, v18;
	v2 =	vadd.f32 v2, v3  }
0x225: {  	v5 =	vadd.f32 v5, v10;
	v12 =	vsub.f32 v12, v52;
	v53 =	vld [tilespmem:s3+$0x1CB30];
	[tilespmem:s3+$0x1CB00] =	vst v19  }
0x226: {  	v3 =	vld [tilespmem:s3+$0x1BBB0];
	v1 =	vmul.f32 v1, v11;
	v52 =	vmul.f32 $5.000000000e-01, v51;
	[tilespmem:$0x1BAD0] =	vst v14;
	v2 =	vsub.f32 v15, v2  }
0x227: {  	v4 =	vadd.f32 v4, v9;
	v6 =	vmul.f32 v24, v6;
	v55 =	vmul.f32 v13, v12;
	[tilespmem:s3+$0x1BB90] =	vst v12  }
0x228: {  	[tilespmem:s3+$0x1CB10] =	vst v13;
	v1 =	vsub.f32 v5, v1;
	v54 =	vadd.f32 v52, v8;
	v2 =	vmul.f32 $5.000000000e-01, v2  }
0x229: {  	[tilespmem:$0x1BAE0] =	vst v55  }
0x22a: {  	v4 =	vsub.f32 v4, v6;
	[tilespmem:s3+$0x1BBA0] =	vst v1;
	v1 =	vmul.f32 v54, v1;
	v2 =	vadd.f32 v2, v7  }
0x22b: {  	vm0 =	vgt.f32 v50, $5.000000000e-01;
	[tilespmem:s3+$0x1CB20] =	vst v54  }
0x22c: {  	v3 =	vsel vm0, v4, v3;
	[tilespmem:$0x1BAF0] =	vst v1;
	v2 =	vsel vm0, v2, v53  }
0x22d: {  	[tilespmem:s3+$0x1BBB0] =	vst v3;
	v3 =	vmul.f32 v2, v3  }
0x22e: {  	[tilespmem:s3+$0x1CB30] =	vst v2  }
0x22f: {  	[tilespmem:$0x1BB00] =	vst v3  }
0x230: {  	v2 =	vld [tilespmem:s3+$0x1A900];
	_ =	sdelay $0x4  }
0x231: {  	v56 =	vld [tilespmem:$0x1BAD1];
	v2 =	vmax.f32 v2, $1.000000000e+00  }
0x232: {  	(erf) = vrcp.f32 v2  }
0x233: {  	v2 =	vld [tilespmem:$0x1BAD2];
	_ =	sdelay $0x2  }
0x234: {  	v4 =	vadd.f32 v56, v14;
	_ =	sdelay $0x1  }
0x235: {  	v2 =	vadd.f32 v2, v4;
	_ =	sdelay $0x1  }
0x236: {  	v57 =	vld [tilespmem:s3+$0x1A910];
	v2 =	vmul.f32 $6.414135250e+03, v2  }
0x237: {  	v58 =	vpop (erf)  }
0x238: {  	v2 =	vmul.f32 v58, v2;
	_ =	sdelay $0x1  }
0x239: {  	[tilespmem:s3+$0x1DA80] =	vst v2  }
0x23a: {  	v4 =	vmax.f32 v57, $1.000000000e+00;
	v2 =	vld [tilespmem:$0x1BAE1]  }
0x23b: {  	(erf) = vrcp.f32 v4  }
0x23c: {  	v59 =	vld [tilespmem:$0x1BAE2];
	_ =	sdelay $0x2  }
0x23d: {  	v2 =	vadd.f32 v2, v55;
	_ =	sdelay $0x1  }
0x23e: {  	v2 =	vadd.f32 v59, v2;
	_ =	sdelay $0x1  }
0x23f: {  	v60 =	vld [tilespmem:s3+$0x1A920];
	v2 =	vmul.f32 $6.414135250e+03, v2  }
0x240: {  	v61 =	vpop (erf)  }
0x241: {  	v2 =	vmul.f32 v61, v2;
	_ =	sdelay $0x1  }
0x242: {  	[tilespmem:s3+$0x1DA90] =	vst v2  }
0x243: {  	v4 =	vmax.f32 v60, $1.000000000e+00;
	v2 =	vld [tilespmem:$0x1BAF1]  }
0x244: {  	(erf) = vrcp.f32 v4  }
0x245: {  	v62 =	vld [tilespmem:$0x1BAF2];
	_ =	sdelay $0x2  }
0x246: {  	v1 =	vadd.f32 v2, v1;
	_ =	sdelay $0x1  }
0x247: {  	v1 =	vadd.f32 v62, v1;
	_ =	sdelay $0x1  }
0x248: {  	v2 =	vld [tilespmem:s3+$0x1A930];
	v1 =	vmul.f32 $6.414135250e+03, v1  }
0x249: {  	v63 =	vpop (erf)  }
0x24a: {  	v1 =	vmul.f32 v63, v1;
	_ =	sdelay $0x1  }
0x24b: {  	[tilespmem:s3+$0x1DAA0] =	vst v1  }
0x24c: {  	v2 =	vmax.f32 v2, $1.000000000e+00;
	v1 =	vld [tilespmem:$0x1BB01]  }
0x24d: {  	(erf) = vrcp.f32 v2  }
0x24e: {  	v2 =	vld [tilespmem:$0x1BB02];
	_ =	sdelay $0x2  }
0x24f: {  	v1 =	vadd.f32 v1, v3;
	_ =	sdelay $0x1  }
0x250: {  	v1 =	vadd.f32 v2, v1;
	_ =	sdelay $0x1  }
.Ltmp14:
0x251: {  	v1 =	vmul.f32 $6.414135250e+03, v1;
	(pc) =	sbr.rel .LBB2_15-.Ltmp14, $3  }
0x252: {  	v2 =	vpop (erf)  }
0x253: {  	v1 =	vmul.f32 v2, v1;
	_ =	sdelay $0x1  }
0x254: {  	[tilespmem:s3+$0x1DAB0] =	vst v1  }
.LBB2_16:
0x255: {  	_ =	sfence.sel $0x180000  }
0x256: {  	[bflag:$0x0] =	sbarrier.arrive $0xFFFF  }
0x257: {  	_ =	strace $0x90000047  }
0x258: {  	s0 =	stileid.u32;
	[bflag:$0x2] =	sbarrier.arrive $0xFFFF  }
0x259: {  	p0 =	sne.s32 s0, $0x0;
	s0 =	rddreg [dreg:$0x9]  }
0x25a: {  	s0 =	sadd.s32 @!p0 $0x100000, s0  }
0x25b: {  	[sflag:s0] =	ssyncadd.tile.s32 @!p0 $0x1;
	_ =	shalt  }
.Lfunc_end2:
_tile_overlayer_lowered:
.L_overlay_start_2:
0x25c: {  	(tag) =	ssettag $0x2  }
0x25d: {  	s0 =	rddreg [dreg:$0x0];
	s2 =	stileid.u32  }
0x25e: {  	s1 =	rddreg [dreg:$0x1];
	p0 =	sne.s32 s2, $0x0  }
0x25f: {  	s3 =	rddreg [dreg:$0x2];
	[bflag:$0x3] =	sbarrier.arrive $0xFFFF;
	s2 =	simm.s32 @!p0 $0x1C03  }
0x260: {  	[timem:s3], [sflag:s2] =	dma.local @!p0 [hbm:s0], s1  }
0x261: {  	s0 =	simm.s32 @!p0 $0x3  }
0x262: {  	_ =	swait.ge @!p0 [sflag:s0], s1  }
0x263: {  	s1 =	ssub.s32 @!p0 $0x0, s1;
	[sflag:s0] =	ssyncset.done @!p0 $0x0  }
0x264: {  	[sflag:s0] =	ssyncadd.s32 @!p0 s1  }
0x265: {  	[bflag:$0x3] =	sbarrier.arrive $0xFFFF  }
0x266: {  	_ =	shalt  }

</sc_bundles>
